<compile_context>
chip_gen: v7x
topology: tpu7x:2x2x1
jax: 0.10.2.dev20260603
libtpu: 0.0.44.dev20260713+nightly
codegen_flags: <defaults>
</compile_context>

<pallas_src>
import functools

import jax
import jax.numpy as jnp
from jax import lax
from jax.experimental import pallas as pl
from jax.experimental.pallas import tpu as pltpu
from jax.experimental.pallas import tpu_sc as plsc


_IDX_BITS = 14


def _sc_segment_sum(N, D, E):
    info = plsc.get_sparse_core_info()
    NC, NS = info.num_cores, info.num_subcores
    NW = NC * NS
    EPW = E // NW
    CH = 48
    NFULL = EPW // CH
    TAILR = EPW - NFULL * CH
    NCHUNK = NFULL + 1
    NQUAD = NFULL // 4
    assert E % NW == 0 and CH % 16 == 0 and TAILR % 16 == 0
    assert NFULL % 4 == 0 and NCHUNK % 4 == 1
    assert N <= (1 << _IDX_BITS)
    ZCH = 128
    NP = -(-N // (NS * ZCH)) * NS * ZCH
    RPT = NP // NS
    NZ = RPT // ZCH
    assert NP > N

    mesh = plsc.VectorSubcoreMesh(core_axis_name="c", subcore_axis_name="s")

    @functools.partial(
        pl.kernel,
        out_type=jax.ShapeDtypeStruct((NC, NP, D), jnp.float32),
        mesh=mesh,
        scratch_types=[
            [pltpu.VMEM((CH,), jnp.int32) for _ in range(4)],
            [pltpu.VMEM((CH,), jnp.int32) for _ in range(4)],
            [pltpu.VMEM((CH,), jnp.int32) for _ in range(4)],
            [pltpu.VMEM((CH, D), jnp.float32) for _ in range(4)],
            pltpu.VMEM_SHARED((NP, D), jnp.float32),
            [pltpu.SemaphoreType.DMA for _ in range(4)],
            [pltpu.SemaphoreType.DMA for _ in range(4)],
        ],
    )
    def seg(x_hbm, ep_hbm, out_hbm, pslab, srcU, dstU, rows, acc_sh, gsem,
            isem):
        cid = lax.axis_index("c")
        sid = lax.axis_index("s")
        wid = sid * NC + cid
        zeros16 = jnp.zeros((16,), jnp.float32)
        mask = (1 << _IDX_BITS) - 1

        def unpack(b):
            for k in range(CH // 16):
                v = pslab[b][16 * k:16 * (k + 1)]
                srcU[b][16 * k:16 * (k + 1)] = v & mask
                dstU[b][16 * k:16 * (k + 1)] = lax.shift_right_logical(
                    v, _IDX_BITS) & mask

        def gather(b):
            return pltpu.make_async_copy(x_hbm.at[srcU[b]], rows[b], gsem[b])

        def zrow(i, carry):
            for j in range(D // 16):
                rows[0][i, 16 * j:16 * (j + 1)] = zeros16
            return carry
        lax.fori_loop(0, CH, zrow, 0)
        base = sid * RPT
        nfull_z, rem_z = divmod(RPT, CH)
        for k in range(nfull_z):
            pltpu.sync_copy(rows[0], acc_sh.at[pl.ds(base + k * CH, CH)])
        if rem_z:
            pltpu.sync_copy(rows[0].at[pl.ds(0, rem_z)],
                            acc_sh.at[pl.ds(base + nfull_z * CH, rem_z)])

        for t in range(4):
            pltpu.sync_copy(ep_hbm.at[wid, t], pslab[t])
        unpack(0)
        gather(0).start()
        unpack(1)
        gather(1).start()
        plsc.subcore_barrier()

        def quad(q, carry):
            for b in range(4):
                c = 4 * q + b
                gather(b).wait()

                @pl.when(c + 4 < NCHUNK)
                def _():
                    pltpu.async_copy(ep_hbm.at[wid, c + 4], pslab[b], isem[b])
                bn = (b + 2) % 4

                @pl.when((c >= 2) & (c + 2 < NCHUNK))
                def _():
                    pltpu.make_async_copy(ep_hbm.at[wid, 0], pslab[bn],
                                          isem[bn]).wait()

                @pl.when(c + 2 < NCHUNK)
                def _():
                    unpack(bn)
                    gather(bn).start()
                pltpu.sync_copy(rows[b], acc_sh.at[dstU[b]], add=True)
            return carry
        lax.fori_loop(0, NQUAD, quad, 0)
        gather(0).wait()
        pltpu.sync_copy(rows[0], acc_sh.at[dstU[0]], add=True)

        plsc.subcore_barrier()
        for k in range(NZ):
            row = base + k * ZCH
            pltpu.sync_copy(acc_sh.at[pl.ds(row, ZCH)],
                            out_hbm.at[cid, pl.ds(row, ZCH)])

    return seg


def _tc_layer(N, D, H, relu, Bn=2000):
    grid = N // Bn

    def body(agg_ref, h_ref, wr_ref, br_ref, wroot_ref, o_ref):
        agg = agg_ref[0] + agg_ref[1]
        out = lax.dot_general(agg, wr_ref[...], (((1,), (1,)), ((), ())),
                              preferred_element_type=jnp.float32)
        out = out + br_ref[...]
        out = out + lax.dot_general(h_ref[...], wroot_ref[...],
                                    (((1,), (1,)), ((), ())),
                                    preferred_element_type=jnp.float32)
        if relu:
            out = jnp.maximum(out, 0.0)
        o_ref[...] = out

    return pl.pallas_call(
        body,
        grid=(grid,),
        in_specs=[
            pl.BlockSpec((2, Bn, D), lambda i: (0, i, 0)),
            pl.BlockSpec((Bn, D), lambda i: (i, 0)),
            pl.BlockSpec((H, D), lambda i: (0, 0)),
            pl.BlockSpec((1, H), lambda i: (0, 0)),
            pl.BlockSpec((H, D), lambda i: (0, 0)),
        ],
        out_specs=pl.BlockSpec((Bn, H), lambda i: (i, 0)),
        out_shape=jax.ShapeDtypeStruct((N, H), jnp.float32),
    )


def _tc_pool(N, H, G, C, Bn=2000):
    grid = N // Bn

    def body(h_ref, b_ref, wl_ref, bl_ref, o_ref, acc, cnt):
        i = pl.program_id(0)

        @pl.when(i == 0)
        def _():
            acc[...] = jnp.zeros_like(acc)
            cnt[...] = jnp.zeros_like(cnt)

        seg_ids = b_ref[0]
        gids = lax.broadcasted_iota(jnp.int32, (G, Bn), 0)
        P = (gids == seg_ids).astype(jnp.float32)
        acc[...] += lax.dot_general(P, h_ref[...], (((1,), (0,)), ((), ())),
                                    preferred_element_type=jnp.float32)
        cnt[...] += jnp.sum(P, axis=1, keepdims=True)

        @pl.when(i == grid - 1)
        def _():
            pooled = acc[...] / jnp.maximum(cnt[...], 1.0)
            o_ref[...] = lax.dot_general(pooled, wl_ref[...],
                                         (((1,), (1,)), ((), ())),
                                         preferred_element_type=jnp.float32
                                         ) + bl_ref[...]

    return pl.pallas_call(
        body,
        grid=(grid,),
        in_specs=[
            pl.BlockSpec((Bn, H), lambda i: (i, 0)),
            pl.BlockSpec((1, 1, Bn), lambda i: (i, 0, 0)),
            pl.BlockSpec((C, H), lambda i: (0, 0)),
            pl.BlockSpec((1, C), lambda i: (0, 0)),
        ],
        out_specs=pl.BlockSpec((G, C), lambda i: (0, 0)),
        out_shape=jax.ShapeDtypeStruct((G, C), jnp.float32),
        scratch_shapes=[pltpu.VMEM((G, H), jnp.float32),
                        pltpu.VMEM((G, 1), jnp.float32)],
    )


def kernel(x, edge_index, adj, batch, W1_rel, b1_rel, W1_root, W2_rel, b2_rel,
           W2_root, W3_rel, b3_rel, W3_root, W_lin, b_lin):
    del adj
    N, D = x.shape
    H = W1_rel.shape[0]
    C = W_lin.shape[0]
    E = edge_index.shape[1]
    G = 128

    info = plsc.get_sparse_core_info()
    NW = info.num_cores * info.num_subcores
    NS = info.num_subcores
    CH = 48
    EPW = E // NW
    NFULL = EPW // CH
    NP = -(-N // (NS * 128)) * NS * 128
    packed = (edge_index[0] | (edge_index[1] << _IDX_BITS)).astype(jnp.int32)
    packed = packed.reshape(NW, EPW)
    pad_val = jnp.full((NW, NFULL * CH + CH - EPW), (NP - 1) << _IDX_BITS,
                       jnp.int32)
    packed = jnp.concatenate([packed, pad_val], axis=1)
    packed = packed.reshape(NW, NFULL + 1, CH)

    seg = _sc_segment_sum(N, D, E)
    lyr_relu = _tc_layer(N, D, H, True)
    lyr_last = _tc_layer(N, D, H, False)
    pool = _tc_pool(N, H, G, C)

    b1 = b1_rel.reshape(1, H)
    b2 = b2_rel.reshape(1, H)
    b3 = b3_rel.reshape(1, H)
    bl = b_lin.reshape(1, C)

    agg = seg(x, packed)
    h = lyr_relu(agg, x, W1_rel, b1, W1_root)
    agg = seg(h, packed)
    h = lyr_relu(agg, h, W2_rel, b2, W2_root)
    agg = seg(h, packed)
    h = lyr_last(agg, h, W3_rel, b3, W3_root)
    return pool(h, batch.reshape(N // 2000, 1, 2000), W_lin, bl)

# --- scband reference (transcript-rebuilt; emitter-appended) ---
"""Pipeline reference for scband-res-gcn-31353261261180 (READ-ONLY COPY).

The authoritative reference and input builder live on the scoring server;
editing this copy changes nothing except your own understanding.
"""

import jax, jax.numpy as jnp
import numpy as np

N, E, D, H, C, G = 10000, 320000, 128, 128, 64, 128

def _lin_init(k, fan_out, fan_in):
    lim = 1.0 / np.sqrt(fan_in)
    return jax.random.uniform(k, (fan_out, fan_in), minval=-lim, maxval=lim, dtype=jnp.float32)

def setup_inputs(seed: int = 0):
    key = jax.random.key(seed)
    ks = jax.random.split(key, 16)
    x = jax.random.normal(ks[0], (N, D), dtype=jnp.float32)
    edge_index = jax.random.randint(ks[1], (2, E), 0, N)
    adj = jnp.zeros((1,), dtype=jnp.float32)
    batch = jnp.sort(jax.random.randint(ks[2], (N,), 0, G))
    W1_rel = _lin_init(ks[3], H, D); b1_rel = jnp.zeros((H,), jnp.float32); W1_root = _lin_init(ks[4], H, D)
    W2_rel = _lin_init(ks[5], H, H); b2_rel = jnp.zeros((H,), jnp.float32); W2_root = _lin_init(ks[6], H, H)
    W3_rel = _lin_init(ks[7], H, H); b3_rel = jnp.zeros((H,), jnp.float32); W3_root = _lin_init(ks[8], H, H)
    W_lin = _lin_init(ks[9], C, H); b_lin = jnp.zeros((C,), jnp.float32)
    return {"x": x, "edge_index": edge_index, "adj": adj, "batch": batch,
            "W1_rel": W1_rel, "b1_rel": b1_rel, "W1_root": W1_root,
            "W2_rel": W2_rel, "b2_rel": b2_rel, "W2_root": W2_root,
            "W3_rel": W3_rel, "b3_rel": b3_rel, "W3_root": W3_root,
            "W_lin": W_lin, "b_lin": b_lin}

def _graph_conv(x, src, dst, W_rel, b_rel, W_root):
    # PyG GraphConv (aggr='add'): lin_rel(sum_{j in N(i)} x_j) + lin_root(x_i)
    agg = jax.ops.segment_sum(x[src], dst, num_segments=x.shape[0])
    return agg @ W_rel.T + b_rel + x @ W_root.T

def reference(x, edge_index, adj, batch, W1_rel, b1_rel, W1_root, W2_rel, b2_rel, W2_root, W3_rel, b3_rel, W3_root, W_lin, b_lin):
    src, dst = edge_index[0], edge_index[1]
    h = jax.nn.relu(_graph_conv(x, src, dst, W1_rel, b1_rel, W1_root))
    h = jax.nn.relu(_graph_conv(h, src, dst, W2_rel, b2_rel, W2_root))
    h = _graph_conv(h, src, dst, W3_rel, b3_rel, W3_root)
    # global_mean_pool over batch segment ids
    sums = jax.ops.segment_sum(h, batch, num_segments=G)
    counts = jax.ops.segment_sum(jnp.ones((h.shape[0],), jnp.float32), batch, num_segments=G)
    pooled = sums / jnp.maximum(counts, 1.0)[:, None]
    return pooled @ W_lin.T + b_lin

if __name__ == "__main__":
    import jax
    _d = setup_inputs()
    print(jax.jit(kernel)(*tuple(_d.values())))

</pallas_src>

<mosaic_0001>
#map = affine_map<(d0, d1) -> (0, 0)>
#map1 = affine_map<(d0, d1) -> (0, 0, 0)>
module attributes {stable_mosaic.version = 14 : i64} {
  func.func @seg(%arg0: i32, %arg1: i32, %arg2: memref<10000x128xf32, #tpu.memory_space<hbm>>, %arg3: memref<32x209x48xi32, #tpu.memory_space<hbm>>, %arg4: memref<2x10240x128xf32, #tpu.memory_space<hbm>>, %arg5: memref<48xi32, #tpu.memory_space<vmem>>, %arg6: memref<48xi32, #tpu.memory_space<vmem>>, %arg7: memref<48xi32, #tpu.memory_space<vmem>>, %arg8: memref<48xi32, #tpu.memory_space<vmem>>, %arg9: memref<48xi32, #tpu.memory_space<vmem>>, %arg10: memref<48xi32, #tpu.memory_space<vmem>>, %arg11: memref<48xi32, #tpu.memory_space<vmem>>, %arg12: memref<48xi32, #tpu.memory_space<vmem>>, %arg13: memref<48xi32, #tpu.memory_space<vmem>>, %arg14: memref<48xi32, #tpu.memory_space<vmem>>, %arg15: memref<48xi32, #tpu.memory_space<vmem>>, %arg16: memref<48xi32, #tpu.memory_space<vmem>>, %arg17: memref<48x128xf32, #tpu.memory_space<vmem>>, %arg18: memref<48x128xf32, #tpu.memory_space<vmem>>, %arg19: memref<48x128xf32, #tpu.memory_space<vmem>>, %arg20: memref<48x128xf32, #tpu.memory_space<vmem>>, %arg21: memref<10240x128xf32, #tpu.memory_space<vmem_shared>>, %arg22: memref<!tpu.dma_semaphore, #tpu.memory_space<semaphore_mem>>, %arg23: memref<!tpu.dma_semaphore, #tpu.memory_space<semaphore_mem>>, %arg24: memref<!tpu.dma_semaphore, #tpu.memory_space<semaphore_mem>>, %arg25: memref<!tpu.dma_semaphore, #tpu.memory_space<semaphore_mem>>, %arg26: memref<!tpu.dma_semaphore, #tpu.memory_space<semaphore_mem>>, %arg27: memref<!tpu.dma_semaphore, #tpu.memory_space<semaphore_mem>>, %arg28: memref<!tpu.dma_semaphore, #tpu.memory_space<semaphore_mem>>, %arg29: memref<!tpu.dma_semaphore, #tpu.memory_space<semaphore_mem>>) attributes {dimension_semantics = [#tpu.dimension_semantics<core_parallel>, #tpu.dimension_semantics<subcore_parallel>], iteration_bounds = array<i64: 2, 16>, scalar_prefetch = 0 : i64, scratch_operands = 25 : i64, tpu.core_type = #tpu.core_type<sc_vector_subcore>, window_params = [{transform_indices = #map}, {transform_indices = #map1}, {transform_indices = #map1}]} {
    %mul3A = arith.constant 2 : i32
    %mul3A_0 = arith.muli %arg1, %mul3A : i32
    %add3A = arith.addi %mul3A_0, %arg0 : i32
    %broadcast_in_dim3A = arith.constant 0.000000e+00 : f32
    %broadcast_in_dim3A_1 = vector.broadcast %broadcast_in_dim3A : f32 to vector<16xf32>
    %scan3A = arith.constant 0 : i32
    %scan3A_2 = arith.constant 0 : i32
    %scan3A_3 = arith.constant 48 : i32
    %scan3A_4 = arith.addi %scan3A_2, %scan3A_3 : i32
    %scan3A_5 = arith.constant 1 : i32
    scf.for %scan3A_180 = %scan3A_2 to %scan3A_4 step %scan3A_5  : i32 {
      %swap3A_181 = arith.index_cast %scan3A_180 : i32 to index
      %swap3A_182 = arith.constant 0 : index
      %swap3A_183 = tpu.vector_load %arg17[%swap3A_181, %swap3A_182] {strides = array<i32>} : memref<48x128xf32, #tpu.memory_space<vmem>>, vector<1x16xf32>,
      %swap3A_184 = vector.shape_cast %swap3A_183 : vector<1x16xf32> to vector<16xf32>
      %swap3A_185 = vector.shape_cast %broadcast_in_dim3A_1 : vector<16xf32> to vector<1x16xf32>
      tpu.vector_store %arg17[%swap3A_181, %swap3A_182], %swap3A_185 {strides = array<i32>} : memref<48x128xf32, #tpu.memory_space<vmem>>, vector<1x16xf32>,
      %swap3A_186 = arith.index_cast %scan3A_180 : i32 to index
      %swap3A_187 = arith.constant 16 : index
      %swap3A_188 = tpu.vector_load %arg17[%swap3A_186, %swap3A_187] {strides = array<i32>} : memref<48x128xf32, #tpu.memory_space<vmem>>, vector<1x16xf32>,
      %swap3A_189 = vector.shape_cast %swap3A_188 : vector<1x16xf32> to vector<16xf32>
      %swap3A_190 = vector.shape_cast %broadcast_in_dim3A_1 : vector<16xf32> to vector<1x16xf32>
      tpu.vector_store %arg17[%swap3A_186, %swap3A_187], %swap3A_190 {strides = array<i32>} : memref<48x128xf32, #tpu.memory_space<vmem>>, vector<1x16xf32>,
      %swap3A_191 = arith.index_cast %scan3A_180 : i32 to index
      %swap3A_192 = arith.constant 32 : index
      %swap3A_193 = tpu.vector_load %arg17[%swap3A_191, %swap3A_192] {strides = array<i32>} : memref<48x128xf32, #tpu.memory_space<vmem>>, vector<1x16xf32>,
      %swap3A_194 = vector.shape_cast %swap3A_193 : vector<1x16xf32> to vector<16xf32>
      %swap3A_195 = vector.shape_cast %broadcast_in_dim3A_1 : vector<16xf32> to vector<1x16xf32>
      tpu.vector_store %arg17[%swap3A_191, %swap3A_192], %swap3A_195 {strides = array<i32>} : memref<48x128xf32, #tpu.memory_space<vmem>>, vector<1x16xf32>,
      %swap3A_196 = arith.index_cast %scan3A_180 : i32 to index
      %swap3A_197 = arith.constant 48 : index
      %swap3A_198 = tpu.vector_load %arg17[%swap3A_196, %swap3A_197] {strides = array<i32>} : memref<48x128xf32, #tpu.memory_space<vmem>>, vector<1x16xf32>,
      %swap3A_199 = vector.shape_cast %swap3A_198 : vector<1x16xf32> to vector<16xf32>
      %swap3A_200 = vector.shape_cast %broadcast_in_dim3A_1 : vector<16xf32> to vector<1x16xf32>
      tpu.vector_store %arg17[%swap3A_196, %swap3A_197], %swap3A_200 {strides = array<i32>} : memref<48x128xf32, #tpu.memory_space<vmem>>, vector<1x16xf32>,
      %swap3A_201 = arith.index_cast %scan3A_180 : i32 to index
      %swap3A_202 = arith.constant 64 : index
      %swap3A_203 = tpu.vector_load %arg17[%swap3A_201, %swap3A_202] {strides = array<i32>} : memref<48x128xf32, #tpu.memory_space<vmem>>, vector<1x16xf32>,
      %swap3A_204 = vector.shape_cast %swap3A_203 : vector<1x16xf32> to vector<16xf32>
      %swap3A_205 = vector.shape_cast %broadcast_in_dim3A_1 : vector<16xf32> to vector<1x16xf32>
      tpu.vector_store %arg17[%swap3A_201, %swap3A_202], %swap3A_205 {strides = array<i32>} : memref<48x128xf32, #tpu.memory_space<vmem>>, vector<1x16xf32>,
      %swap3A_206 = arith.index_cast %scan3A_180 : i32 to index
      %swap3A_207 = arith.constant 80 : index
      %swap3A_208 = tpu.vector_load %arg17[%swap3A_206, %swap3A_207] {strides = array<i32>} : memref<48x128xf32, #tpu.memory_space<vmem>>, vector<1x16xf32>,
      %swap3A_209 = vector.shape_cast %swap3A_208 : vector<1x16xf32> to vector<16xf32>
      %swap3A_210 = vector.shape_cast %broadcast_in_dim3A_1 : vector<16xf32> to vector<1x16xf32>
      tpu.vector_store %arg17[%swap3A_206, %swap3A_207], %swap3A_210 {strides = array<i32>} : memref<48x128xf32, #tpu.memory_space<vmem>>, vector<1x16xf32>,
      %swap3A_211 = arith.index_cast %scan3A_180 : i32 to index
      %swap3A_212 = arith.constant 96 : index
      %swap3A_213 = tpu.vector_load %arg17[%swap3A_211, %swap3A_212] {strides = array<i32>} : memref<48x128xf32, #tpu.memory_space<vmem>>, vector<1x16xf32>,
      %swap3A_214 = vector.shape_cast %swap3A_213 : vector<1x16xf32> to vector<16xf32>
      %swap3A_215 = vector.shape_cast %broadcast_in_dim3A_1 : vector<16xf32> to vector<1x16xf32>
      tpu.vector_store %arg17[%swap3A_211, %swap3A_212], %swap3A_215 {strides = array<i32>} : memref<48x128xf32, #tpu.memory_space<vmem>>, vector<1x16xf32>,
      %swap3A_216 = arith.index_cast %scan3A_180 : i32 to index
      %swap3A_217 = arith.constant 112 : index
      %swap3A_218 = tpu.vector_load %arg17[%swap3A_216, %swap3A_217] {strides = array<i32>} : memref<48x128xf32, #tpu.memory_space<vmem>>, vector<1x16xf32>,
      %swap3A_219 = vector.shape_cast %swap3A_218 : vector<1x16xf32> to vector<16xf32>
      %swap3A_220 = vector.shape_cast %broadcast_in_dim3A_1 : vector<16xf32> to vector<1x16xf32>
      tpu.vector_store %arg17[%swap3A_216, %swap3A_217], %swap3A_220 {strides = array<i32>} : memref<48x128xf32, #tpu.memory_space<vmem>>, vector<1x16xf32>,
    }
    %scan3A_6 = arith.constant 48 : i32
    %mul3A_7 = arith.constant 640 : i32
    %mul3A_8 = arith.muli %arg1, %mul3A_7 : i32
    %add3A_9 = arith.constant 0 : i32
    %add3A_10 = arith.addi %mul3A_8, %add3A_9 : i32
    "tpu.region"() ({
      %run_scoped3A_180 = tpu.sem_alloc : memref<!tpu.dma_semaphore, #tpu.memory_space<semaphore_mem>>
      %dma_start3A_181 = arith.constant 0 : i32
      %dma_start3A_182 = tpu.memref_slice %arg21[%add3A_10, %dma_start3A_181] : memref<10240x128xf32, #tpu.memory_space<vmem_shared>> -> memref<48x128xf32, #tpu.memory_space<vmem_shared>>
      %dma_start3A_183 = arith.constant 0 : i32
      %dma_start3A_184 = tpu.memref_slice %arg21[%add3A_10, %dma_start3A_183] : memref<10240x128xf32, #tpu.memory_space<vmem_shared>> -> memref<48x128xf32, #tpu.memory_space<vmem_shared>>
      tpu.enqueue_dma source(%arg17 : memref<48x128xf32, #tpu.memory_space<vmem>>) target(%dma_start3A_184 : memref<48x128xf32, #tpu.memory_space<vmem_shared>>) target_semaphore(%run_scoped3A_180 : memref<!tpu.dma_semaphore, #tpu.memory_space<semaphore_mem>>)
      %dma_wait3A_185 = arith.constant 0 : i32
      %dma_wait3A_186 = tpu.memref_slice %arg21[%add3A_10, %dma_wait3A_185] : memref<10240x128xf32, #tpu.memory_space<vmem_shared>> -> memref<48x128xf32, #tpu.memory_space<vmem_shared>>
      %dma_wait3A_187 = arith.constant 0 : i32
      %dma_wait3A_188 = tpu.memref_slice %arg21[%add3A_10, %dma_wait3A_187] : memref<10240x128xf32, #tpu.memory_space<vmem_shared>> -> memref<48x128xf32, #tpu.memory_space<vmem_shared>>
      tpu.wait_dma2 semaphore(%run_scoped3A_180 : memref<!tpu.dma_semaphore, #tpu.memory_space<semaphore_mem>>) src(%arg17 : memref<48x128xf32, #tpu.memory_space<vmem>>) dst(%dma_wait3A_188 : memref<48x128xf32, #tpu.memory_space<vmem_shared>>)
      tpu.yield
    }) : () -> ()
    %add3A_11 = arith.constant 48 : i32
    %add3A_12 = arith.addi %mul3A_8, %add3A_11 : i32
    "tpu.region"() ({
      %run_scoped3A_180 = tpu.sem_alloc : memref<!tpu.dma_semaphore, #tpu.memory_space<semaphore_mem>>
      %dma_start3A_181 = arith.constant 0 : i32
      %dma_start3A_182 = tpu.memref_slice %arg21[%add3A_12, %dma_start3A_181] : memref<10240x128xf32, #tpu.memory_space<vmem_shared>> -> memref<48x128xf32, #tpu.memory_space<vmem_shared>>
      %dma_start3A_183 = arith.constant 0 : i32
      %dma_start3A_184 = tpu.memref_slice %arg21[%add3A_12, %dma_start3A_183] : memref<10240x128xf32, #tpu.memory_space<vmem_shared>> -> memref<48x128xf32, #tpu.memory_space<vmem_shared>>
      tpu.enqueue_dma source(%arg17 : memref<48x128xf32, #tpu.memory_space<vmem>>) target(%dma_start3A_184 : memref<48x128xf32, #tpu.memory_space<vmem_shared>>) target_semaphore(%run_scoped3A_180 : memref<!tpu.dma_semaphore, #tpu.memory_space<semaphore_mem>>)
      %dma_wait3A_185 = arith.constant 0 : i32
      %dma_wait3A_186 = tpu.memref_slice %arg21[%add3A_12, %dma_wait3A_185] : memref<10240x128xf32, #tpu.memory_space<vmem_shared>> -> memref<48x128xf32, #tpu.memory_space<vmem_shared>>
      %dma_wait3A_187 = arith.constant 0 : i32
      %dma_wait3A_188 = tpu.memref_slice %arg21[%add3A_12, %dma_wait3A_187] : memref<10240x128xf32, #tpu.memory_space<vmem_shared>> -> memref<48x128xf32, #tpu.memory_space<vmem_shared>>
      tpu.wait_dma2 semaphore(%run_scoped3A_180 : memref<!tpu.dma_semaphore, #tpu.memory_space<semaphore_mem>>) src(%arg17 : memref<48x128xf32, #tpu.memory_space<vmem>>) dst(%dma_wait3A_188 : memref<48x128xf32, #tpu.memory_space<vmem_shared>>)
      tpu.yield
    }) : () -> ()
    %add3A_13 = arith.constant 96 : i32
    %add3A_14 = arith.addi %mul3A_8, %add3A_13 : i32
    "tpu.region"() ({
      %run_scoped3A_180 = tpu.sem_alloc : memref<!tpu.dma_semaphore, #tpu.memory_space<semaphore_mem>>
      %dma_start3A_181 = arith.constant 0 : i32
      %dma_start3A_182 = tpu.memref_slice %arg21[%add3A_14, %dma_start3A_181] : memref<10240x128xf32, #tpu.memory_space<vmem_shared>> -> memref<48x128xf32, #tpu.memory_space<vmem_shared>>
      %dma_start3A_183 = arith.constant 0 : i32
      %dma_start3A_184 = tpu.memref_slice %arg21[%add3A_14, %dma_start3A_183] : memref<10240x128xf32, #tpu.memory_space<vmem_shared>> -> memref<48x128xf32, #tpu.memory_space<vmem_shared>>
      tpu.enqueue_dma source(%arg17 : memref<48x128xf32, #tpu.memory_space<vmem>>) target(%dma_start3A_184 : memref<48x128xf32, #tpu.memory_space<vmem_shared>>) target_semaphore(%run_scoped3A_180 : memref<!tpu.dma_semaphore, #tpu.memory_space<semaphore_mem>>)
      %dma_wait3A_185 = arith.constant 0 : i32
      %dma_wait3A_186 = tpu.memref_slice %arg21[%add3A_14, %dma_wait3A_185] : memref<10240x128xf32, #tpu.memory_space<vmem_shared>> -> memref<48x128xf32, #tpu.memory_space<vmem_shared>>
      %dma_wait3A_187 = arith.constant 0 : i32
      %dma_wait3A_188 = tpu.memref_slice %arg21[%add3A_14, %dma_wait3A_187] : memref<10240x128xf32, #tpu.memory_space<vmem_shared>> -> memref<48x128xf32, #tpu.memory_space<vmem_shared>>
      tpu.wait_dma2 semaphore(%run_scoped3A_180 : memref<!tpu.dma_semaphore, #tpu.memory_space<semaphore_mem>>) src(%arg17 : memref<48x128xf32, #tpu.memory_space<vmem>>) dst(%dma_wait3A_188 : memref<48x128xf32, #tpu.memory_space<vmem_shared>>)
      tpu.yield
    }) : () -> ()
    %add3A_15 = arith.constant 144 : i32
    %add3A_16 = arith.addi %mul3A_8, %add3A_15 : i32
    "tpu.region"() ({
      %run_scoped3A_180 = tpu.sem_alloc : memref<!tpu.dma_semaphore, #tpu.memory_space<semaphore_mem>>
      %dma_start3A_181 = arith.constant 0 : i32
      %dma_start3A_182 = tpu.memref_slice %arg21[%add3A_16, %dma_start3A_181] : memref<10240x128xf32, #tpu.memory_space<vmem_shared>> -> memref<48x128xf32, #tpu.memory_space<vmem_shared>>
      %dma_start3A_183 = arith.constant 0 : i32
      %dma_start3A_184 = tpu.memref_slice %arg21[%add3A_16, %dma_start3A_183] : memref<10240x128xf32, #tpu.memory_space<vmem_shared>> -> memref<48x128xf32, #tpu.memory_space<vmem_shared>>
      tpu.enqueue_dma source(%arg17 : memref<48x128xf32, #tpu.memory_space<vmem>>) target(%dma_start3A_184 : memref<48x128xf32, #tpu.memory_space<vmem_shared>>) target_semaphore(%run_scoped3A_180 : memref<!tpu.dma_semaphore, #tpu.memory_space<semaphore_mem>>)
      %dma_wait3A_185 = arith.constant 0 : i32
      %dma_wait3A_186 = tpu.memref_slice %arg21[%add3A_16, %dma_wait3A_185] : memref<10240x128xf32, #tpu.memory_space<vmem_shared>> -> memref<48x128xf32, #tpu.memory_space<vmem_shared>>
      %dma_wait3A_187 = arith.constant 0 : i32
      %dma_wait3A_188 = tpu.memref_slice %arg21[%add3A_16, %dma_wait3A_187] : memref<10240x128xf32, #tpu.memory_space<vmem_shared>> -> memref<48x128xf32, #tpu.memory_space<vmem_shared>>
      tpu.wait_dma2 semaphore(%run_scoped3A_180 : memref<!tpu.dma_semaphore, #tpu.memory_space<semaphore_mem>>) src(%arg17 : memref<48x128xf32, #tpu.memory_space<vmem>>) dst(%dma_wait3A_188 : memref<48x128xf32, #tpu.memory_space<vmem_shared>>)
      tpu.yield
    }) : () -> ()
    %add3A_17 = arith.constant 192 : i32
    %add3A_18 = arith.addi %mul3A_8, %add3A_17 : i32
    "tpu.region"() ({
      %run_scoped3A_180 = tpu.sem_alloc : memref<!tpu.dma_semaphore, #tpu.memory_space<semaphore_mem>>
      %dma_start3A_181 = arith.constant 0 : i32
      %dma_start3A_182 = tpu.memref_slice %arg21[%add3A_18, %dma_start3A_181] : memref<10240x128xf32, #tpu.memory_space<vmem_shared>> -> memref<48x128xf32, #tpu.memory_space<vmem_shared>>
      %dma_start3A_183 = arith.constant 0 : i32
      %dma_start3A_184 = tpu.memref_slice %arg21[%add3A_18, %dma_start3A_183] : memref<10240x128xf32, #tpu.memory_space<vmem_shared>> -> memref<48x128xf32, #tpu.memory_space<vmem_shared>>
      tpu.enqueue_dma source(%arg17 : memref<48x128xf32, #tpu.memory_space<vmem>>) target(%dma_start3A_184 : memref<48x128xf32, #tpu.memory_space<vmem_shared>>) target_semaphore(%run_scoped3A_180 : memref<!tpu.dma_semaphore, #tpu.memory_space<semaphore_mem>>)
      %dma_wait3A_185 = arith.constant 0 : i32
      %dma_wait3A_186 = tpu.memref_slice %arg21[%add3A_18, %dma_wait3A_185] : memref<10240x128xf32, #tpu.memory_space<vmem_shared>> -> memref<48x128xf32, #tpu.memory_space<vmem_shared>>
      %dma_wait3A_187 = arith.constant 0 : i32
      %dma_wait3A_188 = tpu.memref_slice %arg21[%add3A_18, %dma_wait3A_187] : memref<10240x128xf32, #tpu.memory_space<vmem_shared>> -> memref<48x128xf32, #tpu.memory_space<vmem_shared>>
      tpu.wait_dma2 semaphore(%run_scoped3A_180 : memref<!tpu.dma_semaphore, #tpu.memory_space<semaphore_mem>>) src(%arg17 : memref<48x128xf32, #tpu.memory_space<vmem>>) dst(%dma_wait3A_188 : memref<48x128xf32, #tpu.memory_space<vmem_shared>>)
      tpu.yield
    }) : () -> ()
    %add3A_19 = arith.constant 240 : i32
    %add3A_20 = arith.addi %mul3A_8, %add3A_19 : i32
    "tpu.region"() ({
      %run_scoped3A_180 = tpu.sem_alloc : memref<!tpu.dma_semaphore, #tpu.memory_space<semaphore_mem>>
      %dma_start3A_181 = arith.constant 0 : i32
      %dma_start3A_182 = tpu.memref_slice %arg21[%add3A_20, %dma_start3A_181] : memref<10240x128xf32, #tpu.memory_space<vmem_shared>> -> memref<48x128xf32, #tpu.memory_space<vmem_shared>>
      %dma_start3A_183 = arith.constant 0 : i32
      %dma_start3A_184 = tpu.memref_slice %arg21[%add3A_20, %dma_start3A_183] : memref<10240x128xf32, #tpu.memory_space<vmem_shared>> -> memref<48x128xf32, #tpu.memory_space<vmem_shared>>
      tpu.enqueue_dma source(%arg17 : memref<48x128xf32, #tpu.memory_space<vmem>>) target(%dma_start3A_184 : memref<48x128xf32, #tpu.memory_space<vmem_shared>>) target_semaphore(%run_scoped3A_180 : memref<!tpu.dma_semaphore, #tpu.memory_space<semaphore_mem>>)
      %dma_wait3A_185 = arith.constant 0 : i32
      %dma_wait3A_186 = tpu.memref_slice %arg21[%add3A_20, %dma_wait3A_185] : memref<10240x128xf32, #tpu.memory_space<vmem_shared>> -> memref<48x128xf32, #tpu.memory_space<vmem_shared>>
      %dma_wait3A_187 = arith.constant 0 : i32
      %dma_wait3A_188 = tpu.memref_slice %arg21[%add3A_20, %dma_wait3A_187] : memref<10240x128xf32, #tpu.memory_space<vmem_shared>> -> memref<48x128xf32, #tpu.memory_space<vmem_shared>>
      tpu.wait_dma2 semaphore(%run_scoped3A_180 : memref<!tpu.dma_semaphore, #tpu.memory_space<semaphore_mem>>) src(%arg17 : memref<48x128xf32, #tpu.memory_space<vmem>>) dst(%dma_wait3A_188 : memref<48x128xf32, #tpu.memory_space<vmem_shared>>)
      tpu.yield
    }) : () -> ()
    %add3A_21 = arith.constant 288 : i32
    %add3A_22 = arith.addi %mul3A_8, %add3A_21 : i32
    "tpu.region"() ({
      %run_scoped3A_180 = tpu.sem_alloc : memref<!tpu.dma_semaphore, #tpu.memory_space<semaphore_mem>>
      %dma_start3A_181 = arith.constant 0 : i32
      %dma_start3A_182 = tpu.memref_slice %arg21[%add3A_22, %dma_start3A_181] : memref<10240x128xf32, #tpu.memory_space<vmem_shared>> -> memref<48x128xf32, #tpu.memory_space<vmem_shared>>
      %dma_start3A_183 = arith.constant 0 : i32
      %dma_start3A_184 = tpu.memref_slice %arg21[%add3A_22, %dma_start3A_183] : memref<10240x128xf32, #tpu.memory_space<vmem_shared>> -> memref<48x128xf32, #tpu.memory_space<vmem_shared>>
      tpu.enqueue_dma source(%arg17 : memref<48x128xf32, #tpu.memory_space<vmem>>) target(%dma_start3A_184 : memref<48x128xf32, #tpu.memory_space<vmem_shared>>) target_semaphore(%run_scoped3A_180 : memref<!tpu.dma_semaphore, #tpu.memory_space<semaphore_mem>>)
      %dma_wait3A_185 = arith.constant 0 : i32
      %dma_wait3A_186 = tpu.memref_slice %arg21[%add3A_22, %dma_wait3A_185] : memref<10240x128xf32, #tpu.memory_space<vmem_shared>> -> memref<48x128xf32, #tpu.memory_space<vmem_shared>>
      %dma_wait3A_187 = arith.constant 0 : i32
      %dma_wait3A_188 = tpu.memref_slice %arg21[%add3A_22, %dma_wait3A_187] : memref<10240x128xf32, #tpu.memory_space<vmem_shared>> -> memref<48x128xf32, #tpu.memory_space<vmem_shared>>
      tpu.wait_dma2 semaphore(%run_scoped3A_180 : memref<!tpu.dma_semaphore, #tpu.memory_space<semaphore_mem>>) src(%arg17 : memref<48x128xf32, #tpu.memory_space<vmem>>) dst(%dma_wait3A_188 : memref<48x128xf32, #tpu.memory_space<vmem_shared>>)
      tpu.yield
    }) : () -> ()
    %add3A_23 = arith.constant 336 : i32
    %add3A_24 = arith.addi %mul3A_8, %add3A_23 : i32
    "tpu.region"() ({
      %run_scoped3A_180 = tpu.sem_alloc : memref<!tpu.dma_semaphore, #tpu.memory_space<semaphore_mem>>
      %dma_start3A_181 = arith.constant 0 : i32
      %dma_start3A_182 = tpu.memref_slice %arg21[%add3A_24, %dma_start3A_181] : memref<10240x128xf32, #tpu.memory_space<vmem_shared>> -> memref<48x128xf32, #tpu.memory_space<vmem_shared>>
      %dma_start3A_183 = arith.constant 0 : i32
      %dma_start3A_184 = tpu.memref_slice %arg21[%add3A_24, %dma_start3A_183] : memref<10240x128xf32, #tpu.memory_space<vmem_shared>> -> memref<48x128xf32, #tpu.memory_space<vmem_shared>>
      tpu.enqueue_dma source(%arg17 : memref<48x128xf32, #tpu.memory_space<vmem>>) target(%dma_start3A_184 : memref<48x128xf32, #tpu.memory_space<vmem_shared>>) target_semaphore(%run_scoped3A_180 : memref<!tpu.dma_semaphore, #tpu.memory_space<semaphore_mem>>)
      %dma_wait3A_185 = arith.constant 0 : i32
      %dma_wait3A_186 = tpu.memref_slice %arg21[%add3A_24, %dma_wait3A_185] : memref<10240x128xf32, #tpu.memory_space<vmem_shared>> -> memref<48x128xf32, #tpu.memory_space<vmem_shared>>
      %dma_wait3A_187 = arith.constant 0 : i32
      %dma_wait3A_188 = tpu.memref_slice %arg21[%add3A_24, %dma_wait3A_187] : memref<10240x128xf32, #tpu.memory_space<vmem_shared>> -> memref<48x128xf32, #tpu.memory_space<vmem_shared>>
      tpu.wait_dma2 semaphore(%run_scoped3A_180 : memref<!tpu.dma_semaphore, #tpu.memory_space<semaphore_mem>>) src(%arg17 : memref<48x128xf32, #tpu.memory_space<vmem>>) dst(%dma_wait3A_188 : memref<48x128xf32, #tpu.memory_space<vmem_shared>>)
      tpu.yield
    }) : () -> ()
    %add3A_25 = arith.constant 384 : i32
    %add3A_26 = arith.addi %mul3A_8, %add3A_25 : i32
    "tpu.region"() ({
      %run_scoped3A_180 = tpu.sem_alloc : memref<!tpu.dma_semaphore, #tpu.memory_space<semaphore_mem>>
      %dma_start3A_181 = arith.constant 0 : i32
      %dma_start3A_182 = tpu.memref_slice %arg21[%add3A_26, %dma_start3A_181] : memref<10240x128xf32, #tpu.memory_space<vmem_shared>> -> memref<48x128xf32, #tpu.memory_space<vmem_shared>>
      %dma_start3A_183 = arith.constant 0 : i32
      %dma_start3A_184 = tpu.memref_slice %arg21[%add3A_26, %dma_start3A_183] : memref<10240x128xf32, #tpu.memory_space<vmem_shared>> -> memref<48x128xf32, #tpu.memory_space<vmem_shared>>
      tpu.enqueue_dma source(%arg17 : memref<48x128xf32, #tpu.memory_space<vmem>>) target(%dma_start3A_184 : memref<48x128xf32, #tpu.memory_space<vmem_shared>>) target_semaphore(%run_scoped3A_180 : memref<!tpu.dma_semaphore, #tpu.memory_space<semaphore_mem>>)
      %dma_wait3A_185 = arith.constant 0 : i32
      %dma_wait3A_186 = tpu.memref_slice %arg21[%add3A_26, %dma_wait3A_185] : memref<10240x128xf32, #tpu.memory_space<vmem_shared>> -> memref<48x128xf32, #tpu.memory_space<vmem_shared>>
      %dma_wait3A_187 = arith.constant 0 : i32
      %dma_wait3A_188 = tpu.memref_slice %arg21[%add3A_26, %dma_wait3A_187] : memref<10240x128xf32, #tpu.memory_space<vmem_shared>> -> memref<48x128xf32, #tpu.memory_space<vmem_shared>>
      tpu.wait_dma2 semaphore(%run_scoped3A_180 : memref<!tpu.dma_semaphore, #tpu.memory_space<semaphore_mem>>) src(%arg17 : memref<48x128xf32, #tpu.memory_space<vmem>>) dst(%dma_wait3A_188 : memref<48x128xf32, #tpu.memory_space<vmem_shared>>)
      tpu.yield
    }) : () -> ()
    %add3A_27 = arith.constant 432 : i32
    %add3A_28 = arith.addi %mul3A_8, %add3A_27 : i32
    "tpu.region"() ({
      %run_scoped3A_180 = tpu.sem_alloc : memref<!tpu.dma_semaphore, #tpu.memory_space<semaphore_mem>>
      %dma_start3A_181 = arith.constant 0 : i32
      %dma_start3A_182 = tpu.memref_slice %arg21[%add3A_28, %dma_start3A_181] : memref<10240x128xf32, #tpu.memory_space<vmem_shared>> -> memref<48x128xf32, #tpu.memory_space<vmem_shared>>
      %dma_start3A_183 = arith.constant 0 : i32
      %dma_start3A_184 = tpu.memref_slice %arg21[%add3A_28, %dma_start3A_183] : memref<10240x128xf32, #tpu.memory_space<vmem_shared>> -> memref<48x128xf32, #tpu.memory_space<vmem_shared>>
      tpu.enqueue_dma source(%arg17 : memref<48x128xf32, #tpu.memory_space<vmem>>) target(%dma_start3A_184 : memref<48x128xf32, #tpu.memory_space<vmem_shared>>) target_semaphore(%run_scoped3A_180 : memref<!tpu.dma_semaphore, #tpu.memory_space<semaphore_mem>>)
      %dma_wait3A_185 = arith.constant 0 : i32
      %dma_wait3A_186 = tpu.memref_slice %arg21[%add3A_28, %dma_wait3A_185] : memref<10240x128xf32, #tpu.memory_space<vmem_shared>> -> memref<48x128xf32, #tpu.memory_space<vmem_shared>>
      %dma_wait3A_187 = arith.constant 0 : i32
      %dma_wait3A_188 = tpu.memref_slice %arg21[%add3A_28, %dma_wait3A_187] : memref<10240x128xf32, #tpu.memory_space<vmem_shared>> -> memref<48x128xf32, #tpu.memory_space<vmem_shared>>
      tpu.wait_dma2 semaphore(%run_scoped3A_180 : memref<!tpu.dma_semaphore, #tpu.memory_space<semaphore_mem>>) src(%arg17 : memref<48x128xf32, #tpu.memory_space<vmem>>) dst(%dma_wait3A_188 : memref<48x128xf32, #tpu.memory_space<vmem_shared>>)
      tpu.yield
    }) : () -> ()
    %add3A_29 = arith.constant 480 : i32
    %add3A_30 = arith.addi %mul3A_8, %add3A_29 : i32
    "tpu.region"() ({
      %run_scoped3A_180 = tpu.sem_alloc : memref<!tpu.dma_semaphore, #tpu.memory_space<semaphore_mem>>
      %dma_start3A_181 = arith.constant 0 : i32
      %dma_start3A_182 = tpu.memref_slice %arg21[%add3A_30, %dma_start3A_181] : memref<10240x128xf32, #tpu.memory_space<vmem_shared>> -> memref<48x128xf32, #tpu.memory_space<vmem_shared>>
      %dma_start3A_183 = arith.constant 0 : i32
      %dma_start3A_184 = tpu.memref_slice %arg21[%add3A_30, %dma_start3A_183] : memref<10240x128xf32, #tpu.memory_space<vmem_shared>> -> memref<48x128xf32, #tpu.memory_space<vmem_shared>>
      tpu.enqueue_dma source(%arg17 : memref<48x128xf32, #tpu.memory_space<vmem>>) target(%dma_start3A_184 : memref<48x128xf32, #tpu.memory_space<vmem_shared>>) target_semaphore(%run_scoped3A_180 : memref<!tpu.dma_semaphore, #tpu.memory_space<semaphore_mem>>)
      %dma_wait3A_185 = arith.constant 0 : i32
      %dma_wait3A_186 = tpu.memref_slice %arg21[%add3A_30, %dma_wait3A_185] : memref<10240x128xf32, #tpu.memory_space<vmem_shared>> -> memref<48x128xf32, #tpu.memory_space<vmem_shared>>
      %dma_wait3A_187 = arith.constant 0 : i32
      %dma_wait3A_188 = tpu.memref_slice %arg21[%add3A_30, %dma_wait3A_187] : memref<10240x128xf32, #tpu.memory_space<vmem_shared>> -> memref<48x128xf32, #tpu.memory_space<vmem_shared>>
      tpu.wait_dma2 semaphore(%run_scoped3A_180 : memref<!tpu.dma_semaphore, #tpu.memory_space<semaphore_mem>>) src(%arg17 : memref<48x128xf32, #tpu.memory_space<vmem>>) dst(%dma_wait3A_188 : memref<48x128xf32, #tpu.memory_space<vmem_shared>>)
      tpu.yield
    }) : () -> ()
    %add3A_31 = arith.constant 528 : i32
    %add3A_32 = arith.addi %mul3A_8, %add3A_31 : i32
    "tpu.region"() ({
      %run_scoped3A_180 = tpu.sem_alloc : memref<!tpu.dma_semaphore, #tpu.memory_space<semaphore_mem>>
      %dma_start3A_181 = arith.constant 0 : i32
      %dma_start3A_182 = tpu.memref_slice %arg21[%add3A_32, %dma_start3A_181] : memref<10240x128xf32, #tpu.memory_space<vmem_shared>> -> memref<48x128xf32, #tpu.memory_space<vmem_shared>>
      %dma_start3A_183 = arith.constant 0 : i32
      %dma_start3A_184 = tpu.memref_slice %arg21[%add3A_32, %dma_start3A_183] : memref<10240x128xf32, #tpu.memory_space<vmem_shared>> -> memref<48x128xf32, #tpu.memory_space<vmem_shared>>
      tpu.enqueue_dma source(%arg17 : memref<48x128xf32, #tpu.memory_space<vmem>>) target(%dma_start3A_184 : memref<48x128xf32, #tpu.memory_space<vmem_shared>>) target_semaphore(%run_scoped3A_180 : memref<!tpu.dma_semaphore, #tpu.memory_space<semaphore_mem>>)
      %dma_wait3A_185 = arith.constant 0 : i32
      %dma_wait3A_186 = tpu.memref_slice %arg21[%add3A_32, %dma_wait3A_185] : memref<10240x128xf32, #tpu.memory_space<vmem_shared>> -> memref<48x128xf32, #tpu.memory_space<vmem_shared>>
      %dma_wait3A_187 = arith.constant 0 : i32
      %dma_wait3A_188 = tpu.memref_slice %arg21[%add3A_32, %dma_wait3A_187] : memref<10240x128xf32, #tpu.memory_space<vmem_shared>> -> memref<48x128xf32, #tpu.memory_space<vmem_shared>>
      tpu.wait_dma2 semaphore(%run_scoped3A_180 : memref<!tpu.dma_semaphore, #tpu.memory_space<semaphore_mem>>) src(%arg17 : memref<48x128xf32, #tpu.memory_space<vmem>>) dst(%dma_wait3A_188 : memref<48x128xf32, #tpu.memory_space<vmem_shared>>)
      tpu.yield
    }) : () -> ()
    %add3A_33 = arith.constant 576 : i32
    %add3A_34 = arith.addi %mul3A_8, %add3A_33 : i32
    "tpu.region"() ({
      %run_scoped3A_180 = tpu.sem_alloc : memref<!tpu.dma_semaphore, #tpu.memory_space<semaphore_mem>>
      %dma_start3A_181 = arith.constant 0 : i32
      %dma_start3A_182 = tpu.memref_slice %arg21[%add3A_34, %dma_start3A_181] : memref<10240x128xf32, #tpu.memory_space<vmem_shared>> -> memref<48x128xf32, #tpu.memory_space<vmem_shared>>
      %dma_start3A_183 = arith.constant 0 : i32
      %dma_start3A_184 = tpu.memref_slice %arg21[%add3A_34, %dma_start3A_183] : memref<10240x128xf32, #tpu.memory_space<vmem_shared>> -> memref<48x128xf32, #tpu.memory_space<vmem_shared>>
      tpu.enqueue_dma source(%arg17 : memref<48x128xf32, #tpu.memory_space<vmem>>) target(%dma_start3A_184 : memref<48x128xf32, #tpu.memory_space<vmem_shared>>) target_semaphore(%run_scoped3A_180 : memref<!tpu.dma_semaphore, #tpu.memory_space<semaphore_mem>>)
      %dma_wait3A_185 = arith.constant 0 : i32
      %dma_wait3A_186 = tpu.memref_slice %arg21[%add3A_34, %dma_wait3A_185] : memref<10240x128xf32, #tpu.memory_space<vmem_shared>> -> memref<48x128xf32, #tpu.memory_space<vmem_shared>>
      %dma_wait3A_187 = arith.constant 0 : i32
      %dma_wait3A_188 = tpu.memref_slice %arg21[%add3A_34, %dma_wait3A_187] : memref<10240x128xf32, #tpu.memory_space<vmem_shared>> -> memref<48x128xf32, #tpu.memory_space<vmem_shared>>
      tpu.wait_dma2 semaphore(%run_scoped3A_180 : memref<!tpu.dma_semaphore, #tpu.memory_space<semaphore_mem>>) src(%arg17 : memref<48x128xf32, #tpu.memory_space<vmem>>) dst(%dma_wait3A_188 : memref<48x128xf32, #tpu.memory_space<vmem_shared>>)
      tpu.yield
    }) : () -> ()
    %add3A_35 = arith.constant 624 : i32
    %add3A_36 = arith.addi %mul3A_8, %add3A_35 : i32
    "tpu.region"() ({
      %run_scoped3A_180 = tpu.sem_alloc : memref<!tpu.dma_semaphore, #tpu.memory_space<semaphore_mem>>
      %dma_start3A_181 = arith.constant 0 : i32
      %dma_start3A_182 = arith.constant 0 : i32
      %dma_start3A_183 = tpu.memref_slice %arg17[%dma_start3A_181, %dma_start3A_182] : memref<48x128xf32, #tpu.memory_space<vmem>> -> memref<16x128xf32, #tpu.memory_space<vmem>>
      %dma_start3A_184 = arith.constant 0 : i32
      %dma_start3A_185 = tpu.memref_slice %arg21[%add3A_36, %dma_start3A_184] : memref<10240x128xf32, #tpu.memory_space<vmem_shared>> -> memref<16x128xf32, #tpu.memory_space<vmem_shared>>
      %dma_start3A_186 = arith.constant 0 : i32
      %dma_start3A_187 = tpu.memref_slice %arg21[%add3A_36, %dma_start3A_186] : memref<10240x128xf32, #tpu.memory_space<vmem_shared>> -> memref<16x128xf32, #tpu.memory_space<vmem_shared>>
      %dma_start3A_188 = arith.constant 0 : i32
      %dma_start3A_189 = arith.constant 0 : i32
      %dma_start3A_190 = tpu.memref_slice %arg17[%dma_start3A_188, %dma_start3A_189] : memref<48x128xf32, #tpu.memory_space<vmem>> -> memref<16x128xf32, #tpu.memory_space<vmem>>
      tpu.enqueue_dma source(%dma_start3A_190 : memref<16x128xf32, #tpu.memory_space<vmem>>) target(%dma_start3A_187 : memref<16x128xf32, #tpu.memory_space<vmem_shared>>) target_semaphore(%run_scoped3A_180 : memref<!tpu.dma_semaphore, #tpu.memory_space<semaphore_mem>>)
      %dma_wait3A_191 = arith.constant 0 : i32
      %dma_wait3A_192 = arith.constant 0 : i32
      %dma_wait3A_193 = tpu.memref_slice %arg17[%dma_wait3A_191, %dma_wait3A_192] : memref<48x128xf32, #tpu.memory_space<vmem>> -> memref<16x128xf32, #tpu.memory_space<vmem>>
      %dma_wait3A_194 = arith.constant 0 : i32
      %dma_wait3A_195 = tpu.memref_slice %arg21[%add3A_36, %dma_wait3A_194] : memref<10240x128xf32, #tpu.memory_space<vmem_shared>> -> memref<16x128xf32, #tpu.memory_space<vmem_shared>>
      %dma_wait3A_196 = arith.constant 0 : i32
      %dma_wait3A_197 = tpu.memref_slice %arg21[%add3A_36, %dma_wait3A_196] : memref<10240x128xf32, #tpu.memory_space<vmem_shared>> -> memref<16x128xf32, #tpu.memory_space<vmem_shared>>
      %dma_wait3A_198 = arith.constant 0 : i32
      %dma_wait3A_199 = arith.constant 0 : i32
      %dma_wait3A_200 = tpu.memref_slice %arg17[%dma_wait3A_198, %dma_wait3A_199] : memref<48x128xf32, #tpu.memory_space<vmem>> -> memref<16x128xf32, #tpu.memory_space<vmem>>
      tpu.wait_dma2 semaphore(%run_scoped3A_180 : memref<!tpu.dma_semaphore, #tpu.memory_space<semaphore_mem>>) src(%dma_wait3A_200 : memref<16x128xf32, #tpu.memory_space<vmem>>) dst(%dma_wait3A_197 : memref<16x128xf32, #tpu.memory_space<vmem_shared>>)
      tpu.yield
    }) : () -> ()
    %run_scoped3A = arith.constant 0 : i32
    "tpu.region"() ({
      %run_scoped3A_180 = tpu.sem_alloc : memref<!tpu.dma_semaphore, #tpu.memory_space<semaphore_mem>>
      %dma_start3A_181 = arith.constant 0 : i32
      %dma_start3A_182 = tpu.memref_slice %arg3[%add3A, %run_scoped3A, %dma_start3A_181] : memref<32x209x48xi32, #tpu.memory_space<hbm>> -> memref<1x1x48xi32, #tpu.memory_space<hbm>>
      %dma_start3A_183 = tpu.memref_squeeze %dma_start3A_182 : memref<1x1x48xi32, #tpu.memory_space<hbm>> -> memref<48xi32, #tpu.memory_space<hbm>>
      %dma_start3A_184 = arith.constant 0 : i32
      %dma_start3A_185 = tpu.memref_slice %arg3[%add3A, %run_scoped3A, %dma_start3A_184] : memref<32x209x48xi32, #tpu.memory_space<hbm>> -> memref<1x1x48xi32, #tpu.memory_space<hbm>>
      %dma_start3A_186 = tpu.memref_squeeze %dma_start3A_185 : memref<1x1x48xi32, #tpu.memory_space<hbm>> -> memref<48xi32, #tpu.memory_space<hbm>>
      tpu.enqueue_dma source(%dma_start3A_186 : memref<48xi32, #tpu.memory_space<hbm>>) target(%arg5 : memref<48xi32, #tpu.memory_space<vmem>>) target_semaphore(%run_scoped3A_180 : memref<!tpu.dma_semaphore, #tpu.memory_space<semaphore_mem>>)
      %dma_wait3A_187 = arith.constant 0 : i32
      %dma_wait3A_188 = tpu.memref_slice %arg3[%add3A, %run_scoped3A, %dma_wait3A_187] : memref<32x209x48xi32, #tpu.memory_space<hbm>> -> memref<1x1x48xi32, #tpu.memory_space<hbm>>
      %dma_wait3A_189 = tpu.memref_squeeze %dma_wait3A_188 : memref<1x1x48xi32, #tpu.memory_space<hbm>> -> memref<48xi32, #tpu.memory_space<hbm>>
      %dma_wait3A_190 = arith.constant 0 : i32
      %dma_wait3A_191 = tpu.memref_slice %arg3[%add3A, %run_scoped3A, %dma_wait3A_190] : memref<32x209x48xi32, #tpu.memory_space<hbm>> -> memref<1x1x48xi32, #tpu.memory_space<hbm>>
      %dma_wait3A_192 = tpu.memref_squeeze %dma_wait3A_191 : memref<1x1x48xi32, #tpu.memory_space<hbm>> -> memref<48xi32, #tpu.memory_space<hbm>>
      tpu.wait_dma2 semaphore(%run_scoped3A_180 : memref<!tpu.dma_semaphore, #tpu.memory_space<semaphore_mem>>) src(%dma_wait3A_192 : memref<48xi32, #tpu.memory_space<hbm>>) dst(%arg5 : memref<48xi32, #tpu.memory_space<vmem>>)
      tpu.yield
    }) : () -> ()
    %run_scoped3A_37 = arith.constant 1 : i32
    "tpu.region"() ({
      %run_scoped3A_180 = tpu.sem_alloc : memref<!tpu.dma_semaphore, #tpu.memory_space<semaphore_mem>>
      %dma_start3A_181 = arith.constant 0 : i32
      %dma_start3A_182 = tpu.memref_slice %arg3[%add3A, %run_scoped3A_37, %dma_start3A_181] : memref<32x209x48xi32, #tpu.memory_space<hbm>> -> memref<1x1x48xi32, #tpu.memory_space<hbm>>
      %dma_start3A_183 = tpu.memref_squeeze %dma_start3A_182 : memref<1x1x48xi32, #tpu.memory_space<hbm>> -> memref<48xi32, #tpu.memory_space<hbm>>
      %dma_start3A_184 = arith.constant 0 : i32
      %dma_start3A_185 = tpu.memref_slice %arg3[%add3A, %run_scoped3A_37, %dma_start3A_184] : memref<32x209x48xi32, #tpu.memory_space<hbm>> -> memref<1x1x48xi32, #tpu.memory_space<hbm>>
      %dma_start3A_186 = tpu.memref_squeeze %dma_start3A_185 : memref<1x1x48xi32, #tpu.memory_space<hbm>> -> memref<48xi32, #tpu.memory_space<hbm>>
      tpu.enqueue_dma source(%dma_start3A_186 : memref<48xi32, #tpu.memory_space<hbm>>) target(%arg6 : memref<48xi32, #tpu.memory_space<vmem>>) target_semaphore(%run_scoped3A_180 : memref<!tpu.dma_semaphore, #tpu.memory_space<semaphore_mem>>)
      %dma_wait3A_187 = arith.constant 0 : i32
      %dma_wait3A_188 = tpu.memref_slice %arg3[%add3A, %run_scoped3A_37, %dma_wait3A_187] : memref<32x209x48xi32, #tpu.memory_space<hbm>> -> memref<1x1x48xi32, #tpu.memory_space<hbm>>
      %dma_wait3A_189 = tpu.memref_squeeze %dma_wait3A_188 : memref<1x1x48xi32, #tpu.memory_space<hbm>> -> memref<48xi32, #tpu.memory_space<hbm>>
      %dma_wait3A_190 = arith.constant 0 : i32
      %dma_wait3A_191 = tpu.memref_slice %arg3[%add3A, %run_scoped3A_37, %dma_wait3A_190] : memref<32x209x48xi32, #tpu.memory_space<hbm>> -> memref<1x1x48xi32, #tpu.memory_space<hbm>>
      %dma_wait3A_192 = tpu.memref_squeeze %dma_wait3A_191 : memref<1x1x48xi32, #tpu.memory_space<hbm>> -> memref<48xi32, #tpu.memory_space<hbm>>
      tpu.wait_dma2 semaphore(%run_scoped3A_180 : memref<!tpu.dma_semaphore, #tpu.memory_space<semaphore_mem>>) src(%dma_wait3A_192 : memref<48xi32, #tpu.memory_space<hbm>>) dst(%arg6 : memref<48xi32, #tpu.memory_space<vmem>>)
      tpu.yield
    }) : () -> ()
    %run_scoped3A_38 = arith.constant 2 : i32
    "tpu.region"() ({
      %run_scoped3A_180 = tpu.sem_alloc : memref<!tpu.dma_semaphore, #tpu.memory_space<semaphore_mem>>
      %dma_start3A_181 = arith.constant 0 : i32
      %dma_start3A_182 = tpu.memref_slice %arg3[%add3A, %run_scoped3A_38, %dma_start3A_181] : memref<32x209x48xi32, #tpu.memory_space<hbm>> -> memref<1x1x48xi32, #tpu.memory_space<hbm>>
      %dma_start3A_183 = tpu.memref_squeeze %dma_start3A_182 : memref<1x1x48xi32, #tpu.memory_space<hbm>> -> memref<48xi32, #tpu.memory_space<hbm>>
      %dma_start3A_184 = arith.constant 0 : i32
      %dma_start3A_185 = tpu.memref_slice %arg3[%add3A, %run_scoped3A_38, %dma_start3A_184] : memref<32x209x48xi32, #tpu.memory_space<hbm>> -> memref<1x1x48xi32, #tpu.memory_space<hbm>>
      %dma_start3A_186 = tpu.memref_squeeze %dma_start3A_185 : memref<1x1x48xi32, #tpu.memory_space<hbm>> -> memref<48xi32, #tpu.memory_space<hbm>>
      tpu.enqueue_dma source(%dma_start3A_186 : memref<48xi32, #tpu.memory_space<hbm>>) target(%arg7 : memref<48xi32, #tpu.memory_space<vmem>>) target_semaphore(%run_scoped3A_180 : memref<!tpu.dma_semaphore, #tpu.memory_space<semaphore_mem>>)
      %dma_wait3A_187 = arith.constant 0 : i32
      %dma_wait3A_188 = tpu.memref_slice %arg3[%add3A, %run_scoped3A_38, %dma_wait3A_187] : memref<32x209x48xi32, #tpu.memory_space<hbm>> -> memref<1x1x48xi32, #tpu.memory_space<hbm>>
      %dma_wait3A_189 = tpu.memref_squeeze %dma_wait3A_188 : memref<1x1x48xi32, #tpu.memory_space<hbm>> -> memref<48xi32, #tpu.memory_space<hbm>>
      %dma_wait3A_190 = arith.constant 0 : i32
      %dma_wait3A_191 = tpu.memref_slice %arg3[%add3A, %run_scoped3A_38, %dma_wait3A_190] : memref<32x209x48xi32, #tpu.memory_space<hbm>> -> memref<1x1x48xi32, #tpu.memory_space<hbm>>
      %dma_wait3A_192 = tpu.memref_squeeze %dma_wait3A_191 : memref<1x1x48xi32, #tpu.memory_space<hbm>> -> memref<48xi32, #tpu.memory_space<hbm>>
      tpu.wait_dma2 semaphore(%run_scoped3A_180 : memref<!tpu.dma_semaphore, #tpu.memory_space<semaphore_mem>>) src(%dma_wait3A_192 : memref<48xi32, #tpu.memory_space<hbm>>) dst(%arg7 : memref<48xi32, #tpu.memory_space<vmem>>)
      tpu.yield
    }) : () -> ()
    %run_scoped3A_39 = arith.constant 3 : i32
    "tpu.region"() ({
      %run_scoped3A_180 = tpu.sem_alloc : memref<!tpu.dma_semaphore, #tpu.memory_space<semaphore_mem>>
      %dma_start3A_181 = arith.constant 0 : i32
      %dma_start3A_182 = tpu.memref_slice %arg3[%add3A, %run_scoped3A_39, %dma_start3A_181] : memref<32x209x48xi32, #tpu.memory_space<hbm>> -> memref<1x1x48xi32, #tpu.memory_space<hbm>>
      %dma_start3A_183 = tpu.memref_squeeze %dma_start3A_182 : memref<1x1x48xi32, #tpu.memory_space<hbm>> -> memref<48xi32, #tpu.memory_space<hbm>>
      %dma_start3A_184 = arith.constant 0 : i32
      %dma_start3A_185 = tpu.memref_slice %arg3[%add3A, %run_scoped3A_39, %dma_start3A_184] : memref<32x209x48xi32, #tpu.memory_space<hbm>> -> memref<1x1x48xi32, #tpu.memory_space<hbm>>
      %dma_start3A_186 = tpu.memref_squeeze %dma_start3A_185 : memref<1x1x48xi32, #tpu.memory_space<hbm>> -> memref<48xi32, #tpu.memory_space<hbm>>
      tpu.enqueue_dma source(%dma_start3A_186 : memref<48xi32, #tpu.memory_space<hbm>>) target(%arg8 : memref<48xi32, #tpu.memory_space<vmem>>) target_semaphore(%run_scoped3A_180 : memref<!tpu.dma_semaphore, #tpu.memory_space<semaphore_mem>>)
      %dma_wait3A_187 = arith.constant 0 : i32
      %dma_wait3A_188 = tpu.memref_slice %arg3[%add3A, %run_scoped3A_39, %dma_wait3A_187] : memref<32x209x48xi32, #tpu.memory_space<hbm>> -> memref<1x1x48xi32, #tpu.memory_space<hbm>>
      %dma_wait3A_189 = tpu.memref_squeeze %dma_wait3A_188 : memref<1x1x48xi32, #tpu.memory_space<hbm>> -> memref<48xi32, #tpu.memory_space<hbm>>
      %dma_wait3A_190 = arith.constant 0 : i32
      %dma_wait3A_191 = tpu.memref_slice %arg3[%add3A, %run_scoped3A_39, %dma_wait3A_190] : memref<32x209x48xi32, #tpu.memory_space<hbm>> -> memref<1x1x48xi32, #tpu.memory_space<hbm>>
      %dma_wait3A_192 = tpu.memref_squeeze %dma_wait3A_191 : memref<1x1x48xi32, #tpu.memory_space<hbm>> -> memref<48xi32, #tpu.memory_space<hbm>>
      tpu.wait_dma2 semaphore(%run_scoped3A_180 : memref<!tpu.dma_semaphore, #tpu.memory_space<semaphore_mem>>) src(%dma_wait3A_192 : memref<48xi32, #tpu.memory_space<hbm>>) dst(%arg8 : memref<48xi32, #tpu.memory_space<vmem>>)
      tpu.yield
    }) : () -> ()
    %get3A = arith.constant 0 : index
    %get3A_40 = tpu.vector_load %arg5[%get3A] {strides = array<i32>} : memref<48xi32, #tpu.memory_space<vmem>>, vector<16xi32>,
    %get3A_41 = vector.shape_cast %get3A_40 : vector<16xi32> to vector<16xi32>
    %and3A = arith.constant 16383 : i32
    %and3A_42 = vector.broadcast %and3A : i32 to vector<16xi32>
    %and3A_43 = arith.andi %get3A_41, %and3A_42 : vector<16xi32>
    %swap3A = arith.constant 0 : index
    %swap3A_44 = tpu.vector_load %arg9[%swap3A] {strides = array<i32>} : memref<48xi32, #tpu.memory_space<vmem>>, vector<16xi32>,
    %swap3A_45 = vector.shape_cast %swap3A_44 : vector<16xi32> to vector<16xi32>
    %swap3A_46 = vector.shape_cast %and3A_43 : vector<16xi32> to vector<16xi32>
    tpu.vector_store %arg9[%swap3A], %swap3A_46 {strides = array<i32>} : memref<48xi32, #tpu.memory_space<vmem>>, vector<16xi32>,
    %shift_right_logical3A = arith.constant 14 : i32
    %shift_right_logical3A_47 = vector.broadcast %shift_right_logical3A : i32 to vector<16xi32>
    %shift_right_logical3A_48 = arith.shrui %get3A_41, %shift_right_logical3A_47 : vector<16xi32>
    %and3A_49 = arith.constant 16383 : i32
    %and3A_50 = vector.broadcast %and3A_49 : i32 to vector<16xi32>
    %and3A_51 = arith.andi %shift_right_logical3A_48, %and3A_50 : vector<16xi32>
    %swap3A_52 = arith.constant 0 : index
    %swap3A_53 = tpu.vector_load %arg13[%swap3A_52] {strides = array<i32>} : memref<48xi32, #tpu.memory_space<vmem>>, vector<16xi32>,
    %swap3A_54 = vector.shape_cast %swap3A_53 : vector<16xi32> to vector<16xi32>
    %swap3A_55 = vector.shape_cast %and3A_51 : vector<16xi32> to vector<16xi32>
    tpu.vector_store %arg13[%swap3A_52], %swap3A_55 {strides = array<i32>} : memref<48xi32, #tpu.memory_space<vmem>>, vector<16xi32>,
    %get3A_56 = arith.constant 16 : index
    %get3A_57 = tpu.vector_load %arg5[%get3A_56] {strides = array<i32>} : memref<48xi32, #tpu.memory_space<vmem>>, vector<16xi32>,
    %get3A_58 = vector.shape_cast %get3A_57 : vector<16xi32> to vector<16xi32>
    %and3A_59 = arith.constant 16383 : i32
    %and3A_60 = vector.broadcast %and3A_59 : i32 to vector<16xi32>
    %and3A_61 = arith.andi %get3A_58, %and3A_60 : vector<16xi32>
    %swap3A_62 = arith.constant 16 : index
    %swap3A_63 = tpu.vector_load %arg9[%swap3A_62] {strides = array<i32>} : memref<48xi32, #tpu.memory_space<vmem>>, vector<16xi32>,
    %swap3A_64 = vector.shape_cast %swap3A_63 : vector<16xi32> to vector<16xi32>
    %swap3A_65 = vector.shape_cast %and3A_61 : vector<16xi32> to vector<16xi32>
    tpu.vector_store %arg9[%swap3A_62], %swap3A_65 {strides = array<i32>} : memref<48xi32, #tpu.memory_space<vmem>>, vector<16xi32>,
    %shift_right_logical3A_66 = arith.constant 14 : i32
    %shift_right_logical3A_67 = vector.broadcast %shift_right_logical3A_66 : i32 to vector<16xi32>
    %shift_right_logical3A_68 = arith.shrui %get3A_58, %shift_right_logical3A_67 : vector<16xi32>
    %and3A_69 = arith.constant 16383 : i32
    %and3A_70 = vector.broadcast %and3A_69 : i32 to vector<16xi32>
    %and3A_71 = arith.andi %shift_right_logical3A_68, %and3A_70 : vector<16xi32>
    %swap3A_72 = arith.constant 16 : index
    %swap3A_73 = tpu.vector_load %arg13[%swap3A_72] {strides = array<i32>} : memref<48xi32, #tpu.memory_space<vmem>>, vector<16xi32>,
    %swap3A_74 = vector.shape_cast %swap3A_73 : vector<16xi32> to vector<16xi32>
    %swap3A_75 = vector.shape_cast %and3A_71 : vector<16xi32> to vector<16xi32>
    tpu.vector_store %arg13[%swap3A_72], %swap3A_75 {strides = array<i32>} : memref<48xi32, #tpu.memory_space<vmem>>, vector<16xi32>,
    %get3A_76 = arith.constant 32 : index
    %get3A_77 = tpu.vector_load %arg5[%get3A_76] {strides = array<i32>} : memref<48xi32, #tpu.memory_space<vmem>>, vector<16xi32>,
    %get3A_78 = vector.shape_cast %get3A_77 : vector<16xi32> to vector<16xi32>
    %and3A_79 = arith.constant 16383 : i32
    %and3A_80 = vector.broadcast %and3A_79 : i32 to vector<16xi32>
    %and3A_81 = arith.andi %get3A_78, %and3A_80 : vector<16xi32>
    %swap3A_82 = arith.constant 32 : index
    %swap3A_83 = tpu.vector_load %arg9[%swap3A_82] {strides = array<i32>} : memref<48xi32, #tpu.memory_space<vmem>>, vector<16xi32>,
    %swap3A_84 = vector.shape_cast %swap3A_83 : vector<16xi32> to vector<16xi32>
    %swap3A_85 = vector.shape_cast %and3A_81 : vector<16xi32> to vector<16xi32>
    tpu.vector_store %arg9[%swap3A_82], %swap3A_85 {strides = array<i32>} : memref<48xi32, #tpu.memory_space<vmem>>, vector<16xi32>,
    %shift_right_logical3A_86 = arith.constant 14 : i32
    %shift_right_logical3A_87 = vector.broadcast %shift_right_logical3A_86 : i32 to vector<16xi32>
    %shift_right_logical3A_88 = arith.shrui %get3A_78, %shift_right_logical3A_87 : vector<16xi32>
    %and3A_89 = arith.constant 16383 : i32
    %and3A_90 = vector.broadcast %and3A_89 : i32 to vector<16xi32>
    %and3A_91 = arith.andi %shift_right_logical3A_88, %and3A_90 : vector<16xi32>
    %swap3A_92 = arith.constant 32 : index
    %swap3A_93 = tpu.vector_load %arg13[%swap3A_92] {strides = array<i32>} : memref<48xi32, #tpu.memory_space<vmem>>, vector<16xi32>,
    %swap3A_94 = vector.shape_cast %swap3A_93 : vector<16xi32> to vector<16xi32>
    %swap3A_95 = vector.shape_cast %and3A_91 : vector<16xi32> to vector<16xi32>
    tpu.vector_store %arg13[%swap3A_92], %swap3A_95 {strides = array<i32>} : memref<48xi32, #tpu.memory_space<vmem>>, vector<16xi32>,
    %dma_start3A = arith.constant 0 : i32
    %dma_start3A_96 = arith.constant 0 : i32
    %dma_start3A_97 = tpu.memref_slice %arg2[%dma_start3A, %dma_start3A_96] : memref<10000x128xf32, #tpu.memory_space<hbm>> -> memref<10000x128xf32, #tpu.memory_space<hbm>>
    tpu.enqueue_indirect_dma source(%dma_start3A_97 : memref<10000x128xf32, #tpu.memory_space<hbm>>) target(%arg17 : memref<48x128xf32, #tpu.memory_space<vmem>>) offsets(%arg9 : memref<48xi32, #tpu.memory_space<vmem>>) semaphore(%arg22 : memref<!tpu.dma_semaphore, #tpu.memory_space<semaphore_mem>>)
    %get3A_98 = arith.constant 0 : index
    %get3A_99 = tpu.vector_load %arg6[%get3A_98] {strides = array<i32>} : memref<48xi32, #tpu.memory_space<vmem>>, vector<16xi32>,
    %get3A_100 = vector.shape_cast %get3A_99 : vector<16xi32> to vector<16xi32>
    %and3A_101 = arith.constant 16383 : i32
    %and3A_102 = vector.broadcast %and3A_101 : i32 to vector<16xi32>
    %and3A_103 = arith.andi %get3A_100, %and3A_102 : vector<16xi32>
    %swap3A_104 = arith.constant 0 : index
    %swap3A_105 = tpu.vector_load %arg10[%swap3A_104] {strides = array<i32>} : memref<48xi32, #tpu.memory_space<vmem>>, vector<16xi32>,
    %swap3A_106 = vector.shape_cast %swap3A_105 : vector<16xi32> to vector<16xi32>
    %swap3A_107 = vector.shape_cast %and3A_103 : vector<16xi32> to vector<16xi32>
    tpu.vector_store %arg10[%swap3A_104], %swap3A_107 {strides = array<i32>} : memref<48xi32, #tpu.memory_space<vmem>>, vector<16xi32>,
    %shift_right_logical3A_108 = arith.constant 14 : i32
    %shift_right_logical3A_109 = vector.broadcast %shift_right_logical3A_108 : i32 to vector<16xi32>
    %shift_right_logical3A_110 = arith.shrui %get3A_100, %shift_right_logical3A_109 : vector<16xi32>
    %and3A_111 = arith.constant 16383 : i32
    %and3A_112 = vector.broadcast %and3A_111 : i32 to vector<16xi32>
    %and3A_113 = arith.andi %shift_right_logical3A_110, %and3A_112 : vector<16xi32>
    %swap3A_114 = arith.constant 0 : index
    %swap3A_115 = tpu.vector_load %arg14[%swap3A_114] {strides = array<i32>} : memref<48xi32, #tpu.memory_space<vmem>>, vector<16xi32>,
    %swap3A_116 = vector.shape_cast %swap3A_115 : vector<16xi32> to vector<16xi32>
    %swap3A_117 = vector.shape_cast %and3A_113 : vector<16xi32> to vector<16xi32>
    tpu.vector_store %arg14[%swap3A_114], %swap3A_117 {strides = array<i32>} : memref<48xi32, #tpu.memory_space<vmem>>, vector<16xi32>,
    %get3A_118 = arith.constant 16 : index
    %get3A_119 = tpu.vector_load %arg6[%get3A_118] {strides = array<i32>} : memref<48xi32, #tpu.memory_space<vmem>>, vector<16xi32>,
    %get3A_120 = vector.shape_cast %get3A_119 : vector<16xi32> to vector<16xi32>
    %and3A_121 = arith.constant 16383 : i32
    %and3A_122 = vector.broadcast %and3A_121 : i32 to vector<16xi32>
    %and3A_123 = arith.andi %get3A_120, %and3A_122 : vector<16xi32>
    %swap3A_124 = arith.constant 16 : index
    %swap3A_125 = tpu.vector_load %arg10[%swap3A_124] {strides = array<i32>} : memref<48xi32, #tpu.memory_space<vmem>>, vector<16xi32>,
    %swap3A_126 = vector.shape_cast %swap3A_125 : vector<16xi32> to vector<16xi32>
    %swap3A_127 = vector.shape_cast %and3A_123 : vector<16xi32> to vector<16xi32>
    tpu.vector_store %arg10[%swap3A_124], %swap3A_127 {strides = array<i32>} : memref<48xi32, #tpu.memory_space<vmem>>, vector<16xi32>,
    %shift_right_logical3A_128 = arith.constant 14 : i32
    %shift_right_logical3A_129 = vector.broadcast %shift_right_logical3A_128 : i32 to vector<16xi32>
    %shift_right_logical3A_130 = arith.shrui %get3A_120, %shift_right_logical3A_129 : vector<16xi32>
    %and3A_131 = arith.constant 16383 : i32
    %and3A_132 = vector.broadcast %and3A_131 : i32 to vector<16xi32>
    %and3A_133 = arith.andi %shift_right_logical3A_130, %and3A_132 : vector<16xi32>
    %swap3A_134 = arith.constant 16 : index
    %swap3A_135 = tpu.vector_load %arg14[%swap3A_134] {strides = array<i32>} : memref<48xi32, #tpu.memory_space<vmem>>, vector<16xi32>,
    %swap3A_136 = vector.shape_cast %swap3A_135 : vector<16xi32> to vector<16xi32>
    %swap3A_137 = vector.shape_cast %and3A_133 : vector<16xi32> to vector<16xi32>
    tpu.vector_store %arg14[%swap3A_134], %swap3A_137 {strides = array<i32>} : memref<48xi32, #tpu.memory_space<vmem>>, vector<16xi32>,
    %get3A_138 = arith.constant 32 : index
    %get3A_139 = tpu.vector_load %arg6[%get3A_138] {strides = array<i32>} : memref<48xi32, #tpu.memory_space<vmem>>, vector<16xi32>,
    %get3A_140 = vector.shape_cast %get3A_139 : vector<16xi32> to vector<16xi32>
    %and3A_141 = arith.constant 16383 : i32
    %and3A_142 = vector.broadcast %and3A_141 : i32 to vector<16xi32>
    %and3A_143 = arith.andi %get3A_140, %and3A_142 : vector<16xi32>
    %swap3A_144 = arith.constant 32 : index
    %swap3A_145 = tpu.vector_load %arg10[%swap3A_144] {strides = array<i32>} : memref<48xi32, #tpu.memory_space<vmem>>, vector<16xi32>,
    %swap3A_146 = vector.shape_cast %swap3A_145 : vector<16xi32> to vector<16xi32>
    %swap3A_147 = vector.shape_cast %and3A_143 : vector<16xi32> to vector<16xi32>
    tpu.vector_store %arg10[%swap3A_144], %swap3A_147 {strides = array<i32>} : memref<48xi32, #tpu.memory_space<vmem>>, vector<16xi32>,
    %shift_right_logical3A_148 = arith.constant 14 : i32
    %shift_right_logical3A_149 = vector.broadcast %shift_right_logical3A_148 : i32 to vector<16xi32>
    %shift_right_logical3A_150 = arith.shrui %get3A_140, %shift_right_logical3A_149 : vector<16xi32>
    %and3A_151 = arith.constant 16383 : i32
    %and3A_152 = vector.broadcast %and3A_151 : i32 to vector<16xi32>
    %and3A_153 = arith.andi %shift_right_logical3A_150, %and3A_152 : vector<16xi32>
    %swap3A_154 = arith.constant 32 : index
    %swap3A_155 = tpu.vector_load %arg14[%swap3A_154] {strides = array<i32>} : memref<48xi32, #tpu.memory_space<vmem>>, vector<16xi32>,
    %swap3A_156 = vector.shape_cast %swap3A_155 : vector<16xi32> to vector<16xi32>
    %swap3A_157 = vector.shape_cast %and3A_153 : vector<16xi32> to vector<16xi32>
    tpu.vector_store %arg14[%swap3A_154], %swap3A_157 {strides = array<i32>} : memref<48xi32, #tpu.memory_space<vmem>>, vector<16xi32>,
    %dma_start3A_158 = arith.constant 0 : i32
    %dma_start3A_159 = arith.constant 0 : i32
    %dma_start3A_160 = tpu.memref_slice %arg2[%dma_start3A_158, %dma_start3A_159] : memref<10000x128xf32, #tpu.memory_space<hbm>> -> memref<10000x128xf32, #tpu.memory_space<hbm>>
    tpu.enqueue_indirect_dma source(%dma_start3A_160 : memref<10000x128xf32, #tpu.memory_space<hbm>>) target(%arg18 : memref<48x128xf32, #tpu.memory_space<vmem>>) offsets(%arg10 : memref<48xi32, #tpu.memory_space<vmem>>) semaphore(%arg23 : memref<!tpu.dma_semaphore, #tpu.memory_space<semaphore_mem>>)
    %barrier3A = arith.constant 0 : index
    tpu.barrier barrier_id(%barrier3A)
    %scan3A_161 = arith.constant 0 : i32
    %scan3A_162 = arith.constant 0 : i32
    %scan3A_163 = arith.constant 52 : i32
    %scan3A_164 = arith.addi %scan3A_162, %scan3A_163 : i32
    %scan3A_165 = arith.constant 1 : i32
    scf.for %scan3A_180 = %scan3A_162 to %scan3A_164 step %scan3A_165  : i32 {
      %mul3A_181 = arith.constant 4 : i32
      %mul3A_182 = arith.muli %mul3A_181, %scan3A_180 : i32
      %add3A_183 = arith.constant 0 : i32
      %add3A_184 = arith.addi %mul3A_182, %add3A_183 : i32
      %dma_wait3A_185 = arith.constant 0 : i32
      %dma_wait3A_186 = arith.constant 0 : i32
      %dma_wait3A_187 = tpu.memref_slice %arg2[%dma_wait3A_185, %dma_wait3A_186] : memref<10000x128xf32, #tpu.memory_space<hbm>> -> memref<10000x128xf32, #tpu.memory_space<hbm>>
      tpu.wait_indirect_dma semaphore(%arg22 : memref<!tpu.dma_semaphore, #tpu.memory_space<semaphore_mem>>) src(%dma_wait3A_187 : memref<10000x128xf32, #tpu.memory_space<hbm>>) dst(%arg17 : memref<48x128xf32, #tpu.memory_space<vmem>>)
      %add3A_188 = arith.constant 4 : i32
      %add3A_189 = arith.addi %add3A_184, %add3A_188 : i32
      %lt3A = arith.constant 209 : i32
      %lt3A_190 = arith.cmpi slt, %add3A_189, %lt3A : i32
      %convert_element_type3A = arith.extui %lt3A_190 : i1 to i32
      %cond3A = arith.constant 0 : i32
      %cond3A_191 = arith.cmpi ne, %convert_element_type3A, %cond3A : i32
      scf.if %cond3A_191 {
        %add3A_301 = arith.constant 4 : i32
        %add3A_302 = arith.addi %add3A_184, %add3A_301 : i32
        %dma_start3A_303 = arith.constant 0 : i32
        %dma_start3A_304 = tpu.memref_slice %arg3[%add3A, %add3A_302, %dma_start3A_303] : memref<32x209x48xi32, #tpu.memory_space<hbm>> -> memref<1x1x48xi32, #tpu.memory_space<hbm>>
        %dma_start3A_305 = tpu.memref_squeeze %dma_start3A_304 : memref<1x1x48xi32, #tpu.memory_space<hbm>> -> memref<48xi32, #tpu.memory_space<hbm>>
        %dma_start3A_306 = arith.constant 0 : i32
        %dma_start3A_307 = tpu.memref_slice %arg3[%add3A, %add3A_302, %dma_start3A_306] : memref<32x209x48xi32, #tpu.memory_space<hbm>> -> memref<1x1x48xi32, #tpu.memory_space<hbm>>
        %dma_start3A_308 = tpu.memref_squeeze %dma_start3A_307 : memref<1x1x48xi32, #tpu.memory_space<hbm>> -> memref<48xi32, #tpu.memory_space<hbm>>
        tpu.enqueue_dma source(%dma_start3A_308 : memref<48xi32, #tpu.memory_space<hbm>>) target(%arg5 : memref<48xi32, #tpu.memory_space<vmem>>) target_semaphore(%arg26 : memref<!tpu.dma_semaphore, #tpu.memory_space<semaphore_mem>>)
      } else {
      }
      %ge3A = arith.constant 2 : i32
      %ge3A_192 = arith.cmpi sge, %add3A_184, %ge3A : i32
      %add3A_193 = arith.constant 2 : i32
      %add3A_194 = arith.addi %add3A_184, %add3A_193 : i32
      %lt3A_195 = arith.constant 209 : i32
      %lt3A_196 = arith.cmpi slt, %add3A_194, %lt3A_195 : i32
      %and3A_197 = arith.andi %ge3A_192, %lt3A_196 : i1
      %convert_element_type3A_198 = arith.extui %and3A_197 : i1 to i32
      %cond3A_199 = arith.constant 0 : i32
      %cond3A_200 = arith.cmpi ne, %convert_element_type3A_198, %cond3A_199 : i32
      scf.if %cond3A_200 {
        %dma_wait3A_301 = arith.constant 0 : i32
        %dma_wait3A_302 = arith.constant 0 : i32
        %dma_wait3A_303 = tpu.memref_slice %arg3[%add3A, %dma_wait3A_301, %dma_wait3A_302] : memref<32x209x48xi32, #tpu.memory_space<hbm>> -> memref<1x1x48xi32, #tpu.memory_space<hbm>>
        %dma_wait3A_304 = tpu.memref_squeeze %dma_wait3A_303 : memref<1x1x48xi32, #tpu.memory_space<hbm>> -> memref<48xi32, #tpu.memory_space<hbm>>
        %dma_wait3A_305 = arith.constant 0 : i32
        %dma_wait3A_306 = tpu.memref_slice %arg3[%add3A, %dma_wait3A_301, %dma_wait3A_305] : memref<32x209x48xi32, #tpu.memory_space<hbm>> -> memref<1x1x48xi32, #tpu.memory_space<hbm>>
        %dma_wait3A_307 = tpu.memref_squeeze %dma_wait3A_306 : memref<1x1x48xi32, #tpu.memory_space<hbm>> -> memref<48xi32, #tpu.memory_space<hbm>>
        tpu.wait_dma2 semaphore(%arg28 : memref<!tpu.dma_semaphore, #tpu.memory_space<semaphore_mem>>) src(%dma_wait3A_307 : memref<48xi32, #tpu.memory_space<hbm>>) dst(%arg7 : memref<48xi32, #tpu.memory_space<vmem>>)
      } else {
      }
      %add3A_201 = arith.constant 2 : i32
      %add3A_202 = arith.addi %add3A_184, %add3A_201 : i32
      %lt3A_203 = arith.constant 209 : i32
      %lt3A_204 = arith.cmpi slt, %add3A_202, %lt3A_203 : i32
      %convert_element_type3A_205 = arith.extui %lt3A_204 : i1 to i32
      %cond3A_206 = arith.constant 0 : i32
      %cond3A_207 = arith.cmpi ne, %convert_element_type3A_205, %cond3A_206 : i32
      scf.if %cond3A_207 {
        %get3A_301 = arith.constant 0 : index
        %get3A_302 = tpu.vector_load %arg7[%get3A_301] {strides = array<i32>} : memref<48xi32, #tpu.memory_space<vmem>>, vector<16xi32>,
        %get3A_303 = vector.shape_cast %get3A_302 : vector<16xi32> to vector<16xi32>
        %and3A_304 = arith.constant 16383 : i32
        %and3A_305 = vector.broadcast %and3A_304 : i32 to vector<16xi32>
        %and3A_306 = arith.andi %get3A_303, %and3A_305 : vector<16xi32>
        %swap3A_307 = arith.constant 0 : index
        %swap3A_308 = tpu.vector_load %arg11[%swap3A_307] {strides = array<i32>} : memref<48xi32, #tpu.memory_space<vmem>>, vector<16xi32>,
        %swap3A_309 = vector.shape_cast %swap3A_308 : vector<16xi32> to vector<16xi32>
        %swap3A_310 = vector.shape_cast %and3A_306 : vector<16xi32> to vector<16xi32>
        tpu.vector_store %arg11[%swap3A_307], %swap3A_310 {strides = array<i32>} : memref<48xi32, #tpu.memory_space<vmem>>, vector<16xi32>,
        %shift_right_logical3A_311 = arith.constant 14 : i32
        %shift_right_logical3A_312 = vector.broadcast %shift_right_logical3A_311 : i32 to vector<16xi32>
        %shift_right_logical3A_313 = arith.shrui %get3A_303, %shift_right_logical3A_312 : vector<16xi32>
        %and3A_314 = arith.constant 16383 : i32
        %and3A_315 = vector.broadcast %and3A_314 : i32 to vector<16xi32>
        %and3A_316 = arith.andi %shift_right_logical3A_313, %and3A_315 : vector<16xi32>
        %swap3A_317 = arith.constant 0 : index
        %swap3A_318 = tpu.vector_load %arg15[%swap3A_317] {strides = array<i32>} : memref<48xi32, #tpu.memory_space<vmem>>, vector<16xi32>,
        %swap3A_319 = vector.shape_cast %swap3A_318 : vector<16xi32> to vector<16xi32>
        %swap3A_320 = vector.shape_cast %and3A_316 : vector<16xi32> to vector<16xi32>
        tpu.vector_store %arg15[%swap3A_317], %swap3A_320 {strides = array<i32>} : memref<48xi32, #tpu.memory_space<vmem>>, vector<16xi32>,
        %get3A_321 = arith.constant 16 : index
        %get3A_322 = tpu.vector_load %arg7[%get3A_321] {strides = array<i32>} : memref<48xi32, #tpu.memory_space<vmem>>, vector<16xi32>,
        %get3A_323 = vector.shape_cast %get3A_322 : vector<16xi32> to vector<16xi32>
        %and3A_324 = arith.constant 16383 : i32
        %and3A_325 = vector.broadcast %and3A_324 : i32 to vector<16xi32>
        %and3A_326 = arith.andi %get3A_323, %and3A_325 : vector<16xi32>
        %swap3A_327 = arith.constant 16 : index
        %swap3A_328 = tpu.vector_load %arg11[%swap3A_327] {strides = array<i32>} : memref<48xi32, #tpu.memory_space<vmem>>, vector<16xi32>,
        %swap3A_329 = vector.shape_cast %swap3A_328 : vector<16xi32> to vector<16xi32>
        %swap3A_330 = vector.shape_cast %and3A_326 : vector<16xi32> to vector<16xi32>
        tpu.vector_store %arg11[%swap3A_327], %swap3A_330 {strides = array<i32>} : memref<48xi32, #tpu.memory_space<vmem>>, vector<16xi32>,
        %shift_right_logical3A_331 = arith.constant 14 : i32
        %shift_right_logical3A_332 = vector.broadcast %shift_right_logical3A_331 : i32 to vector<16xi32>
        %shift_right_logical3A_333 = arith.shrui %get3A_323, %shift_right_logical3A_332 : vector<16xi32>
        %and3A_334 = arith.constant 16383 : i32
        %and3A_335 = vector.broadcast %and3A_334 : i32 to vector<16xi32>
        %and3A_336 = arith.andi %shift_right_logical3A_333, %and3A_335 : vector<16xi32>
        %swap3A_337 = arith.constant 16 : index
        %swap3A_338 = tpu.vector_load %arg15[%swap3A_337] {strides = array<i32>} : memref<48xi32, #tpu.memory_space<vmem>>, vector<16xi32>,
        %swap3A_339 = vector.shape_cast %swap3A_338 : vector<16xi32> to vector<16xi32>
        %swap3A_340 = vector.shape_cast %and3A_336 : vector<16xi32> to vector<16xi32>
        tpu.vector_store %arg15[%swap3A_337], %swap3A_340 {strides = array<i32>} : memref<48xi32, #tpu.memory_space<vmem>>, vector<16xi32>,
        %get3A_341 = arith.constant 32 : index
        %get3A_342 = tpu.vector_load %arg7[%get3A_341] {strides = array<i32>} : memref<48xi32, #tpu.memory_space<vmem>>, vector<16xi32>,
        %get3A_343 = vector.shape_cast %get3A_342 : vector<16xi32> to vector<16xi32>
        %and3A_344 = arith.constant 16383 : i32
        %and3A_345 = vector.broadcast %and3A_344 : i32 to vector<16xi32>
        %and3A_346 = arith.andi %get3A_343, %and3A_345 : vector<16xi32>
        %swap3A_347 = arith.constant 32 : index
        %swap3A_348 = tpu.vector_load %arg11[%swap3A_347] {strides = array<i32>} : memref<48xi32, #tpu.memory_space<vmem>>, vector<16xi32>,
        %swap3A_349 = vector.shape_cast %swap3A_348 : vector<16xi32> to vector<16xi32>
        %swap3A_350 = vector.shape_cast %and3A_346 : vector<16xi32> to vector<16xi32>
        tpu.vector_store %arg11[%swap3A_347], %swap3A_350 {strides = array<i32>} : memref<48xi32, #tpu.memory_space<vmem>>, vector<16xi32>,
        %shift_right_logical3A_351 = arith.constant 14 : i32
        %shift_right_logical3A_352 = vector.broadcast %shift_right_logical3A_351 : i32 to vector<16xi32>
        %shift_right_logical3A_353 = arith.shrui %get3A_343, %shift_right_logical3A_352 : vector<16xi32>
        %and3A_354 = arith.constant 16383 : i32
        %and3A_355 = vector.broadcast %and3A_354 : i32 to vector<16xi32>
        %and3A_356 = arith.andi %shift_right_logical3A_353, %and3A_355 : vector<16xi32>
        %swap3A_357 = arith.constant 32 : index
        %swap3A_358 = tpu.vector_load %arg15[%swap3A_357] {strides = array<i32>} : memref<48xi32, #tpu.memory_space<vmem>>, vector<16xi32>,
        %swap3A_359 = vector.shape_cast %swap3A_358 : vector<16xi32> to vector<16xi32>
        %swap3A_360 = vector.shape_cast %and3A_356 : vector<16xi32> to vector<16xi32>
        tpu.vector_store %arg15[%swap3A_357], %swap3A_360 {strides = array<i32>} : memref<48xi32, #tpu.memory_space<vmem>>, vector<16xi32>,
        %dma_start3A_361 = arith.constant 0 : i32
        %dma_start3A_362 = arith.constant 0 : i32
        %dma_start3A_363 = tpu.memref_slice %arg2[%dma_start3A_361, %dma_start3A_362] : memref<10000x128xf32, #tpu.memory_space<hbm>> -> memref<10000x128xf32, #tpu.memory_space<hbm>>
        tpu.enqueue_indirect_dma source(%dma_start3A_363 : memref<10000x128xf32, #tpu.memory_space<hbm>>) target(%arg19 : memref<48x128xf32, #tpu.memory_space<vmem>>) offsets(%arg11 : memref<48xi32, #tpu.memory_space<vmem>>) semaphore(%arg24 : memref<!tpu.dma_semaphore, #tpu.memory_space<semaphore_mem>>)
      } else {
      }
      "tpu.region"() ({
        %run_scoped3A_301 = tpu.sem_alloc : memref<!tpu.dma_semaphore, #tpu.memory_space<semaphore_mem>>
        %dma_start3A_302 = arith.constant 0 : i32
        %dma_start3A_303 = arith.constant 0 : i32
        %dma_start3A_304 = tpu.memref_slice %arg21[%dma_start3A_302, %dma_start3A_303] : memref<10240x128xf32, #tpu.memory_space<vmem_shared>> -> memref<10240x128xf32, #tpu.memory_space<vmem_shared>>
        tpu.enqueue_indirect_dma source(%arg17 : memref<48x128xf32, #tpu.memory_space<vmem>>) target(%dma_start3A_304 : memref<10240x128xf32, #tpu.memory_space<vmem_shared>>) offsets(%arg13 : memref<48xi32, #tpu.memory_space<vmem>>) semaphore(%run_scoped3A_301 : memref<!tpu.dma_semaphore, #tpu.memory_space<semaphore_mem>>) {add = true}
        %dma_wait3A_305 = arith.constant 0 : i32
        %dma_wait3A_306 = arith.constant 0 : i32
        %dma_wait3A_307 = tpu.memref_slice %arg21[%dma_wait3A_305, %dma_wait3A_306] : memref<10240x128xf32, #tpu.memory_space<vmem_shared>> -> memref<10240x128xf32, #tpu.memory_space<vmem_shared>>
        tpu.wait_indirect_dma semaphore(%run_scoped3A_301 : memref<!tpu.dma_semaphore, #tpu.memory_space<semaphore_mem>>) src(%arg17 : memref<48x128xf32, #tpu.memory_space<vmem>>) dst(%dma_wait3A_307 : memref<10240x128xf32, #tpu.memory_space<vmem_shared>>)
        tpu.yield
      }) : () -> ()
      %mul3A_208 = arith.constant 4 : i32
      %mul3A_209 = arith.muli %mul3A_208, %scan3A_180 : i32
      %add3A_210 = arith.constant 1 : i32
      %add3A_211 = arith.addi %mul3A_209, %add3A_210 : i32
      %dma_wait3A_212 = arith.constant 0 : i32
      %dma_wait3A_213 = arith.constant 0 : i32
      %dma_wait3A_214 = tpu.memref_slice %arg2[%dma_wait3A_212, %dma_wait3A_213] : memref<10000x128xf32, #tpu.memory_space<hbm>> -> memref<10000x128xf32, #tpu.memory_space<hbm>>
      tpu.wait_indirect_dma semaphore(%arg23 : memref<!tpu.dma_semaphore, #tpu.memory_space<semaphore_mem>>) src(%dma_wait3A_214 : memref<10000x128xf32, #tpu.memory_space<hbm>>) dst(%arg18 : memref<48x128xf32, #tpu.memory_space<vmem>>)
      %add3A_215 = arith.constant 4 : i32
      %add3A_216 = arith.addi %add3A_211, %add3A_215 : i32
      %lt3A_217 = arith.constant 209 : i32
      %lt3A_218 = arith.cmpi slt, %add3A_216, %lt3A_217 : i32
      %convert_element_type3A_219 = arith.extui %lt3A_218 : i1 to i32
      %cond3A_220 = arith.constant 0 : i32
      %cond3A_221 = arith.cmpi ne, %convert_element_type3A_219, %cond3A_220 : i32
      scf.if %cond3A_221 {
        %add3A_301 = arith.constant 4 : i32
        %add3A_302 = arith.addi %add3A_211, %add3A_301 : i32
        %dma_start3A_303 = arith.constant 0 : i32
        %dma_start3A_304 = tpu.memref_slice %arg3[%add3A, %add3A_302, %dma_start3A_303] : memref<32x209x48xi32, #tpu.memory_space<hbm>> -> memref<1x1x48xi32, #tpu.memory_space<hbm>>
        %dma_start3A_305 = tpu.memref_squeeze %dma_start3A_304 : memref<1x1x48xi32, #tpu.memory_space<hbm>> -> memref<48xi32, #tpu.memory_space<hbm>>
        %dma_start3A_306 = arith.constant 0 : i32
        %dma_start3A_307 = tpu.memref_slice %arg3[%add3A, %add3A_302, %dma_start3A_306] : memref<32x209x48xi32, #tpu.memory_space<hbm>> -> memref<1x1x48xi32, #tpu.memory_space<hbm>>
        %dma_start3A_308 = tpu.memref_squeeze %dma_start3A_307 : memref<1x1x48xi32, #tpu.memory_space<hbm>> -> memref<48xi32, #tpu.memory_space<hbm>>
        tpu.enqueue_dma source(%dma_start3A_308 : memref<48xi32, #tpu.memory_space<hbm>>) target(%arg6 : memref<48xi32, #tpu.memory_space<vmem>>) target_semaphore(%arg27 : memref<!tpu.dma_semaphore, #tpu.memory_space<semaphore_mem>>)
      } else {
      }
      %ge3A_222 = arith.constant 2 : i32
      %ge3A_223 = arith.cmpi sge, %add3A_211, %ge3A_222 : i32
      %add3A_224 = arith.constant 2 : i32
      %add3A_225 = arith.addi %add3A_211, %add3A_224 : i32
      %lt3A_226 = arith.constant 209 : i32
      %lt3A_227 = arith.cmpi slt, %add3A_225, %lt3A_226 : i32
      %and3A_228 = arith.andi %ge3A_223, %lt3A_227 : i1
      %convert_element_type3A_229 = arith.extui %and3A_228 : i1 to i32
      %cond3A_230 = arith.constant 0 : i32
      %cond3A_231 = arith.cmpi ne, %convert_element_type3A_229, %cond3A_230 : i32
      scf.if %cond3A_231 {
        %dma_wait3A_301 = arith.constant 0 : i32
        %dma_wait3A_302 = arith.constant 0 : i32
        %dma_wait3A_303 = tpu.memref_slice %arg3[%add3A, %dma_wait3A_301, %dma_wait3A_302] : memref<32x209x48xi32, #tpu.memory_space<hbm>> -> memref<1x1x48xi32, #tpu.memory_space<hbm>>
        %dma_wait3A_304 = tpu.memref_squeeze %dma_wait3A_303 : memref<1x1x48xi32, #tpu.memory_space<hbm>> -> memref<48xi32, #tpu.memory_space<hbm>>
        %dma_wait3A_305 = arith.constant 0 : i32
        %dma_wait3A_306 = tpu.memref_slice %arg3[%add3A, %dma_wait3A_301, %dma_wait3A_305] : memref<32x209x48xi32, #tpu.memory_space<hbm>> -> memref<1x1x48xi32, #tpu.memory_space<hbm>>
        %dma_wait3A_307 = tpu.memref_squeeze %dma_wait3A_306 : memref<1x1x48xi32, #tpu.memory_space<hbm>> -> memref<48xi32, #tpu.memory_space<hbm>>
        tpu.wait_dma2 semaphore(%arg29 : memref<!tpu.dma_semaphore, #tpu.memory_space<semaphore_mem>>) src(%dma_wait3A_307 : memref<48xi32, #tpu.memory_space<hbm>>) dst(%arg8 : memref<48xi32, #tpu.memory_space<vmem>>)
      } else {
      }
      %add3A_232 = arith.constant 2 : i32
      %add3A_233 = arith.addi %add3A_211, %add3A_232 : i32
      %lt3A_234 = arith.constant 209 : i32
      %lt3A_235 = arith.cmpi slt, %add3A_233, %lt3A_234 : i32
      %convert_element_type3A_236 = arith.extui %lt3A_235 : i1 to i32
      %cond3A_237 = arith.constant 0 : i32
      %cond3A_238 = arith.cmpi ne, %convert_element_type3A_236, %cond3A_237 : i32
      scf.if %cond3A_238 {
        %get3A_301 = arith.constant 0 : index
        %get3A_302 = tpu.vector_load %arg8[%get3A_301] {strides = array<i32>} : memref<48xi32, #tpu.memory_space<vmem>>, vector<16xi32>,
        %get3A_303 = vector.shape_cast %get3A_302 : vector<16xi32> to vector<16xi32>
        %and3A_304 = arith.constant 16383 : i32
        %and3A_305 = vector.broadcast %and3A_304 : i32 to vector<16xi32>
        %and3A_306 = arith.andi %get3A_303, %and3A_305 : vector<16xi32>
        %swap3A_307 = arith.constant 0 : index
        %swap3A_308 = tpu.vector_load %arg12[%swap3A_307] {strides = array<i32>} : memref<48xi32, #tpu.memory_space<vmem>>, vector<16xi32>,
        %swap3A_309 = vector.shape_cast %swap3A_308 : vector<16xi32> to vector<16xi32>
        %swap3A_310 = vector.shape_cast %and3A_306 : vector<16xi32> to vector<16xi32>
        tpu.vector_store %arg12[%swap3A_307], %swap3A_310 {strides = array<i32>} : memref<48xi32, #tpu.memory_space<vmem>>, vector<16xi32>,
        %shift_right_logical3A_311 = arith.constant 14 : i32
        %shift_right_logical3A_312 = vector.broadcast %shift_right_logical3A_311 : i32 to vector<16xi32>
        %shift_right_logical3A_313 = arith.shrui %get3A_303, %shift_right_logical3A_312 : vector<16xi32>
        %and3A_314 = arith.constant 16383 : i32
        %and3A_315 = vector.broadcast %and3A_314 : i32 to vector<16xi32>
        %and3A_316 = arith.andi %shift_right_logical3A_313, %and3A_315 : vector<16xi32>
        %swap3A_317 = arith.constant 0 : index
        %swap3A_318 = tpu.vector_load %arg16[%swap3A_317] {strides = array<i32>} : memref<48xi32, #tpu.memory_space<vmem>>, vector<16xi32>,
        %swap3A_319 = vector.shape_cast %swap3A_318 : vector<16xi32> to vector<16xi32>
        %swap3A_320 = vector.shape_cast %and3A_316 : vector<16xi32> to vector<16xi32>
        tpu.vector_store %arg16[%swap3A_317], %swap3A_320 {strides = array<i32>} : memref<48xi32, #tpu.memory_space<vmem>>, vector<16xi32>,
        %get3A_321 = arith.constant 16 : index
        %get3A_322 = tpu.vector_load %arg8[%get3A_321] {strides = array<i32>} : memref<48xi32, #tpu.memory_space<vmem>>, vector<16xi32>,
        %get3A_323 = vector.shape_cast %get3A_322 : vector<16xi32> to vector<16xi32>
        %and3A_324 = arith.constant 16383 : i32
        %and3A_325 = vector.broadcast %and3A_324 : i32 to vector<16xi32>
        %and3A_326 = arith.andi %get3A_323, %and3A_325 : vector<16xi32>
        %swap3A_327 = arith.constant 16 : index
        %swap3A_328 = tpu.vector_load %arg12[%swap3A_327] {strides = array<i32>} : memref<48xi32, #tpu.memory_space<vmem>>, vector<16xi32>,
        %swap3A_329 = vector.shape_cast %swap3A_328 : vector<16xi32> to vector<16xi32>
        %swap3A_330 = vector.shape_cast %and3A_326 : vector<16xi32> to vector<16xi32>
        tpu.vector_store %arg12[%swap3A_327], %swap3A_330 {strides = array<i32>} : memref<48xi32, #tpu.memory_space<vmem>>, vector<16xi32>,
        %shift_right_logical3A_331 = arith.constant 14 : i32
        %shift_right_logical3A_332 = vector.broadcast %shift_right_logical3A_331 : i32 to vector<16xi32>
        %shift_right_logical3A_333 = arith.shrui %get3A_323, %shift_right_logical3A_332 : vector<16xi32>
        %and3A_334 = arith.constant 16383 : i32
        %and3A_335 = vector.broadcast %and3A_334 : i32 to vector<16xi32>
        %and3A_336 = arith.andi %shift_right_logical3A_333, %and3A_335 : vector<16xi32>
        %swap3A_337 = arith.constant 16 : index
        %swap3A_338 = tpu.vector_load %arg16[%swap3A_337] {strides = array<i32>} : memref<48xi32, #tpu.memory_space<vmem>>, vector<16xi32>,
        %swap3A_339 = vector.shape_cast %swap3A_338 : vector<16xi32> to vector<16xi32>
        %swap3A_340 = vector.shape_cast %and3A_336 : vector<16xi32> to vector<16xi32>
        tpu.vector_store %arg16[%swap3A_337], %swap3A_340 {strides = array<i32>} : memref<48xi32, #tpu.memory_space<vmem>>, vector<16xi32>,
        %get3A_341 = arith.constant 32 : index
        %get3A_342 = tpu.vector_load %arg8[%get3A_341] {strides = array<i32>} : memref<48xi32, #tpu.memory_space<vmem>>, vector<16xi32>,
        %get3A_343 = vector.shape_cast %get3A_342 : vector<16xi32> to vector<16xi32>
        %and3A_344 = arith.constant 16383 : i32
        %and3A_345 = vector.broadcast %and3A_344 : i32 to vector<16xi32>
        %and3A_346 = arith.andi %get3A_343, %and3A_345 : vector<16xi32>
        %swap3A_347 = arith.constant 32 : index
        %swap3A_348 = tpu.vector_load %arg12[%swap3A_347] {strides = array<i32>} : memref<48xi32, #tpu.memory_space<vmem>>, vector<16xi32>,
        %swap3A_349 = vector.shape_cast %swap3A_348 : vector<16xi32> to vector<16xi32>
        %swap3A_350 = vector.shape_cast %and3A_346 : vector<16xi32> to vector<16xi32>
        tpu.vector_store %arg12[%swap3A_347], %swap3A_350 {strides = array<i32>} : memref<48xi32, #tpu.memory_space<vmem>>, vector<16xi32>,
        %shift_right_logical3A_351 = arith.constant 14 : i32
        %shift_right_logical3A_352 = vector.broadcast %shift_right_logical3A_351 : i32 to vector<16xi32>
        %shift_right_logical3A_353 = arith.shrui %get3A_343, %shift_right_logical3A_352 : vector<16xi32>
        %and3A_354 = arith.constant 16383 : i32
        %and3A_355 = vector.broadcast %and3A_354 : i32 to vector<16xi32>
        %and3A_356 = arith.andi %shift_right_logical3A_353, %and3A_355 : vector<16xi32>
        %swap3A_357 = arith.constant 32 : index
        %swap3A_358 = tpu.vector_load %arg16[%swap3A_357] {strides = array<i32>} : memref<48xi32, #tpu.memory_space<vmem>>, vector<16xi32>,
        %swap3A_359 = vector.shape_cast %swap3A_358 : vector<16xi32> to vector<16xi32>
        %swap3A_360 = vector.shape_cast %and3A_356 : vector<16xi32> to vector<16xi32>
        tpu.vector_store %arg16[%swap3A_357], %swap3A_360 {strides = array<i32>} : memref<48xi32, #tpu.memory_space<vmem>>, vector<16xi32>,
        %dma_start3A_361 = arith.constant 0 : i32
        %dma_start3A_362 = arith.constant 0 : i32
        %dma_start3A_363 = tpu.memref_slice %arg2[%dma_start3A_361, %dma_start3A_362] : memref<10000x128xf32, #tpu.memory_space<hbm>> -> memref<10000x128xf32, #tpu.memory_space<hbm>>
        tpu.enqueue_indirect_dma source(%dma_start3A_363 : memref<10000x128xf32, #tpu.memory_space<hbm>>) target(%arg20 : memref<48x128xf32, #tpu.memory_space<vmem>>) offsets(%arg12 : memref<48xi32, #tpu.memory_space<vmem>>) semaphore(%arg25 : memref<!tpu.dma_semaphore, #tpu.memory_space<semaphore_mem>>)
      } else {
      }
      "tpu.region"() ({
        %run_scoped3A_301 = tpu.sem_alloc : memref<!tpu.dma_semaphore, #tpu.memory_space<semaphore_mem>>
        %dma_start3A_302 = arith.constant 0 : i32
        %dma_start3A_303 = arith.constant 0 : i32
        %dma_start3A_304 = tpu.memref_slice %arg21[%dma_start3A_302, %dma_start3A_303] : memref<10240x128xf32, #tpu.memory_space<vmem_shared>> -> memref<10240x128xf32, #tpu.memory_space<vmem_shared>>
        tpu.enqueue_indirect_dma source(%arg18 : memref<48x128xf32, #tpu.memory_space<vmem>>) target(%dma_start3A_304 : memref<10240x128xf32, #tpu.memory_space<vmem_shared>>) offsets(%arg14 : memref<48xi32, #tpu.memory_space<vmem>>) semaphore(%run_scoped3A_301 : memref<!tpu.dma_semaphore, #tpu.memory_space<semaphore_mem>>) {add = true}
        %dma_wait3A_305 = arith.constant 0 : i32
        %dma_wait3A_306 = arith.constant 0 : i32
        %dma_wait3A_307 = tpu.memref_slice %arg21[%dma_wait3A_305, %dma_wait3A_306] : memref<10240x128xf32, #tpu.memory_space<vmem_shared>> -> memref<10240x128xf32, #tpu.memory_space<vmem_shared>>
        tpu.wait_indirect_dma semaphore(%run_scoped3A_301 : memref<!tpu.dma_semaphore, #tpu.memory_space<semaphore_mem>>) src(%arg18 : memref<48x128xf32, #tpu.memory_space<vmem>>) dst(%dma_wait3A_307 : memref<10240x128xf32, #tpu.memory_space<vmem_shared>>)
        tpu.yield
      }) : () -> ()
      %mul3A_239 = arith.constant 4 : i32
      %mul3A_240 = arith.muli %mul3A_239, %scan3A_180 : i32
      %add3A_241 = arith.constant 2 : i32
      %add3A_242 = arith.addi %mul3A_240, %add3A_241 : i32
      %dma_wait3A_243 = arith.constant 0 : i32
      %dma_wait3A_244 = arith.constant 0 : i32
      %dma_wait3A_245 = tpu.memref_slice %arg2[%dma_wait3A_243, %dma_wait3A_244] : memref<10000x128xf32, #tpu.memory_space<hbm>> -> memref<10000x128xf32, #tpu.memory_space<hbm>>
      tpu.wait_indirect_dma semaphore(%arg24 : memref<!tpu.dma_semaphore, #tpu.memory_space<semaphore_mem>>) src(%dma_wait3A_245 : memref<10000x128xf32, #tpu.memory_space<hbm>>) dst(%arg19 : memref<48x128xf32, #tpu.memory_space<vmem>>)
      %add3A_246 = arith.constant 4 : i32
      %add3A_247 = arith.addi %add3A_242, %add3A_246 : i32
      %lt3A_248 = arith.constant 209 : i32
      %lt3A_249 = arith.cmpi slt, %add3A_247, %lt3A_248 : i32
      %convert_element_type3A_250 = arith.extui %lt3A_249 : i1 to i32
      %cond3A_251 = arith.constant 0 : i32
      %cond3A_252 = arith.cmpi ne, %convert_element_type3A_250, %cond3A_251 : i32
      scf.if %cond3A_252 {
        %add3A_301 = arith.constant 4 : i32
        %add3A_302 = arith.addi %add3A_242, %add3A_301 : i32
        %dma_start3A_303 = arith.constant 0 : i32
        %dma_start3A_304 = tpu.memref_slice %arg3[%add3A, %add3A_302, %dma_start3A_303] : memref<32x209x48xi32, #tpu.memory_space<hbm>> -> memref<1x1x48xi32, #tpu.memory_space<hbm>>
        %dma_start3A_305 = tpu.memref_squeeze %dma_start3A_304 : memref<1x1x48xi32, #tpu.memory_space<hbm>> -> memref<48xi32, #tpu.memory_space<hbm>>
        %dma_start3A_306 = arith.constant 0 : i32
        %dma_start3A_307 = tpu.memref_slice %arg3[%add3A, %add3A_302, %dma_start3A_306] : memref<32x209x48xi32, #tpu.memory_space<hbm>> -> memref<1x1x48xi32, #tpu.memory_space<hbm>>
        %dma_start3A_308 = tpu.memref_squeeze %dma_start3A_307 : memref<1x1x48xi32, #tpu.memory_space<hbm>> -> memref<48xi32, #tpu.memory_space<hbm>>
        tpu.enqueue_dma source(%dma_start3A_308 : memref<48xi32, #tpu.memory_space<hbm>>) target(%arg7 : memref<48xi32, #tpu.memory_space<vmem>>) target_semaphore(%arg28 : memref<!tpu.dma_semaphore, #tpu.memory_space<semaphore_mem>>)
      } else {
      }
      %ge3A_253 = arith.constant 2 : i32
      %ge3A_254 = arith.cmpi sge, %add3A_242, %ge3A_253 : i32
      %add3A_255 = arith.constant 2 : i32
      %add3A_256 = arith.addi %add3A_242, %add3A_255 : i32
      %lt3A_257 = arith.constant 209 : i32
      %lt3A_258 = arith.cmpi slt, %add3A_256, %lt3A_257 : i32
      %and3A_259 = arith.andi %ge3A_254, %lt3A_258 : i1
      %convert_element_type3A_260 = arith.extui %and3A_259 : i1 to i32
      %cond3A_261 = arith.constant 0 : i32
      %cond3A_262 = arith.cmpi ne, %convert_element_type3A_260, %cond3A_261 : i32
      scf.if %cond3A_262 {
        %dma_wait3A_301 = arith.constant 0 : i32
        %dma_wait3A_302 = arith.constant 0 : i32
        %dma_wait3A_303 = tpu.memref_slice %arg3[%add3A, %dma_wait3A_301, %dma_wait3A_302] : memref<32x209x48xi32, #tpu.memory_space<hbm>> -> memref<1x1x48xi32, #tpu.memory_space<hbm>>
        %dma_wait3A_304 = tpu.memref_squeeze %dma_wait3A_303 : memref<1x1x48xi32, #tpu.memory_space<hbm>> -> memref<48xi32, #tpu.memory_space<hbm>>
        %dma_wait3A_305 = arith.constant 0 : i32
        %dma_wait3A_306 = tpu.memref_slice %arg3[%add3A, %dma_wait3A_301, %dma_wait3A_305] : memref<32x209x48xi32, #tpu.memory_space<hbm>> -> memref<1x1x48xi32, #tpu.memory_space<hbm>>
        %dma_wait3A_307 = tpu.memref_squeeze %dma_wait3A_306 : memref<1x1x48xi32, #tpu.memory_space<hbm>> -> memref<48xi32, #tpu.memory_space<hbm>>
        tpu.wait_dma2 semaphore(%arg26 : memref<!tpu.dma_semaphore, #tpu.memory_space<semaphore_mem>>) src(%dma_wait3A_307 : memref<48xi32, #tpu.memory_space<hbm>>) dst(%arg5 : memref<48xi32, #tpu.memory_space<vmem>>)
      } else {
      }
      %add3A_263 = arith.constant 2 : i32
      %add3A_264 = arith.addi %add3A_242, %add3A_263 : i32
      %lt3A_265 = arith.constant 209 : i32
      %lt3A_266 = arith.cmpi slt, %add3A_264, %lt3A_265 : i32
      %convert_element_type3A_267 = arith.extui %lt3A_266 : i1 to i32
      %cond3A_268 = arith.constant 0 : i32
      %cond3A_269 = arith.cmpi ne, %convert_element_type3A_267, %cond3A_268 : i32
      scf.if %cond3A_269 {
        %get3A_301 = arith.constant 0 : index
        %get3A_302 = tpu.vector_load %arg5[%get3A_301] {strides = array<i32>} : memref<48xi32, #tpu.memory_space<vmem>>, vector<16xi32>,
        %get3A_303 = vector.shape_cast %get3A_302 : vector<16xi32> to vector<16xi32>
        %and3A_304 = arith.constant 16383 : i32
        %and3A_305 = vector.broadcast %and3A_304 : i32 to vector<16xi32>
        %and3A_306 = arith.andi %get3A_303, %and3A_305 : vector<16xi32>
        %swap3A_307 = arith.constant 0 : index
        %swap3A_308 = tpu.vector_load %arg9[%swap3A_307] {strides = array<i32>} : memref<48xi32, #tpu.memory_space<vmem>>, vector<16xi32>,
        %swap3A_309 = vector.shape_cast %swap3A_308 : vector<16xi32> to vector<16xi32>
        %swap3A_310 = vector.shape_cast %and3A_306 : vector<16xi32> to vector<16xi32>
        tpu.vector_store %arg9[%swap3A_307], %swap3A_310 {strides = array<i32>} : memref<48xi32, #tpu.memory_space<vmem>>, vector<16xi32>,
        %shift_right_logical3A_311 = arith.constant 14 : i32
        %shift_right_logical3A_312 = vector.broadcast %shift_right_logical3A_311 : i32 to vector<16xi32>
        %shift_right_logical3A_313 = arith.shrui %get3A_303, %shift_right_logical3A_312 : vector<16xi32>
        %and3A_314 = arith.constant 16383 : i32
        %and3A_315 = vector.broadcast %and3A_314 : i32 to vector<16xi32>
        %and3A_316 = arith.andi %shift_right_logical3A_313, %and3A_315 : vector<16xi32>
        %swap3A_317 = arith.constant 0 : index
        %swap3A_318 = tpu.vector_load %arg13[%swap3A_317] {strides = array<i32>} : memref<48xi32, #tpu.memory_space<vmem>>, vector<16xi32>,
        %swap3A_319 = vector.shape_cast %swap3A_318 : vector<16xi32> to vector<16xi32>
        %swap3A_320 = vector.shape_cast %and3A_316 : vector<16xi32> to vector<16xi32>
        tpu.vector_store %arg13[%swap3A_317], %swap3A_320 {strides = array<i32>} : memref<48xi32, #tpu.memory_space<vmem>>, vector<16xi32>,
        %get3A_321 = arith.constant 16 : index
        %get3A_322 = tpu.vector_load %arg5[%get3A_321] {strides = array<i32>} : memref<48xi32, #tpu.memory_space<vmem>>, vector<16xi32>,
        %get3A_323 = vector.shape_cast %get3A_322 : vector<16xi32> to vector<16xi32>
        %and3A_324 = arith.constant 16383 : i32
        %and3A_325 = vector.broadcast %and3A_324 : i32 to vector<16xi32>
        %and3A_326 = arith.andi %get3A_323, %and3A_325 : vector<16xi32>
        %swap3A_327 = arith.constant 16 : index
        %swap3A_328 = tpu.vector_load %arg9[%swap3A_327] {strides = array<i32>} : memref<48xi32, #tpu.memory_space<vmem>>, vector<16xi32>,
        %swap3A_329 = vector.shape_cast %swap3A_328 : vector<16xi32> to vector<16xi32>
        %swap3A_330 = vector.shape_cast %and3A_326 : vector<16xi32> to vector<16xi32>
        tpu.vector_store %arg9[%swap3A_327], %swap3A_330 {strides = array<i32>} : memref<48xi32, #tpu.memory_space<vmem>>, vector<16xi32>,
        %shift_right_logical3A_331 = arith.constant 14 : i32
        %shift_right_logical3A_332 = vector.broadcast %shift_right_logical3A_331 : i32 to vector<16xi32>
        %shift_right_logical3A_333 = arith.shrui %get3A_323, %shift_right_logical3A_332 : vector<16xi32>
        %and3A_334 = arith.constant 16383 : i32
        %and3A_335 = vector.broadcast %and3A_334 : i32 to vector<16xi32>
        %and3A_336 = arith.andi %shift_right_logical3A_333, %and3A_335 : vector<16xi32>
        %swap3A_337 = arith.constant 16 : index
        %swap3A_338 = tpu.vector_load %arg13[%swap3A_337] {strides = array<i32>} : memref<48xi32, #tpu.memory_space<vmem>>, vector<16xi32>,
        %swap3A_339 = vector.shape_cast %swap3A_338 : vector<16xi32> to vector<16xi32>
        %swap3A_340 = vector.shape_cast %and3A_336 : vector<16xi32> to vector<16xi32>
        tpu.vector_store %arg13[%swap3A_337], %swap3A_340 {strides = array<i32>} : memref<48xi32, #tpu.memory_space<vmem>>, vector<16xi32>,
        %get3A_341 = arith.constant 32 : index
        %get3A_342 = tpu.vector_load %arg5[%get3A_341] {strides = array<i32>} : memref<48xi32, #tpu.memory_space<vmem>>, vector<16xi32>,
        %get3A_343 = vector.shape_cast %get3A_342 : vector<16xi32> to vector<16xi32>
        %and3A_344 = arith.constant 16383 : i32
        %and3A_345 = vector.broadcast %and3A_344 : i32 to vector<16xi32>
        %and3A_346 = arith.andi %get3A_343, %and3A_345 : vector<16xi32>
        %swap3A_347 = arith.constant 32 : index
        %swap3A_348 = tpu.vector_load %arg9[%swap3A_347] {strides = array<i32>} : memref<48xi32, #tpu.memory_space<vmem>>, vector<16xi32>,
        %swap3A_349 = vector.shape_cast %swap3A_348 : vector<16xi32> to vector<16xi32>
        %swap3A_350 = vector.shape_cast %and3A_346 : vector<16xi32> to vector<16xi32>
        tpu.vector_store %arg9[%swap3A_347], %swap3A_350 {strides = array<i32>} : memref<48xi32, #tpu.memory_space<vmem>>, vector<16xi32>,
        %shift_right_logical3A_351 = arith.constant 14 : i32
        %shift_right_logical3A_352 = vector.broadcast %shift_right_logical3A_351 : i32 to vector<16xi32>
        %shift_right_logical3A_353 = arith.shrui %get3A_343, %shift_right_logical3A_352 : vector<16xi32>
        %and3A_354 = arith.constant 16383 : i32
        %and3A_355 = vector.broadcast %and3A_354 : i32 to vector<16xi32>
        %and3A_356 = arith.andi %shift_right_logical3A_353, %and3A_355 : vector<16xi32>
        %swap3A_357 = arith.constant 32 : index
        %swap3A_358 = tpu.vector_load %arg13[%swap3A_357] {strides = array<i32>} : memref<48xi32, #tpu.memory_space<vmem>>, vector<16xi32>,
        %swap3A_359 = vector.shape_cast %swap3A_358 : vector<16xi32> to vector<16xi32>
        %swap3A_360 = vector.shape_cast %and3A_356 : vector<16xi32> to vector<16xi32>
        tpu.vector_store %arg13[%swap3A_357], %swap3A_360 {strides = array<i32>} : memref<48xi32, #tpu.memory_space<vmem>>, vector<16xi32>,
        %dma_start3A_361 = arith.constant 0 : i32
        %dma_start3A_362 = arith.constant 0 : i32
        %dma_start3A_363 = tpu.memref_slice %arg2[%dma_start3A_361, %dma_start3A_362] : memref<10000x128xf32, #tpu.memory_space<hbm>> -> memref<10000x128xf32, #tpu.memory_space<hbm>>
        tpu.enqueue_indirect_dma source(%dma_start3A_363 : memref<10000x128xf32, #tpu.memory_space<hbm>>) target(%arg17 : memref<48x128xf32, #tpu.memory_space<vmem>>) offsets(%arg9 : memref<48xi32, #tpu.memory_space<vmem>>) semaphore(%arg22 : memref<!tpu.dma_semaphore, #tpu.memory_space<semaphore_mem>>)
      } else {
      }
      "tpu.region"() ({
        %run_scoped3A_301 = tpu.sem_alloc : memref<!tpu.dma_semaphore, #tpu.memory_space<semaphore_mem>>
        %dma_start3A_302 = arith.constant 0 : i32
        %dma_start3A_303 = arith.constant 0 : i32
        %dma_start3A_304 = tpu.memref_slice %arg21[%dma_start3A_302, %dma_start3A_303] : memref<10240x128xf32, #tpu.memory_space<vmem_shared>> -> memref<10240x128xf32, #tpu.memory_space<vmem_shared>>
        tpu.enqueue_indirect_dma source(%arg19 : memref<48x128xf32, #tpu.memory_space<vmem>>) target(%dma_start3A_304 : memref<10240x128xf32, #tpu.memory_space<vmem_shared>>) offsets(%arg15 : memref<48xi32, #tpu.memory_space<vmem>>) semaphore(%run_scoped3A_301 : memref<!tpu.dma_semaphore, #tpu.memory_space<semaphore_mem>>) {add = true}
        %dma_wait3A_305 = arith.constant 0 : i32
        %dma_wait3A_306 = arith.constant 0 : i32
        %dma_wait3A_307 = tpu.memref_slice %arg21[%dma_wait3A_305, %dma_wait3A_306] : memref<10240x128xf32, #tpu.memory_space<vmem_shared>> -> memref<10240x128xf32, #tpu.memory_space<vmem_shared>>
        tpu.wait_indirect_dma semaphore(%run_scoped3A_301 : memref<!tpu.dma_semaphore, #tpu.memory_space<semaphore_mem>>) src(%arg19 : memref<48x128xf32, #tpu.memory_space<vmem>>) dst(%dma_wait3A_307 : memref<10240x128xf32, #tpu.memory_space<vmem_shared>>)
        tpu.yield
      }) : () -> ()
      %mul3A_270 = arith.constant 4 : i32
      %mul3A_271 = arith.muli %mul3A_270, %scan3A_180 : i32
      %add3A_272 = arith.constant 3 : i32
      %add3A_273 = arith.addi %mul3A_271, %add3A_272 : i32
      %dma_wait3A_274 = arith.constant 0 : i32
      %dma_wait3A_275 = arith.constant 0 : i32
      %dma_wait3A_276 = tpu.memref_slice %arg2[%dma_wait3A_274, %dma_wait3A_275] : memref<10000x128xf32, #tpu.memory_space<hbm>> -> memref<10000x128xf32, #tpu.memory_space<hbm>>
      tpu.wait_indirect_dma semaphore(%arg25 : memref<!tpu.dma_semaphore, #tpu.memory_space<semaphore_mem>>) src(%dma_wait3A_276 : memref<10000x128xf32, #tpu.memory_space<hbm>>) dst(%arg20 : memref<48x128xf32, #tpu.memory_space<vmem>>)
      %add3A_277 = arith.constant 4 : i32
      %add3A_278 = arith.addi %add3A_273, %add3A_277 : i32
      %lt3A_279 = arith.constant 209 : i32
      %lt3A_280 = arith.cmpi slt, %add3A_278, %lt3A_279 : i32
      %convert_element_type3A_281 = arith.extui %lt3A_280 : i1 to i32
      %cond3A_282 = arith.constant 0 : i32
      %cond3A_283 = arith.cmpi ne, %convert_element_type3A_281, %cond3A_282 : i32
      scf.if %cond3A_283 {
        %add3A_301 = arith.constant 4 : i32
        %add3A_302 = arith.addi %add3A_273, %add3A_301 : i32
        %dma_start3A_303 = arith.constant 0 : i32
        %dma_start3A_304 = tpu.memref_slice %arg3[%add3A, %add3A_302, %dma_start3A_303] : memref<32x209x48xi32, #tpu.memory_space<hbm>> -> memref<1x1x48xi32, #tpu.memory_space<hbm>>
        %dma_start3A_305 = tpu.memref_squeeze %dma_start3A_304 : memref<1x1x48xi32, #tpu.memory_space<hbm>> -> memref<48xi32, #tpu.memory_space<hbm>>
        %dma_start3A_306 = arith.constant 0 : i32
        %dma_start3A_307 = tpu.memref_slice %arg3[%add3A, %add3A_302, %dma_start3A_306] : memref<32x209x48xi32, #tpu.memory_space<hbm>> -> memref<1x1x48xi32, #tpu.memory_space<hbm>>
        %dma_start3A_308 = tpu.memref_squeeze %dma_start3A_307 : memref<1x1x48xi32, #tpu.memory_space<hbm>> -> memref<48xi32, #tpu.memory_space<hbm>>
        tpu.enqueue_dma source(%dma_start3A_308 : memref<48xi32, #tpu.memory_space<hbm>>) target(%arg8 : memref<48xi32, #tpu.memory_space<vmem>>) target_semaphore(%arg29 : memref<!tpu.dma_semaphore, #tpu.memory_space<semaphore_mem>>)
      } else {
      }
      %ge3A_284 = arith.constant 2 : i32
      %ge3A_285 = arith.cmpi sge, %add3A_273, %ge3A_284 : i32
      %add3A_286 = arith.constant 2 : i32
      %add3A_287 = arith.addi %add3A_273, %add3A_286 : i32
      %lt3A_288 = arith.constant 209 : i32
      %lt3A_289 = arith.cmpi slt, %add3A_287, %lt3A_288 : i32
      %and3A_290 = arith.andi %ge3A_285, %lt3A_289 : i1
      %convert_element_type3A_291 = arith.extui %and3A_290 : i1 to i32
      %cond3A_292 = arith.constant 0 : i32
      %cond3A_293 = arith.cmpi ne, %convert_element_type3A_291, %cond3A_292 : i32
      scf.if %cond3A_293 {
        %dma_wait3A_301 = arith.constant 0 : i32
        %dma_wait3A_302 = arith.constant 0 : i32
        %dma_wait3A_303 = tpu.memref_slice %arg3[%add3A, %dma_wait3A_301, %dma_wait3A_302] : memref<32x209x48xi32, #tpu.memory_space<hbm>> -> memref<1x1x48xi32, #tpu.memory_space<hbm>>
        %dma_wait3A_304 = tpu.memref_squeeze %dma_wait3A_303 : memref<1x1x48xi32, #tpu.memory_space<hbm>> -> memref<48xi32, #tpu.memory_space<hbm>>
        %dma_wait3A_305 = arith.constant 0 : i32
        %dma_wait3A_306 = tpu.memref_slice %arg3[%add3A, %dma_wait3A_301, %dma_wait3A_305] : memref<32x209x48xi32, #tpu.memory_space<hbm>> -> memref<1x1x48xi32, #tpu.memory_space<hbm>>
        %dma_wait3A_307 = tpu.memref_squeeze %dma_wait3A_306 : memref<1x1x48xi32, #tpu.memory_space<hbm>> -> memref<48xi32, #tpu.memory_space<hbm>>
        tpu.wait_dma2 semaphore(%arg27 : memref<!tpu.dma_semaphore, #tpu.memory_space<semaphore_mem>>) src(%dma_wait3A_307 : memref<48xi32, #tpu.memory_space<hbm>>) dst(%arg6 : memref<48xi32, #tpu.memory_space<vmem>>)
      } else {
      }
      %add3A_294 = arith.constant 2 : i32
      %add3A_295 = arith.addi %add3A_273, %add3A_294 : i32
      %lt3A_296 = arith.constant 209 : i32
      %lt3A_297 = arith.cmpi slt, %add3A_295, %lt3A_296 : i32
      %convert_element_type3A_298 = arith.extui %lt3A_297 : i1 to i32
      %cond3A_299 = arith.constant 0 : i32
      %cond3A_300 = arith.cmpi ne, %convert_element_type3A_298, %cond3A_299 : i32
      scf.if %cond3A_300 {
        %get3A_301 = arith.constant 0 : index
        %get3A_302 = tpu.vector_load %arg6[%get3A_301] {strides = array<i32>} : memref<48xi32, #tpu.memory_space<vmem>>, vector<16xi32>,
        %get3A_303 = vector.shape_cast %get3A_302 : vector<16xi32> to vector<16xi32>
        %and3A_304 = arith.constant 16383 : i32
        %and3A_305 = vector.broadcast %and3A_304 : i32 to vector<16xi32>
        %and3A_306 = arith.andi %get3A_303, %and3A_305 : vector<16xi32>
        %swap3A_307 = arith.constant 0 : index
        %swap3A_308 = tpu.vector_load %arg10[%swap3A_307] {strides = array<i32>} : memref<48xi32, #tpu.memory_space<vmem>>, vector<16xi32>,
        %swap3A_309 = vector.shape_cast %swap3A_308 : vector<16xi32> to vector<16xi32>
        %swap3A_310 = vector.shape_cast %and3A_306 : vector<16xi32> to vector<16xi32>
        tpu.vector_store %arg10[%swap3A_307], %swap3A_310 {strides = array<i32>} : memref<48xi32, #tpu.memory_space<vmem>>, vector<16xi32>,
        %shift_right_logical3A_311 = arith.constant 14 : i32
        %shift_right_logical3A_312 = vector.broadcast %shift_right_logical3A_311 : i32 to vector<16xi32>
        %shift_right_logical3A_313 = arith.shrui %get3A_303, %shift_right_logical3A_312 : vector<16xi32>
        %and3A_314 = arith.constant 16383 : i32
        %and3A_315 = vector.broadcast %and3A_314 : i32 to vector<16xi32>
        %and3A_316 = arith.andi %shift_right_logical3A_313, %and3A_315 : vector<16xi32>
        %swap3A_317 = arith.constant 0 : index
        %swap3A_318 = tpu.vector_load %arg14[%swap3A_317] {strides = array<i32>} : memref<48xi32, #tpu.memory_space<vmem>>, vector<16xi32>,
        %swap3A_319 = vector.shape_cast %swap3A_318 : vector<16xi32> to vector<16xi32>
        %swap3A_320 = vector.shape_cast %and3A_316 : vector<16xi32> to vector<16xi32>
        tpu.vector_store %arg14[%swap3A_317], %swap3A_320 {strides = array<i32>} : memref<48xi32, #tpu.memory_space<vmem>>, vector<16xi32>,
        %get3A_321 = arith.constant 16 : index
        %get3A_322 = tpu.vector_load %arg6[%get3A_321] {strides = array<i32>} : memref<48xi32, #tpu.memory_space<vmem>>, vector<16xi32>,
        %get3A_323 = vector.shape_cast %get3A_322 : vector<16xi32> to vector<16xi32>
        %and3A_324 = arith.constant 16383 : i32
        %and3A_325 = vector.broadcast %and3A_324 : i32 to vector<16xi32>
        %and3A_326 = arith.andi %get3A_323, %and3A_325 : vector<16xi32>
        %swap3A_327 = arith.constant 16 : index
        %swap3A_328 = tpu.vector_load %arg10[%swap3A_327] {strides = array<i32>} : memref<48xi32, #tpu.memory_space<vmem>>, vector<16xi32>,
        %swap3A_329 = vector.shape_cast %swap3A_328 : vector<16xi32> to vector<16xi32>
        %swap3A_330 = vector.shape_cast %and3A_326 : vector<16xi32> to vector<16xi32>
        tpu.vector_store %arg10[%swap3A_327], %swap3A_330 {strides = array<i32>} : memref<48xi32, #tpu.memory_space<vmem>>, vector<16xi32>,
        %shift_right_logical3A_331 = arith.constant 14 : i32
        %shift_right_logical3A_332 = vector.broadcast %shift_right_logical3A_331 : i32 to vector<16xi32>
        %shift_right_logical3A_333 = arith.shrui %get3A_323, %shift_right_logical3A_332 : vector<16xi32>
        %and3A_334 = arith.constant 16383 : i32
        %and3A_335 = vector.broadcast %and3A_334 : i32 to vector<16xi32>
        %and3A_336 = arith.andi %shift_right_logical3A_333, %and3A_335 : vector<16xi32>
        %swap3A_337 = arith.constant 16 : index
        %swap3A_338 = tpu.vector_load %arg14[%swap3A_337] {strides = array<i32>} : memref<48xi32, #tpu.memory_space<vmem>>, vector<16xi32>,
        %swap3A_339 = vector.shape_cast %swap3A_338 : vector<16xi32> to vector<16xi32>
        %swap3A_340 = vector.shape_cast %and3A_336 : vector<16xi32> to vector<16xi32>
        tpu.vector_store %arg14[%swap3A_337], %swap3A_340 {strides = array<i32>} : memref<48xi32, #tpu.memory_space<vmem>>, vector<16xi32>,
        %get3A_341 = arith.constant 32 : index
        %get3A_342 = tpu.vector_load %arg6[%get3A_341] {strides = array<i32>} : memref<48xi32, #tpu.memory_space<vmem>>, vector<16xi32>,
        %get3A_343 = vector.shape_cast %get3A_342 : vector<16xi32> to vector<16xi32>
        %and3A_344 = arith.constant 16383 : i32
        %and3A_345 = vector.broadcast %and3A_344 : i32 to vector<16xi32>
        %and3A_346 = arith.andi %get3A_343, %and3A_345 : vector<16xi32>
        %swap3A_347 = arith.constant 32 : index
        %swap3A_348 = tpu.vector_load %arg10[%swap3A_347] {strides = array<i32>} : memref<48xi32, #tpu.memory_space<vmem>>, vector<16xi32>,
        %swap3A_349 = vector.shape_cast %swap3A_348 : vector<16xi32> to vector<16xi32>
        %swap3A_350 = vector.shape_cast %and3A_346 : vector<16xi32> to vector<16xi32>
        tpu.vector_store %arg10[%swap3A_347], %swap3A_350 {strides = array<i32>} : memref<48xi32, #tpu.memory_space<vmem>>, vector<16xi32>,
        %shift_right_logical3A_351 = arith.constant 14 : i32
        %shift_right_logical3A_352 = vector.broadcast %shift_right_logical3A_351 : i32 to vector<16xi32>
        %shift_right_logical3A_353 = arith.shrui %get3A_343, %shift_right_logical3A_352 : vector<16xi32>
        %and3A_354 = arith.constant 16383 : i32
        %and3A_355 = vector.broadcast %and3A_354 : i32 to vector<16xi32>
        %and3A_356 = arith.andi %shift_right_logical3A_353, %and3A_355 : vector<16xi32>
        %swap3A_357 = arith.constant 32 : index
        %swap3A_358 = tpu.vector_load %arg14[%swap3A_357] {strides = array<i32>} : memref<48xi32, #tpu.memory_space<vmem>>, vector<16xi32>,
        %swap3A_359 = vector.shape_cast %swap3A_358 : vector<16xi32> to vector<16xi32>
        %swap3A_360 = vector.shape_cast %and3A_356 : vector<16xi32> to vector<16xi32>
        tpu.vector_store %arg14[%swap3A_357], %swap3A_360 {strides = array<i32>} : memref<48xi32, #tpu.memory_space<vmem>>, vector<16xi32>,
        %dma_start3A_361 = arith.constant 0 : i32
        %dma_start3A_362 = arith.constant 0 : i32
        %dma_start3A_363 = tpu.memref_slice %arg2[%dma_start3A_361, %dma_start3A_362] : memref<10000x128xf32, #tpu.memory_space<hbm>> -> memref<10000x128xf32, #tpu.memory_space<hbm>>
        tpu.enqueue_indirect_dma source(%dma_start3A_363 : memref<10000x128xf32, #tpu.memory_space<hbm>>) target(%arg18 : memref<48x128xf32, #tpu.memory_space<vmem>>) offsets(%arg10 : memref<48xi32, #tpu.memory_space<vmem>>) semaphore(%arg23 : memref<!tpu.dma_semaphore, #tpu.memory_space<semaphore_mem>>)
      } else {
      }
      "tpu.region"() ({
        %run_scoped3A_301 = tpu.sem_alloc : memref<!tpu.dma_semaphore, #tpu.memory_space<semaphore_mem>>
        %dma_start3A_302 = arith.constant 0 : i32
        %dma_start3A_303 = arith.constant 0 : i32
        %dma_start3A_304 = tpu.memref_slice %arg21[%dma_start3A_302, %dma_start3A_303] : memref<10240x128xf32, #tpu.memory_space<vmem_shared>> -> memref<10240x128xf32, #tpu.memory_space<vmem_shared>>
        tpu.enqueue_indirect_dma source(%arg20 : memref<48x128xf32, #tpu.memory_space<vmem>>) target(%dma_start3A_304 : memref<10240x128xf32, #tpu.memory_space<vmem_shared>>) offsets(%arg16 : memref<48xi32, #tpu.memory_space<vmem>>) semaphore(%run_scoped3A_301 : memref<!tpu.dma_semaphore, #tpu.memory_space<semaphore_mem>>) {add = true}
        %dma_wait3A_305 = arith.constant 0 : i32
        %dma_wait3A_306 = arith.constant 0 : i32
        %dma_wait3A_307 = tpu.memref_slice %arg21[%dma_wait3A_305, %dma_wait3A_306] : memref<10240x128xf32, #tpu.memory_space<vmem_shared>> -> memref<10240x128xf32, #tpu.memory_space<vmem_shared>>
        tpu.wait_indirect_dma semaphore(%run_scoped3A_301 : memref<!tpu.dma_semaphore, #tpu.memory_space<semaphore_mem>>) src(%arg20 : memref<48x128xf32, #tpu.memory_space<vmem>>) dst(%dma_wait3A_307 : memref<10240x128xf32, #tpu.memory_space<vmem_shared>>)
        tpu.yield
      }) : () -> ()
    }
    %scan3A_166 = arith.constant 52 : i32
    %dma_wait3A = arith.constant 0 : i32
    %dma_wait3A_167 = arith.constant 0 : i32
    %dma_wait3A_168 = tpu.memref_slice %arg2[%dma_wait3A, %dma_wait3A_167] : memref<10000x128xf32, #tpu.memory_space<hbm>> -> memref<10000x128xf32, #tpu.memory_space<hbm>>
    tpu.wait_indirect_dma semaphore(%arg22 : memref<!tpu.dma_semaphore, #tpu.memory_space<semaphore_mem>>) src(%dma_wait3A_168 : memref<10000x128xf32, #tpu.memory_space<hbm>>) dst(%arg17 : memref<48x128xf32, #tpu.memory_space<vmem>>)
    "tpu.region"() ({
      %run_scoped3A_180 = tpu.sem_alloc : memref<!tpu.dma_semaphore, #tpu.memory_space<semaphore_mem>>
      %dma_start3A_181 = arith.constant 0 : i32
      %dma_start3A_182 = arith.constant 0 : i32
      %dma_start3A_183 = tpu.memref_slice %arg21[%dma_start3A_181, %dma_start3A_182] : memref<10240x128xf32, #tpu.memory_space<vmem_shared>> -> memref<10240x128xf32, #tpu.memory_space<vmem_shared>>
      tpu.enqueue_indirect_dma source(%arg17 : memref<48x128xf32, #tpu.memory_space<vmem>>) target(%dma_start3A_183 : memref<10240x128xf32, #tpu.memory_space<vmem_shared>>) offsets(%arg13 : memref<48xi32, #tpu.memory_space<vmem>>) semaphore(%run_scoped3A_180 : memref<!tpu.dma_semaphore, #tpu.memory_space<semaphore_mem>>) {add = true}
      %dma_wait3A_184 = arith.constant 0 : i32
      %dma_wait3A_185 = arith.constant 0 : i32
      %dma_wait3A_186 = tpu.memref_slice %arg21[%dma_wait3A_184, %dma_wait3A_185] : memref<10240x128xf32, #tpu.memory_space<vmem_shared>> -> memref<10240x128xf32, #tpu.memory_space<vmem_shared>>
      tpu.wait_indirect_dma semaphore(%run_scoped3A_180 : memref<!tpu.dma_semaphore, #tpu.memory_space<semaphore_mem>>) src(%arg17 : memref<48x128xf32, #tpu.memory_space<vmem>>) dst(%dma_wait3A_186 : memref<10240x128xf32, #tpu.memory_space<vmem_shared>>)
      tpu.yield
    }) : () -> ()
    %barrier3A_169 = arith.constant 0 : index
    tpu.barrier barrier_id(%barrier3A_169)
    %add3A_170 = arith.constant 0 : i32
    %add3A_171 = arith.addi %mul3A_8, %add3A_170 : i32
    "tpu.region"() ({
      %run_scoped3A_180 = tpu.sem_alloc : memref<!tpu.dma_semaphore, #tpu.memory_space<semaphore_mem>>
      %dma_start3A_181 = arith.constant 0 : i32
      %dma_start3A_182 = tpu.memref_slice %arg4[%arg0, %add3A_171, %dma_start3A_181] : memref<2x10240x128xf32, #tpu.memory_space<hbm>> -> memref<1x128x128xf32, #tpu.memory_space<hbm>>
      %dma_start3A_183 = tpu.memref_squeeze %dma_start3A_182 : memref<1x128x128xf32, #tpu.memory_space<hbm>> -> memref<128x128xf32, #tpu.memory_space<hbm>>
      %dma_start3A_184 = arith.constant 0 : i32
      %dma_start3A_185 = tpu.memref_slice %arg21[%add3A_171, %dma_start3A_184] : memref<10240x128xf32, #tpu.memory_space<vmem_shared>> -> memref<128x128xf32, #tpu.memory_space<vmem_shared>>
      tpu.enqueue_dma source(%dma_start3A_185 : memref<128x128xf32, #tpu.memory_space<vmem_shared>>) target(%dma_start3A_183 : memref<128x128xf32, #tpu.memory_space<hbm>>) target_semaphore(%run_scoped3A_180 : memref<!tpu.dma_semaphore, #tpu.memory_space<semaphore_mem>>)
      %dma_wait3A_186 = arith.constant 0 : i32
      %dma_wait3A_187 = tpu.memref_slice %arg4[%arg0, %add3A_171, %dma_wait3A_186] : memref<2x10240x128xf32, #tpu.memory_space<hbm>> -> memref<1x128x128xf32, #tpu.memory_space<hbm>>
      %dma_wait3A_188 = tpu.memref_squeeze %dma_wait3A_187 : memref<1x128x128xf32, #tpu.memory_space<hbm>> -> memref<128x128xf32, #tpu.memory_space<hbm>>
      %dma_wait3A_189 = arith.constant 0 : i32
      %dma_wait3A_190 = tpu.memref_slice %arg21[%add3A_171, %dma_wait3A_189] : memref<10240x128xf32, #tpu.memory_space<vmem_shared>> -> memref<128x128xf32, #tpu.memory_space<vmem_shared>>
      tpu.wait_dma2 semaphore(%run_scoped3A_180 : memref<!tpu.dma_semaphore, #tpu.memory_space<semaphore_mem>>) src(%dma_wait3A_190 : memref<128x128xf32, #tpu.memory_space<vmem_shared>>) dst(%dma_wait3A_188 : memref<128x128xf32, #tpu.memory_space<hbm>>)
      tpu.yield
    }) : () -> ()
    %add3A_172 = arith.constant 128 : i32
    %add3A_173 = arith.addi %mul3A_8, %add3A_172 : i32
    "tpu.region"() ({
      %run_scoped3A_180 = tpu.sem_alloc : memref<!tpu.dma_semaphore, #tpu.memory_space<semaphore_mem>>
      %dma_start3A_181 = arith.constant 0 : i32
      %dma_start3A_182 = tpu.memref_slice %arg4[%arg0, %add3A_173, %dma_start3A_181] : memref<2x10240x128xf32, #tpu.memory_space<hbm>> -> memref<1x128x128xf32, #tpu.memory_space<hbm>>
      %dma_start3A_183 = tpu.memref_squeeze %dma_start3A_182 : memref<1x128x128xf32, #tpu.memory_space<hbm>> -> memref<128x128xf32, #tpu.memory_space<hbm>>
      %dma_start3A_184 = arith.constant 0 : i32
      %dma_start3A_185 = tpu.memref_slice %arg21[%add3A_173, %dma_start3A_184] : memref<10240x128xf32, #tpu.memory_space<vmem_shared>> -> memref<128x128xf32, #tpu.memory_space<vmem_shared>>
      tpu.enqueue_dma source(%dma_start3A_185 : memref<128x128xf32, #tpu.memory_space<vmem_shared>>) target(%dma_start3A_183 : memref<128x128xf32, #tpu.memory_space<hbm>>) target_semaphore(%run_scoped3A_180 : memref<!tpu.dma_semaphore, #tpu.memory_space<semaphore_mem>>)
      %dma_wait3A_186 = arith.constant 0 : i32
      %dma_wait3A_187 = tpu.memref_slice %arg4[%arg0, %add3A_173, %dma_wait3A_186] : memref<2x10240x128xf32, #tpu.memory_space<hbm>> -> memref<1x128x128xf32, #tpu.memory_space<hbm>>
      %dma_wait3A_188 = tpu.memref_squeeze %dma_wait3A_187 : memref<1x128x128xf32, #tpu.memory_space<hbm>> -> memref<128x128xf32, #tpu.memory_space<hbm>>
      %dma_wait3A_189 = arith.constant 0 : i32
      %dma_wait3A_190 = tpu.memref_slice %arg21[%add3A_173, %dma_wait3A_189] : memref<10240x128xf32, #tpu.memory_space<vmem_shared>> -> memref<128x128xf32, #tpu.memory_space<vmem_shared>>
      tpu.wait_dma2 semaphore(%run_scoped3A_180 : memref<!tpu.dma_semaphore, #tpu.memory_space<semaphore_mem>>) src(%dma_wait3A_190 : memref<128x128xf32, #tpu.memory_space<vmem_shared>>) dst(%dma_wait3A_188 : memref<128x128xf32, #tpu.memory_space<hbm>>)
      tpu.yield
    }) : () -> ()
    %add3A_174 = arith.constant 256 : i32
    %add3A_175 = arith.addi %mul3A_8, %add3A_174 : i32
    "tpu.region"() ({
      %run_scoped3A_180 = tpu.sem_alloc : memref<!tpu.dma_semaphore, #tpu.memory_space<semaphore_mem>>
      %dma_start3A_181 = arith.constant 0 : i32
      %dma_start3A_182 = tpu.memref_slice %arg4[%arg0, %add3A_175, %dma_start3A_181] : memref<2x10240x128xf32, #tpu.memory_space<hbm>> -> memref<1x128x128xf32, #tpu.memory_space<hbm>>
      %dma_start3A_183 = tpu.memref_squeeze %dma_start3A_182 : memref<1x128x128xf32, #tpu.memory_space<hbm>> -> memref<128x128xf32, #tpu.memory_space<hbm>>
      %dma_start3A_184 = arith.constant 0 : i32
      %dma_start3A_185 = tpu.memref_slice %arg21[%add3A_175, %dma_start3A_184] : memref<10240x128xf32, #tpu.memory_space<vmem_shared>> -> memref<128x128xf32, #tpu.memory_space<vmem_shared>>
      tpu.enqueue_dma source(%dma_start3A_185 : memref<128x128xf32, #tpu.memory_space<vmem_shared>>) target(%dma_start3A_183 : memref<128x128xf32, #tpu.memory_space<hbm>>) target_semaphore(%run_scoped3A_180 : memref<!tpu.dma_semaphore, #tpu.memory_space<semaphore_mem>>)
      %dma_wait3A_186 = arith.constant 0 : i32
      %dma_wait3A_187 = tpu.memref_slice %arg4[%arg0, %add3A_175, %dma_wait3A_186] : memref<2x10240x128xf32, #tpu.memory_space<hbm>> -> memref<1x128x128xf32, #tpu.memory_space<hbm>>
      %dma_wait3A_188 = tpu.memref_squeeze %dma_wait3A_187 : memref<1x128x128xf32, #tpu.memory_space<hbm>> -> memref<128x128xf32, #tpu.memory_space<hbm>>
      %dma_wait3A_189 = arith.constant 0 : i32
      %dma_wait3A_190 = tpu.memref_slice %arg21[%add3A_175, %dma_wait3A_189] : memref<10240x128xf32, #tpu.memory_space<vmem_shared>> -> memref<128x128xf32, #tpu.memory_space<vmem_shared>>
      tpu.wait_dma2 semaphore(%run_scoped3A_180 : memref<!tpu.dma_semaphore, #tpu.memory_space<semaphore_mem>>) src(%dma_wait3A_190 : memref<128x128xf32, #tpu.memory_space<vmem_shared>>) dst(%dma_wait3A_188 : memref<128x128xf32, #tpu.memory_space<hbm>>)
      tpu.yield
    }) : () -> ()
    %add3A_176 = arith.constant 384 : i32
    %add3A_177 = arith.addi %mul3A_8, %add3A_176 : i32
    "tpu.region"() ({
      %run_scoped3A_180 = tpu.sem_alloc : memref<!tpu.dma_semaphore, #tpu.memory_space<semaphore_mem>>
      %dma_start3A_181 = arith.constant 0 : i32
      %dma_start3A_182 = tpu.memref_slice %arg4[%arg0, %add3A_177, %dma_start3A_181] : memref<2x10240x128xf32, #tpu.memory_space<hbm>> -> memref<1x128x128xf32, #tpu.memory_space<hbm>>
      %dma_start3A_183 = tpu.memref_squeeze %dma_start3A_182 : memref<1x128x128xf32, #tpu.memory_space<hbm>> -> memref<128x128xf32, #tpu.memory_space<hbm>>
      %dma_start3A_184 = arith.constant 0 : i32
      %dma_start3A_185 = tpu.memref_slice %arg21[%add3A_177, %dma_start3A_184] : memref<10240x128xf32, #tpu.memory_space<vmem_shared>> -> memref<128x128xf32, #tpu.memory_space<vmem_shared>>
      tpu.enqueue_dma source(%dma_start3A_185 : memref<128x128xf32, #tpu.memory_space<vmem_shared>>) target(%dma_start3A_183 : memref<128x128xf32, #tpu.memory_space<hbm>>) target_semaphore(%run_scoped3A_180 : memref<!tpu.dma_semaphore, #tpu.memory_space<semaphore_mem>>)
      %dma_wait3A_186 = arith.constant 0 : i32
      %dma_wait3A_187 = tpu.memref_slice %arg4[%arg0, %add3A_177, %dma_wait3A_186] : memref<2x10240x128xf32, #tpu.memory_space<hbm>> -> memref<1x128x128xf32, #tpu.memory_space<hbm>>
      %dma_wait3A_188 = tpu.memref_squeeze %dma_wait3A_187 : memref<1x128x128xf32, #tpu.memory_space<hbm>> -> memref<128x128xf32, #tpu.memory_space<hbm>>
      %dma_wait3A_189 = arith.constant 0 : i32
      %dma_wait3A_190 = tpu.memref_slice %arg21[%add3A_177, %dma_wait3A_189] : memref<10240x128xf32, #tpu.memory_space<vmem_shared>> -> memref<128x128xf32, #tpu.memory_space<vmem_shared>>
      tpu.wait_dma2 semaphore(%run_scoped3A_180 : memref<!tpu.dma_semaphore, #tpu.memory_space<semaphore_mem>>) src(%dma_wait3A_190 : memref<128x128xf32, #tpu.memory_space<vmem_shared>>) dst(%dma_wait3A_188 : memref<128x128xf32, #tpu.memory_space<hbm>>)
      tpu.yield
    }) : () -> ()
    %add3A_178 = arith.constant 512 : i32
    %add3A_179 = arith.addi %mul3A_8, %add3A_178 : i32
    "tpu.region"() ({
      %run_scoped3A_180 = tpu.sem_alloc : memref<!tpu.dma_semaphore, #tpu.memory_space<semaphore_mem>>
      %dma_start3A_181 = arith.constant 0 : i32
      %dma_start3A_182 = tpu.memref_slice %arg4[%arg0, %add3A_179, %dma_start3A_181] : memref<2x10240x128xf32, #tpu.memory_space<hbm>> -> memref<1x128x128xf32, #tpu.memory_space<hbm>>
      %dma_start3A_183 = tpu.memref_squeeze %dma_start3A_182 : memref<1x128x128xf32, #tpu.memory_space<hbm>> -> memref<128x128xf32, #tpu.memory_space<hbm>>
      %dma_start3A_184 = arith.constant 0 : i32
      %dma_start3A_185 = tpu.memref_slice %arg21[%add3A_179, %dma_start3A_184] : memref<10240x128xf32, #tpu.memory_space<vmem_shared>> -> memref<128x128xf32, #tpu.memory_space<vmem_shared>>
      tpu.enqueue_dma source(%dma_start3A_185 : memref<128x128xf32, #tpu.memory_space<vmem_shared>>) target(%dma_start3A_183 : memref<128x128xf32, #tpu.memory_space<hbm>>) target_semaphore(%run_scoped3A_180 : memref<!tpu.dma_semaphore, #tpu.memory_space<semaphore_mem>>)
      %dma_wait3A_186 = arith.constant 0 : i32
      %dma_wait3A_187 = tpu.memref_slice %arg4[%arg0, %add3A_179, %dma_wait3A_186] : memref<2x10240x128xf32, #tpu.memory_space<hbm>> -> memref<1x128x128xf32, #tpu.memory_space<hbm>>
      %dma_wait3A_188 = tpu.memref_squeeze %dma_wait3A_187 : memref<1x128x128xf32, #tpu.memory_space<hbm>> -> memref<128x128xf32, #tpu.memory_space<hbm>>
      %dma_wait3A_189 = arith.constant 0 : i32
      %dma_wait3A_190 = tpu.memref_slice %arg21[%add3A_179, %dma_wait3A_189] : memref<10240x128xf32, #tpu.memory_space<vmem_shared>> -> memref<128x128xf32, #tpu.memory_space<vmem_shared>>
      tpu.wait_dma2 semaphore(%run_scoped3A_180 : memref<!tpu.dma_semaphore, #tpu.memory_space<semaphore_mem>>) src(%dma_wait3A_190 : memref<128x128xf32, #tpu.memory_space<vmem_shared>>) dst(%dma_wait3A_188 : memref<128x128xf32, #tpu.memory_space<hbm>>)
      tpu.yield
    }) : () -> ()
    return
  }
}

#map = affine_map<(d0, d1) -> (0, 0)>
#map1 = affine_map<(d0, d1) -> (0, 0, 0)>
module attributes {stable_mosaic.version = 14 : i64} {
  func.func @seg(%arg0: i32, %arg1: i32, %arg2: memref<10000x128xf32, #tpu.memory_space<hbm>>, %arg3: memref<32x209x48xi32, #tpu.memory_space<hbm>>, %arg4: memref<2x10240x128xf32, #tpu.memory_space<hbm>>, %arg5: memref<48xi32, #tpu.memory_space<vmem>>, %arg6: memref<48xi32, #tpu.memory_space<vmem>>, %arg7: memref<48xi32, #tpu.memory_space<vmem>>, %arg8: memref<48xi32, #tpu.memory_space<vmem>>, %arg9: memref<48xi32, #tpu.memory_space<vmem>>, %arg10: memref<48xi32, #tpu.memory_space<vmem>>, %arg11: memref<48xi32, #tpu.memory_space<vmem>>, %arg12: memref<48xi32, #tpu.memory_space<vmem>>, %arg13: memref<48xi32, #tpu.memory_space<vmem>>, %arg14: memref<48xi32, #tpu.memory_space<vmem>>, %arg15: memref<48xi32, #tpu.memory_space<vmem>>, %arg16: memref<48xi32, #tpu.memory_space<vmem>>, %arg17: memref<48x128xf32, #tpu.memory_space<vmem>>, %arg18: memref<48x128xf32, #tpu.memory_space<vmem>>, %arg19: memref<48x128xf32, #tpu.memory_space<vmem>>, %arg20: memref<48x128xf32, #tpu.memory_space<vmem>>, %arg21: memref<10240x128xf32, #tpu.memory_space<vmem_shared>>, %arg22: memref<!tpu.dma_semaphore, #tpu.memory_space<semaphore_mem>>, %arg23: memref<!tpu.dma_semaphore, #tpu.memory_space<semaphore_mem>>, %arg24: memref<!tpu.dma_semaphore, #tpu.memory_space<semaphore_mem>>, %arg25: memref<!tpu.dma_semaphore, #tpu.memory_space<semaphore_mem>>, %arg26: memref<!tpu.dma_semaphore, #tpu.memory_space<semaphore_mem>>, %arg27: memref<!tpu.dma_semaphore, #tpu.memory_space<semaphore_mem>>, %arg28: memref<!tpu.dma_semaphore, #tpu.memory_space<semaphore_mem>>, %arg29: memref<!tpu.dma_semaphore, #tpu.memory_space<semaphore_mem>>) attributes {dimension_semantics = [#tpu.dimension_semantics<core_parallel>, #tpu.dimension_semantics<subcore_parallel>], iteration_bounds = array<i64: 2, 16>, scalar_prefetch = 0 : i64, scratch_operands = 25 : i64, tpu.core_type = #tpu.core_type<sc_vector_subcore>, window_params = [{transform_indices = #map}, {transform_indices = #map1}, {transform_indices = #map1}]} {
    %mul3A = arith.constant 2 : i32
    %mul3A_0 = arith.muli %arg1, %mul3A : i32
    %add3A = arith.addi %mul3A_0, %arg0 : i32
    %broadcast_in_dim3A = arith.constant 0.000000e+00 : f32
    %broadcast_in_dim3A_1 = vector.broadcast %broadcast_in_dim3A : f32 to vector<16xf32>
    %scan3A = arith.constant 0 : i32
    %scan3A_2 = arith.constant 0 : i32
    %scan3A_3 = arith.constant 48 : i32
    %scan3A_4 = arith.addi %scan3A_2, %scan3A_3 : i32
    %scan3A_5 = arith.constant 1 : i32
    scf.for %scan3A_180 = %scan3A_2 to %scan3A_4 step %scan3A_5  : i32 {
      %swap3A_181 = arith.index_cast %scan3A_180 : i32 to index
      %swap3A_182 = arith.constant 0 : index
      %swap3A_183 = tpu.vector_load %arg17[%swap3A_181, %swap3A_182] {strides = array<i32>} : memref<48x128xf32, #tpu.memory_space<vmem>>, vector<1x16xf32>,
      %swap3A_184 = vector.shape_cast %swap3A_183 : vector<1x16xf32> to vector<16xf32>
      %swap3A_185 = vector.shape_cast %broadcast_in_dim3A_1 : vector<16xf32> to vector<1x16xf32>
      tpu.vector_store %arg17[%swap3A_181, %swap3A_182], %swap3A_185 {strides = array<i32>} : memref<48x128xf32, #tpu.memory_space<vmem>>, vector<1x16xf32>,
      %swap3A_186 = arith.index_cast %scan3A_180 : i32 to index
      %swap3A_187 = arith.constant 16 : index
      %swap3A_188 = tpu.vector_load %arg17[%swap3A_186, %swap3A_187] {strides = array<i32>} : memref<48x128xf32, #tpu.memory_space<vmem>>, vector<1x16xf32>,
      %swap3A_189 = vector.shape_cast %swap3A_188 : vector<1x16xf32> to vector<16xf32>
      %swap3A_190 = vector.shape_cast %broadcast_in_dim3A_1 : vector<16xf32> to vector<1x16xf32>
      tpu.vector_store %arg17[%swap3A_186, %swap3A_187], %swap3A_190 {strides = array<i32>} : memref<48x128xf32, #tpu.memory_space<vmem>>, vector<1x16xf32>,
      %swap3A_191 = arith.index_cast %scan3A_180 : i32 to index
      %swap3A_192 = arith.constant 32 : index
      %swap3A_193 = tpu.vector_load %arg17[%swap3A_191, %swap3A_192] {strides = array<i32>} : memref<48x128xf32, #tpu.memory_space<vmem>>, vector<1x16xf32>,
      %swap3A_194 = vector.shape_cast %swap3A_193 : vector<1x16xf32> to vector<16xf32>
      %swap3A_195 = vector.shape_cast %broadcast_in_dim3A_1 : vector<16xf32> to vector<1x16xf32>
      tpu.vector_store %arg17[%swap3A_191, %swap3A_192], %swap3A_195 {strides = array<i32>} : memref<48x128xf32, #tpu.memory_space<vmem>>, vector<1x16xf32>,
      %swap3A_196 = arith.index_cast %scan3A_180 : i32 to index
      %swap3A_197 = arith.constant 48 : index
      %swap3A_198 = tpu.vector_load %arg17[%swap3A_196, %swap3A_197] {strides = array<i32>} : memref<48x128xf32, #tpu.memory_space<vmem>>, vector<1x16xf32>,
      %swap3A_199 = vector.shape_cast %swap3A_198 : vector<1x16xf32> to vector<16xf32>
      %swap3A_200 = vector.shape_cast %broadcast_in_dim3A_1 : vector<16xf32> to vector<1x16xf32>
      tpu.vector_store %arg17[%swap3A_196, %swap3A_197], %swap3A_200 {strides = array<i32>} : memref<48x128xf32, #tpu.memory_space<vmem>>, vector<1x16xf32>,
      %swap3A_201 = arith.index_cast %scan3A_180 : i32 to index
      %swap3A_202 = arith.constant 64 : index
      %swap3A_203 = tpu.vector_load %arg17[%swap3A_201, %swap3A_202] {strides = array<i32>} : memref<48x128xf32, #tpu.memory_space<vmem>>, vector<1x16xf32>,
      %swap3A_204 = vector.shape_cast %swap3A_203 : vector<1x16xf32> to vector<16xf32>
      %swap3A_205 = vector.shape_cast %broadcast_in_dim3A_1 : vector<16xf32> to vector<1x16xf32>
      tpu.vector_store %arg17[%swap3A_201, %swap3A_202], %swap3A_205 {strides = array<i32>} : memref<48x128xf32, #tpu.memory_space<vmem>>, vector<1x16xf32>,
      %swap3A_206 = arith.index_cast %scan3A_180 : i32 to index
      %swap3A_207 = arith.constant 80 : index
      %swap3A_208 = tpu.vector_load %arg17[%swap3A_206, %swap3A_207] {strides = array<i32>} : memref<48x128xf32, #tpu.memory_space<vmem>>, vector<1x16xf32>,
      %swap3A_209 = vector.shape_cast %swap3A_208 : vector<1x16xf32> to vector<16xf32>
      %swap3A_210 = vector.shape_cast %broadcast_in_dim3A_1 : vector<16xf32> to vector<1x16xf32>
      tpu.vector_store %arg17[%swap3A_206, %swap3A_207], %swap3A_210 {strides = array<i32>} : memref<48x128xf32, #tpu.memory_space<vmem>>, vector<1x16xf32>,
      %swap3A_211 = arith.index_cast %scan3A_180 : i32 to index
      %swap3A_212 = arith.constant 96 : index
      %swap3A_213 = tpu.vector_load %arg17[%swap3A_211, %swap3A_212] {strides = array<i32>} : memref<48x128xf32, #tpu.memory_space<vmem>>, vector<1x16xf32>,
      %swap3A_214 = vector.shape_cast %swap3A_213 : vector<1x16xf32> to vector<16xf32>
      %swap3A_215 = vector.shape_cast %broadcast_in_dim3A_1 : vector<16xf32> to vector<1x16xf32>
      tpu.vector_store %arg17[%swap3A_211, %swap3A_212], %swap3A_215 {strides = array<i32>} : memref<48x128xf32, #tpu.memory_space<vmem>>, vector<1x16xf32>,
      %swap3A_216 = arith.index_cast %scan3A_180 : i32 to index
      %swap3A_217 = arith.constant 112 : index
      %swap3A_218 = tpu.vector_load %arg17[%swap3A_216, %swap3A_217] {strides = array<i32>} : memref<48x128xf32, #tpu.memory_space<vmem>>, vector<1x16xf32>,
      %swap3A_219 = vector.shape_cast %swap3A_218 : vector<1x16xf32> to vector<16xf32>
      %swap3A_220 = vector.shape_cast %broadcast_in_dim3A_1 : vector<16xf32> to vector<1x16xf32>
      tpu.vector_store %arg17[%swap3A_216, %swap3A_217], %swap3A_220 {strides = array<i32>} : memref<48x128xf32, #tpu.memory_space<vmem>>, vector<1x16xf32>,
    }
    %scan3A_6 = arith.constant 48 : i32
    %mul3A_7 = arith.constant 640 : i32
    %mul3A_8 = arith.muli %arg1, %mul3A_7 : i32
    %add3A_9 = arith.constant 0 : i32
    %add3A_10 = arith.addi %mul3A_8, %add3A_9 : i32
    "tpu.region"() ({
      %run_scoped3A_180 = tpu.sem_alloc : memref<!tpu.dma_semaphore, #tpu.memory_space<semaphore_mem>>
      %dma_start3A_181 = arith.constant 0 : i32
      %dma_start3A_182 = tpu.memref_slice %arg21[%add3A_10, %dma_start3A_181] : memref<10240x128xf32, #tpu.memory_space<vmem_shared>> -> memref<48x128xf32, #tpu.memory_space<vmem_shared>>
      %dma_start3A_183 = arith.constant 0 : i32
      %dma_start3A_184 = tpu.memref_slice %arg21[%add3A_10, %dma_start3A_183] : memref<10240x128xf32, #tpu.memory_space<vmem_shared>> -> memref<48x128xf32, #tpu.memory_space<vmem_shared>>
      tpu.enqueue_dma source(%arg17 : memref<48x128xf32, #tpu.memory_space<vmem>>) target(%dma_start3A_184 : memref<48x128xf32, #tpu.memory_space<vmem_shared>>) target_semaphore(%run_scoped3A_180 : memref<!tpu.dma_semaphore, #tpu.memory_space<semaphore_mem>>)
      %dma_wait3A_185 = arith.constant 0 : i32
      %dma_wait3A_186 = tpu.memref_slice %arg21[%add3A_10, %dma_wait3A_185] : memref<10240x128xf32, #tpu.memory_space<vmem_shared>> -> memref<48x128xf32, #tpu.memory_space<vmem_shared>>
      %dma_wait3A_187 = arith.constant 0 : i32
      %dma_wait3A_188 = tpu.memref_slice %arg21[%add3A_10, %dma_wait3A_187] : memref<10240x128xf32, #tpu.memory_space<vmem_shared>> -> memref<48x128xf32, #tpu.memory_space<vmem_shared>>
      tpu.wait_dma2 semaphore(%run_scoped3A_180 : memref<!tpu.dma_semaphore, #tpu.memory_space<semaphore_mem>>) src(%arg17 : memref<48x128xf32, #tpu.memory_space<vmem>>) dst(%dma_wait3A_188 : memref<48x128xf32, #tpu.memory_space<vmem_shared>>)
      tpu.yield
    }) : () -> ()
    %add3A_11 = arith.constant 48 : i32
    %add3A_12 = arith.addi %mul3A_8, %add3A_11 : i32
    "tpu.region"() ({
      %run_scoped3A_180 = tpu.sem_alloc : memref<!tpu.dma_semaphore, #tpu.memory_space<semaphore_mem>>
      %dma_start3A_181 = arith.constant 0 : i32
      %dma_start3A_182 = tpu.memref_slice %arg21[%add3A_12, %dma_start3A_181] : memref<10240x128xf32, #tpu.memory_space<vmem_shared>> -> memref<48x128xf32, #tpu.memory_space<vmem_shared>>
      %dma_start3A_183 = arith.constant 0 : i32
      %dma_start3A_184 = tpu.memref_slice %arg21[%add3A_12, %dma_start3A_183] : memref<10240x128xf32, #tpu.memory_space<vmem_shared>> -> memref<48x128xf32, #tpu.memory_space<vmem_shared>>
      tpu.enqueue_dma source(%arg17 : memref<48x128xf32, #tpu.memory_space<vmem>>) target(%dma_start3A_184 : memref<48x128xf32, #tpu.memory_space<vmem_shared>>) target_semaphore(%run_scoped3A_180 : memref<!tpu.dma_semaphore, #tpu.memory_space<semaphore_mem>>)
      %dma_wait3A_185 = arith.constant 0 : i32
      %dma_wait3A_186 = tpu.memref_slice %arg21[%add3A_12, %dma_wait3A_185] : memref<10240x128xf32, #tpu.memory_space<vmem_shared>> -> memref<48x128xf32, #tpu.memory_space<vmem_shared>>
      %dma_wait3A_187 = arith.constant 0 : i32
      %dma_wait3A_188 = tpu.memref_slice %arg21[%add3A_12, %dma_wait3A_187] : memref<10240x128xf32, #tpu.memory_space<vmem_shared>> -> memref<48x128xf32, #tpu.memory_space<vmem_shared>>
      tpu.wait_dma2 semaphore(%run_scoped3A_180 : memref<!tpu.dma_semaphore, #tpu.memory_space<semaphore_mem>>) src(%arg17 : memref<48x128xf32, #tpu.memory_space<vmem>>) dst(%dma_wait3A_188 : memref<48x128xf32, #tpu.memory_space<vmem_shared>>)
      tpu.yield
    }) : () -> ()
    %add3A_13 = arith.constant 96 : i32
    %add3A_14 = arith.addi %mul3A_8, %add3A_13 : i32
    "tpu.region"() ({
      %run_scoped3A_180 = tpu.sem_alloc : memref<!tpu.dma_semaphore, #tpu.memory_space<semaphore_mem>>
      %dma_start3A_181 = arith.constant 0 : i32
      %dma_start3A_182 = tpu.memref_slice %arg21[%add3A_14, %dma_start3A_181] : memref<10240x128xf32, #tpu.memory_space<vmem_shared>> -> memref<48x128xf32, #tpu.memory_space<vmem_shared>>
      %dma_start3A_183 = arith.constant 0 : i32
      %dma_start3A_184 = tpu.memref_slice %arg21[%add3A_14, %dma_start3A_183] : memref<10240x128xf32, #tpu.memory_space<vmem_shared>> -> memref<48x128xf32, #tpu.memory_space<vmem_shared>>
      tpu.enqueue_dma source(%arg17 : memref<48x128xf32, #tpu.memory_space<vmem>>) target(%dma_start3A_184 : memref<48x128xf32, #tpu.memory_space<vmem_shared>>) target_semaphore(%run_scoped3A_180 : memref<!tpu.dma_semaphore, #tpu.memory_space<semaphore_mem>>)
      %dma_wait3A_185 = arith.constant 0 : i32
      %dma_wait3A_186 = tpu.memref_slice %arg21[%add3A_14, %dma_wait3A_185] : memref<10240x128xf32, #tpu.memory_space<vmem_shared>> -> memref<48x128xf32, #tpu.memory_space<vmem_shared>>
      %dma_wait3A_187 = arith.constant 0 : i32
      %dma_wait3A_188 = tpu.memref_slice %arg21[%add3A_14, %dma_wait3A_187] : memref<10240x128xf32, #tpu.memory_space<vmem_shared>> -> memref<48x128xf32, #tpu.memory_space<vmem_shared>>
      tpu.wait_dma2 semaphore(%run_scoped3A_180 : memref<!tpu.dma_semaphore, #tpu.memory_space<semaphore_mem>>) src(%arg17 : memref<48x128xf32, #tpu.memory_space<vmem>>) dst(%dma_wait3A_188 : memref<48x128xf32, #tpu.memory_space<vmem_shared>>)
      tpu.yield
    }) : () -> ()
    %add3A_15 = arith.constant 144 : i32
    %add3A_16 = arith.addi %mul3A_8, %add3A_15 : i32
    "tpu.region"() ({
      %run_scoped3A_180 = tpu.sem_alloc : memref<!tpu.dma_semaphore, #tpu.memory_space<semaphore_mem>>
      %dma_start3A_181 = arith.constant 0 : i32
      %dma_start3A_182 = tpu.memref_slice %arg21[%add3A_16, %dma_start3A_181] : memref<10240x128xf32, #tpu.memory_space<vmem_shared>> -> memref<48x128xf32, #tpu.memory_space<vmem_shared>>
      %dma_start3A_183 = arith.constant 0 : i32
      %dma_start3A_184 = tpu.memref_slice %arg21[%add3A_16, %dma_start3A_183] : memref<10240x128xf32, #tpu.memory_space<vmem_shared>> -> memref<48x128xf32, #tpu.memory_space<vmem_shared>>
      tpu.enqueue_dma source(%arg17 : memref<48x128xf32, #tpu.memory_space<vmem>>) target(%dma_start3A_184 : memref<48x128xf32, #tpu.memory_space<vmem_shared>>) target_semaphore(%run_scoped3A_180 : memref<!tpu.dma_semaphore, #tpu.memory_space<semaphore_mem>>)
      %dma_wait3A_185 = arith.constant 0 : i32
      %dma_wait3A_186 = tpu.memref_slice %arg21[%add3A_16, %dma_wait3A_185] : memref<10240x128xf32, #tpu.memory_space<vmem_shared>> -> memref<48x128xf32, #tpu.memory_space<vmem_shared>>
      %dma_wait3A_187 = arith.constant 0 : i32
      %dma_wait3A_188 = tpu.memref_slice %arg21[%add3A_16, %dma_wait3A_187] : memref<10240x128xf32, #tpu.memory_space<vmem_shared>> -> memref<48x128xf32, #tpu.memory_space<vmem_shared>>
      tpu.wait_dma2 semaphore(%run_scoped3A_180 : memref<!tpu.dma_semaphore, #tpu.memory_space<semaphore_mem>>) src(%arg17 : memref<48x128xf32, #tpu.memory_space<vmem>>) dst(%dma_wait3A_188 : memref<48x128xf32, #tpu.memory_space<vmem_shared>>)
      tpu.yield
    }) : () -> ()
    %add3A_17 = arith.constant 192 : i32
    %add3A_18 = arith.addi %mul3A_8, %add3A_17 : i32
    "tpu.region"() ({
      %run_scoped3A_180 = tpu.sem_alloc : memref<!tpu.dma_semaphore, #tpu.memory_space<semaphore_mem>>
      %dma_start3A_181 = arith.constant 0 : i32
      %dma_start3A_182 = tpu.memref_slice %arg21[%add3A_18, %dma_start3A_181] : memref<10240x128xf32, #tpu.memory_space<vmem_shared>> -> memref<48x128xf32, #tpu.memory_space<vmem_shared>>
      %dma_start3A_183 = arith.constant 0 : i32
      %dma_start3A_184 = tpu.memref_slice %arg21[%add3A_18, %dma_start3A_183] : memref<10240x128xf32, #tpu.memory_space<vmem_shared>> -> memref<48x128xf32, #tpu.memory_space<vmem_shared>>
      tpu.enqueue_dma source(%arg17 : memref<48x128xf32, #tpu.memory_space<vmem>>) target(%dma_start3A_184 : memref<48x128xf32, #tpu.memory_space<vmem_shared>>) target_semaphore(%run_scoped3A_180 : memref<!tpu.dma_semaphore, #tpu.memory_space<semaphore_mem>>)
      %dma_wait3A_185 = arith.constant 0 : i32
      %dma_wait3A_186 = tpu.memref_slice %arg21[%add3A_18, %dma_wait3A_185] : memref<10240x128xf32, #tpu.memory_space<vmem_shared>> -> memref<48x128xf32, #tpu.memory_space<vmem_shared>>
      %dma_wait3A_187 = arith.constant 0 : i32
      %dma_wait3A_188 = tpu.memref_slice %arg21[%add3A_18, %dma_wait3A_187] : memref<10240x128xf32, #tpu.memory_space<vmem_shared>> -> memref<48x128xf32, #tpu.memory_space<vmem_shared>>
      tpu.wait_dma2 semaphore(%run_scoped3A_180 : memref<!tpu.dma_semaphore, #tpu.memory_space<semaphore_mem>>) src(%arg17 : memref<48x128xf32, #tpu.memory_space<vmem>>) dst(%dma_wait3A_188 : memref<48x128xf32, #tpu.memory_space<vmem_shared>>)
      tpu.yield
    }) : () -> ()
    %add3A_19 = arith.constant 240 : i32
    %add3A_20 = arith.addi %mul3A_8, %add3A_19 : i32
    "tpu.region"() ({
      %run_scoped3A_180 = tpu.sem_alloc : memref<!tpu.dma_semaphore, #tpu.memory_space<semaphore_mem>>
      %dma_start3A_181 = arith.constant 0 : i32
      %dma_start3A_182 = tpu.memref_slice %arg21[%add3A_20, %dma_start3A_181] : memref<10240x128xf32, #tpu.memory_space<vmem_shared>> -> memref<48x128xf32, #tpu.memory_space<vmem_shared>>
      %dma_start3A_183 = arith.constant 0 : i32
      %dma_start3A_184 = tpu.memref_slice %arg21[%add3A_20, %dma_start3A_183] : memref<10240x128xf32, #tpu.memory_space<vmem_shared>> -> memref<48x128xf32, #tpu.memory_space<vmem_shared>>
      tpu.enqueue_dma source(%arg17 : memref<48x128xf32, #tpu.memory_space<vmem>>) target(%dma_start3A_184 : memref<48x128xf32, #tpu.memory_space<vmem_shared>>) target_semaphore(%run_scoped3A_180 : memref<!tpu.dma_semaphore, #tpu.memory_space<semaphore_mem>>)
      %dma_wait3A_185 = arith.constant 0 : i32
      %dma_wait3A_186 = tpu.memref_slice %arg21[%add3A_20, %dma_wait3A_185] : memref<10240x128xf32, #tpu.memory_space<vmem_shared>> -> memref<48x128xf32, #tpu.memory_space<vmem_shared>>
      %dma_wait3A_187 = arith.constant 0 : i32
      %dma_wait3A_188 = tpu.memref_slice %arg21[%add3A_20, %dma_wait3A_187] : memref<10240x128xf32, #tpu.memory_space<vmem_shared>> -> memref<48x128xf32, #tpu.memory_space<vmem_shared>>
      tpu.wait_dma2 semaphore(%run_scoped3A_180 : memref<!tpu.dma_semaphore, #tpu.memory_space<semaphore_mem>>) src(%arg17 : memref<48x128xf32, #tpu.memory_space<vmem>>) dst(%dma_wait3A_188 : memref<48x128xf32, #tpu.memory_space<vmem_shared>>)
      tpu.yield
    }) : () -> ()
    %add3A_21 = arith.constant 288 : i32
    %add3A_22 = arith.addi %mul3A_8, %add3A_21 : i32
    "tpu.region"() ({
      %run_scoped3A_180 = tpu.sem_alloc : memref<!tpu.dma_semaphore, #tpu.memory_space<semaphore_mem>>
      %dma_start3A_181 = arith.constant 0 : i32
      %dma_start3A_182 = tpu.memref_slice %arg21[%add3A_22, %dma_start3A_181] : memref<10240x128xf32, #tpu.memory_space<vmem_shared>> -> memref<48x128xf32, #tpu.memory_space<vmem_shared>>
      %dma_start3A_183 = arith.constant 0 : i32
      %dma_start3A_184 = tpu.memref_slice %arg21[%add3A_22, %dma_start3A_183] : memref<10240x128xf32, #tpu.memory_space<vmem_shared>> -> memref<48x128xf32, #tpu.memory_space<vmem_shared>>
      tpu.enqueue_dma source(%arg17 : memref<48x128xf32, #tpu.memory_space<vmem>>) target(%dma_start3A_184 : memref<48x128xf32, #tpu.memory_space<vmem_shared>>) target_semaphore(%run_scoped3A_180 : memref<!tpu.dma_semaphore, #tpu.memory_space<semaphore_mem>>)
      %dma_wait3A_185 = arith.constant 0 : i32
      %dma_wait3A_186 = tpu.memref_slice %arg21[%add3A_22, %dma_wait3A_185] : memref<10240x128xf32, #tpu.memory_space<vmem_shared>> -> memref<48x128xf32, #tpu.memory_space<vmem_shared>>
      %dma_wait3A_187 = arith.constant 0 : i32
      %dma_wait3A_188 = tpu.memref_slice %arg21[%add3A_22, %dma_wait3A_187] : memref<10240x128xf32, #tpu.memory_space<vmem_shared>> -> memref<48x128xf32, #tpu.memory_space<vmem_shared>>
      tpu.wait_dma2 semaphore(%run_scoped3A_180 : memref<!tpu.dma_semaphore, #tpu.memory_space<semaphore_mem>>) src(%arg17 : memref<48x128xf32, #tpu.memory_space<vmem>>) dst(%dma_wait3A_188 : memref<48x128xf32, #tpu.memory_space<vmem_shared>>)
      tpu.yield
    }) : () -> ()
    %add3A_23 = arith.constant 336 : i32
    %add3A_24 = arith.addi %mul3A_8, %add3A_23 : i32
    "tpu.region"() ({
      %run_scoped3A_180 = tpu.sem_alloc : memref<!tpu.dma_semaphore, #tpu.memory_space<semaphore_mem>>
      %dma_start3A_181 = arith.constant 0 : i32
      %dma_start3A_182 = tpu.memref_slice %arg21[%add3A_24, %dma_start3A_181] : memref<10240x128xf32, #tpu.memory_space<vmem_shared>> -> memref<48x128xf32, #tpu.memory_space<vmem_shared>>
      %dma_start3A_183 = arith.constant 0 : i32
      %dma_start3A_184 = tpu.memref_slice %arg21[%add3A_24, %dma_start3A_183] : memref<10240x128xf32, #tpu.memory_space<vmem_shared>> -> memref<48x128xf32, #tpu.memory_space<vmem_shared>>
      tpu.enqueue_dma source(%arg17 : memref<48x128xf32, #tpu.memory_space<vmem>>) target(%dma_start3A_184 : memref<48x128xf32, #tpu.memory_space<vmem_shared>>) target_semaphore(%run_scoped3A_180 : memref<!tpu.dma_semaphore, #tpu.memory_space<semaphore_mem>>)
      %dma_wait3A_185 = arith.constant 0 : i32
      %dma_wait3A_186 = tpu.memref_slice %arg21[%add3A_24, %dma_wait3A_185] : memref<10240x128xf32, #tpu.memory_space<vmem_shared>> -> memref<48x128xf32, #tpu.memory_space<vmem_shared>>
      %dma_wait3A_187 = arith.constant 0 : i32
      %dma_wait3A_188 = tpu.memref_slice %arg21[%add3A_24, %dma_wait3A_187] : memref<10240x128xf32, #tpu.memory_space<vmem_shared>> -> memref<48x128xf32, #tpu.memory_space<vmem_shared>>
      tpu.wait_dma2 semaphore(%run_scoped3A_180 : memref<!tpu.dma_semaphore, #tpu.memory_space<semaphore_mem>>) src(%arg17 : memref<48x128xf32, #tpu.memory_space<vmem>>) dst(%dma_wait3A_188 : memref<48x128xf32, #tpu.memory_space<vmem_shared>>)
      tpu.yield
    }) : () -> ()
    %add3A_25 = arith.constant 384 : i32
    %add3A_26 = arith.addi %mul3A_8, %add3A_25 : i32
    "tpu.region"() ({
      %run_scoped3A_180 = tpu.sem_alloc : memref<!tpu.dma_semaphore, #tpu.memory_space<semaphore_mem>>
      %dma_start3A_181 = arith.constant 0 : i32
      %dma_start3A_182 = tpu.memref_slice %arg21[%add3A_26, %dma_start3A_181] : memref<10240x128xf32, #tpu.memory_space<vmem_shared>> -> memref<48x128xf32, #tpu.memory_space<vmem_shared>>
      %dma_start3A_183 = arith.constant 0 : i32
      %dma_start3A_184 = tpu.memref_slice %arg21[%add3A_26, %dma_start3A_183] : memref<10240x128xf32, #tpu.memory_space<vmem_shared>> -> memref<48x128xf32, #tpu.memory_space<vmem_shared>>
      tpu.enqueue_dma source(%arg17 : memref<48x128xf32, #tpu.memory_space<vmem>>) target(%dma_start3A_184 : memref<48x128xf32, #tpu.memory_space<vmem_shared>>) target_semaphore(%run_scoped3A_180 : memref<!tpu.dma_semaphore, #tpu.memory_space<semaphore_mem>>)
      %dma_wait3A_185 = arith.constant 0 : i32
      %dma_wait3A_186 = tpu.memref_slice %arg21[%add3A_26, %dma_wait3A_185] : memref<10240x128xf32, #tpu.memory_space<vmem_shared>> -> memref<48x128xf32, #tpu.memory_space<vmem_shared>>
      %dma_wait3A_187 = arith.constant 0 : i32
      %dma_wait3A_188 = tpu.memref_slice %arg21[%add3A_26, %dma_wait3A_187] : memref<10240x128xf32, #tpu.memory_space<vmem_shared>> -> memref<48x128xf32, #tpu.memory_space<vmem_shared>>
      tpu.wait_dma2 semaphore(%run_scoped3A_180 : memref<!tpu.dma_semaphore, #tpu.memory_space<semaphore_mem>>) src(%arg17 : memref<48x128xf32, #tpu.memory_space<vmem>>) dst(%dma_wait3A_188 : memref<48x128xf32, #tpu.memory_space<vmem_shared>>)
      tpu.yield
    }) : () -> ()
    %add3A_27 = arith.constant 432 : i32
    %add3A_28 = arith.addi %mul3A_8, %add3A_27 : i32
    "tpu.region"() ({
      %run_scoped3A_180 = tpu.sem_alloc : memref<!tpu.dma_semaphore, #tpu.memory_space<semaphore_mem>>
      %dma_start3A_181 = arith.constant 0 : i32
      %dma_start3A_182 = tpu.memref_slice %arg21[%add3A_28, %dma_start3A_181] : memref<10240x128xf32, #tpu.memory_space<vmem_shared>> -> memref<48x128xf32, #tpu.memory_space<vmem_shared>>
      %dma_start3A_183 = arith.constant 0 : i32
      %dma_start3A_184 = tpu.memref_slice %arg21[%add3A_28, %dma_start3A_183] : memref<10240x128xf32, #tpu.memory_space<vmem_shared>> -> memref<48x128xf32, #tpu.memory_space<vmem_shared>>
      tpu.enqueue_dma source(%arg17 : memref<48x128xf32, #tpu.memory_space<vmem>>) target(%dma_start3A_184 : memref<48x128xf32, #tpu.memory_space<vmem_shared>>) target_semaphore(%run_scoped3A_180 : memref<!tpu.dma_semaphore, #tpu.memory_space<semaphore_mem>>)
      %dma_wait3A_185 = arith.constant 0 : i32
      %dma_wait3A_186 = tpu.memref_slice %arg21[%add3A_28, %dma_wait3A_185] : memref<10240x128xf32, #tpu.memory_space<vmem_shared>> -> memref<48x128xf32, #tpu.memory_space<vmem_shared>>
      %dma_wait3A_187 = arith.constant 0 : i32
      %dma_wait3A_188 = tpu.memref_slice %arg21[%add3A_28, %dma_wait3A_187] : memref<10240x128xf32, #tpu.memory_space<vmem_shared>> -> memref<48x128xf32, #tpu.memory_space<vmem_shared>>
      tpu.wait_dma2 semaphore(%run_scoped3A_180 : memref<!tpu.dma_semaphore, #tpu.memory_space<semaphore_mem>>) src(%arg17 : memref<48x128xf32, #tpu.memory_space<vmem>>) dst(%dma_wait3A_188 : memref<48x128xf32, #tpu.memory_space<vmem_shared>>)
      tpu.yield
    }) : () -> ()
    %add3A_29 = arith.constant 480 : i32
    %add3A_30 = arith.addi %mul3A_8, %add3A_29 : i32
    "tpu.region"() ({
      %run_scoped3A_180 = tpu.sem_alloc : memref<!tpu.dma_semaphore, #tpu.memory_space<semaphore_mem>>
      %dma_start3A_181 = arith.constant 0 : i32
      %dma_start3A_182 = tpu.memref_slice %arg21[%add3A_30, %dma_start3A_181] : memref<10240x128xf32, #tpu.memory_space<vmem_shared>> -> memref<48x128xf32, #tpu.memory_space<vmem_shared>>
      %dma_start3A_183 = arith.constant 0 : i32
      %dma_start3A_184 = tpu.memref_slice %arg21[%add3A_30, %dma_start3A_183] : memref<10240x128xf32, #tpu.memory_space<vmem_shared>> -> memref<48x128xf32, #tpu.memory_space<vmem_shared>>
      tpu.enqueue_dma source(%arg17 : memref<48x128xf32, #tpu.memory_space<vmem>>) target(%dma_start3A_184 : memref<48x128xf32, #tpu.memory_space<vmem_shared>>) target_semaphore(%run_scoped3A_180 : memref<!tpu.dma_semaphore, #tpu.memory_space<semaphore_mem>>)
      %dma_wait3A_185 = arith.constant 0 : i32
      %dma_wait3A_186 = tpu.memref_slice %arg21[%add3A_30, %dma_wait3A_185] : memref<10240x128xf32, #tpu.memory_space<vmem_shared>> -> memref<48x128xf32, #tpu.memory_space<vmem_shared>>
      %dma_wait3A_187 = arith.constant 0 : i32
      %dma_wait3A_188 = tpu.memref_slice %arg21[%add3A_30, %dma_wait3A_187] : memref<10240x128xf32, #tpu.memory_space<vmem_shared>> -> memref<48x128xf32, #tpu.memory_space<vmem_shared>>
      tpu.wait_dma2 semaphore(%run_scoped3A_180 : memref<!tpu.dma_semaphore, #tpu.memory_space<semaphore_mem>>) src(%arg17 : memref<48x128xf32, #tpu.memory_space<vmem>>) dst(%dma_wait3A_188 : memref<48x128xf32, #tpu.memory_space<vmem_shared>>)
      tpu.yield
    }) : () -> ()
    %add3A_31 = arith.constant 528 : i32
    %add3A_32 = arith.addi %mul3A_8, %add3A_31 : i32
    "tpu.region"() ({
      %run_scoped3A_180 = tpu.sem_alloc : memref<!tpu.dma_semaphore, #tpu.memory_space<semaphore_mem>>
      %dma_start3A_181 = arith.constant 0 : i32
      %dma_start3A_182 = tpu.memref_slice %arg21[%add3A_32, %dma_start3A_181] : memref<10240x128xf32, #tpu.memory_space<vmem_shared>> -> memref<48x128xf32, #tpu.memory_space<vmem_shared>>
      %dma_start3A_183 = arith.constant 0 : i32
      %dma_start3A_184 = tpu.memref_slice %arg21[%add3A_32, %dma_start3A_183] : memref<10240x128xf32, #tpu.memory_space<vmem_shared>> -> memref<48x128xf32, #tpu.memory_space<vmem_shared>>
      tpu.enqueue_dma source(%arg17 : memref<48x128xf32, #tpu.memory_space<vmem>>) target(%dma_start3A_184 : memref<48x128xf32, #tpu.memory_space<vmem_shared>>) target_semaphore(%run_scoped3A_180 : memref<!tpu.dma_semaphore, #tpu.memory_space<semaphore_mem>>)
      %dma_wait3A_185 = arith.constant 0 : i32
      %dma_wait3A_186 = tpu.memref_slice %arg21[%add3A_32, %dma_wait3A_185] : memref<10240x128xf32, #tpu.memory_space<vmem_shared>> -> memref<48x128xf32, #tpu.memory_space<vmem_shared>>
      %dma_wait3A_187 = arith.constant 0 : i32
      %dma_wait3A_188 = tpu.memref_slice %arg21[%add3A_32, %dma_wait3A_187] : memref<10240x128xf32, #tpu.memory_space<vmem_shared>> -> memref<48x128xf32, #tpu.memory_space<vmem_shared>>
      tpu.wait_dma2 semaphore(%run_scoped3A_180 : memref<!tpu.dma_semaphore, #tpu.memory_space<semaphore_mem>>) src(%arg17 : memref<48x128xf32, #tpu.memory_space<vmem>>) dst(%dma_wait3A_188 : memref<48x128xf32, #tpu.memory_space<vmem_shared>>)
      tpu.yield
    }) : () -> ()
    %add3A_33 = arith.constant 576 : i32
    %add3A_34 = arith.addi %mul3A_8, %add3A_33 : i32
    "tpu.region"() ({
      %run_scoped3A_180 = tpu.sem_alloc : memref<!tpu.dma_semaphore, #tpu.memory_space<semaphore_mem>>
      %dma_start3A_181 = arith.constant 0 : i32
      %dma_start3A_182 = tpu.memref_slice %arg21[%add3A_34, %dma_start3A_181] : memref<10240x128xf32, #tpu.memory_space<vmem_shared>> -> memref<48x128xf32, #tpu.memory_space<vmem_shared>>
      %dma_start3A_183 = arith.constant 0 : i32
      %dma_start3A_184 = tpu.memref_slice %arg21[%add3A_34, %dma_start3A_183] : memref<10240x128xf32, #tpu.memory_space<vmem_shared>> -> memref<48x128xf32, #tpu.memory_space<vmem_shared>>
      tpu.enqueue_dma source(%arg17 : memref<48x128xf32, #tpu.memory_space<vmem>>) target(%dma_start3A_184 : memref<48x128xf32, #tpu.memory_space<vmem_shared>>) target_semaphore(%run_scoped3A_180 : memref<!tpu.dma_semaphore, #tpu.memory_space<semaphore_mem>>)
      %dma_wait3A_185 = arith.constant 0 : i32
      %dma_wait3A_186 = tpu.memref_slice %arg21[%add3A_34, %dma_wait3A_185] : memref<10240x128xf32, #tpu.memory_space<vmem_shared>> -> memref<48x128xf32, #tpu.memory_space<vmem_shared>>
      %dma_wait3A_187 = arith.constant 0 : i32
      %dma_wait3A_188 = tpu.memref_slice %arg21[%add3A_34, %dma_wait3A_187] : memref<10240x128xf32, #tpu.memory_space<vmem_shared>> -> memref<48x128xf32, #tpu.memory_space<vmem_shared>>
      tpu.wait_dma2 semaphore(%run_scoped3A_180 : memref<!tpu.dma_semaphore, #tpu.memory_space<semaphore_mem>>) src(%arg17 : memref<48x128xf32, #tpu.memory_space<vmem>>) dst(%dma_wait3A_188 : memref<48x128xf32, #tpu.memory_space<vmem_shared>>)
      tpu.yield
    }) : () -> ()
    %add3A_35 = arith.constant 624 : i32
    %add3A_36 = arith.addi %mul3A_8, %add3A_35 : i32
    "tpu.region"() ({
      %run_scoped3A_180 = tpu.sem_alloc : memref<!tpu.dma_semaphore, #tpu.memory_space<semaphore_mem>>
      %dma_start3A_181 = arith.constant 0 : i32
      %dma_start3A_182 = arith.constant 0 : i32
      %dma_start3A_183 = tpu.memref_slice %arg17[%dma_start3A_181, %dma_start3A_182] : memref<48x128xf32, #tpu.memory_space<vmem>> -> memref<16x128xf32, #tpu.memory_space<vmem>>
      %dma_start3A_184 = arith.constant 0 : i32
      %dma_start3A_185 = tpu.memref_slice %arg21[%add3A_36, %dma_start3A_184] : memref<10240x128xf32, #tpu.memory_space<vmem_shared>> -> memref<16x128xf32, #tpu.memory_space<vmem_shared>>
      %dma_start3A_186 = arith.constant 0 : i32
      %dma_start3A_187 = tpu.memref_slice %arg21[%add3A_36, %dma_start3A_186] : memref<10240x128xf32, #tpu.memory_space<vmem_shared>> -> memref<16x128xf32, #tpu.memory_space<vmem_shared>>
      %dma_start3A_188 = arith.constant 0 : i32
      %dma_start3A_189 = arith.constant 0 : i32
      %dma_start3A_190 = tpu.memref_slice %arg17[%dma_start3A_188, %dma_start3A_189] : memref<48x128xf32, #tpu.memory_space<vmem>> -> memref<16x128xf32, #tpu.memory_space<vmem>>
      tpu.enqueue_dma source(%dma_start3A_190 : memref<16x128xf32, #tpu.memory_space<vmem>>) target(%dma_start3A_187 : memref<16x128xf32, #tpu.memory_space<vmem_shared>>) target_semaphore(%run_scoped3A_180 : memref<!tpu.dma_semaphore, #tpu.memory_space<semaphore_mem>>)
      %dma_wait3A_191 = arith.constant 0 : i32
      %dma_wait3A_192 = arith.constant 0 : i32
      %dma_wait3A_193 = tpu.memref_slice %arg17[%dma_wait3A_191, %dma_wait3A_192] : memref<48x128xf32, #tpu.memory_space<vmem>> -> memref<16x128xf32, #tpu.memory_space<vmem>>
      %dma_wait3A_194 = arith.constant 0 : i32
      %dma_wait3A_195 = tpu.memref_slice %arg21[%add3A_36, %dma_wait3A_194] : memref<10240x128xf32, #tpu.memory_space<vmem_shared>> -> memref<16x128xf32, #tpu.memory_space<vmem_shared>>
      %dma_wait3A_196 = arith.constant 0 : i32
      %dma_wait3A_197 = tpu.memref_slice %arg21[%add3A_36, %dma_wait3A_196] : memref<10240x128xf32, #tpu.memory_space<vmem_shared>> -> memref<16x128xf32, #tpu.memory_space<vmem_shared>>
      %dma_wait3A_198 = arith.constant 0 : i32
      %dma_wait3A_199 = arith.constant 0 : i32
      %dma_wait3A_200 = tpu.memref_slice %arg17[%dma_wait3A_198, %dma_wait3A_199] : memref<48x128xf32, #tpu.memory_space<vmem>> -> memref<16x128xf32, #tpu.memory_space<vmem>>
      tpu.wait_dma2 semaphore(%run_scoped3A_180 : memref<!tpu.dma_semaphore, #tpu.memory_space<semaphore_mem>>) src(%dma_wait3A_200 : memref<16x128xf32, #tpu.memory_space<vmem>>) dst(%dma_wait3A_197 : memref<16x128xf32, #tpu.memory_space<vmem_shared>>)
      tpu.yield
    }) : () -> ()
    %run_scoped3A = arith.constant 0 : i32
    "tpu.region"() ({
      %run_scoped3A_180 = tpu.sem_alloc : memref<!tpu.dma_semaphore, #tpu.memory_space<semaphore_mem>>
      %dma_start3A_181 = arith.constant 0 : i32
      %dma_start3A_182 = tpu.memref_slice %arg3[%add3A, %run_scoped3A, %dma_start3A_181] : memref<32x209x48xi32, #tpu.memory_space<hbm>> -> memref<1x1x48xi32, #tpu.memory_space<hbm>>
      %dma_start3A_183 = tpu.memref_squeeze %dma_start3A_182 : memref<1x1x48xi32, #tpu.memory_space<hbm>> -> memref<48xi32, #tpu.memory_space<hbm>>
      %dma_start3A_184 = arith.constant 0 : i32
      %dma_start3A_185 = tpu.memref_slice %arg3[%add3A, %run_scoped3A, %dma_start3A_184] : memref<32x209x48xi32, #tpu.memory_space<hbm>> -> memref<1x1x48xi32, #tpu.memory_space<hbm>>
      %dma_start3A_186 = tpu.memref_squeeze %dma_start3A_185 : memref<1x1x48xi32, #tpu.memory_space<hbm>> -> memref<48xi32, #tpu.memory_space<hbm>>
      tpu.enqueue_dma source(%dma_start3A_186 : memref<48xi32, #tpu.memory_space<hbm>>) target(%arg5 : memref<48xi32, #tpu.memory_space<vmem>>) target_semaphore(%run_scoped3A_180 : memref<!tpu.dma_semaphore, #tpu.memory_space<semaphore_mem>>)
      %dma_wait3A_187 = arith.constant 0 : i32
      %dma_wait3A_188 = tpu.memref_slice %arg3[%add3A, %run_scoped3A, %dma_wait3A_187] : memref<32x209x48xi32, #tpu.memory_space<hbm>> -> memref<1x1x48xi32, #tpu.memory_space<hbm>>
      %dma_wait3A_189 = tpu.memref_squeeze %dma_wait3A_188 : memref<1x1x48xi32, #tpu.memory_space<hbm>> -> memref<48xi32, #tpu.memory_space<hbm>>
      %dma_wait3A_190 = arith.constant 0 : i32
      %dma_wait3A_191 = tpu.memref_slice %arg3[%add3A, %run_scoped3A, %dma_wait3A_190] : memref<32x209x48xi32, #tpu.memory_space<hbm>> -> memref<1x1x48xi32, #tpu.memory_space<hbm>>
      %dma_wait3A_192 = tpu.memref_squeeze %dma_wait3A_191 : memref<1x1x48xi32, #tpu.memory_space<hbm>> -> memref<48xi32, #tpu.memory_space<hbm>>
      tpu.wait_dma2 semaphore(%run_scoped3A_180 : memref<!tpu.dma_semaphore, #tpu.memory_space<semaphore_mem>>) src(%dma_wait3A_192 : memref<48xi32, #tpu.memory_space<hbm>>) dst(%arg5 : memref<48xi32, #tpu.memory_space<vmem>>)
      tpu.yield
    }) : () -> ()
    %run_scoped3A_37 = arith.constant 1 : i32
    "tpu.region"() ({
      %run_scoped3A_180 = tpu.sem_alloc : memref<!tpu.dma_semaphore, #tpu.memory_space<semaphore_mem>>
      %dma_start3A_181 = arith.constant 0 : i32
      %dma_start3A_182 = tpu.memref_slice %arg3[%add3A, %run_scoped3A_37, %dma_start3A_181] : memref<32x209x48xi32, #tpu.memory_space<hbm>> -> memref<1x1x48xi32, #tpu.memory_space<hbm>>
      %dma_start3A_183 = tpu.memref_squeeze %dma_start3A_182 : memref<1x1x48xi32, #tpu.memory_space<hbm>> -> memref<48xi32, #tpu.memory_space<hbm>>
      %dma_start3A_184 = arith.constant 0 : i32
      %dma_start3A_185 = tpu.memref_slice %arg3[%add3A, %run_scoped3A_37, %dma_start3A_184] : memref<32x209x48xi32, #tpu.memory_space<hbm>> -> memref<1x1x48xi32, #tpu.memory_space<hbm>>
      %dma_start3A_186 = tpu.memref_squeeze %dma_start3A_185 : memref<1x1x48xi32, #tpu.memory_space<hbm>> -> memref<48xi32, #tpu.memory_space<hbm>>
      tpu.enqueue_dma source(%dma_start3A_186 : memref<48xi32, #tpu.memory_space<hbm>>) target(%arg6 : memref<48xi32, #tpu.memory_space<vmem>>) target_semaphore(%run_scoped3A_180 : memref<!tpu.dma_semaphore, #tpu.memory_space<semaphore_mem>>)
      %dma_wait3A_187 = arith.constant 0 : i32
      %dma_wait3A_188 = tpu.memref_slice %arg3[%add3A, %run_scoped3A_37, %dma_wait3A_187] : memref<32x209x48xi32, #tpu.memory_space<hbm>> -> memref<1x1x48xi32, #tpu.memory_space<hbm>>
      %dma_wait3A_189 = tpu.memref_squeeze %dma_wait3A_188 : memref<1x1x48xi32, #tpu.memory_space<hbm>> -> memref<48xi32, #tpu.memory_space<hbm>>
      %dma_wait3A_190 = arith.constant 0 : i32
      %dma_wait3A_191 = tpu.memref_slice %arg3[%add3A, %run_scoped3A_37, %dma_wait3A_190] : memref<32x209x48xi32, #tpu.memory_space<hbm>> -> memref<1x1x48xi32, #tpu.memory_space<hbm>>
      %dma_wait3A_192 = tpu.memref_squeeze %dma_wait3A_191 : memref<1x1x48xi32, #tpu.memory_space<hbm>> -> memref<48xi32, #tpu.memory_space<hbm>>
      tpu.wait_dma2 semaphore(%run_scoped3A_180 : memref<!tpu.dma_semaphore, #tpu.memory_space<semaphore_mem>>) src(%dma_wait3A_192 : memref<48xi32, #tpu.memory_space<hbm>>) dst(%arg6 : memref<48xi32, #tpu.memory_space<vmem>>)
      tpu.yield
    }) : () -> ()
    %run_scoped3A_38 = arith.constant 2 : i32
    "tpu.region"() ({
      %run_scoped3A_180 = tpu.sem_alloc : memref<!tpu.dma_semaphore, #tpu.memory_space<semaphore_mem>>
      %dma_start3A_181 = arith.constant 0 : i32
      %dma_start3A_182 = tpu.memref_slice %arg3[%add3A, %run_scoped3A_38, %dma_start3A_181] : memref<32x209x48xi32, #tpu.memory_space<hbm>> -> memref<1x1x48xi32, #tpu.memory_space<hbm>>
      %dma_start3A_183 = tpu.memref_squeeze %dma_start3A_182 : memref<1x1x48xi32, #tpu.memory_space<hbm>> -> memref<48xi32, #tpu.memory_space<hbm>>
      %dma_start3A_184 = arith.constant 0 : i32
      %dma_start3A_185 = tpu.memref_slice %arg3[%add3A, %run_scoped3A_38, %dma_start3A_184] : memref<32x209x48xi32, #tpu.memory_space<hbm>> -> memref<1x1x48xi32, #tpu.memory_space<hbm>>
      %dma_start3A_186 = tpu.memref_squeeze %dma_start3A_185 : memref<1x1x48xi32, #tpu.memory_space<hbm>> -> memref<48xi32, #tpu.memory_space<hbm>>
      tpu.enqueue_dma source(%dma_start3A_186 : memref<48xi32, #tpu.memory_space<hbm>>) target(%arg7 : memref<48xi32, #tpu.memory_space<vmem>>) target_semaphore(%run_scoped3A_180 : memref<!tpu.dma_semaphore, #tpu.memory_space<semaphore_mem>>)
      %dma_wait3A_187 = arith.constant 0 : i32
      %dma_wait3A_188 = tpu.memref_slice %arg3[%add3A, %run_scoped3A_38, %dma_wait3A_187] : memref<32x209x48xi32, #tpu.memory_space<hbm>> -> memref<1x1x48xi32, #tpu.memory_space<hbm>>
      %dma_wait3A_189 = tpu.memref_squeeze %dma_wait3A_188 : memref<1x1x48xi32, #tpu.memory_space<hbm>> -> memref<48xi32, #tpu.memory_space<hbm>>
      %dma_wait3A_190 = arith.constant 0 : i32
      %dma_wait3A_191 = tpu.memref_slice %arg3[%add3A, %run_scoped3A_38, %dma_wait3A_190] : memref<32x209x48xi32, #tpu.memory_space<hbm>> -> memref<1x1x48xi32, #tpu.memory_space<hbm>>
      %dma_wait3A_192 = tpu.memref_squeeze %dma_wait3A_191 : memref<1x1x48xi32, #tpu.memory_space<hbm>> -> memref<48xi32, #tpu.memory_space<hbm>>
      tpu.wait_dma2 semaphore(%run_scoped3A_180 : memref<!tpu.dma_semaphore, #tpu.memory_space<semaphore_mem>>) src(%dma_wait3A_192 : memref<48xi32, #tpu.memory_space<hbm>>) dst(%arg7 : memref<48xi32, #tpu.memory_space<vmem>>)
      tpu.yield
    }) : () -> ()
    %run_scoped3A_39 = arith.constant 3 : i32
    "tpu.region"() ({
      %run_scoped3A_180 = tpu.sem_alloc : memref<!tpu.dma_semaphore, #tpu.memory_space<semaphore_mem>>
      %dma_start3A_181 = arith.constant 0 : i32
      %dma_start3A_182 = tpu.memref_slice %arg3[%add3A, %run_scoped3A_39, %dma_start3A_181] : memref<32x209x48xi32, #tpu.memory_space<hbm>> -> memref<1x1x48xi32, #tpu.memory_space<hbm>>
      %dma_start3A_183 = tpu.memref_squeeze %dma_start3A_182 : memref<1x1x48xi32, #tpu.memory_space<hbm>> -> memref<48xi32, #tpu.memory_space<hbm>>
      %dma_start3A_184 = arith.constant 0 : i32
      %dma_start3A_185 = tpu.memref_slice %arg3[%add3A, %run_scoped3A_39, %dma_start3A_184] : memref<32x209x48xi32, #tpu.memory_space<hbm>> -> memref<1x1x48xi32, #tpu.memory_space<hbm>>
      %dma_start3A_186 = tpu.memref_squeeze %dma_start3A_185 : memref<1x1x48xi32, #tpu.memory_space<hbm>> -> memref<48xi32, #tpu.memory_space<hbm>>
      tpu.enqueue_dma source(%dma_start3A_186 : memref<48xi32, #tpu.memory_space<hbm>>) target(%arg8 : memref<48xi32, #tpu.memory_space<vmem>>) target_semaphore(%run_scoped3A_180 : memref<!tpu.dma_semaphore, #tpu.memory_space<semaphore_mem>>)
      %dma_wait3A_187 = arith.constant 0 : i32
      %dma_wait3A_188 = tpu.memref_slice %arg3[%add3A, %run_scoped3A_39, %dma_wait3A_187] : memref<32x209x48xi32, #tpu.memory_space<hbm>> -> memref<1x1x48xi32, #tpu.memory_space<hbm>>
      %dma_wait3A_189 = tpu.memref_squeeze %dma_wait3A_188 : memref<1x1x48xi32, #tpu.memory_space<hbm>> -> memref<48xi32, #tpu.memory_space<hbm>>
      %dma_wait3A_190 = arith.constant 0 : i32
      %dma_wait3A_191 = tpu.memref_slice %arg3[%add3A, %run_scoped3A_39, %dma_wait3A_190] : memref<32x209x48xi32, #tpu.memory_space<hbm>> -> memref<1x1x48xi32, #tpu.memory_space<hbm>>
      %dma_wait3A_192 = tpu.memref_squeeze %dma_wait3A_191 : memref<1x1x48xi32, #tpu.memory_space<hbm>> -> memref<48xi32, #tpu.memory_space<hbm>>
      tpu.wait_dma2 semaphore(%run_scoped3A_180 : memref<!tpu.dma_semaphore, #tpu.memory_space<semaphore_mem>>) src(%dma_wait3A_192 : memref<48xi32, #tpu.memory_space<hbm>>) dst(%arg8 : memref<48xi32, #tpu.memory_space<vmem>>)
      tpu.yield
    }) : () -> ()
    %get3A = arith.constant 0 : index
    %get3A_40 = tpu.vector_load %arg5[%get3A] {strides = array<i32>} : memref<48xi32, #tpu.memory_space<vmem>>, vector<16xi32>,
    %get3A_41 = vector.shape_cast %get3A_40 : vector<16xi32> to vector<16xi32>
    %and3A = arith.constant 16383 : i32
    %and3A_42 = vector.broadcast %and3A : i32 to vector<16xi32>
    %and3A_43 = arith.andi %get3A_41, %and3A_42 : vector<16xi32>
    %swap3A = arith.constant 0 : index
    %swap3A_44 = tpu.vector_load %arg9[%swap3A] {strides = array<i32>} : memref<48xi32, #tpu.memory_space<vmem>>, vector<16xi32>,
    %swap3A_45 = vector.shape_cast %swap3A_44 : vector<16xi32> to vector<16xi32>
    %swap3A_46 = vector.shape_cast %and3A_43 : vector<16xi32> to vector<16xi32>
    tpu.vector_store %arg9[%swap3A], %swap3A_46 {strides = array<i32>} : memref<48xi32, #tpu.memory_space<vmem>>, vector<16xi32>,
    %shift_right_logical3A = arith.constant 14 : i32
    %shift_right_logical3A_47 = vector.broadcast %shift_right_logical3A : i32 to vector<16xi32>
    %shift_right_logical3A_48 = arith.shrui %get3A_41, %shift_right_logical3A_47 : vector<16xi32>
    %and3A_49 = arith.constant 16383 : i32
    %and3A_50 = vector.broadcast %and3A_49 : i32 to vector<16xi32>
    %and3A_51 = arith.andi %shift_right_logical3A_48, %and3A_50 : vector<16xi32>
    %swap3A_52 = arith.constant 0 : index
    %swap3A_53 = tpu.vector_load %arg13[%swap3A_52] {strides = array<i32>} : memref<48xi32, #tpu.memory_space<vmem>>, vector<16xi32>,
    %swap3A_54 = vector.shape_cast %swap3A_53 : vector<16xi32> to vector<16xi32>
    %swap3A_55 = vector.shape_cast %and3A_51 : vector<16xi32> to vector<16xi32>
    tpu.vector_store %arg13[%swap3A_52], %swap3A_55 {strides = array<i32>} : memref<48xi32, #tpu.memory_space<vmem>>, vector<16xi32>,
    %get3A_56 = arith.constant 16 : index
    %get3A_57 = tpu.vector_load %arg5[%get3A_56] {strides = array<i32>} : memref<48xi32, #tpu.memory_space<vmem>>, vector<16xi32>,
    %get3A_58 = vector.shape_cast %get3A_57 : vector<16xi32> to vector<16xi32>
    %and3A_59 = arith.constant 16383 : i32
    %and3A_60 = vector.broadcast %and3A_59 : i32 to vector<16xi32>
    %and3A_61 = arith.andi %get3A_58, %and3A_60 : vector<16xi32>
    %swap3A_62 = arith.constant 16 : index
    %swap3A_63 = tpu.vector_load %arg9[%swap3A_62] {strides = array<i32>} : memref<48xi32, #tpu.memory_space<vmem>>, vector<16xi32>,
    %swap3A_64 = vector.shape_cast %swap3A_63 : vector<16xi32> to vector<16xi32>
    %swap3A_65 = vector.shape_cast %and3A_61 : vector<16xi32> to vector<16xi32>
    tpu.vector_store %arg9[%swap3A_62], %swap3A_65 {strides = array<i32>} : memref<48xi32, #tpu.memory_space<vmem>>, vector<16xi32>,
    %shift_right_logical3A_66 = arith.constant 14 : i32
    %shift_right_logical3A_67 = vector.broadcast %shift_right_logical3A_66 : i32 to vector<16xi32>
    %shift_right_logical3A_68 = arith.shrui %get3A_58, %shift_right_logical3A_67 : vector<16xi32>
    %and3A_69 = arith.constant 16383 : i32
    %and3A_70 = vector.broadcast %and3A_69 : i32 to vector<16xi32>
    %and3A_71 = arith.andi %shift_right_logical3A_68, %and3A_70 : vector<16xi32>
    %swap3A_72 = arith.constant 16 : index
    %swap3A_73 = tpu.vector_load %arg13[%swap3A_72] {strides = array<i32>} : memref<48xi32, #tpu.memory_space<vmem>>, vector<16xi32>,
    %swap3A_74 = vector.shape_cast %swap3A_73 : vector<16xi32> to vector<16xi32>
    %swap3A_75 = vector.shape_cast %and3A_71 : vector<16xi32> to vector<16xi32>
    tpu.vector_store %arg13[%swap3A_72], %swap3A_75 {strides = array<i32>} : memref<48xi32, #tpu.memory_space<vmem>>, vector<16xi32>,
    %get3A_76 = arith.constant 32 : index
    %get3A_77 = tpu.vector_load %arg5[%get3A_76] {strides = array<i32>} : memref<48xi32, #tpu.memory_space<vmem>>, vector<16xi32>,
    %get3A_78 = vector.shape_cast %get3A_77 : vector<16xi32> to vector<16xi32>
    %and3A_79 = arith.constant 16383 : i32
    %and3A_80 = vector.broadcast %and3A_79 : i32 to vector<16xi32>
    %and3A_81 = arith.andi %get3A_78, %and3A_80 : vector<16xi32>
    %swap3A_82 = arith.constant 32 : index
    %swap3A_83 = tpu.vector_load %arg9[%swap3A_82] {strides = array<i32>} : memref<48xi32, #tpu.memory_space<vmem>>, vector<16xi32>,
    %swap3A_84 = vector.shape_cast %swap3A_83 : vector<16xi32> to vector<16xi32>
    %swap3A_85 = vector.shape_cast %and3A_81 : vector<16xi32> to vector<16xi32>
    tpu.vector_store %arg9[%swap3A_82], %swap3A_85 {strides = array<i32>} : memref<48xi32, #tpu.memory_space<vmem>>, vector<16xi32>,
    %shift_right_logical3A_86 = arith.constant 14 : i32
    %shift_right_logical3A_87 = vector.broadcast %shift_right_logical3A_86 : i32 to vector<16xi32>
    %shift_right_logical3A_88 = arith.shrui %get3A_78, %shift_right_logical3A_87 : vector<16xi32>
    %and3A_89 = arith.constant 16383 : i32
    %and3A_90 = vector.broadcast %and3A_89 : i32 to vector<16xi32>
    %and3A_91 = arith.andi %shift_right_logical3A_88, %and3A_90 : vector<16xi32>
    %swap3A_92 = arith.constant 32 : index
    %swap3A_93 = tpu.vector_load %arg13[%swap3A_92] {strides = array<i32>} : memref<48xi32, #tpu.memory_space<vmem>>, vector<16xi32>,
    %swap3A_94 = vector.shape_cast %swap3A_93 : vector<16xi32> to vector<16xi32>
    %swap3A_95 = vector.shape_cast %and3A_91 : vector<16xi32> to vector<16xi32>
    tpu.vector_store %arg13[%swap3A_92], %swap3A_95 {strides = array<i32>} : memref<48xi32, #tpu.memory_space<vmem>>, vector<16xi32>,
    %dma_start3A = arith.constant 0 : i32
    %dma_start3A_96 = arith.constant 0 : i32
    %dma_start3A_97 = tpu.memref_slice %arg2[%dma_start3A, %dma_start3A_96] : memref<10000x128xf32, #tpu.memory_space<hbm>> -> memref<10000x128xf32, #tpu.memory_space<hbm>>
    tpu.enqueue_indirect_dma source(%dma_start3A_97 : memref<10000x128xf32, #tpu.memory_space<hbm>>) target(%arg17 : memref<48x128xf32, #tpu.memory_space<vmem>>) offsets(%arg9 : memref<48xi32, #tpu.memory_space<vmem>>) semaphore(%arg22 : memref<!tpu.dma_semaphore, #tpu.memory_space<semaphore_mem>>)
    %get3A_98 = arith.constant 0 : index
    %get3A_99 = tpu.vector_load %arg6[%get3A_98] {strides = array<i32>} : memref<48xi32, #tpu.memory_space<vmem>>, vector<16xi32>,
    %get3A_100 = vector.shape_cast %get3A_99 : vector<16xi32> to vector<16xi32>
    %and3A_101 = arith.constant 16383 : i32
    %and3A_102 = vector.broadcast %and3A_101 : i32 to vector<16xi32>
    %and3A_103 = arith.andi %get3A_100, %and3A_102 : vector<16xi32>
    %swap3A_104 = arith.constant 0 : index
    %swap3A_105 = tpu.vector_load %arg10[%swap3A_104] {strides = array<i32>} : memref<48xi32, #tpu.memory_space<vmem>>, vector<16xi32>,
    %swap3A_106 = vector.shape_cast %swap3A_105 : vector<16xi32> to vector<16xi32>
    %swap3A_107 = vector.shape_cast %and3A_103 : vector<16xi32> to vector<16xi32>
    tpu.vector_store %arg10[%swap3A_104], %swap3A_107 {strides = array<i32>} : memref<48xi32, #tpu.memory_space<vmem>>, vector<16xi32>,
    %shift_right_logical3A_108 = arith.constant 14 : i32
    %shift_right_logical3A_109 = vector.broadcast %shift_right_logical3A_108 : i32 to vector<16xi32>
    %shift_right_logical3A_110 = arith.shrui %get3A_100, %shift_right_logical3A_109 : vector<16xi32>
    %and3A_111 = arith.constant 16383 : i32
    %and3A_112 = vector.broadcast %and3A_111 : i32 to vector<16xi32>
    %and3A_113 = arith.andi %shift_right_logical3A_110, %and3A_112 : vector<16xi32>
    %swap3A_114 = arith.constant 0 : index
    %swap3A_115 = tpu.vector_load %arg14[%swap3A_114] {strides = array<i32>} : memref<48xi32, #tpu.memory_space<vmem>>, vector<16xi32>,
    %swap3A_116 = vector.shape_cast %swap3A_115 : vector<16xi32> to vector<16xi32>
    %swap3A_117 = vector.shape_cast %and3A_113 : vector<16xi32> to vector<16xi32>
    tpu.vector_store %arg14[%swap3A_114], %swap3A_117 {strides = array<i32>} : memref<48xi32, #tpu.memory_space<vmem>>, vector<16xi32>,
    %get3A_118 = arith.constant 16 : index
    %get3A_119 = tpu.vector_load %arg6[%get3A_118] {strides = array<i32>} : memref<48xi32, #tpu.memory_space<vmem>>, vector<16xi32>,
    %get3A_120 = vector.shape_cast %get3A_119 : vector<16xi32> to vector<16xi32>
    %and3A_121 = arith.constant 16383 : i32
    %and3A_122 = vector.broadcast %and3A_121 : i32 to vector<16xi32>
    %and3A_123 = arith.andi %get3A_120, %and3A_122 : vector<16xi32>
    %swap3A_124 = arith.constant 16 : index
    %swap3A_125 = tpu.vector_load %arg10[%swap3A_124] {strides = array<i32>} : memref<48xi32, #tpu.memory_space<vmem>>, vector<16xi32>,
    %swap3A_126 = vector.shape_cast %swap3A_125 : vector<16xi32> to vector<16xi32>
    %swap3A_127 = vector.shape_cast %and3A_123 : vector<16xi32> to vector<16xi32>
    tpu.vector_store %arg10[%swap3A_124], %swap3A_127 {strides = array<i32>} : memref<48xi32, #tpu.memory_space<vmem>>, vector<16xi32>,
    %shift_right_logical3A_128 = arith.constant 14 : i32
    %shift_right_logical3A_129 = vector.broadcast %shift_right_logical3A_128 : i32 to vector<16xi32>
    %shift_right_logical3A_130 = arith.shrui %get3A_120, %shift_right_logical3A_129 : vector<16xi32>
    %and3A_131 = arith.constant 16383 : i32
    %and3A_132 = vector.broadcast %and3A_131 : i32 to vector<16xi32>
    %and3A_133 = arith.andi %shift_right_logical3A_130, %and3A_132 : vector<16xi32>
    %swap3A_134 = arith.constant 16 : index
    %swap3A_135 = tpu.vector_load %arg14[%swap3A_134] {strides = array<i32>} : memref<48xi32, #tpu.memory_space<vmem>>, vector<16xi32>,
    %swap3A_136 = vector.shape_cast %swap3A_135 : vector<16xi32> to vector<16xi32>
    %swap3A_137 = vector.shape_cast %and3A_133 : vector<16xi32> to vector<16xi32>
    tpu.vector_store %arg14[%swap3A_134], %swap3A_137 {strides = array<i32>} : memref<48xi32, #tpu.memory_space<vmem>>, vector<16xi32>,
    %get3A_138 = arith.constant 32 : index
    %get3A_139 = tpu.vector_load %arg6[%get3A_138] {strides = array<i32>} : memref<48xi32, #tpu.memory_space<vmem>>, vector<16xi32>,
    %get3A_140 = vector.shape_cast %get3A_139 : vector<16xi32> to vector<16xi32>
    %and3A_141 = arith.constant 16383 : i32
    %and3A_142 = vector.broadcast %and3A_141 : i32 to vector<16xi32>
    %and3A_143 = arith.andi %get3A_140, %and3A_142 : vector<16xi32>
    %swap3A_144 = arith.constant 32 : index
    %swap3A_145 = tpu.vector_load %arg10[%swap3A_144] {strides = array<i32>} : memref<48xi32, #tpu.memory_space<vmem>>, vector<16xi32>,
    %swap3A_146 = vector.shape_cast %swap3A_145 : vector<16xi32> to vector<16xi32>
    %swap3A_147 = vector.shape_cast %and3A_143 : vector<16xi32> to vector<16xi32>
    tpu.vector_store %arg10[%swap3A_144], %swap3A_147 {strides = array<i32>} : memref<48xi32, #tpu.memory_space<vmem>>, vector<16xi32>,
    %shift_right_logical3A_148 = arith.constant 14 : i32
    %shift_right_logical3A_149 = vector.broadcast %shift_right_logical3A_148 : i32 to vector<16xi32>
    %shift_right_logical3A_150 = arith.shrui %get3A_140, %shift_right_logical3A_149 : vector<16xi32>
    %and3A_151 = arith.constant 16383 : i32
    %and3A_152 = vector.broadcast %and3A_151 : i32 to vector<16xi32>
    %and3A_153 = arith.andi %shift_right_logical3A_150, %and3A_152 : vector<16xi32>
    %swap3A_154 = arith.constant 32 : index
    %swap3A_155 = tpu.vector_load %arg14[%swap3A_154] {strides = array<i32>} : memref<48xi32, #tpu.memory_space<vmem>>, vector<16xi32>,
    %swap3A_156 = vector.shape_cast %swap3A_155 : vector<16xi32> to vector<16xi32>
    %swap3A_157 = vector.shape_cast %and3A_153 : vector<16xi32> to vector<16xi32>
    tpu.vector_store %arg14[%swap3A_154], %swap3A_157 {strides = array<i32>} : memref<48xi32, #tpu.memory_space<vmem>>, vector<16xi32>,
    %dma_start3A_158 = arith.constant 0 : i32
    %dma_start3A_159 = arith.constant 0 : i32
    %dma_start3A_160 = tpu.memref_slice %arg2[%dma_start3A_158, %dma_start3A_159] : memref<10000x128xf32, #tpu.memory_space<hbm>> -> memref<10000x128xf32, #tpu.memory_space<hbm>>
    tpu.enqueue_indirect_dma source(%dma_start3A_160 : memref<10000x128xf32, #tpu.memory_space<hbm>>) target(%arg18 : memref<48x128xf32, #tpu.memory_space<vmem>>) offsets(%arg10 : memref<48xi32, #tpu.memory_space<vmem>>) semaphore(%arg23 : memref<!tpu.dma_semaphore, #tpu.memory_space<semaphore_mem>>)
    %barrier3A = arith.constant 0 : index
    tpu.barrier barrier_id(%barrier3A)
    %scan3A_161 = arith.constant 0 : i32
    %scan3A_162 = arith.constant 0 : i32
    %scan3A_163 = arith.constant 52 : i32
    %scan3A_164 = arith.addi %scan3A_162, %scan3A_163 : i32
    %scan3A_165 = arith.constant 1 : i32
    scf.for %scan3A_180 = %scan3A_162 to %scan3A_164 step %scan3A_165  : i32 {
      %mul3A_181 = arith.constant 4 : i32
      %mul3A_182 = arith.muli %mul3A_181, %scan3A_180 : i32
      %add3A_183 = arith.constant 0 : i32
      %add3A_184 = arith.addi %mul3A_182, %add3A_183 : i32
      %dma_wait3A_185 = arith.constant 0 : i32
      %dma_wait3A_186 = arith.constant 0 : i32
      %dma_wait3A_187 = tpu.memref_slice %arg2[%dma_wait3A_185, %dma_wait3A_186] : memref<10000x128xf32, #tpu.memory_space<hbm>> -> memref<10000x128xf32, #tpu.memory_space<hbm>>
      tpu.wait_indirect_dma semaphore(%arg22 : memref<!tpu.dma_semaphore, #tpu.memory_space<semaphore_mem>>) src(%dma_wait3A_187 : memref<10000x128xf32, #tpu.memory_space<hbm>>) dst(%arg17 : memref<48x128xf32, #tpu.memory_space<vmem>>)
      %add3A_188 = arith.constant 4 : i32
      %add3A_189 = arith.addi %add3A_184, %add3A_188 : i32
      %lt3A = arith.constant 209 : i32
      %lt3A_190 = arith.cmpi slt, %add3A_189, %lt3A : i32
      %convert_element_type3A = arith.extui %lt3A_190 : i1 to i32
      %cond3A = arith.constant 0 : i32
      %cond3A_191 = arith.cmpi ne, %convert_element_type3A, %cond3A : i32
      scf.if %cond3A_191 {
        %add3A_301 = arith.constant 4 : i32
        %add3A_302 = arith.addi %add3A_184, %add3A_301 : i32
        %dma_start3A_303 = arith.constant 0 : i32
        %dma_start3A_304 = tpu.memref_slice %arg3[%add3A, %add3A_302, %dma_start3A_303] : memref<32x209x48xi32, #tpu.memory_space<hbm>> -> memref<1x1x48xi32, #tpu.memory_space<hbm>>
        %dma_start3A_305 = tpu.memref_squeeze %dma_start3A_304 : memref<1x1x48xi32, #tpu.memory_space<hbm>> -> memref<48xi32, #tpu.memory_space<hbm>>
        %dma_start3A_306 = arith.constant 0 : i32
        %dma_start3A_307 = tpu.memref_slice %arg3[%add3A, %add3A_302, %dma_start3A_306] : memref<32x209x48xi32, #tpu.memory_space<hbm>> -> memref<1x1x48xi32, #tpu.memory_space<hbm>>
        %dma_start3A_308 = tpu.memref_squeeze %dma_start3A_307 : memref<1x1x48xi32, #tpu.memory_space<hbm>> -> memref<48xi32, #tpu.memory_space<hbm>>
        tpu.enqueue_dma source(%dma_start3A_308 : memref<48xi32, #tpu.memory_space<hbm>>) target(%arg5 : memref<48xi32, #tpu.memory_space<vmem>>) target_semaphore(%arg26 : memref<!tpu.dma_semaphore, #tpu.memory_space<semaphore_mem>>)
      } else {
      }
      %ge3A = arith.constant 2 : i32
      %ge3A_192 = arith.cmpi sge, %add3A_184, %ge3A : i32
      %add3A_193 = arith.constant 2 : i32
      %add3A_194 = arith.addi %add3A_184, %add3A_193 : i32
      %lt3A_195 = arith.constant 209 : i32
      %lt3A_196 = arith.cmpi slt, %add3A_194, %lt3A_195 : i32
      %and3A_197 = arith.andi %ge3A_192, %lt3A_196 : i1
      %convert_element_type3A_198 = arith.extui %and3A_197 : i1 to i32
      %cond3A_199 = arith.constant 0 : i32
      %cond3A_200 = arith.cmpi ne, %convert_element_type3A_198, %cond3A_199 : i32
      scf.if %cond3A_200 {
        %dma_wait3A_301 = arith.constant 0 : i32
        %dma_wait3A_302 = arith.constant 0 : i32
        %dma_wait3A_303 = tpu.memref_slice %arg3[%add3A, %dma_wait3A_301, %dma_wait3A_302] : memref<32x209x48xi32, #tpu.memory_space<hbm>> -> memref<1x1x48xi32, #tpu.memory_space<hbm>>
        %dma_wait3A_304 = tpu.memref_squeeze %dma_wait3A_303 : memref<1x1x48xi32, #tpu.memory_space<hbm>> -> memref<48xi32, #tpu.memory_space<hbm>>
        %dma_wait3A_305 = arith.constant 0 : i32
        %dma_wait3A_306 = tpu.memref_slice %arg3[%add3A, %dma_wait3A_301, %dma_wait3A_305] : memref<32x209x48xi32, #tpu.memory_space<hbm>> -> memref<1x1x48xi32, #tpu.memory_space<hbm>>
        %dma_wait3A_307 = tpu.memref_squeeze %dma_wait3A_306 : memref<1x1x48xi32, #tpu.memory_space<hbm>> -> memref<48xi32, #tpu.memory_space<hbm>>
        tpu.wait_dma2 semaphore(%arg28 : memref<!tpu.dma_semaphore, #tpu.memory_space<semaphore_mem>>) src(%dma_wait3A_307 : memref<48xi32, #tpu.memory_space<hbm>>) dst(%arg7 : memref<48xi32, #tpu.memory_space<vmem>>)
      } else {
      }
      %add3A_201 = arith.constant 2 : i32
      %add3A_202 = arith.addi %add3A_184, %add3A_201 : i32
      %lt3A_203 = arith.constant 209 : i32
      %lt3A_204 = arith.cmpi slt, %add3A_202, %lt3A_203 : i32
      %convert_element_type3A_205 = arith.extui %lt3A_204 : i1 to i32
      %cond3A_206 = arith.constant 0 : i32
      %cond3A_207 = arith.cmpi ne, %convert_element_type3A_205, %cond3A_206 : i32
      scf.if %cond3A_207 {
        %get3A_301 = arith.constant 0 : index
        %get3A_302 = tpu.vector_load %arg7[%get3A_301] {strides = array<i32>} : memref<48xi32, #tpu.memory_space<vmem>>, vector<16xi32>,
        %get3A_303 = vector.shape_cast %get3A_302 : vector<16xi32> to vector<16xi32>
        %and3A_304 = arith.constant 16383 : i32
        %and3A_305 = vector.broadcast %and3A_304 : i32 to vector<16xi32>
        %and3A_306 = arith.andi %get3A_303, %and3A_305 : vector<16xi32>
        %swap3A_307 = arith.constant 0 : index
        %swap3A_308 = tpu.vector_load %arg11[%swap3A_307] {strides = array<i32>} : memref<48xi32, #tpu.memory_space<vmem>>, vector<16xi32>,
        %swap3A_309 = vector.shape_cast %swap3A_308 : vector<16xi32> to vector<16xi32>
        %swap3A_310 = vector.shape_cast %and3A_306 : vector<16xi32> to vector<16xi32>
        tpu.vector_store %arg11[%swap3A_307], %swap3A_310 {strides = array<i32>} : memref<48xi32, #tpu.memory_space<vmem>>, vector<16xi32>,
        %shift_right_logical3A_311 = arith.constant 14 : i32
        %shift_right_logical3A_312 = vector.broadcast %shift_right_logical3A_311 : i32 to vector<16xi32>
        %shift_right_logical3A_313 = arith.shrui %get3A_303, %shift_right_logical3A_312 : vector<16xi32>
        %and3A_314 = arith.constant 16383 : i32
        %and3A_315 = vector.broadcast %and3A_314 : i32 to vector<16xi32>
        %and3A_316 = arith.andi %shift_right_logical3A_313, %and3A_315 : vector<16xi32>
        %swap3A_317 = arith.constant 0 : index
        %swap3A_318 = tpu.vector_load %arg15[%swap3A_317] {strides = array<i32>} : memref<48xi32, #tpu.memory_space<vmem>>, vector<16xi32>,
        %swap3A_319 = vector.shape_cast %swap3A_318 : vector<16xi32> to vector<16xi32>
        %swap3A_320 = vector.shape_cast %and3A_316 : vector<16xi32> to vector<16xi32>
        tpu.vector_store %arg15[%swap3A_317], %swap3A_320 {strides = array<i32>} : memref<48xi32, #tpu.memory_space<vmem>>, vector<16xi32>,
        %get3A_321 = arith.constant 16 : index
        %get3A_322 = tpu.vector_load %arg7[%get3A_321] {strides = array<i32>} : memref<48xi32, #tpu.memory_space<vmem>>, vector<16xi32>,
        %get3A_323 = vector.shape_cast %get3A_322 : vector<16xi32> to vector<16xi32>
        %and3A_324 = arith.constant 16383 : i32
        %and3A_325 = vector.broadcast %and3A_324 : i32 to vector<16xi32>
        %and3A_326 = arith.andi %get3A_323, %and3A_325 : vector<16xi32>
        %swap3A_327 = arith.constant 16 : index
        %swap3A_328 = tpu.vector_load %arg11[%swap3A_327] {strides = array<i32>} : memref<48xi32, #tpu.memory_space<vmem>>, vector<16xi32>,
        %swap3A_329 = vector.shape_cast %swap3A_328 : vector<16xi32> to vector<16xi32>
        %swap3A_330 = vector.shape_cast %and3A_326 : vector<16xi32> to vector<16xi32>
        tpu.vector_store %arg11[%swap3A_327], %swap3A_330 {strides = array<i32>} : memref<48xi32, #tpu.memory_space<vmem>>, vector<16xi32>,
        %shift_right_logical3A_331 = arith.constant 14 : i32
        %shift_right_logical3A_332 = vector.broadcast %shift_right_logical3A_331 : i32 to vector<16xi32>
        %shift_right_logical3A_333 = arith.shrui %get3A_323, %shift_right_logical3A_332 : vector<16xi32>
        %and3A_334 = arith.constant 16383 : i32
        %and3A_335 = vector.broadcast %and3A_334 : i32 to vector<16xi32>
        %and3A_336 = arith.andi %shift_right_logical3A_333, %and3A_335 : vector<16xi32>
        %swap3A_337 = arith.constant 16 : index
        %swap3A_338 = tpu.vector_load %arg15[%swap3A_337] {strides = array<i32>} : memref<48xi32, #tpu.memory_space<vmem>>, vector<16xi32>,
        %swap3A_339 = vector.shape_cast %swap3A_338 : vector<16xi32> to vector<16xi32>
        %swap3A_340 = vector.shape_cast %and3A_336 : vector<16xi32> to vector<16xi32>
        tpu.vector_store %arg15[%swap3A_337], %swap3A_340 {strides = array<i32>} : memref<48xi32, #tpu.memory_space<vmem>>, vector<16xi32>,
        %get3A_341 = arith.constant 32 : index
        %get3A_342 = tpu.vector_load %arg7[%get3A_341] {strides = array<i32>} : memref<48xi32, #tpu.memory_space<vmem>>, vector<16xi32>,
        %get3A_343 = vector.shape_cast %get3A_342 : vector<16xi32> to vector<16xi32>
        %and3A_344 = arith.constant 16383 : i32
        %and3A_345 = vector.broadcast %and3A_344 : i32 to vector<16xi32>
        %and3A_346 = arith.andi %get3A_343, %and3A_345 : vector<16xi32>
        %swap3A_347 = arith.constant 32 : index
        %swap3A_348 = tpu.vector_load %arg11[%swap3A_347] {strides = array<i32>} : memref<48xi32, #tpu.memory_space<vmem>>, vector<16xi32>,
        %swap3A_349 = vector.shape_cast %swap3A_348 : vector<16xi32> to vector<16xi32>
        %swap3A_350 = vector.shape_cast %and3A_346 : vector<16xi32> to vector<16xi32>
        tpu.vector_store %arg11[%swap3A_347], %swap3A_350 {strides = array<i32>} : memref<48xi32, #tpu.memory_space<vmem>>, vector<16xi32>,
        %shift_right_logical3A_351 = arith.constant 14 : i32
        %shift_right_logical3A_352 = vector.broadcast %shift_right_logical3A_351 : i32 to vector<16xi32>
        %shift_right_logical3A_353 = arith.shrui %get3A_343, %shift_right_logical3A_352 : vector<16xi32>
        %and3A_354 = arith.constant 16383 : i32
        %and3A_355 = vector.broadcast %and3A_354 : i32 to vector<16xi32>
        %and3A_356 = arith.andi %shift_right_logical3A_353, %and3A_355 : vector<16xi32>
        %swap3A_357 = arith.constant 32 : index
        %swap3A_358 = tpu.vector_load %arg15[%swap3A_357] {strides = array<i32>} : memref<48xi32, #tpu.memory_space<vmem>>, vector<16xi32>,
        %swap3A_359 = vector.shape_cast %swap3A_358 : vector<16xi32> to vector<16xi32>
        %swap3A_360 = vector.shape_cast %and3A_356 : vector<16xi32> to vector<16xi32>
        tpu.vector_store %arg15[%swap3A_357], %swap3A_360 {strides = array<i32>} : memref<48xi32, #tpu.memory_space<vmem>>, vector<16xi32>,
        %dma_start3A_361 = arith.constant 0 : i32
        %dma_start3A_362 = arith.constant 0 : i32
        %dma_start3A_363 = tpu.memref_slice %arg2[%dma_start3A_361, %dma_start3A_362] : memref<10000x128xf32, #tpu.memory_space<hbm>> -> memref<10000x128xf32, #tpu.memory_space<hbm>>
        tpu.enqueue_indirect_dma source(%dma_start3A_363 : memref<10000x128xf32, #tpu.memory_space<hbm>>) target(%arg19 : memref<48x128xf32, #tpu.memory_space<vmem>>) offsets(%arg11 : memref<48xi32, #tpu.memory_space<vmem>>) semaphore(%arg24 : memref<!tpu.dma_semaphore, #tpu.memory_space<semaphore_mem>>)
      } else {
      }
      "tpu.region"() ({
        %run_scoped3A_301 = tpu.sem_alloc : memref<!tpu.dma_semaphore, #tpu.memory_space<semaphore_mem>>
        %dma_start3A_302 = arith.constant 0 : i32
        %dma_start3A_303 = arith.constant 0 : i32
        %dma_start3A_304 = tpu.memref_slice %arg21[%dma_start3A_302, %dma_start3A_303] : memref<10240x128xf32, #tpu.memory_space<vmem_shared>> -> memref<10240x128xf32, #tpu.memory_space<vmem_shared>>
        tpu.enqueue_indirect_dma source(%arg17 : memref<48x128xf32, #tpu.memory_space<vmem>>) target(%dma_start3A_304 : memref<10240x128xf32, #tpu.memory_space<vmem_shared>>) offsets(%arg13 : memref<48xi32, #tpu.memory_space<vmem>>) semaphore(%run_scoped3A_301 : memref<!tpu.dma_semaphore, #tpu.memory_space<semaphore_mem>>) {add = true}
        %dma_wait3A_305 = arith.constant 0 : i32
        %dma_wait3A_306 = arith.constant 0 : i32
        %dma_wait3A_307 = tpu.memref_slice %arg21[%dma_wait3A_305, %dma_wait3A_306] : memref<10240x128xf32, #tpu.memory_space<vmem_shared>> -> memref<10240x128xf32, #tpu.memory_space<vmem_shared>>
        tpu.wait_indirect_dma semaphore(%run_scoped3A_301 : memref<!tpu.dma_semaphore, #tpu.memory_space<semaphore_mem>>) src(%arg17 : memref<48x128xf32, #tpu.memory_space<vmem>>) dst(%dma_wait3A_307 : memref<10240x128xf32, #tpu.memory_space<vmem_shared>>)
        tpu.yield
      }) : () -> ()
      %mul3A_208 = arith.constant 4 : i32
      %mul3A_209 = arith.muli %mul3A_208, %scan3A_180 : i32
      %add3A_210 = arith.constant 1 : i32
      %add3A_211 = arith.addi %mul3A_209, %add3A_210 : i32
      %dma_wait3A_212 = arith.constant 0 : i32
      %dma_wait3A_213 = arith.constant 0 : i32
      %dma_wait3A_214 = tpu.memref_slice %arg2[%dma_wait3A_212, %dma_wait3A_213] : memref<10000x128xf32, #tpu.memory_space<hbm>> -> memref<10000x128xf32, #tpu.memory_space<hbm>>
      tpu.wait_indirect_dma semaphore(%arg23 : memref<!tpu.dma_semaphore, #tpu.memory_space<semaphore_mem>>) src(%dma_wait3A_214 : memref<10000x128xf32, #tpu.memory_space<hbm>>) dst(%arg18 : memref<48x128xf32, #tpu.memory_space<vmem>>)
      %add3A_215 = arith.constant 4 : i32
      %add3A_216 = arith.addi %add3A_211, %add3A_215 : i32
      %lt3A_217 = arith.constant 209 : i32
      %lt3A_218 = arith.cmpi slt, %add3A_216, %lt3A_217 : i32
      %convert_element_type3A_219 = arith.extui %lt3A_218 : i1 to i32
      %cond3A_220 = arith.constant 0 : i32
      %cond3A_221 = arith.cmpi ne, %convert_element_type3A_219, %cond3A_220 : i32
      scf.if %cond3A_221 {
        %add3A_301 = arith.constant 4 : i32
        %add3A_302 = arith.addi %add3A_211, %add3A_301 : i32
        %dma_start3A_303 = arith.constant 0 : i32
        %dma_start3A_304 = tpu.memref_slice %arg3[%add3A, %add3A_302, %dma_start3A_303] : memref<32x209x48xi32, #tpu.memory_space<hbm>> -> memref<1x1x48xi32, #tpu.memory_space<hbm>>
        %dma_start3A_305 = tpu.memref_squeeze %dma_start3A_304 : memref<1x1x48xi32, #tpu.memory_space<hbm>> -> memref<48xi32, #tpu.memory_space<hbm>>
        %dma_start3A_306 = arith.constant 0 : i32
        %dma_start3A_307 = tpu.memref_slice %arg3[%add3A, %add3A_302, %dma_start3A_306] : memref<32x209x48xi32, #tpu.memory_space<hbm>> -> memref<1x1x48xi32, #tpu.memory_space<hbm>>
        %dma_start3A_308 = tpu.memref_squeeze %dma_start3A_307 : memref<1x1x48xi32, #tpu.memory_space<hbm>> -> memref<48xi32, #tpu.memory_space<hbm>>
        tpu.enqueue_dma source(%dma_start3A_308 : memref<48xi32, #tpu.memory_space<hbm>>) target(%arg6 : memref<48xi32, #tpu.memory_space<vmem>>) target_semaphore(%arg27 : memref<!tpu.dma_semaphore, #tpu.memory_space<semaphore_mem>>)
      } else {
      }
      %ge3A_222 = arith.constant 2 : i32
      %ge3A_223 = arith.cmpi sge, %add3A_211, %ge3A_222 : i32
      %add3A_224 = arith.constant 2 : i32
      %add3A_225 = arith.addi %add3A_211, %add3A_224 : i32
      %lt3A_226 = arith.constant 209 : i32
      %lt3A_227 = arith.cmpi slt, %add3A_225, %lt3A_226 : i32
      %and3A_228 = arith.andi %ge3A_223, %lt3A_227 : i1
      %convert_element_type3A_229 = arith.extui %and3A_228 : i1 to i32
      %cond3A_230 = arith.constant 0 : i32
      %cond3A_231 = arith.cmpi ne, %convert_element_type3A_229, %cond3A_230 : i32
      scf.if %cond3A_231 {
        %dma_wait3A_301 = arith.constant 0 : i32
        %dma_wait3A_302 = arith.constant 0 : i32
        %dma_wait3A_303 = tpu.memref_slice %arg3[%add3A, %dma_wait3A_301, %dma_wait3A_302] : memref<32x209x48xi32, #tpu.memory_space<hbm>> -> memref<1x1x48xi32, #tpu.memory_space<hbm>>
        %dma_wait3A_304 = tpu.memref_squeeze %dma_wait3A_303 : memref<1x1x48xi32, #tpu.memory_space<hbm>> -> memref<48xi32, #tpu.memory_space<hbm>>
        %dma_wait3A_305 = arith.constant 0 : i32
        %dma_wait3A_306 = tpu.memref_slice %arg3[%add3A, %dma_wait3A_301, %dma_wait3A_305] : memref<32x209x48xi32, #tpu.memory_space<hbm>> -> memref<1x1x48xi32, #tpu.memory_space<hbm>>
        %dma_wait3A_307 = tpu.memref_squeeze %dma_wait3A_306 : memref<1x1x48xi32, #tpu.memory_space<hbm>> -> memref<48xi32, #tpu.memory_space<hbm>>
        tpu.wait_dma2 semaphore(%arg29 : memref<!tpu.dma_semaphore, #tpu.memory_space<semaphore_mem>>) src(%dma_wait3A_307 : memref<48xi32, #tpu.memory_space<hbm>>) dst(%arg8 : memref<48xi32, #tpu.memory_space<vmem>>)
      } else {
      }
      %add3A_232 = arith.constant 2 : i32
      %add3A_233 = arith.addi %add3A_211, %add3A_232 : i32
      %lt3A_234 = arith.constant 209 : i32
      %lt3A_235 = arith.cmpi slt, %add3A_233, %lt3A_234 : i32
      %convert_element_type3A_236 = arith.extui %lt3A_235 : i1 to i32
      %cond3A_237 = arith.constant 0 : i32
      %cond3A_238 = arith.cmpi ne, %convert_element_type3A_236, %cond3A_237 : i32
      scf.if %cond3A_238 {
        %get3A_301 = arith.constant 0 : index
        %get3A_302 = tpu.vector_load %arg8[%get3A_301] {strides = array<i32>} : memref<48xi32, #tpu.memory_space<vmem>>, vector<16xi32>,
        %get3A_303 = vector.shape_cast %get3A_302 : vector<16xi32> to vector<16xi32>
        %and3A_304 = arith.constant 16383 : i32
        %and3A_305 = vector.broadcast %and3A_304 : i32 to vector<16xi32>
        %and3A_306 = arith.andi %get3A_303, %and3A_305 : vector<16xi32>
        %swap3A_307 = arith.constant 0 : index
        %swap3A_308 = tpu.vector_load %arg12[%swap3A_307] {strides = array<i32>} : memref<48xi32, #tpu.memory_space<vmem>>, vector<16xi32>,
        %swap3A_309 = vector.shape_cast %swap3A_308 : vector<16xi32> to vector<16xi32>
        %swap3A_310 = vector.shape_cast %and3A_306 : vector<16xi32> to vector<16xi32>
        tpu.vector_store %arg12[%swap3A_307], %swap3A_310 {strides = array<i32>} : memref<48xi32, #tpu.memory_space<vmem>>, vector<16xi32>,
        %shift_right_logical3A_311 = arith.constant 14 : i32
        %shift_right_logical3A_312 = vector.broadcast %shift_right_logical3A_311 : i32 to vector<16xi32>
        %shift_right_logical3A_313 = arith.shrui %get3A_303, %shift_right_logical3A_312 : vector<16xi32>
        %and3A_314 = arith.constant 16383 : i32
        %and3A_315 = vector.broadcast %and3A_314 : i32 to vector<16xi32>
        %and3A_316 = arith.andi %shift_right_logical3A_313, %and3A_315 : vector<16xi32>
        %swap3A_317 = arith.constant 0 : index
        %swap3A_318 = tpu.vector_load %arg16[%swap3A_317] {strides = array<i32>} : memref<48xi32, #tpu.memory_space<vmem>>, vector<16xi32>,
        %swap3A_319 = vector.shape_cast %swap3A_318 : vector<16xi32> to vector<16xi32>
        %swap3A_320 = vector.shape_cast %and3A_316 : vector<16xi32> to vector<16xi32>
        tpu.vector_store %arg16[%swap3A_317], %swap3A_320 {strides = array<i32>} : memref<48xi32, #tpu.memory_space<vmem>>, vector<16xi32>,
        %get3A_321 = arith.constant 16 : index
        %get3A_322 = tpu.vector_load %arg8[%get3A_321] {strides = array<i32>} : memref<48xi32, #tpu.memory_space<vmem>>, vector<16xi32>,
        %get3A_323 = vector.shape_cast %get3A_322 : vector<16xi32> to vector<16xi32>
        %and3A_324 = arith.constant 16383 : i32
        %and3A_325 = vector.broadcast %and3A_324 : i32 to vector<16xi32>
        %and3A_326 = arith.andi %get3A_323, %and3A_325 : vector<16xi32>
        %swap3A_327 = arith.constant 16 : index
        %swap3A_328 = tpu.vector_load %arg12[%swap3A_327] {strides = array<i32>} : memref<48xi32, #tpu.memory_space<vmem>>, vector<16xi32>,
        %swap3A_329 = vector.shape_cast %swap3A_328 : vector<16xi32> to vector<16xi32>
        %swap3A_330 = vector.shape_cast %and3A_326 : vector<16xi32> to vector<16xi32>
        tpu.vector_store %arg12[%swap3A_327], %swap3A_330 {strides = array<i32>} : memref<48xi32, #tpu.memory_space<vmem>>, vector<16xi32>,
        %shift_right_logical3A_331 = arith.constant 14 : i32
        %shift_right_logical3A_332 = vector.broadcast %shift_right_logical3A_331 : i32 to vector<16xi32>
        %shift_right_logical3A_333 = arith.shrui %get3A_323, %shift_right_logical3A_332 : vector<16xi32>
        %and3A_334 = arith.constant 16383 : i32
        %and3A_335 = vector.broadcast %and3A_334 : i32 to vector<16xi32>
        %and3A_336 = arith.andi %shift_right_logical3A_333, %and3A_335 : vector<16xi32>
        %swap3A_337 = arith.constant 16 : index
        %swap3A_338 = tpu.vector_load %arg16[%swap3A_337] {strides = array<i32>} : memref<48xi32, #tpu.memory_space<vmem>>, vector<16xi32>,
        %swap3A_339 = vector.shape_cast %swap3A_338 : vector<16xi32> to vector<16xi32>
        %swap3A_340 = vector.shape_cast %and3A_336 : vector<16xi32> to vector<16xi32>
        tpu.vector_store %arg16[%swap3A_337], %swap3A_340 {strides = array<i32>} : memref<48xi32, #tpu.memory_space<vmem>>, vector<16xi32>,
        %get3A_341 = arith.constant 32 : index
        %get3A_342 = tpu.vector_load %arg8[%get3A_341] {strides = array<i32>} : memref<48xi32, #tpu.memory_space<vmem>>, vector<16xi32>,
        %get3A_343 = vector.shape_cast %get3A_342 : vector<16xi32> to vector<16xi32>
        %and3A_344 = arith.constant 16383 : i32
        %and3A_345 = vector.broadcast %and3A_344 : i32 to vector<16xi32>
        %and3A_346 = arith.andi %get3A_343, %and3A_345 : vector<16xi32>
        %swap3A_347 = arith.constant 32 : index
        %swap3A_348 = tpu.vector_load %arg12[%swap3A_347] {strides = array<i32>} : memref<48xi32, #tpu.memory_space<vmem>>, vector<16xi32>,
        %swap3A_349 = vector.shape_cast %swap3A_348 : vector<16xi32> to vector<16xi32>
        %swap3A_350 = vector.shape_cast %and3A_346 : vector<16xi32> to vector<16xi32>
        tpu.vector_store %arg12[%swap3A_347], %swap3A_350 {strides = array<i32>} : memref<48xi32, #tpu.memory_space<vmem>>, vector<16xi32>,
        %shift_right_logical3A_351 = arith.constant 14 : i32
        %shift_right_logical3A_352 = vector.broadcast %shift_right_logical3A_351 : i32 to vector<16xi32>
        %shift_right_logical3A_353 = arith.shrui %get3A_343, %shift_right_logical3A_352 : vector<16xi32>
        %and3A_354 = arith.constant 16383 : i32
        %and3A_355 = vector.broadcast %and3A_354 : i32 to vector<16xi32>
        %and3A_356 = arith.andi %shift_right_logical3A_353, %and3A_355 : vector<16xi32>
        %swap3A_357 = arith.constant 32 : index
        %swap3A_358 = tpu.vector_load %arg16[%swap3A_357] {strides = array<i32>} : memref<48xi32, #tpu.memory_space<vmem>>, vector<16xi32>,
        %swap3A_359 = vector.shape_cast %swap3A_358 : vector<16xi32> to vector<16xi32>
        %swap3A_360 = vector.shape_cast %and3A_356 : vector<16xi32> to vector<16xi32>
        tpu.vector_store %arg16[%swap3A_357], %swap3A_360 {strides = array<i32>} : memref<48xi32, #tpu.memory_space<vmem>>, vector<16xi32>,
        %dma_start3A_361 = arith.constant 0 : i32
        %dma_start3A_362 = arith.constant 0 : i32
        %dma_start3A_363 = tpu.memref_slice %arg2[%dma_start3A_361, %dma_start3A_362] : memref<10000x128xf32, #tpu.memory_space<hbm>> -> memref<10000x128xf32, #tpu.memory_space<hbm>>
        tpu.enqueue_indirect_dma source(%dma_start3A_363 : memref<10000x128xf32, #tpu.memory_space<hbm>>) target(%arg20 : memref<48x128xf32, #tpu.memory_space<vmem>>) offsets(%arg12 : memref<48xi32, #tpu.memory_space<vmem>>) semaphore(%arg25 : memref<!tpu.dma_semaphore, #tpu.memory_space<semaphore_mem>>)
      } else {
      }
      "tpu.region"() ({
        %run_scoped3A_301 = tpu.sem_alloc : memref<!tpu.dma_semaphore, #tpu.memory_space<semaphore_mem>>
        %dma_start3A_302 = arith.constant 0 : i32
        %dma_start3A_303 = arith.constant 0 : i32
        %dma_start3A_304 = tpu.memref_slice %arg21[%dma_start3A_302, %dma_start3A_303] : memref<10240x128xf32, #tpu.memory_space<vmem_shared>> -> memref<10240x128xf32, #tpu.memory_space<vmem_shared>>
        tpu.enqueue_indirect_dma source(%arg18 : memref<48x128xf32, #tpu.memory_space<vmem>>) target(%dma_start3A_304 : memref<10240x128xf32, #tpu.memory_space<vmem_shared>>) offsets(%arg14 : memref<48xi32, #tpu.memory_space<vmem>>) semaphore(%run_scoped3A_301 : memref<!tpu.dma_semaphore, #tpu.memory_space<semaphore_mem>>) {add = true}
        %dma_wait3A_305 = arith.constant 0 : i32
        %dma_wait3A_306 = arith.constant 0 : i32
        %dma_wait3A_307 = tpu.memref_slice %arg21[%dma_wait3A_305, %dma_wait3A_306] : memref<10240x128xf32, #tpu.memory_space<vmem_shared>> -> memref<10240x128xf32, #tpu.memory_space<vmem_shared>>
        tpu.wait_indirect_dma semaphore(%run_scoped3A_301 : memref<!tpu.dma_semaphore, #tpu.memory_space<semaphore_mem>>) src(%arg18 : memref<48x128xf32, #tpu.memory_space<vmem>>) dst(%dma_wait3A_307 : memref<10240x128xf32, #tpu.memory_space<vmem_shared>>)
        tpu.yield
      }) : () -> ()
      %mul3A_239 = arith.constant 4 : i32
      %mul3A_240 = arith.muli %mul3A_239, %scan3A_180 : i32
      %add3A_241 = arith.constant 2 : i32
      %add3A_242 = arith.addi %mul3A_240, %add3A_241 : i32
      %dma_wait3A_243 = arith.constant 0 : i32
      %dma_wait3A_244 = arith.constant 0 : i32
      %dma_wait3A_245 = tpu.memref_slice %arg2[%dma_wait3A_243, %dma_wait3A_244] : memref<10000x128xf32, #tpu.memory_space<hbm>> -> memref<10000x128xf32, #tpu.memory_space<hbm>>
      tpu.wait_indirect_dma semaphore(%arg24 : memref<!tpu.dma_semaphore, #tpu.memory_space<semaphore_mem>>) src(%dma_wait3A_245 : memref<10000x128xf32, #tpu.memory_space<hbm>>) dst(%arg19 : memref<48x128xf32, #tpu.memory_space<vmem>>)
      %add3A_246 = arith.constant 4 : i32
      %add3A_247 = arith.addi %add3A_242, %add3A_246 : i32
      %lt3A_248 = arith.constant 209 : i32
      %lt3A_249 = arith.cmpi slt, %add3A_247, %lt3A_248 : i32
      %convert_element_type3A_250 = arith.extui %lt3A_249 : i1 to i32
      %cond3A_251 = arith.constant 0 : i32
      %cond3A_252 = arith.cmpi ne, %convert_element_type3A_250, %cond3A_251 : i32
      scf.if %cond3A_252 {
        %add3A_301 = arith.constant 4 : i32
        %add3A_302 = arith.addi %add3A_242, %add3A_301 : i32
        %dma_start3A_303 = arith.constant 0 : i32
        %dma_start3A_304 = tpu.memref_slice %arg3[%add3A, %add3A_302, %dma_start3A_303] : memref<32x209x48xi32, #tpu.memory_space<hbm>> -> memref<1x1x48xi32, #tpu.memory_space<hbm>>
        %dma_start3A_305 = tpu.memref_squeeze %dma_start3A_304 : memref<1x1x48xi32, #tpu.memory_space<hbm>> -> memref<48xi32, #tpu.memory_space<hbm>>
        %dma_start3A_306 = arith.constant 0 : i32
        %dma_start3A_307 = tpu.memref_slice %arg3[%add3A, %add3A_302, %dma_start3A_306] : memref<32x209x48xi32, #tpu.memory_space<hbm>> -> memref<1x1x48xi32, #tpu.memory_space<hbm>>
        %dma_start3A_308 = tpu.memref_squeeze %dma_start3A_307 : memref<1x1x48xi32, #tpu.memory_space<hbm>> -> memref<48xi32, #tpu.memory_space<hbm>>
        tpu.enqueue_dma source(%dma_start3A_308 : memref<48xi32, #tpu.memory_space<hbm>>) target(%arg7 : memref<48xi32, #tpu.memory_space<vmem>>) target_semaphore(%arg28 : memref<!tpu.dma_semaphore, #tpu.memory_space<semaphore_mem>>)
      } else {
      }
      %ge3A_253 = arith.constant 2 : i32
      %ge3A_254 = arith.cmpi sge, %add3A_242, %ge3A_253 : i32
      %add3A_255 = arith.constant 2 : i32
      %add3A_256 = arith.addi %add3A_242, %add3A_255 : i32
      %lt3A_257 = arith.constant 209 : i32
      %lt3A_258 = arith.cmpi slt, %add3A_256, %lt3A_257 : i32
      %and3A_259 = arith.andi %ge3A_254, %lt3A_258 : i1
      %convert_element_type3A_260 = arith.extui %and3A_259 : i1 to i32
      %cond3A_261 = arith.constant 0 : i32
      %cond3A_262 = arith.cmpi ne, %convert_element_type3A_260, %cond3A_261 : i32
      scf.if %cond3A_262 {
        %dma_wait3A_301 = arith.constant 0 : i32
        %dma_wait3A_302 = arith.constant 0 : i32
        %dma_wait3A_303 = tpu.memref_slice %arg3[%add3A, %dma_wait3A_301, %dma_wait3A_302] : memref<32x209x48xi32, #tpu.memory_space<hbm>> -> memref<1x1x48xi32, #tpu.memory_space<hbm>>
        %dma_wait3A_304 = tpu.memref_squeeze %dma_wait3A_303 : memref<1x1x48xi32, #tpu.memory_space<hbm>> -> memref<48xi32, #tpu.memory_space<hbm>>
        %dma_wait3A_305 = arith.constant 0 : i32
        %dma_wait3A_306 = tpu.memref_slice %arg3[%add3A, %dma_wait3A_301, %dma_wait3A_305] : memref<32x209x48xi32, #tpu.memory_space<hbm>> -> memref<1x1x48xi32, #tpu.memory_space<hbm>>
        %dma_wait3A_307 = tpu.memref_squeeze %dma_wait3A_306 : memref<1x1x48xi32, #tpu.memory_space<hbm>> -> memref<48xi32, #tpu.memory_space<hbm>>
        tpu.wait_dma2 semaphore(%arg26 : memref<!tpu.dma_semaphore, #tpu.memory_space<semaphore_mem>>) src(%dma_wait3A_307 : memref<48xi32, #tpu.memory_space<hbm>>) dst(%arg5 : memref<48xi32, #tpu.memory_space<vmem>>)
      } else {
      }
      %add3A_263 = arith.constant 2 : i32
      %add3A_264 = arith.addi %add3A_242, %add3A_263 : i32
      %lt3A_265 = arith.constant 209 : i32
      %lt3A_266 = arith.cmpi slt, %add3A_264, %lt3A_265 : i32
      %convert_element_type3A_267 = arith.extui %lt3A_266 : i1 to i32
      %cond3A_268 = arith.constant 0 : i32
      %cond3A_269 = arith.cmpi ne, %convert_element_type3A_267, %cond3A_268 : i32
      scf.if %cond3A_269 {
        %get3A_301 = arith.constant 0 : index
        %get3A_302 = tpu.vector_load %arg5[%get3A_301] {strides = array<i32>} : memref<48xi32, #tpu.memory_space<vmem>>, vector<16xi32>,
        %get3A_303 = vector.shape_cast %get3A_302 : vector<16xi32> to vector<16xi32>
        %and3A_304 = arith.constant 16383 : i32
        %and3A_305 = vector.broadcast %and3A_304 : i32 to vector<16xi32>
        %and3A_306 = arith.andi %get3A_303, %and3A_305 : vector<16xi32>
        %swap3A_307 = arith.constant 0 : index
        %swap3A_308 = tpu.vector_load %arg9[%swap3A_307] {strides = array<i32>} : memref<48xi32, #tpu.memory_space<vmem>>, vector<16xi32>,
        %swap3A_309 = vector.shape_cast %swap3A_308 : vector<16xi32> to vector<16xi32>
        %swap3A_310 = vector.shape_cast %and3A_306 : vector<16xi32> to vector<16xi32>
        tpu.vector_store %arg9[%swap3A_307], %swap3A_310 {strides = array<i32>} : memref<48xi32, #tpu.memory_space<vmem>>, vector<16xi32>,
        %shift_right_logical3A_311 = arith.constant 14 : i32
        %shift_right_logical3A_312 = vector.broadcast %shift_right_logical3A_311 : i32 to vector<16xi32>
        %shift_right_logical3A_313 = arith.shrui %get3A_303, %shift_right_logical3A_312 : vector<16xi32>
        %and3A_314 = arith.constant 16383 : i32
        %and3A_315 = vector.broadcast %and3A_314 : i32 to vector<16xi32>
        %and3A_316 = arith.andi %shift_right_logical3A_313, %and3A_315 : vector<16xi32>
        %swap3A_317 = arith.constant 0 : index
        %swap3A_318 = tpu.vector_load %arg13[%swap3A_317] {strides = array<i32>} : memref<48xi32, #tpu.memory_space<vmem>>, vector<16xi32>,
        %swap3A_319 = vector.shape_cast %swap3A_318 : vector<16xi32> to vector<16xi32>
        %swap3A_320 = vector.shape_cast %and3A_316 : vector<16xi32> to vector<16xi32>
        tpu.vector_store %arg13[%swap3A_317], %swap3A_320 {strides = array<i32>} : memref<48xi32, #tpu.memory_space<vmem>>, vector<16xi32>,
        %get3A_321 = arith.constant 16 : index
        %get3A_322 = tpu.vector_load %arg5[%get3A_321] {strides = array<i32>} : memref<48xi32, #tpu.memory_space<vmem>>, vector<16xi32>,
        %get3A_323 = vector.shape_cast %get3A_322 : vector<16xi32> to vector<16xi32>
        %and3A_324 = arith.constant 16383 : i32
        %and3A_325 = vector.broadcast %and3A_324 : i32 to vector<16xi32>
        %and3A_326 = arith.andi %get3A_323, %and3A_325 : vector<16xi32>
        %swap3A_327 = arith.constant 16 : index
        %swap3A_328 = tpu.vector_load %arg9[%swap3A_327] {strides = array<i32>} : memref<48xi32, #tpu.memory_space<vmem>>, vector<16xi32>,
        %swap3A_329 = vector.shape_cast %swap3A_328 : vector<16xi32> to vector<16xi32>
        %swap3A_330 = vector.shape_cast %and3A_326 : vector<16xi32> to vector<16xi32>
        tpu.vector_store %arg9[%swap3A_327], %swap3A_330 {strides = array<i32>} : memref<48xi32, #tpu.memory_space<vmem>>, vector<16xi32>,
        %shift_right_logical3A_331 = arith.constant 14 : i32
        %shift_right_logical3A_332 = vector.broadcast %shift_right_logical3A_331 : i32 to vector<16xi32>
        %shift_right_logical3A_333 = arith.shrui %get3A_323, %shift_right_logical3A_332 : vector<16xi32>
        %and3A_334 = arith.constant 16383 : i32
        %and3A_335 = vector.broadcast %and3A_334 : i32 to vector<16xi32>
        %and3A_336 = arith.andi %shift_right_logical3A_333, %and3A_335 : vector<16xi32>
        %swap3A_337 = arith.constant 16 : index
        %swap3A_338 = tpu.vector_load %arg13[%swap3A_337] {strides = array<i32>} : memref<48xi32, #tpu.memory_space<vmem>>, vector<16xi32>,
        %swap3A_339 = vector.shape_cast %swap3A_338 : vector<16xi32> to vector<16xi32>
        %swap3A_340 = vector.shape_cast %and3A_336 : vector<16xi32> to vector<16xi32>
        tpu.vector_store %arg13[%swap3A_337], %swap3A_340 {strides = array<i32>} : memref<48xi32, #tpu.memory_space<vmem>>, vector<16xi32>,
        %get3A_341 = arith.constant 32 : index
        %get3A_342 = tpu.vector_load %arg5[%get3A_341] {strides = array<i32>} : memref<48xi32, #tpu.memory_space<vmem>>, vector<16xi32>,
        %get3A_343 = vector.shape_cast %get3A_342 : vector<16xi32> to vector<16xi32>
        %and3A_344 = arith.constant 16383 : i32
        %and3A_345 = vector.broadcast %and3A_344 : i32 to vector<16xi32>
        %and3A_346 = arith.andi %get3A_343, %and3A_345 : vector<16xi32>
        %swap3A_347 = arith.constant 32 : index
        %swap3A_348 = tpu.vector_load %arg9[%swap3A_347] {strides = array<i32>} : memref<48xi32, #tpu.memory_space<vmem>>, vector<16xi32>,
        %swap3A_349 = vector.shape_cast %swap3A_348 : vector<16xi32> to vector<16xi32>
        %swap3A_350 = vector.shape_cast %and3A_346 : vector<16xi32> to vector<16xi32>
        tpu.vector_store %arg9[%swap3A_347], %swap3A_350 {strides = array<i32>} : memref<48xi32, #tpu.memory_space<vmem>>, vector<16xi32>,
        %shift_right_logical3A_351 = arith.constant 14 : i32
        %shift_right_logical3A_352 = vector.broadcast %shift_right_logical3A_351 : i32 to vector<16xi32>
        %shift_right_logical3A_353 = arith.shrui %get3A_343, %shift_right_logical3A_352 : vector<16xi32>
        %and3A_354 = arith.constant 16383 : i32
        %and3A_355 = vector.broadcast %and3A_354 : i32 to vector<16xi32>
        %and3A_356 = arith.andi %shift_right_logical3A_353, %and3A_355 : vector<16xi32>
        %swap3A_357 = arith.constant 32 : index
        %swap3A_358 = tpu.vector_load %arg13[%swap3A_357] {strides = array<i32>} : memref<48xi32, #tpu.memory_space<vmem>>, vector<16xi32>,
        %swap3A_359 = vector.shape_cast %swap3A_358 : vector<16xi32> to vector<16xi32>
        %swap3A_360 = vector.shape_cast %and3A_356 : vector<16xi32> to vector<16xi32>
        tpu.vector_store %arg13[%swap3A_357], %swap3A_360 {strides = array<i32>} : memref<48xi32, #tpu.memory_space<vmem>>, vector<16xi32>,
        %dma_start3A_361 = arith.constant 0 : i32
        %dma_start3A_362 = arith.constant 0 : i32
        %dma_start3A_363 = tpu.memref_slice %arg2[%dma_start3A_361, %dma_start3A_362] : memref<10000x128xf32, #tpu.memory_space<hbm>> -> memref<10000x128xf32, #tpu.memory_space<hbm>>
        tpu.enqueue_indirect_dma source(%dma_start3A_363 : memref<10000x128xf32, #tpu.memory_space<hbm>>) target(%arg17 : memref<48x128xf32, #tpu.memory_space<vmem>>) offsets(%arg9 : memref<48xi32, #tpu.memory_space<vmem>>) semaphore(%arg22 : memref<!tpu.dma_semaphore, #tpu.memory_space<semaphore_mem>>)
      } else {
      }
      "tpu.region"() ({
        %run_scoped3A_301 = tpu.sem_alloc : memref<!tpu.dma_semaphore, #tpu.memory_space<semaphore_mem>>
        %dma_start3A_302 = arith.constant 0 : i32
        %dma_start3A_303 = arith.constant 0 : i32
        %dma_start3A_304 = tpu.memref_slice %arg21[%dma_start3A_302, %dma_start3A_303] : memref<10240x128xf32, #tpu.memory_space<vmem_shared>> -> memref<10240x128xf32, #tpu.memory_space<vmem_shared>>
        tpu.enqueue_indirect_dma source(%arg19 : memref<48x128xf32, #tpu.memory_space<vmem>>) target(%dma_start3A_304 : memref<10240x128xf32, #tpu.memory_space<vmem_shared>>) offsets(%arg15 : memref<48xi32, #tpu.memory_space<vmem>>) semaphore(%run_scoped3A_301 : memref<!tpu.dma_semaphore, #tpu.memory_space<semaphore_mem>>) {add = true}
        %dma_wait3A_305 = arith.constant 0 : i32
        %dma_wait3A_306 = arith.constant 0 : i32
        %dma_wait3A_307 = tpu.memref_slice %arg21[%dma_wait3A_305, %dma_wait3A_306] : memref<10240x128xf32, #tpu.memory_space<vmem_shared>> -> memref<10240x128xf32, #tpu.memory_space<vmem_shared>>
        tpu.wait_indirect_dma semaphore(%run_scoped3A_301 : memref<!tpu.dma_semaphore, #tpu.memory_space<semaphore_mem>>) src(%arg19 : memref<48x128xf32, #tpu.memory_space<vmem>>) dst(%dma_wait3A_307 : memref<10240x128xf32, #tpu.memory_space<vmem_shared>>)
        tpu.yield
      }) : () -> ()
      %mul3A_270 = arith.constant 4 : i32
      %mul3A_271 = arith.muli %mul3A_270, %scan3A_180 : i32
      %add3A_272 = arith.constant 3 : i32
      %add3A_273 = arith.addi %mul3A_271, %add3A_272 : i32
      %dma_wait3A_274 = arith.constant 0 : i32
      %dma_wait3A_275 = arith.constant 0 : i32
      %dma_wait3A_276 = tpu.memref_slice %arg2[%dma_wait3A_274, %dma_wait3A_275] : memref<10000x128xf32, #tpu.memory_space<hbm>> -> memref<10000x128xf32, #tpu.memory_space<hbm>>
      tpu.wait_indirect_dma semaphore(%arg25 : memref<!tpu.dma_semaphore, #tpu.memory_space<semaphore_mem>>) src(%dma_wait3A_276 : memref<10000x128xf32, #tpu.memory_space<hbm>>) dst(%arg20 : memref<48x128xf32, #tpu.memory_space<vmem>>)
      %add3A_277 = arith.constant 4 : i32
      %add3A_278 = arith.addi %add3A_273, %add3A_277 : i32
      %lt3A_279 = arith.constant 209 : i32
      %lt3A_280 = arith.cmpi slt, %add3A_278, %lt3A_279 : i32
      %convert_element_type3A_281 = arith.extui %lt3A_280 : i1 to i32
      %cond3A_282 = arith.constant 0 : i32
      %cond3A_283 = arith.cmpi ne, %convert_element_type3A_281, %cond3A_282 : i32
      scf.if %cond3A_283 {
        %add3A_301 = arith.constant 4 : i32
        %add3A_302 = arith.addi %add3A_273, %add3A_301 : i32
        %dma_start3A_303 = arith.constant 0 : i32
        %dma_start3A_304 = tpu.memref_slice %arg3[%add3A, %add3A_302, %dma_start3A_303] : memref<32x209x48xi32, #tpu.memory_space<hbm>> -> memref<1x1x48xi32, #tpu.memory_space<hbm>>
        %dma_start3A_305 = tpu.memref_squeeze %dma_start3A_304 : memref<1x1x48xi32, #tpu.memory_space<hbm>> -> memref<48xi32, #tpu.memory_space<hbm>>
        %dma_start3A_306 = arith.constant 0 : i32
        %dma_start3A_307 = tpu.memref_slice %arg3[%add3A, %add3A_302, %dma_start3A_306] : memref<32x209x48xi32, #tpu.memory_space<hbm>> -> memref<1x1x48xi32, #tpu.memory_space<hbm>>
        %dma_start3A_308 = tpu.memref_squeeze %dma_start3A_307 : memref<1x1x48xi32, #tpu.memory_space<hbm>> -> memref<48xi32, #tpu.memory_space<hbm>>
        tpu.enqueue_dma source(%dma_start3A_308 : memref<48xi32, #tpu.memory_space<hbm>>) target(%arg8 : memref<48xi32, #tpu.memory_space<vmem>>) target_semaphore(%arg29 : memref<!tpu.dma_semaphore, #tpu.memory_space<semaphore_mem>>)
      } else {
      }
      %ge3A_284 = arith.constant 2 : i32
      %ge3A_285 = arith.cmpi sge, %add3A_273, %ge3A_284 : i32
      %add3A_286 = arith.constant 2 : i32
      %add3A_287 = arith.addi %add3A_273, %add3A_286 : i32
      %lt3A_288 = arith.constant 209 : i32
      %lt3A_289 = arith.cmpi slt, %add3A_287, %lt3A_288 : i32
      %and3A_290 = arith.andi %ge3A_285, %lt3A_289 : i1
      %convert_element_type3A_291 = arith.extui %and3A_290 : i1 to i32
      %cond3A_292 = arith.constant 0 : i32
      %cond3A_293 = arith.cmpi ne, %convert_element_type3A_291, %cond3A_292 : i32
      scf.if %cond3A_293 {
        %dma_wait3A_301 = arith.constant 0 : i32
        %dma_wait3A_302 = arith.constant 0 : i32
        %dma_wait3A_303 = tpu.memref_slice %arg3[%add3A, %dma_wait3A_301, %dma_wait3A_302] : memref<32x209x48xi32, #tpu.memory_space<hbm>> -> memref<1x1x48xi32, #tpu.memory_space<hbm>>
        %dma_wait3A_304 = tpu.memref_squeeze %dma_wait3A_303 : memref<1x1x48xi32, #tpu.memory_space<hbm>> -> memref<48xi32, #tpu.memory_space<hbm>>
        %dma_wait3A_305 = arith.constant 0 : i32
        %dma_wait3A_306 = tpu.memref_slice %arg3[%add3A, %dma_wait3A_301, %dma_wait3A_305] : memref<32x209x48xi32, #tpu.memory_space<hbm>> -> memref<1x1x48xi32, #tpu.memory_space<hbm>>
        %dma_wait3A_307 = tpu.memref_squeeze %dma_wait3A_306 : memref<1x1x48xi32, #tpu.memory_space<hbm>> -> memref<48xi32, #tpu.memory_space<hbm>>
        tpu.wait_dma2 semaphore(%arg27 : memref<!tpu.dma_semaphore, #tpu.memory_space<semaphore_mem>>) src(%dma_wait3A_307 : memref<48xi32, #tpu.memory_space<hbm>>) dst(%arg6 : memref<48xi32, #tpu.memory_space<vmem>>)
      } else {
      }
      %add3A_294 = arith.constant 2 : i32
      %add3A_295 = arith.addi %add3A_273, %add3A_294 : i32
      %lt3A_296 = arith.constant 209 : i32
      %lt3A_297 = arith.cmpi slt, %add3A_295, %lt3A_296 : i32
      %convert_element_type3A_298 = arith.extui %lt3A_297 : i1 to i32
      %cond3A_299 = arith.constant 0 : i32
      %cond3A_300 = arith.cmpi ne, %convert_element_type3A_298, %cond3A_299 : i32
      scf.if %cond3A_300 {
        %get3A_301 = arith.constant 0 : index
        %get3A_302 = tpu.vector_load %arg6[%get3A_301] {strides = array<i32>} : memref<48xi32, #tpu.memory_space<vmem>>, vector<16xi32>,
        %get3A_303 = vector.shape_cast %get3A_302 : vector<16xi32> to vector<16xi32>
        %and3A_304 = arith.constant 16383 : i32
        %and3A_305 = vector.broadcast %and3A_304 : i32 to vector<16xi32>
        %and3A_306 = arith.andi %get3A_303, %and3A_305 : vector<16xi32>
        %swap3A_307 = arith.constant 0 : index
        %swap3A_308 = tpu.vector_load %arg10[%swap3A_307] {strides = array<i32>} : memref<48xi32, #tpu.memory_space<vmem>>, vector<16xi32>,
        %swap3A_309 = vector.shape_cast %swap3A_308 : vector<16xi32> to vector<16xi32>
        %swap3A_310 = vector.shape_cast %and3A_306 : vector<16xi32> to vector<16xi32>
        tpu.vector_store %arg10[%swap3A_307], %swap3A_310 {strides = array<i32>} : memref<48xi32, #tpu.memory_space<vmem>>, vector<16xi32>,
        %shift_right_logical3A_311 = arith.constant 14 : i32
        %shift_right_logical3A_312 = vector.broadcast %shift_right_logical3A_311 : i32 to vector<16xi32>
        %shift_right_logical3A_313 = arith.shrui %get3A_303, %shift_right_logical3A_312 : vector<16xi32>
        %and3A_314 = arith.constant 16383 : i32
        %and3A_315 = vector.broadcast %and3A_314 : i32 to vector<16xi32>
        %and3A_316 = arith.andi %shift_right_logical3A_313, %and3A_315 : vector<16xi32>
        %swap3A_317 = arith.constant 0 : index
        %swap3A_318 = tpu.vector_load %arg14[%swap3A_317] {strides = array<i32>} : memref<48xi32, #tpu.memory_space<vmem>>, vector<16xi32>,
        %swap3A_319 = vector.shape_cast %swap3A_318 : vector<16xi32> to vector<16xi32>
        %swap3A_320 = vector.shape_cast %and3A_316 : vector<16xi32> to vector<16xi32>
        tpu.vector_store %arg14[%swap3A_317], %swap3A_320 {strides = array<i32>} : memref<48xi32, #tpu.memory_space<vmem>>, vector<16xi32>,
        %get3A_321 = arith.constant 16 : index
        %get3A_322 = tpu.vector_load %arg6[%get3A_321] {strides = array<i32>} : memref<48xi32, #tpu.memory_space<vmem>>, vector<16xi32>,
        %get3A_323 = vector.shape_cast %get3A_322 : vector<16xi32> to vector<16xi32>
        %and3A_324 = arith.constant 16383 : i32
        %and3A_325 = vector.broadcast %and3A_324 : i32 to vector<16xi32>
        %and3A_326 = arith.andi %get3A_323, %and3A_325 : vector<16xi32>
        %swap3A_327 = arith.constant 16 : index
        %swap3A_328 = tpu.vector_load %arg10[%swap3A_327] {strides = array<i32>} : memref<48xi32, #tpu.memory_space<vmem>>, vector<16xi32>,
        %swap3A_329 = vector.shape_cast %swap3A_328 : vector<16xi32> to vector<16xi32>
        %swap3A_330 = vector.shape_cast %and3A_326 : vector<16xi32> to vector<16xi32>
        tpu.vector_store %arg10[%swap3A_327], %swap3A_330 {strides = array<i32>} : memref<48xi32, #tpu.memory_space<vmem>>, vector<16xi32>,
        %shift_right_logical3A_331 = arith.constant 14 : i32
        %shift_right_logical3A_332 = vector.broadcast %shift_right_logical3A_331 : i32 to vector<16xi32>
        %shift_right_logical3A_333 = arith.shrui %get3A_323, %shift_right_logical3A_332 : vector<16xi32>
        %and3A_334 = arith.constant 16383 : i32
        %and3A_335 = vector.broadcast %and3A_334 : i32 to vector<16xi32>
        %and3A_336 = arith.andi %shift_right_logical3A_333, %and3A_335 : vector<16xi32>
        %swap3A_337 = arith.constant 16 : index
        %swap3A_338 = tpu.vector_load %arg14[%swap3A_337] {strides = array<i32>} : memref<48xi32, #tpu.memory_space<vmem>>, vector<16xi32>,
        %swap3A_339 = vector.shape_cast %swap3A_338 : vector<16xi32> to vector<16xi32>
        %swap3A_340 = vector.shape_cast %and3A_336 : vector<16xi32> to vector<16xi32>
        tpu.vector_store %arg14[%swap3A_337], %swap3A_340 {strides = array<i32>} : memref<48xi32, #tpu.memory_space<vmem>>, vector<16xi32>,
        %get3A_341 = arith.constant 32 : index
        %get3A_342 = tpu.vector_load %arg6[%get3A_341] {strides = array<i32>} : memref<48xi32, #tpu.memory_space<vmem>>, vector<16xi32>,
        %get3A_343 = vector.shape_cast %get3A_342 : vector<16xi32> to vector<16xi32>
        %and3A_344 = arith.constant 16383 : i32
        %and3A_345 = vector.broadcast %and3A_344 : i32 to vector<16xi32>
        %and3A_346 = arith.andi %get3A_343, %and3A_345 : vector<16xi32>
        %swap3A_347 = arith.constant 32 : index
        %swap3A_348 = tpu.vector_load %arg10[%swap3A_347] {strides = array<i32>} : memref<48xi32, #tpu.memory_space<vmem>>, vector<16xi32>,
        %swap3A_349 = vector.shape_cast %swap3A_348 : vector<16xi32> to vector<16xi32>
        %swap3A_350 = vector.shape_cast %and3A_346 : vector<16xi32> to vector<16xi32>
        tpu.vector_store %arg10[%swap3A_347], %swap3A_350 {strides = array<i32>} : memref<48xi32, #tpu.memory_space<vmem>>, vector<16xi32>,
        %shift_right_logical3A_351 = arith.constant 14 : i32
        %shift_right_logical3A_352 = vector.broadcast %shift_right_logical3A_351 : i32 to vector<16xi32>
        %shift_right_logical3A_353 = arith.shrui %get3A_343, %shift_right_logical3A_352 : vector<16xi32>
        %and3A_354 = arith.constant 16383 : i32
        %and3A_355 = vector.broadcast %and3A_354 : i32 to vector<16xi32>
        %and3A_356 = arith.andi %shift_right_logical3A_353, %and3A_355 : vector<16xi32>
        %swap3A_357 = arith.constant 32 : index
        %swap3A_358 = tpu.vector_load %arg14[%swap3A_357] {strides = array<i32>} : memref<48xi32, #tpu.memory_space<vmem>>, vector<16xi32>,
        %swap3A_359 = vector.shape_cast %swap3A_358 : vector<16xi32> to vector<16xi32>
        %swap3A_360 = vector.shape_cast %and3A_356 : vector<16xi32> to vector<16xi32>
        tpu.vector_store %arg14[%swap3A_357], %swap3A_360 {strides = array<i32>} : memref<48xi32, #tpu.memory_space<vmem>>, vector<16xi32>,
        %dma_start3A_361 = arith.constant 0 : i32
        %dma_start3A_362 = arith.constant 0 : i32
        %dma_start3A_363 = tpu.memref_slice %arg2[%dma_start3A_361, %dma_start3A_362] : memref<10000x128xf32, #tpu.memory_space<hbm>> -> memref<10000x128xf32, #tpu.memory_space<hbm>>
        tpu.enqueue_indirect_dma source(%dma_start3A_363 : memref<10000x128xf32, #tpu.memory_space<hbm>>) target(%arg18 : memref<48x128xf32, #tpu.memory_space<vmem>>) offsets(%arg10 : memref<48xi32, #tpu.memory_space<vmem>>) semaphore(%arg23 : memref<!tpu.dma_semaphore, #tpu.memory_space<semaphore_mem>>)
      } else {
      }
      "tpu.region"() ({
        %run_scoped3A_301 = tpu.sem_alloc : memref<!tpu.dma_semaphore, #tpu.memory_space<semaphore_mem>>
        %dma_start3A_302 = arith.constant 0 : i32
        %dma_start3A_303 = arith.constant 0 : i32
        %dma_start3A_304 = tpu.memref_slice %arg21[%dma_start3A_302, %dma_start3A_303] : memref<10240x128xf32, #tpu.memory_space<vmem_shared>> -> memref<10240x128xf32, #tpu.memory_space<vmem_shared>>
        tpu.enqueue_indirect_dma source(%arg20 : memref<48x128xf32, #tpu.memory_space<vmem>>) target(%dma_start3A_304 : memref<10240x128xf32, #tpu.memory_space<vmem_shared>>) offsets(%arg16 : memref<48xi32, #tpu.memory_space<vmem>>) semaphore(%run_scoped3A_301 : memref<!tpu.dma_semaphore, #tpu.memory_space<semaphore_mem>>) {add = true}
        %dma_wait3A_305 = arith.constant 0 : i32
        %dma_wait3A_306 = arith.constant 0 : i32
        %dma_wait3A_307 = tpu.memref_slice %arg21[%dma_wait3A_305, %dma_wait3A_306] : memref<10240x128xf32, #tpu.memory_space<vmem_shared>> -> memref<10240x128xf32, #tpu.memory_space<vmem_shared>>
        tpu.wait_indirect_dma semaphore(%run_scoped3A_301 : memref<!tpu.dma_semaphore, #tpu.memory_space<semaphore_mem>>) src(%arg20 : memref<48x128xf32, #tpu.memory_space<vmem>>) dst(%dma_wait3A_307 : memref<10240x128xf32, #tpu.memory_space<vmem_shared>>)
        tpu.yield
      }) : () -> ()
    }
    %scan3A_166 = arith.constant 52 : i32
    %dma_wait3A = arith.constant 0 : i32
    %dma_wait3A_167 = arith.constant 0 : i32
    %dma_wait3A_168 = tpu.memref_slice %arg2[%dma_wait3A, %dma_wait3A_167] : memref<10000x128xf32, #tpu.memory_space<hbm>> -> memref<10000x128xf32, #tpu.memory_space<hbm>>
    tpu.wait_indirect_dma semaphore(%arg22 : memref<!tpu.dma_semaphore, #tpu.memory_space<semaphore_mem>>) src(%dma_wait3A_168 : memref<10000x128xf32, #tpu.memory_space<hbm>>) dst(%arg17 : memref<48x128xf32, #tpu.memory_space<vmem>>)
    "tpu.region"() ({
      %run_scoped3A_180 = tpu.sem_alloc : memref<!tpu.dma_semaphore, #tpu.memory_space<semaphore_mem>>
      %dma_start3A_181 = arith.constant 0 : i32
      %dma_start3A_182 = arith.constant 0 : i32
      %dma_start3A_183 = tpu.memref_slice %arg21[%dma_start3A_181, %dma_start3A_182] : memref<10240x128xf32, #tpu.memory_space<vmem_shared>> -> memref<10240x128xf32, #tpu.memory_space<vmem_shared>>
      tpu.enqueue_indirect_dma source(%arg17 : memref<48x128xf32, #tpu.memory_space<vmem>>) target(%dma_start3A_183 : memref<10240x128xf32, #tpu.memory_space<vmem_shared>>) offsets(%arg13 : memref<48xi32, #tpu.memory_space<vmem>>) semaphore(%run_scoped3A_180 : memref<!tpu.dma_semaphore, #tpu.memory_space<semaphore_mem>>) {add = true}
      %dma_wait3A_184 = arith.constant 0 : i32
      %dma_wait3A_185 = arith.constant 0 : i32
      %dma_wait3A_186 = tpu.memref_slice %arg21[%dma_wait3A_184, %dma_wait3A_185] : memref<10240x128xf32, #tpu.memory_space<vmem_shared>> -> memref<10240x128xf32, #tpu.memory_space<vmem_shared>>
      tpu.wait_indirect_dma semaphore(%run_scoped3A_180 : memref<!tpu.dma_semaphore, #tpu.memory_space<semaphore_mem>>) src(%arg17 : memref<48x128xf32, #tpu.memory_space<vmem>>) dst(%dma_wait3A_186 : memref<10240x128xf32, #tpu.memory_space<vmem_shared>>)
      tpu.yield
    }) : () -> ()
    %barrier3A_169 = arith.constant 0 : index
    tpu.barrier barrier_id(%barrier3A_169)
    %add3A_170 = arith.constant 0 : i32
    %add3A_171 = arith.addi %mul3A_8, %add3A_170 : i32
    "tpu.region"() ({
      %run_scoped3A_180 = tpu.sem_alloc : memref<!tpu.dma_semaphore, #tpu.memory_space<semaphore_mem>>
      %dma_start3A_181 = arith.constant 0 : i32
      %dma_start3A_182 = tpu.memref_slice %arg4[%arg0, %add3A_171, %dma_start3A_181] : memref<2x10240x128xf32, #tpu.memory_space<hbm>> -> memref<1x128x128xf32, #tpu.memory_space<hbm>>
      %dma_start3A_183 = tpu.memref_squeeze %dma_start3A_182 : memref<1x128x128xf32, #tpu.memory_space<hbm>> -> memref<128x128xf32, #tpu.memory_space<hbm>>
      %dma_start3A_184 = arith.constant 0 : i32
      %dma_start3A_185 = tpu.memref_slice %arg21[%add3A_171, %dma_start3A_184] : memref<10240x128xf32, #tpu.memory_space<vmem_shared>> -> memref<128x128xf32, #tpu.memory_space<vmem_shared>>
      tpu.enqueue_dma source(%dma_start3A_185 : memref<128x128xf32, #tpu.memory_space<vmem_shared>>) target(%dma_start3A_183 : memref<128x128xf32, #tpu.memory_space<hbm>>) target_semaphore(%run_scoped3A_180 : memref<!tpu.dma_semaphore, #tpu.memory_space<semaphore_mem>>)
      %dma_wait3A_186 = arith.constant 0 : i32
      %dma_wait3A_187 = tpu.memref_slice %arg4[%arg0, %add3A_171, %dma_wait3A_186] : memref<2x10240x128xf32, #tpu.memory_space<hbm>> -> memref<1x128x128xf32, #tpu.memory_space<hbm>>
      %dma_wait3A_188 = tpu.memref_squeeze %dma_wait3A_187 : memref<1x128x128xf32, #tpu.memory_space<hbm>> -> memref<128x128xf32, #tpu.memory_space<hbm>>
      %dma_wait3A_189 = arith.constant 0 : i32
      %dma_wait3A_190 = tpu.memref_slice %arg21[%add3A_171, %dma_wait3A_189] : memref<10240x128xf32, #tpu.memory_space<vmem_shared>> -> memref<128x128xf32, #tpu.memory_space<vmem_shared>>
      tpu.wait_dma2 semaphore(%run_scoped3A_180 : memref<!tpu.dma_semaphore, #tpu.memory_space<semaphore_mem>>) src(%dma_wait3A_190 : memref<128x128xf32, #tpu.memory_space<vmem_shared>>) dst(%dma_wait3A_188 : memref<128x128xf32, #tpu.memory_space<hbm>>)
      tpu.yield
    }) : () -> ()
    %add3A_172 = arith.constant 128 : i32
    %add3A_173 = arith.addi %mul3A_8, %add3A_172 : i32
    "tpu.region"() ({
      %run_scoped3A_180 = tpu.sem_alloc : memref<!tpu.dma_semaphore, #tpu.memory_space<semaphore_mem>>
      %dma_start3A_181 = arith.constant 0 : i32
      %dma_start3A_182 = tpu.memref_slice %arg4[%arg0, %add3A_173, %dma_start3A_181] : memref<2x10240x128xf32, #tpu.memory_space<hbm>> -> memref<1x128x128xf32, #tpu.memory_space<hbm>>
      %dma_start3A_183 = tpu.memref_squeeze %dma_start3A_182 : memref<1x128x128xf32, #tpu.memory_space<hbm>> -> memref<128x128xf32, #tpu.memory_space<hbm>>
      %dma_start3A_184 = arith.constant 0 : i32
      %dma_start3A_185 = tpu.memref_slice %arg21[%add3A_173, %dma_start3A_184] : memref<10240x128xf32, #tpu.memory_space<vmem_shared>> -> memref<128x128xf32, #tpu.memory_space<vmem_shared>>
      tpu.enqueue_dma source(%dma_start3A_185 : memref<128x128xf32, #tpu.memory_space<vmem_shared>>) target(%dma_start3A_183 : memref<128x128xf32, #tpu.memory_space<hbm>>) target_semaphore(%run_scoped3A_180 : memref<!tpu.dma_semaphore, #tpu.memory_space<semaphore_mem>>)
      %dma_wait3A_186 = arith.constant 0 : i32
      %dma_wait3A_187 = tpu.memref_slice %arg4[%arg0, %add3A_173, %dma_wait3A_186] : memref<2x10240x128xf32, #tpu.memory_space<hbm>> -> memref<1x128x128xf32, #tpu.memory_space<hbm>>
      %dma_wait3A_188 = tpu.memref_squeeze %dma_wait3A_187 : memref<1x128x128xf32, #tpu.memory_space<hbm>> -> memref<128x128xf32, #tpu.memory_space<hbm>>
      %dma_wait3A_189 = arith.constant 0 : i32
      %dma_wait3A_190 = tpu.memref_slice %arg21[%add3A_173, %dma_wait3A_189] : memref<10240x128xf32, #tpu.memory_space<vmem_shared>> -> memref<128x128xf32, #tpu.memory_space<vmem_shared>>
      tpu.wait_dma2 semaphore(%run_scoped3A_180 : memref<!tpu.dma_semaphore, #tpu.memory_space<semaphore_mem>>) src(%dma_wait3A_190 : memref<128x128xf32, #tpu.memory_space<vmem_shared>>) dst(%dma_wait3A_188 : memref<128x128xf32, #tpu.memory_space<hbm>>)
      tpu.yield
    }) : () -> ()
    %add3A_174 = arith.constant 256 : i32
    %add3A_175 = arith.addi %mul3A_8, %add3A_174 : i32
    "tpu.region"() ({
      %run_scoped3A_180 = tpu.sem_alloc : memref<!tpu.dma_semaphore, #tpu.memory_space<semaphore_mem>>
      %dma_start3A_181 = arith.constant 0 : i32
      %dma_start3A_182 = tpu.memref_slice %arg4[%arg0, %add3A_175, %dma_start3A_181] : memref<2x10240x128xf32, #tpu.memory_space<hbm>> -> memref<1x128x128xf32, #tpu.memory_space<hbm>>
      %dma_start3A_183 = tpu.memref_squeeze %dma_start3A_182 : memref<1x128x128xf32, #tpu.memory_space<hbm>> -> memref<128x128xf32, #tpu.memory_space<hbm>>
      %dma_start3A_184 = arith.constant 0 : i32
      %dma_start3A_185 = tpu.memref_slice %arg21[%add3A_175, %dma_start3A_184] : memref<10240x128xf32, #tpu.memory_space<vmem_shared>> -> memref<128x128xf32, #tpu.memory_space<vmem_shared>>
      tpu.enqueue_dma source(%dma_start3A_185 : memref<128x128xf32, #tpu.memory_space<vmem_shared>>) target(%dma_start3A_183 : memref<128x128xf32, #tpu.memory_space<hbm>>) target_semaphore(%run_scoped3A_180 : memref<!tpu.dma_semaphore, #tpu.memory_space<semaphore_mem>>)
      %dma_wait3A_186 = arith.constant 0 : i32
      %dma_wait3A_187 = tpu.memref_slice %arg4[%arg0, %add3A_175, %dma_wait3A_186] : memref<2x10240x128xf32, #tpu.memory_space<hbm>> -> memref<1x128x128xf32, #tpu.memory_space<hbm>>
      %dma_wait3A_188 = tpu.memref_squeeze %dma_wait3A_187 : memref<1x128x128xf32, #tpu.memory_space<hbm>> -> memref<128x128xf32, #tpu.memory_space<hbm>>
      %dma_wait3A_189 = arith.constant 0 : i32
      %dma_wait3A_190 = tpu.memref_slice %arg21[%add3A_175, %dma_wait3A_189] : memref<10240x128xf32, #tpu.memory_space<vmem_shared>> -> memref<128x128xf32, #tpu.memory_space<vmem_shared>>
      tpu.wait_dma2 semaphore(%run_scoped3A_180 : memref<!tpu.dma_semaphore, #tpu.memory_space<semaphore_mem>>) src(%dma_wait3A_190 : memref<128x128xf32, #tpu.memory_space<vmem_shared>>) dst(%dma_wait3A_188 : memref<128x128xf32, #tpu.memory_space<hbm>>)
      tpu.yield
    }) : () -> ()
    %add3A_176 = arith.constant 384 : i32
    %add3A_177 = arith.addi %mul3A_8, %add3A_176 : i32
    "tpu.region"() ({
      %run_scoped3A_180 = tpu.sem_alloc : memref<!tpu.dma_semaphore, #tpu.memory_space<semaphore_mem>>
      %dma_start3A_181 = arith.constant 0 : i32
      %dma_start3A_182 = tpu.memref_slice %arg4[%arg0, %add3A_177, %dma_start3A_181] : memref<2x10240x128xf32, #tpu.memory_space<hbm>> -> memref<1x128x128xf32, #tpu.memory_space<hbm>>
      %dma_start3A_183 = tpu.memref_squeeze %dma_start3A_182 : memref<1x128x128xf32, #tpu.memory_space<hbm>> -> memref<128x128xf32, #tpu.memory_space<hbm>>
      %dma_start3A_184 = arith.constant 0 : i32
      %dma_start3A_185 = tpu.memref_slice %arg21[%add3A_177, %dma_start3A_184] : memref<10240x128xf32, #tpu.memory_space<vmem_shared>> -> memref<128x128xf32, #tpu.memory_space<vmem_shared>>
      tpu.enqueue_dma source(%dma_start3A_185 : memref<128x128xf32, #tpu.memory_space<vmem_shared>>) target(%dma_start3A_183 : memref<128x128xf32, #tpu.memory_space<hbm>>) target_semaphore(%run_scoped3A_180 : memref<!tpu.dma_semaphore, #tpu.memory_space<semaphore_mem>>)
      %dma_wait3A_186 = arith.constant 0 : i32
      %dma_wait3A_187 = tpu.memref_slice %arg4[%arg0, %add3A_177, %dma_wait3A_186] : memref<2x10240x128xf32, #tpu.memory_space<hbm>> -> memref<1x128x128xf32, #tpu.memory_space<hbm>>
      %dma_wait3A_188 = tpu.memref_squeeze %dma_wait3A_187 : memref<1x128x128xf32, #tpu.memory_space<hbm>> -> memref<128x128xf32, #tpu.memory_space<hbm>>
      %dma_wait3A_189 = arith.constant 0 : i32
      %dma_wait3A_190 = tpu.memref_slice %arg21[%add3A_177, %dma_wait3A_189] : memref<10240x128xf32, #tpu.memory_space<vmem_shared>> -> memref<128x128xf32, #tpu.memory_space<vmem_shared>>
      tpu.wait_dma2 semaphore(%run_scoped3A_180 : memref<!tpu.dma_semaphore, #tpu.memory_space<semaphore_mem>>) src(%dma_wait3A_190 : memref<128x128xf32, #tpu.memory_space<vmem_shared>>) dst(%dma_wait3A_188 : memref<128x128xf32, #tpu.memory_space<hbm>>)
      tpu.yield
    }) : () -> ()
    %add3A_178 = arith.constant 512 : i32
    %add3A_179 = arith.addi %mul3A_8, %add3A_178 : i32
    "tpu.region"() ({
      %run_scoped3A_180 = tpu.sem_alloc : memref<!tpu.dma_semaphore, #tpu.memory_space<semaphore_mem>>
      %dma_start3A_181 = arith.constant 0 : i32
      %dma_start3A_182 = tpu.memref_slice %arg4[%arg0, %add3A_179, %dma_start3A_181] : memref<2x10240x128xf32, #tpu.memory_space<hbm>> -> memref<1x128x128xf32, #tpu.memory_space<hbm>>
      %dma_start3A_183 = tpu.memref_squeeze %dma_start3A_182 : memref<1x128x128xf32, #tpu.memory_space<hbm>> -> memref<128x128xf32, #tpu.memory_space<hbm>>
      %dma_start3A_184 = arith.constant 0 : i32
      %dma_start3A_185 = tpu.memref_slice %arg21[%add3A_179, %dma_start3A_184] : memref<10240x128xf32, #tpu.memory_space<vmem_shared>> -> memref<128x128xf32, #tpu.memory_space<vmem_shared>>
      tpu.enqueue_dma source(%dma_start3A_185 : memref<128x128xf32, #tpu.memory_space<vmem_shared>>) target(%dma_start3A_183 : memref<128x128xf32, #tpu.memory_space<hbm>>) target_semaphore(%run_scoped3A_180 : memref<!tpu.dma_semaphore, #tpu.memory_space<semaphore_mem>>)
      %dma_wait3A_186 = arith.constant 0 : i32
      %dma_wait3A_187 = tpu.memref_slice %arg4[%arg0, %add3A_179, %dma_wait3A_186] : memref<2x10240x128xf32, #tpu.memory_space<hbm>> -> memref<1x128x128xf32, #tpu.memory_space<hbm>>
      %dma_wait3A_188 = tpu.memref_squeeze %dma_wait3A_187 : memref<1x128x128xf32, #tpu.memory_space<hbm>> -> memref<128x128xf32, #tpu.memory_space<hbm>>
      %dma_wait3A_189 = arith.constant 0 : i32
      %dma_wait3A_190 = tpu.memref_slice %arg21[%add3A_179, %dma_wait3A_189] : memref<10240x128xf32, #tpu.memory_space<vmem_shared>> -> memref<128x128xf32, #tpu.memory_space<vmem_shared>>
      tpu.wait_dma2 semaphore(%run_scoped3A_180 : memref<!tpu.dma_semaphore, #tpu.memory_space<semaphore_mem>>) src(%dma_wait3A_190 : memref<128x128xf32, #tpu.memory_space<vmem_shared>>) dst(%dma_wait3A_188 : memref<128x128xf32, #tpu.memory_space<hbm>>)
      tpu.yield
    }) : () -> ()
    return
  }
}

#map = affine_map<(d0, d1) -> (0, 0)>
#map1 = affine_map<(d0, d1) -> (0, 0, 0)>
module attributes {stable_mosaic.version = 14 : i64} {
  func.func @seg(%arg0: i32, %arg1: i32, %arg2: memref<10000x128xf32, #tpu.memory_space<hbm>>, %arg3: memref<32x209x48xi32, #tpu.memory_space<hbm>>, %arg4: memref<2x10240x128xf32, #tpu.memory_space<hbm>>, %arg5: memref<48xi32, #tpu.memory_space<vmem>>, %arg6: memref<48xi32, #tpu.memory_space<vmem>>, %arg7: memref<48xi32, #tpu.memory_space<vmem>>, %arg8: memref<48xi32, #tpu.memory_space<vmem>>, %arg9: memref<48xi32, #tpu.memory_space<vmem>>, %arg10: memref<48xi32, #tpu.memory_space<vmem>>, %arg11: memref<48xi32, #tpu.memory_space<vmem>>, %arg12: memref<48xi32, #tpu.memory_space<vmem>>, %arg13: memref<48xi32, #tpu.memory_space<vmem>>, %arg14: memref<48xi32, #tpu.memory_space<vmem>>, %arg15: memref<48xi32, #tpu.memory_space<vmem>>, %arg16: memref<48xi32, #tpu.memory_space<vmem>>, %arg17: memref<48x128xf32, #tpu.memory_space<vmem>>, %arg18: memref<48x128xf32, #tpu.memory_space<vmem>>, %arg19: memref<48x128xf32, #tpu.memory_space<vmem>>, %arg20: memref<48x128xf32, #tpu.memory_space<vmem>>, %arg21: memref<10240x128xf32, #tpu.memory_space<vmem_shared>>, %arg22: memref<!tpu.dma_semaphore, #tpu.memory_space<semaphore_mem>>, %arg23: memref<!tpu.dma_semaphore, #tpu.memory_space<semaphore_mem>>, %arg24: memref<!tpu.dma_semaphore, #tpu.memory_space<semaphore_mem>>, %arg25: memref<!tpu.dma_semaphore, #tpu.memory_space<semaphore_mem>>, %arg26: memref<!tpu.dma_semaphore, #tpu.memory_space<semaphore_mem>>, %arg27: memref<!tpu.dma_semaphore, #tpu.memory_space<semaphore_mem>>, %arg28: memref<!tpu.dma_semaphore, #tpu.memory_space<semaphore_mem>>, %arg29: memref<!tpu.dma_semaphore, #tpu.memory_space<semaphore_mem>>) attributes {dimension_semantics = [#tpu.dimension_semantics<core_parallel>, #tpu.dimension_semantics<subcore_parallel>], iteration_bounds = array<i64: 2, 16>, scalar_prefetch = 0 : i64, scratch_operands = 25 : i64, tpu.core_type = #tpu.core_type<sc_vector_subcore>, window_params = [{transform_indices = #map}, {transform_indices = #map1}, {transform_indices = #map1}]} {
    %mul3A = arith.constant 2 : i32
    %mul3A_0 = arith.muli %arg1, %mul3A : i32
    %add3A = arith.addi %mul3A_0, %arg0 : i32
    %broadcast_in_dim3A = arith.constant 0.000000e+00 : f32
    %broadcast_in_dim3A_1 = vector.broadcast %broadcast_in_dim3A : f32 to vector<16xf32>
    %scan3A = arith.constant 0 : i32
    %scan3A_2 = arith.constant 0 : i32
    %scan3A_3 = arith.constant 48 : i32
    %scan3A_4 = arith.addi %scan3A_2, %scan3A_3 : i32
    %scan3A_5 = arith.constant 1 : i32
    scf.for %scan3A_180 = %scan3A_2 to %scan3A_4 step %scan3A_5  : i32 {
      %swap3A_181 = arith.index_cast %scan3A_180 : i32 to index
      %swap3A_182 = arith.constant 0 : index
      %swap3A_183 = tpu.vector_load %arg17[%swap3A_181, %swap3A_182] {strides = array<i32>} : memref<48x128xf32, #tpu.memory_space<vmem>>, vector<1x16xf32>,
      %swap3A_184 = vector.shape_cast %swap3A_183 : vector<1x16xf32> to vector<16xf32>
      %swap3A_185 = vector.shape_cast %broadcast_in_dim3A_1 : vector<16xf32> to vector<1x16xf32>
      tpu.vector_store %arg17[%swap3A_181, %swap3A_182], %swap3A_185 {strides = array<i32>} : memref<48x128xf32, #tpu.memory_space<vmem>>, vector<1x16xf32>,
      %swap3A_186 = arith.index_cast %scan3A_180 : i32 to index
      %swap3A_187 = arith.constant 16 : index
      %swap3A_188 = tpu.vector_load %arg17[%swap3A_186, %swap3A_187] {strides = array<i32>} : memref<48x128xf32, #tpu.memory_space<vmem>>, vector<1x16xf32>,
      %swap3A_189 = vector.shape_cast %swap3A_188 : vector<1x16xf32> to vector<16xf32>
      %swap3A_190 = vector.shape_cast %broadcast_in_dim3A_1 : vector<16xf32> to vector<1x16xf32>
      tpu.vector_store %arg17[%swap3A_186, %swap3A_187], %swap3A_190 {strides = array<i32>} : memref<48x128xf32, #tpu.memory_space<vmem>>, vector<1x16xf32>,
      %swap3A_191 = arith.index_cast %scan3A_180 : i32 to index
      %swap3A_192 = arith.constant 32 : index
      %swap3A_193 = tpu.vector_load %arg17[%swap3A_191, %swap3A_192] {strides = array<i32>} : memref<48x128xf32, #tpu.memory_space<vmem>>, vector<1x16xf32>,
      %swap3A_194 = vector.shape_cast %swap3A_193 : vector<1x16xf32> to vector<16xf32>
      %swap3A_195 = vector.shape_cast %broadcast_in_dim3A_1 : vector<16xf32> to vector<1x16xf32>
      tpu.vector_store %arg17[%swap3A_191, %swap3A_192], %swap3A_195 {strides = array<i32>} : memref<48x128xf32, #tpu.memory_space<vmem>>, vector<1x16xf32>,
      %swap3A_196 = arith.index_cast %scan3A_180 : i32 to index
      %swap3A_197 = arith.constant 48 : index
      %swap3A_198 = tpu.vector_load %arg17[%swap3A_196, %swap3A_197] {strides = array<i32>} : memref<48x128xf32, #tpu.memory_space<vmem>>, vector<1x16xf32>,
      %swap3A_199 = vector.shape_cast %swap3A_198 : vector<1x16xf32> to vector<16xf32>
      %swap3A_200 = vector.shape_cast %broadcast_in_dim3A_1 : vector<16xf32> to vector<1x16xf32>
      tpu.vector_store %arg17[%swap3A_196, %swap3A_197], %swap3A_200 {strides = array<i32>} : memref<48x128xf32, #tpu.memory_space<vmem>>, vector<1x16xf32>,
      %swap3A_201 = arith.index_cast %scan3A_180 : i32 to index
      %swap3A_202 = arith.constant 64 : index
      %swap3A_203 = tpu.vector_load %arg17[%swap3A_201, %swap3A_202] {strides = array<i32>} : memref<48x128xf32, #tpu.memory_space<vmem>>, vector<1x16xf32>,
      %swap3A_204 = vector.shape_cast %swap3A_203 : vector<1x16xf32> to vector<16xf32>
      %swap3A_205 = vector.shape_cast %broadcast_in_dim3A_1 : vector<16xf32> to vector<1x16xf32>
      tpu.vector_store %arg17[%swap3A_201, %swap3A_202], %swap3A_205 {strides = array<i32>} : memref<48x128xf32, #tpu.memory_space<vmem>>, vector<1x16xf32>,
      %swap3A_206 = arith.index_cast %scan3A_180 : i32 to index
      %swap3A_207 = arith.constant 80 : index
      %swap3A_208 = tpu.vector_load %arg17[%swap3A_206, %swap3A_207] {strides = array<i32>} : memref<48x128xf32, #tpu.memory_space<vmem>>, vector<1x16xf32>,
      %swap3A_209 = vector.shape_cast %swap3A_208 : vector<1x16xf32> to vector<16xf32>
      %swap3A_210 = vector.shape_cast %broadcast_in_dim3A_1 : vector<16xf32> to vector<1x16xf32>
      tpu.vector_store %arg17[%swap3A_206, %swap3A_207], %swap3A_210 {strides = array<i32>} : memref<48x128xf32, #tpu.memory_space<vmem>>, vector<1x16xf32>,
      %swap3A_211 = arith.index_cast %scan3A_180 : i32 to index
      %swap3A_212 = arith.constant 96 : index
      %swap3A_213 = tpu.vector_load %arg17[%swap3A_211, %swap3A_212] {strides = array<i32>} : memref<48x128xf32, #tpu.memory_space<vmem>>, vector<1x16xf32>,
      %swap3A_214 = vector.shape_cast %swap3A_213 : vector<1x16xf32> to vector<16xf32>
      %swap3A_215 = vector.shape_cast %broadcast_in_dim3A_1 : vector<16xf32> to vector<1x16xf32>
      tpu.vector_store %arg17[%swap3A_211, %swap3A_212], %swap3A_215 {strides = array<i32>} : memref<48x128xf32, #tpu.memory_space<vmem>>, vector<1x16xf32>,
      %swap3A_216 = arith.index_cast %scan3A_180 : i32 to index
      %swap3A_217 = arith.constant 112 : index
      %swap3A_218 = tpu.vector_load %arg17[%swap3A_216, %swap3A_217] {strides = array<i32>} : memref<48x128xf32, #tpu.memory_space<vmem>>, vector<1x16xf32>,
      %swap3A_219 = vector.shape_cast %swap3A_218 : vector<1x16xf32> to vector<16xf32>
      %swap3A_220 = vector.shape_cast %broadcast_in_dim3A_1 : vector<16xf32> to vector<1x16xf32>
      tpu.vector_store %arg17[%swap3A_216, %swap3A_217], %swap3A_220 {strides = array<i32>} : memref<48x128xf32, #tpu.memory_space<vmem>>, vector<1x16xf32>,
    }
    %scan3A_6 = arith.constant 48 : i32
    %mul3A_7 = arith.constant 640 : i32
    %mul3A_8 = arith.muli %arg1, %mul3A_7 : i32
    %add3A_9 = arith.constant 0 : i32
    %add3A_10 = arith.addi %mul3A_8, %add3A_9 : i32
    "tpu.region"() ({
      %run_scoped3A_180 = tpu.sem_alloc : memref<!tpu.dma_semaphore, #tpu.memory_space<semaphore_mem>>
      %dma_start3A_181 = arith.constant 0 : i32
      %dma_start3A_182 = tpu.memref_slice %arg21[%add3A_10, %dma_start3A_181] : memref<10240x128xf32, #tpu.memory_space<vmem_shared>> -> memref<48x128xf32, #tpu.memory_space<vmem_shared>>
      %dma_start3A_183 = arith.constant 0 : i32
      %dma_start3A_184 = tpu.memref_slice %arg21[%add3A_10, %dma_start3A_183] : memref<10240x128xf32, #tpu.memory_space<vmem_shared>> -> memref<48x128xf32, #tpu.memory_space<vmem_shared>>
      tpu.enqueue_dma source(%arg17 : memref<48x128xf32, #tpu.memory_space<vmem>>) target(%dma_start3A_184 : memref<48x128xf32, #tpu.memory_space<vmem_shared>>) target_semaphore(%run_scoped3A_180 : memref<!tpu.dma_semaphore, #tpu.memory_space<semaphore_mem>>)
      %dma_wait3A_185 = arith.constant 0 : i32
      %dma_wait3A_186 = tpu.memref_slice %arg21[%add3A_10, %dma_wait3A_185] : memref<10240x128xf32, #tpu.memory_space<vmem_shared>> -> memref<48x128xf32, #tpu.memory_space<vmem_shared>>
      %dma_wait3A_187 = arith.constant 0 : i32
      %dma_wait3A_188 = tpu.memref_slice %arg21[%add3A_10, %dma_wait3A_187] : memref<10240x128xf32, #tpu.memory_space<vmem_shared>> -> memref<48x128xf32, #tpu.memory_space<vmem_shared>>
      tpu.wait_dma2 semaphore(%run_scoped3A_180 : memref<!tpu.dma_semaphore, #tpu.memory_space<semaphore_mem>>) src(%arg17 : memref<48x128xf32, #tpu.memory_space<vmem>>) dst(%dma_wait3A_188 : memref<48x128xf32, #tpu.memory_space<vmem_shared>>)
      tpu.yield
    }) : () -> ()
    %add3A_11 = arith.constant 48 : i32
    %add3A_12 = arith.addi %mul3A_8, %add3A_11 : i32
    "tpu.region"() ({
      %run_scoped3A_180 = tpu.sem_alloc : memref<!tpu.dma_semaphore, #tpu.memory_space<semaphore_mem>>
      %dma_start3A_181 = arith.constant 0 : i32
      %dma_start3A_182 = tpu.memref_slice %arg21[%add3A_12, %dma_start3A_181] : memref<10240x128xf32, #tpu.memory_space<vmem_shared>> -> memref<48x128xf32, #tpu.memory_space<vmem_shared>>
      %dma_start3A_183 = arith.constant 0 : i32
      %dma_start3A_184 = tpu.memref_slice %arg21[%add3A_12, %dma_start3A_183] : memref<10240x128xf32, #tpu.memory_space<vmem_shared>> -> memref<48x128xf32, #tpu.memory_space<vmem_shared>>
      tpu.enqueue_dma source(%arg17 : memref<48x128xf32, #tpu.memory_space<vmem>>) target(%dma_start3A_184 : memref<48x128xf32, #tpu.memory_space<vmem_shared>>) target_semaphore(%run_scoped3A_180 : memref<!tpu.dma_semaphore, #tpu.memory_space<semaphore_mem>>)
      %dma_wait3A_185 = arith.constant 0 : i32
      %dma_wait3A_186 = tpu.memref_slice %arg21[%add3A_12, %dma_wait3A_185] : memref<10240x128xf32, #tpu.memory_space<vmem_shared>> -> memref<48x128xf32, #tpu.memory_space<vmem_shared>>
      %dma_wait3A_187 = arith.constant 0 : i32
      %dma_wait3A_188 = tpu.memref_slice %arg21[%add3A_12, %dma_wait3A_187] : memref<10240x128xf32, #tpu.memory_space<vmem_shared>> -> memref<48x128xf32, #tpu.memory_space<vmem_shared>>
      tpu.wait_dma2 semaphore(%run_scoped3A_180 : memref<!tpu.dma_semaphore, #tpu.memory_space<semaphore_mem>>) src(%arg17 : memref<48x128xf32, #tpu.memory_space<vmem>>) dst(%dma_wait3A_188 : memref<48x128xf32, #tpu.memory_space<vmem_shared>>)
      tpu.yield
    }) : () -> ()
    %add3A_13 = arith.constant 96 : i32
    %add3A_14 = arith.addi %mul3A_8, %add3A_13 : i32
    "tpu.region"() ({
      %run_scoped3A_180 = tpu.sem_alloc : memref<!tpu.dma_semaphore, #tpu.memory_space<semaphore_mem>>
      %dma_start3A_181 = arith.constant 0 : i32
      %dma_start3A_182 = tpu.memref_slice %arg21[%add3A_14, %dma_start3A_181] : memref<10240x128xf32, #tpu.memory_space<vmem_shared>> -> memref<48x128xf32, #tpu.memory_space<vmem_shared>>
      %dma_start3A_183 = arith.constant 0 : i32
      %dma_start3A_184 = tpu.memref_slice %arg21[%add3A_14, %dma_start3A_183] : memref<10240x128xf32, #tpu.memory_space<vmem_shared>> -> memref<48x128xf32, #tpu.memory_space<vmem_shared>>
      tpu.enqueue_dma source(%arg17 : memref<48x128xf32, #tpu.memory_space<vmem>>) target(%dma_start3A_184 : memref<48x128xf32, #tpu.memory_space<vmem_shared>>) target_semaphore(%run_scoped3A_180 : memref<!tpu.dma_semaphore, #tpu.memory_space<semaphore_mem>>)
      %dma_wait3A_185 = arith.constant 0 : i32
      %dma_wait3A_186 = tpu.memref_slice %arg21[%add3A_14, %dma_wait3A_185] : memref<10240x128xf32, #tpu.memory_space<vmem_shared>> -> memref<48x128xf32, #tpu.memory_space<vmem_shared>>
      %dma_wait3A_187 = arith.constant 0 : i32
      %dma_wait3A_188 = tpu.memref_slice %arg21[%add3A_14, %dma_wait3A_187] : memref<10240x128xf32, #tpu.memory_space<vmem_shared>> -> memref<48x128xf32, #tpu.memory_space<vmem_shared>>
      tpu.wait_dma2 semaphore(%run_scoped3A_180 : memref<!tpu.dma_semaphore, #tpu.memory_space<semaphore_mem>>) src(%arg17 : memref<48x128xf32, #tpu.memory_space<vmem>>) dst(%dma_wait3A_188 : memref<48x128xf32, #tpu.memory_space<vmem_shared>>)
      tpu.yield
    }) : () -> ()
    %add3A_15 = arith.constant 144 : i32
    %add3A_16 = arith.addi %mul3A_8, %add3A_15 : i32
    "tpu.region"() ({
      %run_scoped3A_180 = tpu.sem_alloc : memref<!tpu.dma_semaphore, #tpu.memory_space<semaphore_mem>>
      %dma_start3A_181 = arith.constant 0 : i32
      %dma_start3A_182 = tpu.memref_slice %arg21[%add3A_16, %dma_start3A_181] : memref<10240x128xf32, #tpu.memory_space<vmem_shared>> -> memref<48x128xf32, #tpu.memory_space<vmem_shared>>
      %dma_start3A_183 = arith.constant 0 : i32
      %dma_start3A_184 = tpu.memref_slice %arg21[%add3A_16, %dma_start3A_183] : memref<10240x128xf32, #tpu.memory_space<vmem_shared>> -> memref<48x128xf32, #tpu.memory_space<vmem_shared>>
      tpu.enqueue_dma source(%arg17 : memref<48x128xf32, #tpu.memory_space<vmem>>) target(%dma_start3A_184 : memref<48x128xf32, #tpu.memory_space<vmem_shared>>) target_semaphore(%run_scoped3A_180 : memref<!tpu.dma_semaphore, #tpu.memory_space<semaphore_mem>>)
      %dma_wait3A_185 = arith.constant 0 : i32
      %dma_wait3A_186 = tpu.memref_slice %arg21[%add3A_16, %dma_wait3A_185] : memref<10240x128xf32, #tpu.memory_space<vmem_shared>> -> memref<48x128xf32, #tpu.memory_space<vmem_shared>>
      %dma_wait3A_187 = arith.constant 0 : i32
      %dma_wait3A_188 = tpu.memref_slice %arg21[%add3A_16, %dma_wait3A_187] : memref<10240x128xf32, #tpu.memory_space<vmem_shared>> -> memref<48x128xf32, #tpu.memory_space<vmem_shared>>
      tpu.wait_dma2 semaphore(%run_scoped3A_180 : memref<!tpu.dma_semaphore, #tpu.memory_space<semaphore_mem>>) src(%arg17 : memref<48x128xf32, #tpu.memory_space<vmem>>) dst(%dma_wait3A_188 : memref<48x128xf32, #tpu.memory_space<vmem_shared>>)
      tpu.yield
    }) : () -> ()
    %add3A_17 = arith.constant 192 : i32
    %add3A_18 = arith.addi %mul3A_8, %add3A_17 : i32
    "tpu.region"() ({
      %run_scoped3A_180 = tpu.sem_alloc : memref<!tpu.dma_semaphore, #tpu.memory_space<semaphore_mem>>
      %dma_start3A_181 = arith.constant 0 : i32
      %dma_start3A_182 = tpu.memref_slice %arg21[%add3A_18, %dma_start3A_181] : memref<10240x128xf32, #tpu.memory_space<vmem_shared>> -> memref<48x128xf32, #tpu.memory_space<vmem_shared>>
      %dma_start3A_183 = arith.constant 0 : i32
      %dma_start3A_184 = tpu.memref_slice %arg21[%add3A_18, %dma_start3A_183] : memref<10240x128xf32, #tpu.memory_space<vmem_shared>> -> memref<48x128xf32, #tpu.memory_space<vmem_shared>>
      tpu.enqueue_dma source(%arg17 : memref<48x128xf32, #tpu.memory_space<vmem>>) target(%dma_start3A_184 : memref<48x128xf32, #tpu.memory_space<vmem_shared>>) target_semaphore(%run_scoped3A_180 : memref<!tpu.dma_semaphore, #tpu.memory_space<semaphore_mem>>)
      %dma_wait3A_185 = arith.constant 0 : i32
      %dma_wait3A_186 = tpu.memref_slice %arg21[%add3A_18, %dma_wait3A_185] : memref<10240x128xf32, #tpu.memory_space<vmem_shared>> -> memref<48x128xf32, #tpu.memory_space<vmem_shared>>
      %dma_wait3A_187 = arith.constant 0 : i32
      %dma_wait3A_188 = tpu.memref_slice %arg21[%add3A_18, %dma_wait3A_187] : memref<10240x128xf32, #tpu.memory_space<vmem_shared>> -> memref<48x128xf32, #tpu.memory_space<vmem_shared>>
      tpu.wait_dma2 semaphore(%run_scoped3A_180 : memref<!tpu.dma_semaphore, #tpu.memory_space<semaphore_mem>>) src(%arg17 : memref<48x128xf32, #tpu.memory_space<vmem>>) dst(%dma_wait3A_188 : memref<48x128xf32, #tpu.memory_space<vmem_shared>>)
      tpu.yield
    }) : () -> ()
    %add3A_19 = arith.constant 240 : i32
    %add3A_20 = arith.addi %mul3A_8, %add3A_19 : i32
    "tpu.region"() ({
      %run_scoped3A_180 = tpu.sem_alloc : memref<!tpu.dma_semaphore, #tpu.memory_space<semaphore_mem>>
      %dma_start3A_181 = arith.constant 0 : i32
      %dma_start3A_182 = tpu.memref_slice %arg21[%add3A_20, %dma_start3A_181] : memref<10240x128xf32, #tpu.memory_space<vmem_shared>> -> memref<48x128xf32, #tpu.memory_space<vmem_shared>>
      %dma_start3A_183 = arith.constant 0 : i32
      %dma_start3A_184 = tpu.memref_slice %arg21[%add3A_20, %dma_start3A_183] : memref<10240x128xf32, #tpu.memory_space<vmem_shared>> -> memref<48x128xf32, #tpu.memory_space<vmem_shared>>
      tpu.enqueue_dma source(%arg17 : memref<48x128xf32, #tpu.memory_space<vmem>>) target(%dma_start3A_184 : memref<48x128xf32, #tpu.memory_space<vmem_shared>>) target_semaphore(%run_scoped3A_180 : memref<!tpu.dma_semaphore, #tpu.memory_space<semaphore_mem>>)
      %dma_wait3A_185 = arith.constant 0 : i32
      %dma_wait3A_186 = tpu.memref_slice %arg21[%add3A_20, %dma_wait3A_185] : memref<10240x128xf32, #tpu.memory_space<vmem_shared>> -> memref<48x128xf32, #tpu.memory_space<vmem_shared>>
      %dma_wait3A_187 = arith.constant 0 : i32
      %dma_wait3A_188 = tpu.memref_slice %arg21[%add3A_20, %dma_wait3A_187] : memref<10240x128xf32, #tpu.memory_space<vmem_shared>> -> memref<48x128xf32, #tpu.memory_space<vmem_shared>>
      tpu.wait_dma2 semaphore(%run_scoped3A_180 : memref<!tpu.dma_semaphore, #tpu.memory_space<semaphore_mem>>) src(%arg17 : memref<48x128xf32, #tpu.memory_space<vmem>>) dst(%dma_wait3A_188 : memref<48x128xf32, #tpu.memory_space<vmem_shared>>)
      tpu.yield
    }) : () -> ()
    %add3A_21 = arith.constant 288 : i32
    %add3A_22 = arith.addi %mul3A_8, %add3A_21 : i32
    "tpu.region"() ({
      %run_scoped3A_180 = tpu.sem_alloc : memref<!tpu.dma_semaphore, #tpu.memory_space<semaphore_mem>>
      %dma_start3A_181 = arith.constant 0 : i32
      %dma_start3A_182 = tpu.memref_slice %arg21[%add3A_22, %dma_start3A_181] : memref<10240x128xf32, #tpu.memory_space<vmem_shared>> -> memref<48x128xf32, #tpu.memory_space<vmem_shared>>
      %dma_start3A_183 = arith.constant 0 : i32
      %dma_start3A_184 = tpu.memref_slice %arg21[%add3A_22, %dma_start3A_183] : memref<10240x128xf32, #tpu.memory_space<vmem_shared>> -> memref<48x128xf32, #tpu.memory_space<vmem_shared>>
      tpu.enqueue_dma source(%arg17 : memref<48x128xf32, #tpu.memory_space<vmem>>) target(%dma_start3A_184 : memref<48x128xf32, #tpu.memory_space<vmem_shared>>) target_semaphore(%run_scoped3A_180 : memref<!tpu.dma_semaphore, #tpu.memory_space<semaphore_mem>>)
      %dma_wait3A_185 = arith.constant 0 : i32
      %dma_wait3A_186 = tpu.memref_slice %arg21[%add3A_22, %dma_wait3A_185] : memref<10240x128xf32, #tpu.memory_space<vmem_shared>> -> memref<48x128xf32, #tpu.memory_space<vmem_shared>>
      %dma_wait3A_187 = arith.constant 0 : i32
      %dma_wait3A_188 = tpu.memref_slice %arg21[%add3A_22, %dma_wait3A_187] : memref<10240x128xf32, #tpu.memory_space<vmem_shared>> -> memref<48x128xf32, #tpu.memory_space<vmem_shared>>
      tpu.wait_dma2 semaphore(%run_scoped3A_180 : memref<!tpu.dma_semaphore, #tpu.memory_space<semaphore_mem>>) src(%arg17 : memref<48x128xf32, #tpu.memory_space<vmem>>) dst(%dma_wait3A_188 : memref<48x128xf32, #tpu.memory_space<vmem_shared>>)
      tpu.yield
    }) : () -> ()
    %add3A_23 = arith.constant 336 : i32
    %add3A_24 = arith.addi %mul3A_8, %add3A_23 : i32
    "tpu.region"() ({
      %run_scoped3A_180 = tpu.sem_alloc : memref<!tpu.dma_semaphore, #tpu.memory_space<semaphore_mem>>
      %dma_start3A_181 = arith.constant 0 : i32
      %dma_start3A_182 = tpu.memref_slice %arg21[%add3A_24, %dma_start3A_181] : memref<10240x128xf32, #tpu.memory_space<vmem_shared>> -> memref<48x128xf32, #tpu.memory_space<vmem_shared>>
      %dma_start3A_183 = arith.constant 0 : i32
      %dma_start3A_184 = tpu.memref_slice %arg21[%add3A_24, %dma_start3A_183] : memref<10240x128xf32, #tpu.memory_space<vmem_shared>> -> memref<48x128xf32, #tpu.memory_space<vmem_shared>>
      tpu.enqueue_dma source(%arg17 : memref<48x128xf32, #tpu.memory_space<vmem>>) target(%dma_start3A_184 : memref<48x128xf32, #tpu.memory_space<vmem_shared>>) target_semaphore(%run_scoped3A_180 : memref<!tpu.dma_semaphore, #tpu.memory_space<semaphore_mem>>)
      %dma_wait3A_185 = arith.constant 0 : i32
      %dma_wait3A_186 = tpu.memref_slice %arg21[%add3A_24, %dma_wait3A_185] : memref<10240x128xf32, #tpu.memory_space<vmem_shared>> -> memref<48x128xf32, #tpu.memory_space<vmem_shared>>
      %dma_wait3A_187 = arith.constant 0 : i32
      %dma_wait3A_188 = tpu.memref_slice %arg21[%add3A_24, %dma_wait3A_187] : memref<10240x128xf32, #tpu.memory_space<vmem_shared>> -> memref<48x128xf32, #tpu.memory_space<vmem_shared>>
      tpu.wait_dma2 semaphore(%run_scoped3A_180 : memref<!tpu.dma_semaphore, #tpu.memory_space<semaphore_mem>>) src(%arg17 : memref<48x128xf32, #tpu.memory_space<vmem>>) dst(%dma_wait3A_188 : memref<48x128xf32, #tpu.memory_space<vmem_shared>>)
      tpu.yield
    }) : () -> ()
    %add3A_25 = arith.constant 384 : i32
    %add3A_26 = arith.addi %mul3A_8, %add3A_25 : i32
    "tpu.region"() ({
      %run_scoped3A_180 = tpu.sem_alloc : memref<!tpu.dma_semaphore, #tpu.memory_space<semaphore_mem>>
      %dma_start3A_181 = arith.constant 0 : i32
      %dma_start3A_182 = tpu.memref_slice %arg21[%add3A_26, %dma_start3A_181] : memref<10240x128xf32, #tpu.memory_space<vmem_shared>> -> memref<48x128xf32, #tpu.memory_space<vmem_shared>>
      %dma_start3A_183 = arith.constant 0 : i32
      %dma_start3A_184 = tpu.memref_slice %arg21[%add3A_26, %dma_start3A_183] : memref<10240x128xf32, #tpu.memory_space<vmem_shared>> -> memref<48x128xf32, #tpu.memory_space<vmem_shared>>
      tpu.enqueue_dma source(%arg17 : memref<48x128xf32, #tpu.memory_space<vmem>>) target(%dma_start3A_184 : memref<48x128xf32, #tpu.memory_space<vmem_shared>>) target_semaphore(%run_scoped3A_180 : memref<!tpu.dma_semaphore, #tpu.memory_space<semaphore_mem>>)
      %dma_wait3A_185 = arith.constant 0 : i32
      %dma_wait3A_186 = tpu.memref_slice %arg21[%add3A_26, %dma_wait3A_185] : memref<10240x128xf32, #tpu.memory_space<vmem_shared>> -> memref<48x128xf32, #tpu.memory_space<vmem_shared>>
      %dma_wait3A_187 = arith.constant 0 : i32
      %dma_wait3A_188 = tpu.memref_slice %arg21[%add3A_26, %dma_wait3A_187] : memref<10240x128xf32, #tpu.memory_space<vmem_shared>> -> memref<48x128xf32, #tpu.memory_space<vmem_shared>>
      tpu.wait_dma2 semaphore(%run_scoped3A_180 : memref<!tpu.dma_semaphore, #tpu.memory_space<semaphore_mem>>) src(%arg17 : memref<48x128xf32, #tpu.memory_space<vmem>>) dst(%dma_wait3A_188 : memref<48x128xf32, #tpu.memory_space<vmem_shared>>)
      tpu.yield
    }) : () -> ()
    %add3A_27 = arith.constant 432 : i32
    %add3A_28 = arith.addi %mul3A_8, %add3A_27 : i32
    "tpu.region"() ({
      %run_scoped3A_180 = tpu.sem_alloc : memref<!tpu.dma_semaphore, #tpu.memory_space<semaphore_mem>>
      %dma_start3A_181 = arith.constant 0 : i32
      %dma_start3A_182 = tpu.memref_slice %arg21[%add3A_28, %dma_start3A_181] : memref<10240x128xf32, #tpu.memory_space<vmem_shared>> -> memref<48x128xf32, #tpu.memory_space<vmem_shared>>
      %dma_start3A_183 = arith.constant 0 : i32
      %dma_start3A_184 = tpu.memref_slice %arg21[%add3A_28, %dma_start3A_183] : memref<10240x128xf32, #tpu.memory_space<vmem_shared>> -> memref<48x128xf32, #tpu.memory_space<vmem_shared>>
      tpu.enqueue_dma source(%arg17 : memref<48x128xf32, #tpu.memory_space<vmem>>) target(%dma_start3A_184 : memref<48x128xf32, #tpu.memory_space<vmem_shared>>) target_semaphore(%run_scoped3A_180 : memref<!tpu.dma_semaphore, #tpu.memory_space<semaphore_mem>>)
      %dma_wait3A_185 = arith.constant 0 : i32
      %dma_wait3A_186 = tpu.memref_slice %arg21[%add3A_28, %dma_wait3A_185] : memref<10240x128xf32, #tpu.memory_space<vmem_shared>> -> memref<48x128xf32, #tpu.memory_space<vmem_shared>>
      %dma_wait3A_187 = arith.constant 0 : i32
      %dma_wait3A_188 = tpu.memref_slice %arg21[%add3A_28, %dma_wait3A_187] : memref<10240x128xf32, #tpu.memory_space<vmem_shared>> -> memref<48x128xf32, #tpu.memory_space<vmem_shared>>
      tpu.wait_dma2 semaphore(%run_scoped3A_180 : memref<!tpu.dma_semaphore, #tpu.memory_space<semaphore_mem>>) src(%arg17 : memref<48x128xf32, #tpu.memory_space<vmem>>) dst(%dma_wait3A_188 : memref<48x128xf32, #tpu.memory_space<vmem_shared>>)
      tpu.yield
    }) : () -> ()
    %add3A_29 = arith.constant 480 : i32
    %add3A_30 = arith.addi %mul3A_8, %add3A_29 : i32
    "tpu.region"() ({
      %run_scoped3A_180 = tpu.sem_alloc : memref<!tpu.dma_semaphore, #tpu.memory_space<semaphore_mem>>
      %dma_start3A_181 = arith.constant 0 : i32
      %dma_start3A_182 = tpu.memref_slice %arg21[%add3A_30, %dma_start3A_181] : memref<10240x128xf32, #tpu.memory_space<vmem_shared>> -> memref<48x128xf32, #tpu.memory_space<vmem_shared>>
      %dma_start3A_183 = arith.constant 0 : i32
      %dma_start3A_184 = tpu.memref_slice %arg21[%add3A_30, %dma_start3A_183] : memref<10240x128xf32, #tpu.memory_space<vmem_shared>> -> memref<48x128xf32, #tpu.memory_space<vmem_shared>>
      tpu.enqueue_dma source(%arg17 : memref<48x128xf32, #tpu.memory_space<vmem>>) target(%dma_start3A_184 : memref<48x128xf32, #tpu.memory_space<vmem_shared>>) target_semaphore(%run_scoped3A_180 : memref<!tpu.dma_semaphore, #tpu.memory_space<semaphore_mem>>)
      %dma_wait3A_185 = arith.constant 0 : i32
      %dma_wait3A_186 = tpu.memref_slice %arg21[%add3A_30, %dma_wait3A_185] : memref<10240x128xf32, #tpu.memory_space<vmem_shared>> -> memref<48x128xf32, #tpu.memory_space<vmem_shared>>
      %dma_wait3A_187 = arith.constant 0 : i32
      %dma_wait3A_188 = tpu.memref_slice %arg21[%add3A_30, %dma_wait3A_187] : memref<10240x128xf32, #tpu.memory_space<vmem_shared>> -> memref<48x128xf32, #tpu.memory_space<vmem_shared>>
      tpu.wait_dma2 semaphore(%run_scoped3A_180 : memref<!tpu.dma_semaphore, #tpu.memory_space<semaphore_mem>>) src(%arg17 : memref<48x128xf32, #tpu.memory_space<vmem>>) dst(%dma_wait3A_188 : memref<48x128xf32, #tpu.memory_space<vmem_shared>>)
      tpu.yield
    }) : () -> ()
    %add3A_31 = arith.constant 528 : i32
    %add3A_32 = arith.addi %mul3A_8, %add3A_31 : i32
    "tpu.region"() ({
      %run_scoped3A_180 = tpu.sem_alloc : memref<!tpu.dma_semaphore, #tpu.memory_space<semaphore_mem>>
      %dma_start3A_181 = arith.constant 0 : i32
      %dma_start3A_182 = tpu.memref_slice %arg21[%add3A_32, %dma_start3A_181] : memref<10240x128xf32, #tpu.memory_space<vmem_shared>> -> memref<48x128xf32, #tpu.memory_space<vmem_shared>>
      %dma_start3A_183 = arith.constant 0 : i32
      %dma_start3A_184 = tpu.memref_slice %arg21[%add3A_32, %dma_start3A_183] : memref<10240x128xf32, #tpu.memory_space<vmem_shared>> -> memref<48x128xf32, #tpu.memory_space<vmem_shared>>
      tpu.enqueue_dma source(%arg17 : memref<48x128xf32, #tpu.memory_space<vmem>>) target(%dma_start3A_184 : memref<48x128xf32, #tpu.memory_space<vmem_shared>>) target_semaphore(%run_scoped3A_180 : memref<!tpu.dma_semaphore, #tpu.memory_space<semaphore_mem>>)
      %dma_wait3A_185 = arith.constant 0 : i32
      %dma_wait3A_186 = tpu.memref_slice %arg21[%add3A_32, %dma_wait3A_185] : memref<10240x128xf32, #tpu.memory_space<vmem_shared>> -> memref<48x128xf32, #tpu.memory_space<vmem_shared>>
      %dma_wait3A_187 = arith.constant 0 : i32
      %dma_wait3A_188 = tpu.memref_slice %arg21[%add3A_32, %dma_wait3A_187] : memref<10240x128xf32, #tpu.memory_space<vmem_shared>> -> memref<48x128xf32, #tpu.memory_space<vmem_shared>>
      tpu.wait_dma2 semaphore(%run_scoped3A_180 : memref<!tpu.dma_semaphore, #tpu.memory_space<semaphore_mem>>) src(%arg17 : memref<48x128xf32, #tpu.memory_space<vmem>>) dst(%dma_wait3A_188 : memref<48x128xf32, #tpu.memory_space<vmem_shared>>)
      tpu.yield
    }) : () -> ()
    %add3A_33 = arith.constant 576 : i32
    %add3A_34 = arith.addi %mul3A_8, %add3A_33 : i32
    "tpu.region"() ({
      %run_scoped3A_180 = tpu.sem_alloc : memref<!tpu.dma_semaphore, #tpu.memory_space<semaphore_mem>>
      %dma_start3A_181 = arith.constant 0 : i32
      %dma_start3A_182 = tpu.memref_slice %arg21[%add3A_34, %dma_start3A_181] : memref<10240x128xf32, #tpu.memory_space<vmem_shared>> -> memref<48x128xf32, #tpu.memory_space<vmem_shared>>
      %dma_start3A_183 = arith.constant 0 : i32
      %dma_start3A_184 = tpu.memref_slice %arg21[%add3A_34, %dma_start3A_183] : memref<10240x128xf32, #tpu.memory_space<vmem_shared>> -> memref<48x128xf32, #tpu.memory_space<vmem_shared>>
      tpu.enqueue_dma source(%arg17 : memref<48x128xf32, #tpu.memory_space<vmem>>) target(%dma_start3A_184 : memref<48x128xf32, #tpu.memory_space<vmem_shared>>) target_semaphore(%run_scoped3A_180 : memref<!tpu.dma_semaphore, #tpu.memory_space<semaphore_mem>>)
      %dma_wait3A_185 = arith.constant 0 : i32
      %dma_wait3A_186 = tpu.memref_slice %arg21[%add3A_34, %dma_wait3A_185] : memref<10240x128xf32, #tpu.memory_space<vmem_shared>> -> memref<48x128xf32, #tpu.memory_space<vmem_shared>>
      %dma_wait3A_187 = arith.constant 0 : i32
      %dma_wait3A_188 = tpu.memref_slice %arg21[%add3A_34, %dma_wait3A_187] : memref<10240x128xf32, #tpu.memory_space<vmem_shared>> -> memref<48x128xf32, #tpu.memory_space<vmem_shared>>
      tpu.wait_dma2 semaphore(%run_scoped3A_180 : memref<!tpu.dma_semaphore, #tpu.memory_space<semaphore_mem>>) src(%arg17 : memref<48x128xf32, #tpu.memory_space<vmem>>) dst(%dma_wait3A_188 : memref<48x128xf32, #tpu.memory_space<vmem_shared>>)
      tpu.yield
    }) : () -> ()
    %add3A_35 = arith.constant 624 : i32
    %add3A_36 = arith.addi %mul3A_8, %add3A_35 : i32
    "tpu.region"() ({
      %run_scoped3A_180 = tpu.sem_alloc : memref<!tpu.dma_semaphore, #tpu.memory_space<semaphore_mem>>
      %dma_start3A_181 = arith.constant 0 : i32
      %dma_start3A_182 = arith.constant 0 : i32
      %dma_start3A_183 = tpu.memref_slice %arg17[%dma_start3A_181, %dma_start3A_182] : memref<48x128xf32, #tpu.memory_space<vmem>> -> memref<16x128xf32, #tpu.memory_space<vmem>>
      %dma_start3A_184 = arith.constant 0 : i32
      %dma_start3A_185 = tpu.memref_slice %arg21[%add3A_36, %dma_start3A_184] : memref<10240x128xf32, #tpu.memory_space<vmem_shared>> -> memref<16x128xf32, #tpu.memory_space<vmem_shared>>
      %dma_start3A_186 = arith.constant 0 : i32
      %dma_start3A_187 = tpu.memref_slice %arg21[%add3A_36, %dma_start3A_186] : memref<10240x128xf32, #tpu.memory_space<vmem_shared>> -> memref<16x128xf32, #tpu.memory_space<vmem_shared>>
      %dma_start3A_188 = arith.constant 0 : i32
      %dma_start3A_189 = arith.constant 0 : i32
      %dma_start3A_190 = tpu.memref_slice %arg17[%dma_start3A_188, %dma_start3A_189] : memref<48x128xf32, #tpu.memory_space<vmem>> -> memref<16x128xf32, #tpu.memory_space<vmem>>
      tpu.enqueue_dma source(%dma_start3A_190 : memref<16x128xf32, #tpu.memory_space<vmem>>) target(%dma_start3A_187 : memref<16x128xf32, #tpu.memory_space<vmem_shared>>) target_semaphore(%run_scoped3A_180 : memref<!tpu.dma_semaphore, #tpu.memory_space<semaphore_mem>>)
      %dma_wait3A_191 = arith.constant 0 : i32
      %dma_wait3A_192 = arith.constant 0 : i32
      %dma_wait3A_193 = tpu.memref_slice %arg17[%dma_wait3A_191, %dma_wait3A_192] : memref<48x128xf32, #tpu.memory_space<vmem>> -> memref<16x128xf32, #tpu.memory_space<vmem>>
      %dma_wait3A_194 = arith.constant 0 : i32
      %dma_wait3A_195 = tpu.memref_slice %arg21[%add3A_36, %dma_wait3A_194] : memref<10240x128xf32, #tpu.memory_space<vmem_shared>> -> memref<16x128xf32, #tpu.memory_space<vmem_shared>>
      %dma_wait3A_196 = arith.constant 0 : i32
      %dma_wait3A_197 = tpu.memref_slice %arg21[%add3A_36, %dma_wait3A_196] : memref<10240x128xf32, #tpu.memory_space<vmem_shared>> -> memref<16x128xf32, #tpu.memory_space<vmem_shared>>
      %dma_wait3A_198 = arith.constant 0 : i32
      %dma_wait3A_199 = arith.constant 0 : i32
      %dma_wait3A_200 = tpu.memref_slice %arg17[%dma_wait3A_198, %dma_wait3A_199] : memref<48x128xf32, #tpu.memory_space<vmem>> -> memref<16x128xf32, #tpu.memory_space<vmem>>
      tpu.wait_dma2 semaphore(%run_scoped3A_180 : memref<!tpu.dma_semaphore, #tpu.memory_space<semaphore_mem>>) src(%dma_wait3A_200 : memref<16x128xf32, #tpu.memory_space<vmem>>) dst(%dma_wait3A_197 : memref<16x128xf32, #tpu.memory_space<vmem_shared>>)
      tpu.yield
    }) : () -> ()
    %run_scoped3A = arith.constant 0 : i32
    "tpu.region"() ({
      %run_scoped3A_180 = tpu.sem_alloc : memref<!tpu.dma_semaphore, #tpu.memory_space<semaphore_mem>>
      %dma_start3A_181 = arith.constant 0 : i32
      %dma_start3A_182 = tpu.memref_slice %arg3[%add3A, %run_scoped3A, %dma_start3A_181] : memref<32x209x48xi32, #tpu.memory_space<hbm>> -> memref<1x1x48xi32, #tpu.memory_space<hbm>>
      %dma_start3A_183 = tpu.memref_squeeze %dma_start3A_182 : memref<1x1x48xi32, #tpu.memory_space<hbm>> -> memref<48xi32, #tpu.memory_space<hbm>>
      %dma_start3A_184 = arith.constant 0 : i32
      %dma_start3A_185 = tpu.memref_slice %arg3[%add3A, %run_scoped3A, %dma_start3A_184] : memref<32x209x48xi32, #tpu.memory_space<hbm>> -> memref<1x1x48xi32, #tpu.memory_space<hbm>>
      %dma_start3A_186 = tpu.memref_squeeze %dma_start3A_185 : memref<1x1x48xi32, #tpu.memory_space<hbm>> -> memref<48xi32, #tpu.memory_space<hbm>>
      tpu.enqueue_dma source(%dma_start3A_186 : memref<48xi32, #tpu.memory_space<hbm>>) target(%arg5 : memref<48xi32, #tpu.memory_space<vmem>>) target_semaphore(%run_scoped3A_180 : memref<!tpu.dma_semaphore, #tpu.memory_space<semaphore_mem>>)
      %dma_wait3A_187 = arith.constant 0 : i32
      %dma_wait3A_188 = tpu.memref_slice %arg3[%add3A, %run_scoped3A, %dma_wait3A_187] : memref<32x209x48xi32, #tpu.memory_space<hbm>> -> memref<1x1x48xi32, #tpu.memory_space<hbm>>
      %dma_wait3A_189 = tpu.memref_squeeze %dma_wait3A_188 : memref<1x1x48xi32, #tpu.memory_space<hbm>> -> memref<48xi32, #tpu.memory_space<hbm>>
      %dma_wait3A_190 = arith.constant 0 : i32
      %dma_wait3A_191 = tpu.memref_slice %arg3[%add3A, %run_scoped3A, %dma_wait3A_190] : memref<32x209x48xi32, #tpu.memory_space<hbm>> -> memref<1x1x48xi32, #tpu.memory_space<hbm>>
      %dma_wait3A_192 = tpu.memref_squeeze %dma_wait3A_191 : memref<1x1x48xi32, #tpu.memory_space<hbm>> -> memref<48xi32, #tpu.memory_space<hbm>>
      tpu.wait_dma2 semaphore(%run_scoped3A_180 : memref<!tpu.dma_semaphore, #tpu.memory_space<semaphore_mem>>) src(%dma_wait3A_192 : memref<48xi32, #tpu.memory_space<hbm>>) dst(%arg5 : memref<48xi32, #tpu.memory_space<vmem>>)
      tpu.yield
    }) : () -> ()
    %run_scoped3A_37 = arith.constant 1 : i32
    "tpu.region"() ({
      %run_scoped3A_180 = tpu.sem_alloc : memref<!tpu.dma_semaphore, #tpu.memory_space<semaphore_mem>>
      %dma_start3A_181 = arith.constant 0 : i32
      %dma_start3A_182 = tpu.memref_slice %arg3[%add3A, %run_scoped3A_37, %dma_start3A_181] : memref<32x209x48xi32, #tpu.memory_space<hbm>> -> memref<1x1x48xi32, #tpu.memory_space<hbm>>
      %dma_start3A_183 = tpu.memref_squeeze %dma_start3A_182 : memref<1x1x48xi32, #tpu.memory_space<hbm>> -> memref<48xi32, #tpu.memory_space<hbm>>
      %dma_start3A_184 = arith.constant 0 : i32
      %dma_start3A_185 = tpu.memref_slice %arg3[%add3A, %run_scoped3A_37, %dma_start3A_184] : memref<32x209x48xi32, #tpu.memory_space<hbm>> -> memref<1x1x48xi32, #tpu.memory_space<hbm>>
      %dma_start3A_186 = tpu.memref_squeeze %dma_start3A_185 : memref<1x1x48xi32, #tpu.memory_space<hbm>> -> memref<48xi32, #tpu.memory_space<hbm>>
      tpu.enqueue_dma source(%dma_start3A_186 : memref<48xi32, #tpu.memory_space<hbm>>) target(%arg6 : memref<48xi32, #tpu.memory_space<vmem>>) target_semaphore(%run_scoped3A_180 : memref<!tpu.dma_semaphore, #tpu.memory_space<semaphore_mem>>)
      %dma_wait3A_187 = arith.constant 0 : i32
      %dma_wait3A_188 = tpu.memref_slice %arg3[%add3A, %run_scoped3A_37, %dma_wait3A_187] : memref<32x209x48xi32, #tpu.memory_space<hbm>> -> memref<1x1x48xi32, #tpu.memory_space<hbm>>
      %dma_wait3A_189 = tpu.memref_squeeze %dma_wait3A_188 : memref<1x1x48xi32, #tpu.memory_space<hbm>> -> memref<48xi32, #tpu.memory_space<hbm>>
      %dma_wait3A_190 = arith.constant 0 : i32
      %dma_wait3A_191 = tpu.memref_slice %arg3[%add3A, %run_scoped3A_37, %dma_wait3A_190] : memref<32x209x48xi32, #tpu.memory_space<hbm>> -> memref<1x1x48xi32, #tpu.memory_space<hbm>>
      %dma_wait3A_192 = tpu.memref_squeeze %dma_wait3A_191 : memref<1x1x48xi32, #tpu.memory_space<hbm>> -> memref<48xi32, #tpu.memory_space<hbm>>
      tpu.wait_dma2 semaphore(%run_scoped3A_180 : memref<!tpu.dma_semaphore, #tpu.memory_space<semaphore_mem>>) src(%dma_wait3A_192 : memref<48xi32, #tpu.memory_space<hbm>>) dst(%arg6 : memref<48xi32, #tpu.memory_space<vmem>>)
      tpu.yield
    }) : () -> ()
    %run_scoped3A_38 = arith.constant 2 : i32
    "tpu.region"() ({
      %run_scoped3A_180 = tpu.sem_alloc : memref<!tpu.dma_semaphore, #tpu.memory_space<semaphore_mem>>
      %dma_start3A_181 = arith.constant 0 : i32
      %dma_start3A_182 = tpu.memref_slice %arg3[%add3A, %run_scoped3A_38, %dma_start3A_181] : memref<32x209x48xi32, #tpu.memory_space<hbm>> -> memref<1x1x48xi32, #tpu.memory_space<hbm>>
      %dma_start3A_183 = tpu.memref_squeeze %dma_start3A_182 : memref<1x1x48xi32, #tpu.memory_space<hbm>> -> memref<48xi32, #tpu.memory_space<hbm>>
      %dma_start3A_184 = arith.constant 0 : i32
      %dma_start3A_185 = tpu.memref_slice %arg3[%add3A, %run_scoped3A_38, %dma_start3A_184] : memref<32x209x48xi32, #tpu.memory_space<hbm>> -> memref<1x1x48xi32, #tpu.memory_space<hbm>>
      %dma_start3A_186 = tpu.memref_squeeze %dma_start3A_185 : memref<1x1x48xi32, #tpu.memory_space<hbm>> -> memref<48xi32, #tpu.memory_space<hbm>>
      tpu.enqueue_dma source(%dma_start3A_186 : memref<48xi32, #tpu.memory_space<hbm>>) target(%arg7 : memref<48xi32, #tpu.memory_space<vmem>>) target_semaphore(%run_scoped3A_180 : memref<!tpu.dma_semaphore, #tpu.memory_space<semaphore_mem>>)
      %dma_wait3A_187 = arith.constant 0 : i32
      %dma_wait3A_188 = tpu.memref_slice %arg3[%add3A, %run_scoped3A_38, %dma_wait3A_187] : memref<32x209x48xi32, #tpu.memory_space<hbm>> -> memref<1x1x48xi32, #tpu.memory_space<hbm>>
      %dma_wait3A_189 = tpu.memref_squeeze %dma_wait3A_188 : memref<1x1x48xi32, #tpu.memory_space<hbm>> -> memref<48xi32, #tpu.memory_space<hbm>>
      %dma_wait3A_190 = arith.constant 0 : i32
      %dma_wait3A_191 = tpu.memref_slice %arg3[%add3A, %run_scoped3A_38, %dma_wait3A_190] : memref<32x209x48xi32, #tpu.memory_space<hbm>> -> memref<1x1x48xi32, #tpu.memory_space<hbm>>
      %dma_wait3A_192 = tpu.memref_squeeze %dma_wait3A_191 : memref<1x1x48xi32, #tpu.memory_space<hbm>> -> memref<48xi32, #tpu.memory_space<hbm>>
      tpu.wait_dma2 semaphore(%run_scoped3A_180 : memref<!tpu.dma_semaphore, #tpu.memory_space<semaphore_mem>>) src(%dma_wait3A_192 : memref<48xi32, #tpu.memory_space<hbm>>) dst(%arg7 : memref<48xi32, #tpu.memory_space<vmem>>)
      tpu.yield
    }) : () -> ()
    %run_scoped3A_39 = arith.constant 3 : i32
    "tpu.region"() ({
      %run_scoped3A_180 = tpu.sem_alloc : memref<!tpu.dma_semaphore, #tpu.memory_space<semaphore_mem>>
      %dma_start3A_181 = arith.constant 0 : i32
      %dma_start3A_182 = tpu.memref_slice %arg3[%add3A, %run_scoped3A_39, %dma_start3A_181] : memref<32x209x48xi32, #tpu.memory_space<hbm>> -> memref<1x1x48xi32, #tpu.memory_space<hbm>>
      %dma_start3A_183 = tpu.memref_squeeze %dma_start3A_182 : memref<1x1x48xi32, #tpu.memory_space<hbm>> -> memref<48xi32, #tpu.memory_space<hbm>>
      %dma_start3A_184 = arith.constant 0 : i32
      %dma_start3A_185 = tpu.memref_slice %arg3[%add3A, %run_scoped3A_39, %dma_start3A_184] : memref<32x209x48xi32, #tpu.memory_space<hbm>> -> memref<1x1x48xi32, #tpu.memory_space<hbm>>
      %dma_start3A_186 = tpu.memref_squeeze %dma_start3A_185 : memref<1x1x48xi32, #tpu.memory_space<hbm>> -> memref<48xi32, #tpu.memory_space<hbm>>
      tpu.enqueue_dma source(%dma_start3A_186 : memref<48xi32, #tpu.memory_space<hbm>>) target(%arg8 : memref<48xi32, #tpu.memory_space<vmem>>) target_semaphore(%run_scoped3A_180 : memref<!tpu.dma_semaphore, #tpu.memory_space<semaphore_mem>>)
      %dma_wait3A_187 = arith.constant 0 : i32
      %dma_wait3A_188 = tpu.memref_slice %arg3[%add3A, %run_scoped3A_39, %dma_wait3A_187] : memref<32x209x48xi32, #tpu.memory_space<hbm>> -> memref<1x1x48xi32, #tpu.memory_space<hbm>>
      %dma_wait3A_189 = tpu.memref_squeeze %dma_wait3A_188 : memref<1x1x48xi32, #tpu.memory_space<hbm>> -> memref<48xi32, #tpu.memory_space<hbm>>
      %dma_wait3A_190 = arith.constant 0 : i32
      %dma_wait3A_191 = tpu.memref_slice %arg3[%add3A, %run_scoped3A_39, %dma_wait3A_190] : memref<32x209x48xi32, #tpu.memory_space<hbm>> -> memref<1x1x48xi32, #tpu.memory_space<hbm>>
      %dma_wait3A_192 = tpu.memref_squeeze %dma_wait3A_191 : memref<1x1x48xi32, #tpu.memory_space<hbm>> -> memref<48xi32, #tpu.memory_space<hbm>>
      tpu.wait_dma2 semaphore(%run_scoped3A_180 : memref<!tpu.dma_semaphore, #tpu.memory_space<semaphore_mem>>) src(%dma_wait3A_192 : memref<48xi32, #tpu.memory_space<hbm>>) dst(%arg8 : memref<48xi32, #tpu.memory_space<vmem>>)
      tpu.yield
    }) : () -> ()
    %get3A = arith.constant 0 : index
    %get3A_40 = tpu.vector_load %arg5[%get3A] {strides = array<i32>} : memref<48xi32, #tpu.memory_space<vmem>>, vector<16xi32>,
    %get3A_41 = vector.shape_cast %get3A_40 : vector<16xi32> to vector<16xi32>
    %and3A = arith.constant 16383 : i32
    %and3A_42 = vector.broadcast %and3A : i32 to vector<16xi32>
    %and3A_43 = arith.andi %get3A_41, %and3A_42 : vector<16xi32>
    %swap3A = arith.constant 0 : index
    %swap3A_44 = tpu.vector_load %arg9[%swap3A] {strides = array<i32>} : memref<48xi32, #tpu.memory_space<vmem>>, vector<16xi32>,
    %swap3A_45 = vector.shape_cast %swap3A_44 : vector<16xi32> to vector<16xi32>
    %swap3A_46 = vector.shape_cast %and3A_43 : vector<16xi32> to vector<16xi32>
    tpu.vector_store %arg9[%swap3A], %swap3A_46 {strides = array<i32>} : memref<48xi32, #tpu.memory_space<vmem>>, vector<16xi32>,
    %shift_right_logical3A = arith.constant 14 : i32
    %shift_right_logical3A_47 = vector.broadcast %shift_right_logical3A : i32 to vector<16xi32>
    %shift_right_logical3A_48 = arith.shrui %get3A_41, %shift_right_logical3A_47 : vector<16xi32>
    %and3A_49 = arith.constant 16383 : i32
    %and3A_50 = vector.broadcast %and3A_49 : i32 to vector<16xi32>
    %and3A_51 = arith.andi %shift_right_logical3A_48, %and3A_50 : vector<16xi32>
    %swap3A_52 = arith.constant 0 : index
    %swap3A_53 = tpu.vector_load %arg13[%swap3A_52] {strides = array<i32>} : memref<48xi32, #tpu.memory_space<vmem>>, vector<16xi32>,
    %swap3A_54 = vector.shape_cast %swap3A_53 : vector<16xi32> to vector<16xi32>
    %swap3A_55 = vector.shape_cast %and3A_51 : vector<16xi32> to vector<16xi32>
    tpu.vector_store %arg13[%swap3A_52], %swap3A_55 {strides = array<i32>} : memref<48xi32, #tpu.memory_space<vmem>>, vector<16xi32>,
    %get3A_56 = arith.constant 16 : index
    %get3A_57 = tpu.vector_load %arg5[%get3A_56] {strides = array<i32>} : memref<48xi32, #tpu.memory_space<vmem>>, vector<16xi32>,
    %get3A_58 = vector.shape_cast %get3A_57 : vector<16xi32> to vector<16xi32>
    %and3A_59 = arith.constant 16383 : i32
    %and3A_60 = vector.broadcast %and3A_59 : i32 to vector<16xi32>
    %and3A_61 = arith.andi %get3A_58, %and3A_60 : vector<16xi32>
    %swap3A_62 = arith.constant 16 : index
    %swap3A_63 = tpu.vector_load %arg9[%swap3A_62] {strides = array<i32>} : memref<48xi32, #tpu.memory_space<vmem>>, vector<16xi32>,
    %swap3A_64 = vector.shape_cast %swap3A_63 : vector<16xi32> to vector<16xi32>
    %swap3A_65 = vector.shape_cast %and3A_61 : vector<16xi32> to vector<16xi32>
    tpu.vector_store %arg9[%swap3A_62], %swap3A_65 {strides = array<i32>} : memref<48xi32, #tpu.memory_space<vmem>>, vector<16xi32>,
    %shift_right_logical3A_66 = arith.constant 14 : i32
    %shift_right_logical3A_67 = vector.broadcast %shift_right_logical3A_66 : i32 to vector<16xi32>
    %shift_right_logical3A_68 = arith.shrui %get3A_58, %shift_right_logical3A_67 : vector<16xi32>
    %and3A_69 = arith.constant 16383 : i32
    %and3A_70 = vector.broadcast %and3A_69 : i32 to vector<16xi32>
    %and3A_71 = arith.andi %shift_right_logical3A_68, %and3A_70 : vector<16xi32>
    %swap3A_72 = arith.constant 16 : index
    %swap3A_73 = tpu.vector_load %arg13[%swap3A_72] {strides = array<i32>} : memref<48xi32, #tpu.memory_space<vmem>>, vector<16xi32>,
    %swap3A_74 = vector.shape_cast %swap3A_73 : vector<16xi32> to vector<16xi32>
    %swap3A_75 = vector.shape_cast %and3A_71 : vector<16xi32> to vector<16xi32>
    tpu.vector_store %arg13[%swap3A_72], %swap3A_75 {strides = array<i32>} : memref<48xi32, #tpu.memory_space<vmem>>, vector<16xi32>,
    %get3A_76 = arith.constant 32 : index
    %get3A_77 = tpu.vector_load %arg5[%get3A_76] {strides = array<i32>} : memref<48xi32, #tpu.memory_space<vmem>>, vector<16xi32>,
    %get3A_78 = vector.shape_cast %get3A_77 : vector<16xi32> to vector<16xi32>
    %and3A_79 = arith.constant 16383 : i32
    %and3A_80 = vector.broadcast %and3A_79 : i32 to vector<16xi32>
    %and3A_81 = arith.andi %get3A_78, %and3A_80 : vector<16xi32>
    %swap3A_82 = arith.constant 32 : index
    %swap3A_83 = tpu.vector_load %arg9[%swap3A_82] {strides = array<i32>} : memref<48xi32, #tpu.memory_space<vmem>>, vector<16xi32>,
    %swap3A_84 = vector.shape_cast %swap3A_83 : vector<16xi32> to vector<16xi32>
    %swap3A_85 = vector.shape_cast %and3A_81 : vector<16xi32> to vector<16xi32>
    tpu.vector_store %arg9[%swap3A_82], %swap3A_85 {strides = array<i32>} : memref<48xi32, #tpu.memory_space<vmem>>, vector<16xi32>,
    %shift_right_logical3A_86 = arith.constant 14 : i32
    %shift_right_logical3A_87 = vector.broadcast %shift_right_logical3A_86 : i32 to vector<16xi32>
    %shift_right_logical3A_88 = arith.shrui %get3A_78, %shift_right_logical3A_87 : vector<16xi32>
    %and3A_89 = arith.constant 16383 : i32
    %and3A_90 = vector.broadcast %and3A_89 : i32 to vector<16xi32>
    %and3A_91 = arith.andi %shift_right_logical3A_88, %and3A_90 : vector<16xi32>
    %swap3A_92 = arith.constant 32 : index
    %swap3A_93 = tpu.vector_load %arg13[%swap3A_92] {strides = array<i32>} : memref<48xi32, #tpu.memory_space<vmem>>, vector<16xi32>,
    %swap3A_94 = vector.shape_cast %swap3A_93 : vector<16xi32> to vector<16xi32>
    %swap3A_95 = vector.shape_cast %and3A_91 : vector<16xi32> to vector<16xi32>
    tpu.vector_store %arg13[%swap3A_92], %swap3A_95 {strides = array<i32>} : memref<48xi32, #tpu.memory_space<vmem>>, vector<16xi32>,
    %dma_start3A = arith.constant 0 : i32
    %dma_start3A_96 = arith.constant 0 : i32
    %dma_start3A_97 = tpu.memref_slice %arg2[%dma_start3A, %dma_start3A_96] : memref<10000x128xf32, #tpu.memory_space<hbm>> -> memref<10000x128xf32, #tpu.memory_space<hbm>>
    tpu.enqueue_indirect_dma source(%dma_start3A_97 : memref<10000x128xf32, #tpu.memory_space<hbm>>) target(%arg17 : memref<48x128xf32, #tpu.memory_space<vmem>>) offsets(%arg9 : memref<48xi32, #tpu.memory_space<vmem>>) semaphore(%arg22 : memref<!tpu.dma_semaphore, #tpu.memory_space<semaphore_mem>>)
    %get3A_98 = arith.constant 0 : index
    %get3A_99 = tpu.vector_load %arg6[%get3A_98] {strides = array<i32>} : memref<48xi32, #tpu.memory_space<vmem>>, vector<16xi32>,
    %get3A_100 = vector.shape_cast %get3A_99 : vector<16xi32> to vector<16xi32>
    %and3A_101 = arith.constant 16383 : i32
    %and3A_102 = vector.broadcast %and3A_101 : i32 to vector<16xi32>
    %and3A_103 = arith.andi %get3A_100, %and3A_102 : vector<16xi32>
    %swap3A_104 = arith.constant 0 : index
    %swap3A_105 = tpu.vector_load %arg10[%swap3A_104] {strides = array<i32>} : memref<48xi32, #tpu.memory_space<vmem>>, vector<16xi32>,
    %swap3A_106 = vector.shape_cast %swap3A_105 : vector<16xi32> to vector<16xi32>
    %swap3A_107 = vector.shape_cast %and3A_103 : vector<16xi32> to vector<16xi32>
    tpu.vector_store %arg10[%swap3A_104], %swap3A_107 {strides = array<i32>} : memref<48xi32, #tpu.memory_space<vmem>>, vector<16xi32>,
    %shift_right_logical3A_108 = arith.constant 14 : i32
    %shift_right_logical3A_109 = vector.broadcast %shift_right_logical3A_108 : i32 to vector<16xi32>
    %shift_right_logical3A_110 = arith.shrui %get3A_100, %shift_right_logical3A_109 : vector<16xi32>
    %and3A_111 = arith.constant 16383 : i32
    %and3A_112 = vector.broadcast %and3A_111 : i32 to vector<16xi32>
    %and3A_113 = arith.andi %shift_right_logical3A_110, %and3A_112 : vector<16xi32>
    %swap3A_114 = arith.constant 0 : index
    %swap3A_115 = tpu.vector_load %arg14[%swap3A_114] {strides = array<i32>} : memref<48xi32, #tpu.memory_space<vmem>>, vector<16xi32>,
    %swap3A_116 = vector.shape_cast %swap3A_115 : vector<16xi32> to vector<16xi32>
    %swap3A_117 = vector.shape_cast %and3A_113 : vector<16xi32> to vector<16xi32>
    tpu.vector_store %arg14[%swap3A_114], %swap3A_117 {strides = array<i32>} : memref<48xi32, #tpu.memory_space<vmem>>, vector<16xi32>,
    %get3A_118 = arith.constant 16 : index
    %get3A_119 = tpu.vector_load %arg6[%get3A_118] {strides = array<i32>} : memref<48xi32, #tpu.memory_space<vmem>>, vector<16xi32>,
    %get3A_120 = vector.shape_cast %get3A_119 : vector<16xi32> to vector<16xi32>
    %and3A_121 = arith.constant 16383 : i32
    %and3A_122 = vector.broadcast %and3A_121 : i32 to vector<16xi32>
    %and3A_123 = arith.andi %get3A_120, %and3A_122 : vector<16xi32>
    %swap3A_124 = arith.constant 16 : index
    %swap3A_125 = tpu.vector_load %arg10[%swap3A_124] {strides = array<i32>} : memref<48xi32, #tpu.memory_space<vmem>>, vector<16xi32>,
    %swap3A_126 = vector.shape_cast %swap3A_125 : vector<16xi32> to vector<16xi32>
    %swap3A_127 = vector.shape_cast %and3A_123 : vector<16xi32> to vector<16xi32>
    tpu.vector_store %arg10[%swap3A_124], %swap3A_127 {strides = array<i32>} : memref<48xi32, #tpu.memory_space<vmem>>, vector<16xi32>,
    %shift_right_logical3A_128 = arith.constant 14 : i32
    %shift_right_logical3A_129 = vector.broadcast %shift_right_logical3A_128 : i32 to vector<16xi32>
    %shift_right_logical3A_130 = arith.shrui %get3A_120, %shift_right_logical3A_129 : vector<16xi32>
    %and3A_131 = arith.constant 16383 : i32
    %and3A_132 = vector.broadcast %and3A_131 : i32 to vector<16xi32>
    %and3A_133 = arith.andi %shift_right_logical3A_130, %and3A_132 : vector<16xi32>
    %swap3A_134 = arith.constant 16 : index
    %swap3A_135 = tpu.vector_load %arg14[%swap3A_134] {strides = array<i32>} : memref<48xi32, #tpu.memory_space<vmem>>, vector<16xi32>,
    %swap3A_136 = vector.shape_cast %swap3A_135 : vector<16xi32> to vector<16xi32>
    %swap3A_137 = vector.shape_cast %and3A_133 : vector<16xi32> to vector<16xi32>
    tpu.vector_store %arg14[%swap3A_134], %swap3A_137 {strides = array<i32>} : memref<48xi32, #tpu.memory_space<vmem>>, vector<16xi32>,
    %get3A_138 = arith.constant 32 : index
    %get3A_139 = tpu.vector_load %arg6[%get3A_138] {strides = array<i32>} : memref<48xi32, #tpu.memory_space<vmem>>, vector<16xi32>,
    %get3A_140 = vector.shape_cast %get3A_139 : vector<16xi32> to vector<16xi32>
    %and3A_141 = arith.constant 16383 : i32
    %and3A_142 = vector.broadcast %and3A_141 : i32 to vector<16xi32>
    %and3A_143 = arith.andi %get3A_140, %and3A_142 : vector<16xi32>
    %swap3A_144 = arith.constant 32 : index
    %swap3A_145 = tpu.vector_load %arg10[%swap3A_144] {strides = array<i32>} : memref<48xi32, #tpu.memory_space<vmem>>, vector<16xi32>,
    %swap3A_146 = vector.shape_cast %swap3A_145 : vector<16xi32> to vector<16xi32>
    %swap3A_147 = vector.shape_cast %and3A_143 : vector<16xi32> to vector<16xi32>
    tpu.vector_store %arg10[%swap3A_144], %swap3A_147 {strides = array<i32>} : memref<48xi32, #tpu.memory_space<vmem>>, vector<16xi32>,
    %shift_right_logical3A_148 = arith.constant 14 : i32
    %shift_right_logical3A_149 = vector.broadcast %shift_right_logical3A_148 : i32 to vector<16xi32>
    %shift_right_logical3A_150 = arith.shrui %get3A_140, %shift_right_logical3A_149 : vector<16xi32>
    %and3A_151 = arith.constant 16383 : i32
    %and3A_152 = vector.broadcast %and3A_151 : i32 to vector<16xi32>
    %and3A_153 = arith.andi %shift_right_logical3A_150, %and3A_152 : vector<16xi32>
    %swap3A_154 = arith.constant 32 : index
    %swap3A_155 = tpu.vector_load %arg14[%swap3A_154] {strides = array<i32>} : memref<48xi32, #tpu.memory_space<vmem>>, vector<16xi32>,
    %swap3A_156 = vector.shape_cast %swap3A_155 : vector<16xi32> to vector<16xi32>
    %swap3A_157 = vector.shape_cast %and3A_153 : vector<16xi32> to vector<16xi32>
    tpu.vector_store %arg14[%swap3A_154], %swap3A_157 {strides = array<i32>} : memref<48xi32, #tpu.memory_space<vmem>>, vector<16xi32>,
    %dma_start3A_158 = arith.constant 0 : i32
    %dma_start3A_159 = arith.constant 0 : i32
    %dma_start3A_160 = tpu.memref_slice %arg2[%dma_start3A_158, %dma_start3A_159] : memref<10000x128xf32, #tpu.memory_space<hbm>> -> memref<10000x128xf32, #tpu.memory_space<hbm>>
    tpu.enqueue_indirect_dma source(%dma_start3A_160 : memref<10000x128xf32, #tpu.memory_space<hbm>>) target(%arg18 : memref<48x128xf32, #tpu.memory_space<vmem>>) offsets(%arg10 : memref<48xi32, #tpu.memory_space<vmem>>) semaphore(%arg23 : memref<!tpu.dma_semaphore, #tpu.memory_space<semaphore_mem>>)
    %barrier3A = arith.constant 0 : index
    tpu.barrier barrier_id(%barrier3A)
    %scan3A_161 = arith.constant 0 : i32
    %scan3A_162 = arith.constant 0 : i32
    %scan3A_163 = arith.constant 52 : i32
    %scan3A_164 = arith.addi %scan3A_162, %scan3A_163 : i32
    %scan3A_165 = arith.constant 1 : i32
    scf.for %scan3A_180 = %scan3A_162 to %scan3A_164 step %scan3A_165  : i32 {
      %mul3A_181 = arith.constant 4 : i32
      %mul3A_182 = arith.muli %mul3A_181, %scan3A_180 : i32
      %add3A_183 = arith.constant 0 : i32
      %add3A_184 = arith.addi %mul3A_182, %add3A_183 : i32
      %dma_wait3A_185 = arith.constant 0 : i32
      %dma_wait3A_186 = arith.constant 0 : i32
      %dma_wait3A_187 = tpu.memref_slice %arg2[%dma_wait3A_185, %dma_wait3A_186] : memref<10000x128xf32, #tpu.memory_space<hbm>> -> memref<10000x128xf32, #tpu.memory_space<hbm>>
      tpu.wait_indirect_dma semaphore(%arg22 : memref<!tpu.dma_semaphore, #tpu.memory_space<semaphore_mem>>) src(%dma_wait3A_187 : memref<10000x128xf32, #tpu.memory_space<hbm>>) dst(%arg17 : memref<48x128xf32, #tpu.memory_space<vmem>>)
      %add3A_188 = arith.constant 4 : i32
      %add3A_189 = arith.addi %add3A_184, %add3A_188 : i32
      %lt3A = arith.constant 209 : i32
      %lt3A_190 = arith.cmpi slt, %add3A_189, %lt3A : i32
      %convert_element_type3A = arith.extui %lt3A_190 : i1 to i32
      %cond3A = arith.constant 0 : i32
      %cond3A_191 = arith.cmpi ne, %convert_element_type3A, %cond3A : i32
      scf.if %cond3A_191 {
        %add3A_301 = arith.constant 4 : i32
        %add3A_302 = arith.addi %add3A_184, %add3A_301 : i32
        %dma_start3A_303 = arith.constant 0 : i32
        %dma_start3A_304 = tpu.memref_slice %arg3[%add3A, %add3A_302, %dma_start3A_303] : memref<32x209x48xi32, #tpu.memory_space<hbm>> -> memref<1x1x48xi32, #tpu.memory_space<hbm>>
        %dma_start3A_305 = tpu.memref_squeeze %dma_start3A_304 : memref<1x1x48xi32, #tpu.memory_space<hbm>> -> memref<48xi32, #tpu.memory_space<hbm>>
        %dma_start3A_306 = arith.constant 0 : i32
        %dma_start3A_307 = tpu.memref_slice %arg3[%add3A, %add3A_302, %dma_start3A_306] : memref<32x209x48xi32, #tpu.memory_space<hbm>> -> memref<1x1x48xi32, #tpu.memory_space<hbm>>
        %dma_start3A_308 = tpu.memref_squeeze %dma_start3A_307 : memref<1x1x48xi32, #tpu.memory_space<hbm>> -> memref<48xi32, #tpu.memory_space<hbm>>
        tpu.enqueue_dma source(%dma_start3A_308 : memref<48xi32, #tpu.memory_space<hbm>>) target(%arg5 : memref<48xi32, #tpu.memory_space<vmem>>) target_semaphore(%arg26 : memref<!tpu.dma_semaphore, #tpu.memory_space<semaphore_mem>>)
      } else {
      }
      %ge3A = arith.constant 2 : i32
      %ge3A_192 = arith.cmpi sge, %add3A_184, %ge3A : i32
      %add3A_193 = arith.constant 2 : i32
      %add3A_194 = arith.addi %add3A_184, %add3A_193 : i32
      %lt3A_195 = arith.constant 209 : i32
      %lt3A_196 = arith.cmpi slt, %add3A_194, %lt3A_195 : i32
      %and3A_197 = arith.andi %ge3A_192, %lt3A_196 : i1
      %convert_element_type3A_198 = arith.extui %and3A_197 : i1 to i32
      %cond3A_199 = arith.constant 0 : i32
      %cond3A_200 = arith.cmpi ne, %convert_element_type3A_198, %cond3A_199 : i32
      scf.if %cond3A_200 {
        %dma_wait3A_301 = arith.constant 0 : i32
        %dma_wait3A_302 = arith.constant 0 : i32
        %dma_wait3A_303 = tpu.memref_slice %arg3[%add3A, %dma_wait3A_301, %dma_wait3A_302] : memref<32x209x48xi32, #tpu.memory_space<hbm>> -> memref<1x1x48xi32, #tpu.memory_space<hbm>>
        %dma_wait3A_304 = tpu.memref_squeeze %dma_wait3A_303 : memref<1x1x48xi32, #tpu.memory_space<hbm>> -> memref<48xi32, #tpu.memory_space<hbm>>
        %dma_wait3A_305 = arith.constant 0 : i32
        %dma_wait3A_306 = tpu.memref_slice %arg3[%add3A, %dma_wait3A_301, %dma_wait3A_305] : memref<32x209x48xi32, #tpu.memory_space<hbm>> -> memref<1x1x48xi32, #tpu.memory_space<hbm>>
        %dma_wait3A_307 = tpu.memref_squeeze %dma_wait3A_306 : memref<1x1x48xi32, #tpu.memory_space<hbm>> -> memref<48xi32, #tpu.memory_space<hbm>>
        tpu.wait_dma2 semaphore(%arg28 : memref<!tpu.dma_semaphore, #tpu.memory_space<semaphore_mem>>) src(%dma_wait3A_307 : memref<48xi32, #tpu.memory_space<hbm>>) dst(%arg7 : memref<48xi32, #tpu.memory_space<vmem>>)
      } else {
      }
      %add3A_201 = arith.constant 2 : i32
      %add3A_202 = arith.addi %add3A_184, %add3A_201 : i32
      %lt3A_203 = arith.constant 209 : i32
      %lt3A_204 = arith.cmpi slt, %add3A_202, %lt3A_203 : i32
      %convert_element_type3A_205 = arith.extui %lt3A_204 : i1 to i32
      %cond3A_206 = arith.constant 0 : i32
      %cond3A_207 = arith.cmpi ne, %convert_element_type3A_205, %cond3A_206 : i32
      scf.if %cond3A_207 {
        %get3A_301 = arith.constant 0 : index
        %get3A_302 = tpu.vector_load %arg7[%get3A_301] {strides = array<i32>} : memref<48xi32, #tpu.memory_space<vmem>>, vector<16xi32>,
        %get3A_303 = vector.shape_cast %get3A_302 : vector<16xi32> to vector<16xi32>
        %and3A_304 = arith.constant 16383 : i32
        %and3A_305 = vector.broadcast %and3A_304 : i32 to vector<16xi32>
        %and3A_306 = arith.andi %get3A_303, %and3A_305 : vector<16xi32>
        %swap3A_307 = arith.constant 0 : index
        %swap3A_308 = tpu.vector_load %arg11[%swap3A_307] {strides = array<i32>} : memref<48xi32, #tpu.memory_space<vmem>>, vector<16xi32>,
        %swap3A_309 = vector.shape_cast %swap3A_308 : vector<16xi32> to vector<16xi32>
        %swap3A_310 = vector.shape_cast %and3A_306 : vector<16xi32> to vector<16xi32>
        tpu.vector_store %arg11[%swap3A_307], %swap3A_310 {strides = array<i32>} : memref<48xi32, #tpu.memory_space<vmem>>, vector<16xi32>,
        %shift_right_logical3A_311 = arith.constant 14 : i32
        %shift_right_logical3A_312 = vector.broadcast %shift_right_logical3A_311 : i32 to vector<16xi32>
        %shift_right_logical3A_313 = arith.shrui %get3A_303, %shift_right_logical3A_312 : vector<16xi32>
        %and3A_314 = arith.constant 16383 : i32
        %and3A_315 = vector.broadcast %and3A_314 : i32 to vector<16xi32>
        %and3A_316 = arith.andi %shift_right_logical3A_313, %and3A_315 : vector<16xi32>
        %swap3A_317 = arith.constant 0 : index
        %swap3A_318 = tpu.vector_load %arg15[%swap3A_317] {strides = array<i32>} : memref<48xi32, #tpu.memory_space<vmem>>, vector<16xi32>,
        %swap3A_319 = vector.shape_cast %swap3A_318 : vector<16xi32> to vector<16xi32>
        %swap3A_320 = vector.shape_cast %and3A_316 : vector<16xi32> to vector<16xi32>
        tpu.vector_store %arg15[%swap3A_317], %swap3A_320 {strides = array<i32>} : memref<48xi32, #tpu.memory_space<vmem>>, vector<16xi32>,
        %get3A_321 = arith.constant 16 : index
        %get3A_322 = tpu.vector_load %arg7[%get3A_321] {strides = array<i32>} : memref<48xi32, #tpu.memory_space<vmem>>, vector<16xi32>,
        %get3A_323 = vector.shape_cast %get3A_322 : vector<16xi32> to vector<16xi32>
        %and3A_324 = arith.constant 16383 : i32
        %and3A_325 = vector.broadcast %and3A_324 : i32 to vector<16xi32>
        %and3A_326 = arith.andi %get3A_323, %and3A_325 : vector<16xi32>
        %swap3A_327 = arith.constant 16 : index
        %swap3A_328 = tpu.vector_load %arg11[%swap3A_327] {strides = array<i32>} : memref<48xi32, #tpu.memory_space<vmem>>, vector<16xi32>,
        %swap3A_329 = vector.shape_cast %swap3A_328 : vector<16xi32> to vector<16xi32>
        %swap3A_330 = vector.shape_cast %and3A_326 : vector<16xi32> to vector<16xi32>
        tpu.vector_store %arg11[%swap3A_327], %swap3A_330 {strides = array<i32>} : memref<48xi32, #tpu.memory_space<vmem>>, vector<16xi32>,
        %shift_right_logical3A_331 = arith.constant 14 : i32
        %shift_right_logical3A_332 = vector.broadcast %shift_right_logical3A_331 : i32 to vector<16xi32>
        %shift_right_logical3A_333 = arith.shrui %get3A_323, %shift_right_logical3A_332 : vector<16xi32>
        %and3A_334 = arith.constant 16383 : i32
        %and3A_335 = vector.broadcast %and3A_334 : i32 to vector<16xi32>
        %and3A_336 = arith.andi %shift_right_logical3A_333, %and3A_335 : vector<16xi32>
        %swap3A_337 = arith.constant 16 : index
        %swap3A_338 = tpu.vector_load %arg15[%swap3A_337] {strides = array<i32>} : memref<48xi32, #tpu.memory_space<vmem>>, vector<16xi32>,
        %swap3A_339 = vector.shape_cast %swap3A_338 : vector<16xi32> to vector<16xi32>
        %swap3A_340 = vector.shape_cast %and3A_336 : vector<16xi32> to vector<16xi32>
        tpu.vector_store %arg15[%swap3A_337], %swap3A_340 {strides = array<i32>} : memref<48xi32, #tpu.memory_space<vmem>>, vector<16xi32>,
        %get3A_341 = arith.constant 32 : index
        %get3A_342 = tpu.vector_load %arg7[%get3A_341] {strides = array<i32>} : memref<48xi32, #tpu.memory_space<vmem>>, vector<16xi32>,
        %get3A_343 = vector.shape_cast %get3A_342 : vector<16xi32> to vector<16xi32>
        %and3A_344 = arith.constant 16383 : i32
        %and3A_345 = vector.broadcast %and3A_344 : i32 to vector<16xi32>
        %and3A_346 = arith.andi %get3A_343, %and3A_345 : vector<16xi32>
        %swap3A_347 = arith.constant 32 : index
        %swap3A_348 = tpu.vector_load %arg11[%swap3A_347] {strides = array<i32>} : memref<48xi32, #tpu.memory_space<vmem>>, vector<16xi32>,
        %swap3A_349 = vector.shape_cast %swap3A_348 : vector<16xi32> to vector<16xi32>
        %swap3A_350 = vector.shape_cast %and3A_346 : vector<16xi32> to vector<16xi32>
        tpu.vector_store %arg11[%swap3A_347], %swap3A_350 {strides = array<i32>} : memref<48xi32, #tpu.memory_space<vmem>>, vector<16xi32>,
        %shift_right_logical3A_351 = arith.constant 14 : i32
        %shift_right_logical3A_352 = vector.broadcast %shift_right_logical3A_351 : i32 to vector<16xi32>
        %shift_right_logical3A_353 = arith.shrui %get3A_343, %shift_right_logical3A_352 : vector<16xi32>
        %and3A_354 = arith.constant 16383 : i32
        %and3A_355 = vector.broadcast %and3A_354 : i32 to vector<16xi32>
        %and3A_356 = arith.andi %shift_right_logical3A_353, %and3A_355 : vector<16xi32>
        %swap3A_357 = arith.constant 32 : index
        %swap3A_358 = tpu.vector_load %arg15[%swap3A_357] {strides = array<i32>} : memref<48xi32, #tpu.memory_space<vmem>>, vector<16xi32>,
        %swap3A_359 = vector.shape_cast %swap3A_358 : vector<16xi32> to vector<16xi32>
        %swap3A_360 = vector.shape_cast %and3A_356 : vector<16xi32> to vector<16xi32>
        tpu.vector_store %arg15[%swap3A_357], %swap3A_360 {strides = array<i32>} : memref<48xi32, #tpu.memory_space<vmem>>, vector<16xi32>,
        %dma_start3A_361 = arith.constant 0 : i32
        %dma_start3A_362 = arith.constant 0 : i32
        %dma_start3A_363 = tpu.memref_slice %arg2[%dma_start3A_361, %dma_start3A_362] : memref<10000x128xf32, #tpu.memory_space<hbm>> -> memref<10000x128xf32, #tpu.memory_space<hbm>>
        tpu.enqueue_indirect_dma source(%dma_start3A_363 : memref<10000x128xf32, #tpu.memory_space<hbm>>) target(%arg19 : memref<48x128xf32, #tpu.memory_space<vmem>>) offsets(%arg11 : memref<48xi32, #tpu.memory_space<vmem>>) semaphore(%arg24 : memref<!tpu.dma_semaphore, #tpu.memory_space<semaphore_mem>>)
      } else {
      }
      "tpu.region"() ({
        %run_scoped3A_301 = tpu.sem_alloc : memref<!tpu.dma_semaphore, #tpu.memory_space<semaphore_mem>>
        %dma_start3A_302 = arith.constant 0 : i32
        %dma_start3A_303 = arith.constant 0 : i32
        %dma_start3A_304 = tpu.memref_slice %arg21[%dma_start3A_302, %dma_start3A_303] : memref<10240x128xf32, #tpu.memory_space<vmem_shared>> -> memref<10240x128xf32, #tpu.memory_space<vmem_shared>>
        tpu.enqueue_indirect_dma source(%arg17 : memref<48x128xf32, #tpu.memory_space<vmem>>) target(%dma_start3A_304 : memref<10240x128xf32, #tpu.memory_space<vmem_shared>>) offsets(%arg13 : memref<48xi32, #tpu.memory_space<vmem>>) semaphore(%run_scoped3A_301 : memref<!tpu.dma_semaphore, #tpu.memory_space<semaphore_mem>>) {add = true}
        %dma_wait3A_305 = arith.constant 0 : i32
        %dma_wait3A_306 = arith.constant 0 : i32
        %dma_wait3A_307 = tpu.memref_slice %arg21[%dma_wait3A_305, %dma_wait3A_306] : memref<10240x128xf32, #tpu.memory_space<vmem_shared>> -> memref<10240x128xf32, #tpu.memory_space<vmem_shared>>
        tpu.wait_indirect_dma semaphore(%run_scoped3A_301 : memref<!tpu.dma_semaphore, #tpu.memory_space<semaphore_mem>>) src(%arg17 : memref<48x128xf32, #tpu.memory_space<vmem>>) dst(%dma_wait3A_307 : memref<10240x128xf32, #tpu.memory_space<vmem_shared>>)
        tpu.yield
      }) : () -> ()
      %mul3A_208 = arith.constant 4 : i32
      %mul3A_209 = arith.muli %mul3A_208, %scan3A_180 : i32
      %add3A_210 = arith.constant 1 : i32
      %add3A_211 = arith.addi %mul3A_209, %add3A_210 : i32
      %dma_wait3A_212 = arith.constant 0 : i32
      %dma_wait3A_213 = arith.constant 0 : i32
      %dma_wait3A_214 = tpu.memref_slice %arg2[%dma_wait3A_212, %dma_wait3A_213] : memref<10000x128xf32, #tpu.memory_space<hbm>> -> memref<10000x128xf32, #tpu.memory_space<hbm>>
      tpu.wait_indirect_dma semaphore(%arg23 : memref<!tpu.dma_semaphore, #tpu.memory_space<semaphore_mem>>) src(%dma_wait3A_214 : memref<10000x128xf32, #tpu.memory_space<hbm>>) dst(%arg18 : memref<48x128xf32, #tpu.memory_space<vmem>>)
      %add3A_215 = arith.constant 4 : i32
      %add3A_216 = arith.addi %add3A_211, %add3A_215 : i32
      %lt3A_217 = arith.constant 209 : i32
      %lt3A_218 = arith.cmpi slt, %add3A_216, %lt3A_217 : i32
      %convert_element_type3A_219 = arith.extui %lt3A_218 : i1 to i32
      %cond3A_220 = arith.constant 0 : i32
      %cond3A_221 = arith.cmpi ne, %convert_element_type3A_219, %cond3A_220 : i32
      scf.if %cond3A_221 {
        %add3A_301 = arith.constant 4 : i32
        %add3A_302 = arith.addi %add3A_211, %add3A_301 : i32
        %dma_start3A_303 = arith.constant 0 : i32
        %dma_start3A_304 = tpu.memref_slice %arg3[%add3A, %add3A_302, %dma_start3A_303] : memref<32x209x48xi32, #tpu.memory_space<hbm>> -> memref<1x1x48xi32, #tpu.memory_space<hbm>>
        %dma_start3A_305 = tpu.memref_squeeze %dma_start3A_304 : memref<1x1x48xi32, #tpu.memory_space<hbm>> -> memref<48xi32, #tpu.memory_space<hbm>>
        %dma_start3A_306 = arith.constant 0 : i32
        %dma_start3A_307 = tpu.memref_slice %arg3[%add3A, %add3A_302, %dma_start3A_306] : memref<32x209x48xi32, #tpu.memory_space<hbm>> -> memref<1x1x48xi32, #tpu.memory_space<hbm>>
        %dma_start3A_308 = tpu.memref_squeeze %dma_start3A_307 : memref<1x1x48xi32, #tpu.memory_space<hbm>> -> memref<48xi32, #tpu.memory_space<hbm>>
        tpu.enqueue_dma source(%dma_start3A_308 : memref<48xi32, #tpu.memory_space<hbm>>) target(%arg6 : memref<48xi32, #tpu.memory_space<vmem>>) target_semaphore(%arg27 : memref<!tpu.dma_semaphore, #tpu.memory_space<semaphore_mem>>)
      } else {
      }
      %ge3A_222 = arith.constant 2 : i32
      %ge3A_223 = arith.cmpi sge, %add3A_211, %ge3A_222 : i32
      %add3A_224 = arith.constant 2 : i32
      %add3A_225 = arith.addi %add3A_211, %add3A_224 : i32
      %lt3A_226 = arith.constant 209 : i32
      %lt3A_227 = arith.cmpi slt, %add3A_225, %lt3A_226 : i32
      %and3A_228 = arith.andi %ge3A_223, %lt3A_227 : i1
      %convert_element_type3A_229 = arith.extui %and3A_228 : i1 to i32
      %cond3A_230 = arith.constant 0 : i32
      %cond3A_231 = arith.cmpi ne, %convert_element_type3A_229, %cond3A_230 : i32
      scf.if %cond3A_231 {
        %dma_wait3A_301 = arith.constant 0 : i32
        %dma_wait3A_302 = arith.constant 0 : i32
        %dma_wait3A_303 = tpu.memref_slice %arg3[%add3A, %dma_wait3A_301, %dma_wait3A_302] : memref<32x209x48xi32, #tpu.memory_space<hbm>> -> memref<1x1x48xi32, #tpu.memory_space<hbm>>
        %dma_wait3A_304 = tpu.memref_squeeze %dma_wait3A_303 : memref<1x1x48xi32, #tpu.memory_space<hbm>> -> memref<48xi32, #tpu.memory_space<hbm>>
        %dma_wait3A_305 = arith.constant 0 : i32
        %dma_wait3A_306 = tpu.memref_slice %arg3[%add3A, %dma_wait3A_301, %dma_wait3A_305] : memref<32x209x48xi32, #tpu.memory_space<hbm>> -> memref<1x1x48xi32, #tpu.memory_space<hbm>>
        %dma_wait3A_307 = tpu.memref_squeeze %dma_wait3A_306 : memref<1x1x48xi32, #tpu.memory_space<hbm>> -> memref<48xi32, #tpu.memory_space<hbm>>
        tpu.wait_dma2 semaphore(%arg29 : memref<!tpu.dma_semaphore, #tpu.memory_space<semaphore_mem>>) src(%dma_wait3A_307 : memref<48xi32, #tpu.memory_space<hbm>>) dst(%arg8 : memref<48xi32, #tpu.memory_space<vmem>>)
      } else {
      }
      %add3A_232 = arith.constant 2 : i32
      %add3A_233 = arith.addi %add3A_211, %add3A_232 : i32
      %lt3A_234 = arith.constant 209 : i32
      %lt3A_235 = arith.cmpi slt, %add3A_233, %lt3A_234 : i32
      %convert_element_type3A_236 = arith.extui %lt3A_235 : i1 to i32
      %cond3A_237 = arith.constant 0 : i32
      %cond3A_238 = arith.cmpi ne, %convert_element_type3A_236, %cond3A_237 : i32
      scf.if %cond3A_238 {
        %get3A_301 = arith.constant 0 : index
        %get3A_302 = tpu.vector_load %arg8[%get3A_301] {strides = array<i32>} : memref<48xi32, #tpu.memory_space<vmem>>, vector<16xi32>,
        %get3A_303 = vector.shape_cast %get3A_302 : vector<16xi32> to vector<16xi32>
        %and3A_304 = arith.constant 16383 : i32
        %and3A_305 = vector.broadcast %and3A_304 : i32 to vector<16xi32>
        %and3A_306 = arith.andi %get3A_303, %and3A_305 : vector<16xi32>
        %swap3A_307 = arith.constant 0 : index
        %swap3A_308 = tpu.vector_load %arg12[%swap3A_307] {strides = array<i32>} : memref<48xi32, #tpu.memory_space<vmem>>, vector<16xi32>,
        %swap3A_309 = vector.shape_cast %swap3A_308 : vector<16xi32> to vector<16xi32>
        %swap3A_310 = vector.shape_cast %and3A_306 : vector<16xi32> to vector<16xi32>
        tpu.vector_store %arg12[%swap3A_307], %swap3A_310 {strides = array<i32>} : memref<48xi32, #tpu.memory_space<vmem>>, vector<16xi32>,
        %shift_right_logical3A_311 = arith.constant 14 : i32
        %shift_right_logical3A_312 = vector.broadcast %shift_right_logical3A_311 : i32 to vector<16xi32>
        %shift_right_logical3A_313 = arith.shrui %get3A_303, %shift_right_logical3A_312 : vector<16xi32>
        %and3A_314 = arith.constant 16383 : i32
        %and3A_315 = vector.broadcast %and3A_314 : i32 to vector<16xi32>
        %and3A_316 = arith.andi %shift_right_logical3A_313, %and3A_315 : vector<16xi32>
        %swap3A_317 = arith.constant 0 : index
        %swap3A_318 = tpu.vector_load %arg16[%swap3A_317] {strides = array<i32>} : memref<48xi32, #tpu.memory_space<vmem>>, vector<16xi32>,
        %swap3A_319 = vector.shape_cast %swap3A_318 : vector<16xi32> to vector<16xi32>
        %swap3A_320 = vector.shape_cast %and3A_316 : vector<16xi32> to vector<16xi32>
        tpu.vector_store %arg16[%swap3A_317], %swap3A_320 {strides = array<i32>} : memref<48xi32, #tpu.memory_space<vmem>>, vector<16xi32>,
        %get3A_321 = arith.constant 16 : index
        %get3A_322 = tpu.vector_load %arg8[%get3A_321] {strides = array<i32>} : memref<48xi32, #tpu.memory_space<vmem>>, vector<16xi32>,
        %get3A_323 = vector.shape_cast %get3A_322 : vector<16xi32> to vector<16xi32>
        %and3A_324 = arith.constant 16383 : i32
        %and3A_325 = vector.broadcast %and3A_324 : i32 to vector<16xi32>
        %and3A_326 = arith.andi %get3A_323, %and3A_325 : vector<16xi32>
        %swap3A_327 = arith.constant 16 : index
        %swap3A_328 = tpu.vector_load %arg12[%swap3A_327] {strides = array<i32>} : memref<48xi32, #tpu.memory_space<vmem>>, vector<16xi32>,
        %swap3A_329 = vector.shape_cast %swap3A_328 : vector<16xi32> to vector<16xi32>
        %swap3A_330 = vector.shape_cast %and3A_326 : vector<16xi32> to vector<16xi32>
        tpu.vector_store %arg12[%swap3A_327], %swap3A_330 {strides = array<i32>} : memref<48xi32, #tpu.memory_space<vmem>>, vector<16xi32>,
        %shift_right_logical3A_331 = arith.constant 14 : i32
        %shift_right_logical3A_332 = vector.broadcast %shift_right_logical3A_331 : i32 to vector<16xi32>
        %shift_right_logical3A_333 = arith.shrui %get3A_323, %shift_right_logical3A_332 : vector<16xi32>
        %and3A_334 = arith.constant 16383 : i32
        %and3A_335 = vector.broadcast %and3A_334 : i32 to vector<16xi32>
        %and3A_336 = arith.andi %shift_right_logical3A_333, %and3A_335 : vector<16xi32>
        %swap3A_337 = arith.constant 16 : index
        %swap3A_338 = tpu.vector_load %arg16[%swap3A_337] {strides = array<i32>} : memref<48xi32, #tpu.memory_space<vmem>>, vector<16xi32>,
        %swap3A_339 = vector.shape_cast %swap3A_338 : vector<16xi32> to vector<16xi32>
        %swap3A_340 = vector.shape_cast %and3A_336 : vector<16xi32> to vector<16xi32>
        tpu.vector_store %arg16[%swap3A_337], %swap3A_340 {strides = array<i32>} : memref<48xi32, #tpu.memory_space<vmem>>, vector<16xi32>,
        %get3A_341 = arith.constant 32 : index
        %get3A_342 = tpu.vector_load %arg8[%get3A_341] {strides = array<i32>} : memref<48xi32, #tpu.memory_space<vmem>>, vector<16xi32>,
        %get3A_343 = vector.shape_cast %get3A_342 : vector<16xi32> to vector<16xi32>
        %and3A_344 = arith.constant 16383 : i32
        %and3A_345 = vector.broadcast %and3A_344 : i32 to vector<16xi32>
        %and3A_346 = arith.andi %get3A_343, %and3A_345 : vector<16xi32>
        %swap3A_347 = arith.constant 32 : index
        %swap3A_348 = tpu.vector_load %arg12[%swap3A_347] {strides = array<i32>} : memref<48xi32, #tpu.memory_space<vmem>>, vector<16xi32>,
        %swap3A_349 = vector.shape_cast %swap3A_348 : vector<16xi32> to vector<16xi32>
        %swap3A_350 = vector.shape_cast %and3A_346 : vector<16xi32> to vector<16xi32>
        tpu.vector_store %arg12[%swap3A_347], %swap3A_350 {strides = array<i32>} : memref<48xi32, #tpu.memory_space<vmem>>, vector<16xi32>,
        %shift_right_logical3A_351 = arith.constant 14 : i32
        %shift_right_logical3A_352 = vector.broadcast %shift_right_logical3A_351 : i32 to vector<16xi32>
        %shift_right_logical3A_353 = arith.shrui %get3A_343, %shift_right_logical3A_352 : vector<16xi32>
        %and3A_354 = arith.constant 16383 : i32
        %and3A_355 = vector.broadcast %and3A_354 : i32 to vector<16xi32>
        %and3A_356 = arith.andi %shift_right_logical3A_353, %and3A_355 : vector<16xi32>
        %swap3A_357 = arith.constant 32 : index
        %swap3A_358 = tpu.vector_load %arg16[%swap3A_357] {strides = array<i32>} : memref<48xi32, #tpu.memory_space<vmem>>, vector<16xi32>,
        %swap3A_359 = vector.shape_cast %swap3A_358 : vector<16xi32> to vector<16xi32>
        %swap3A_360 = vector.shape_cast %and3A_356 : vector<16xi32> to vector<16xi32>
        tpu.vector_store %arg16[%swap3A_357], %swap3A_360 {strides = array<i32>} : memref<48xi32, #tpu.memory_space<vmem>>, vector<16xi32>,
        %dma_start3A_361 = arith.constant 0 : i32
        %dma_start3A_362 = arith.constant 0 : i32
        %dma_start3A_363 = tpu.memref_slice %arg2[%dma_start3A_361, %dma_start3A_362] : memref<10000x128xf32, #tpu.memory_space<hbm>> -> memref<10000x128xf32, #tpu.memory_space<hbm>>
        tpu.enqueue_indirect_dma source(%dma_start3A_363 : memref<10000x128xf32, #tpu.memory_space<hbm>>) target(%arg20 : memref<48x128xf32, #tpu.memory_space<vmem>>) offsets(%arg12 : memref<48xi32, #tpu.memory_space<vmem>>) semaphore(%arg25 : memref<!tpu.dma_semaphore, #tpu.memory_space<semaphore_mem>>)
      } else {
      }
      "tpu.region"() ({
        %run_scoped3A_301 = tpu.sem_alloc : memref<!tpu.dma_semaphore, #tpu.memory_space<semaphore_mem>>
        %dma_start3A_302 = arith.constant 0 : i32
        %dma_start3A_303 = arith.constant 0 : i32
        %dma_start3A_304 = tpu.memref_slice %arg21[%dma_start3A_302, %dma_start3A_303] : memref<10240x128xf32, #tpu.memory_space<vmem_shared>> -> memref<10240x128xf32, #tpu.memory_space<vmem_shared>>
        tpu.enqueue_indirect_dma source(%arg18 : memref<48x128xf32, #tpu.memory_space<vmem>>) target(%dma_start3A_304 : memref<10240x128xf32, #tpu.memory_space<vmem_shared>>) offsets(%arg14 : memref<48xi32, #tpu.memory_space<vmem>>) semaphore(%run_scoped3A_301 : memref<!tpu.dma_semaphore, #tpu.memory_space<semaphore_mem>>) {add = true}
        %dma_wait3A_305 = arith.constant 0 : i32
        %dma_wait3A_306 = arith.constant 0 : i32
        %dma_wait3A_307 = tpu.memref_slice %arg21[%dma_wait3A_305, %dma_wait3A_306] : memref<10240x128xf32, #tpu.memory_space<vmem_shared>> -> memref<10240x128xf32, #tpu.memory_space<vmem_shared>>
        tpu.wait_indirect_dma semaphore(%run_scoped3A_301 : memref<!tpu.dma_semaphore, #tpu.memory_space<semaphore_mem>>) src(%arg18 : memref<48x128xf32, #tpu.memory_space<vmem>>) dst(%dma_wait3A_307 : memref<10240x128xf32, #tpu.memory_space<vmem_shared>>)
        tpu.yield
      }) : () -> ()
      %mul3A_239 = arith.constant 4 : i32
      %mul3A_240 = arith.muli %mul3A_239, %scan3A_180 : i32
      %add3A_241 = arith.constant 2 : i32
      %add3A_242 = arith.addi %mul3A_240, %add3A_241 : i32
      %dma_wait3A_243 = arith.constant 0 : i32
      %dma_wait3A_244 = arith.constant 0 : i32
      %dma_wait3A_245 = tpu.memref_slice %arg2[%dma_wait3A_243, %dma_wait3A_244] : memref<10000x128xf32, #tpu.memory_space<hbm>> -> memref<10000x128xf32, #tpu.memory_space<hbm>>
      tpu.wait_indirect_dma semaphore(%arg24 : memref<!tpu.dma_semaphore, #tpu.memory_space<semaphore_mem>>) src(%dma_wait3A_245 : memref<10000x128xf32, #tpu.memory_space<hbm>>) dst(%arg19 : memref<48x128xf32, #tpu.memory_space<vmem>>)
      %add3A_246 = arith.constant 4 : i32
      %add3A_247 = arith.addi %add3A_242, %add3A_246 : i32
      %lt3A_248 = arith.constant 209 : i32
      %lt3A_249 = arith.cmpi slt, %add3A_247, %lt3A_248 : i32
      %convert_element_type3A_250 = arith.extui %lt3A_249 : i1 to i32
      %cond3A_251 = arith.constant 0 : i32
      %cond3A_252 = arith.cmpi ne, %convert_element_type3A_250, %cond3A_251 : i32
      scf.if %cond3A_252 {
        %add3A_301 = arith.constant 4 : i32
        %add3A_302 = arith.addi %add3A_242, %add3A_301 : i32
        %dma_start3A_303 = arith.constant 0 : i32
        %dma_start3A_304 = tpu.memref_slice %arg3[%add3A, %add3A_302, %dma_start3A_303] : memref<32x209x48xi32, #tpu.memory_space<hbm>> -> memref<1x1x48xi32, #tpu.memory_space<hbm>>
        %dma_start3A_305 = tpu.memref_squeeze %dma_start3A_304 : memref<1x1x48xi32, #tpu.memory_space<hbm>> -> memref<48xi32, #tpu.memory_space<hbm>>
        %dma_start3A_306 = arith.constant 0 : i32
        %dma_start3A_307 = tpu.memref_slice %arg3[%add3A, %add3A_302, %dma_start3A_306] : memref<32x209x48xi32, #tpu.memory_space<hbm>> -> memref<1x1x48xi32, #tpu.memory_space<hbm>>
        %dma_start3A_308 = tpu.memref_squeeze %dma_start3A_307 : memref<1x1x48xi32, #tpu.memory_space<hbm>> -> memref<48xi32, #tpu.memory_space<hbm>>
        tpu.enqueue_dma source(%dma_start3A_308 : memref<48xi32, #tpu.memory_space<hbm>>) target(%arg7 : memref<48xi32, #tpu.memory_space<vmem>>) target_semaphore(%arg28 : memref<!tpu.dma_semaphore, #tpu.memory_space<semaphore_mem>>)
      } else {
      }
      %ge3A_253 = arith.constant 2 : i32
      %ge3A_254 = arith.cmpi sge, %add3A_242, %ge3A_253 : i32
      %add3A_255 = arith.constant 2 : i32
      %add3A_256 = arith.addi %add3A_242, %add3A_255 : i32
      %lt3A_257 = arith.constant 209 : i32
      %lt3A_258 = arith.cmpi slt, %add3A_256, %lt3A_257 : i32
      %and3A_259 = arith.andi %ge3A_254, %lt3A_258 : i1
      %convert_element_type3A_260 = arith.extui %and3A_259 : i1 to i32
      %cond3A_261 = arith.constant 0 : i32
      %cond3A_262 = arith.cmpi ne, %convert_element_type3A_260, %cond3A_261 : i32
      scf.if %cond3A_262 {
        %dma_wait3A_301 = arith.constant 0 : i32
        %dma_wait3A_302 = arith.constant 0 : i32
        %dma_wait3A_303 = tpu.memref_slice %arg3[%add3A, %dma_wait3A_301, %dma_wait3A_302] : memref<32x209x48xi32, #tpu.memory_space<hbm>> -> memref<1x1x48xi32, #tpu.memory_space<hbm>>
        %dma_wait3A_304 = tpu.memref_squeeze %dma_wait3A_303 : memref<1x1x48xi32, #tpu.memory_space<hbm>> -> memref<48xi32, #tpu.memory_space<hbm>>
        %dma_wait3A_305 = arith.constant 0 : i32
        %dma_wait3A_306 = tpu.memref_slice %arg3[%add3A, %dma_wait3A_301, %dma_wait3A_305] : memref<32x209x48xi32, #tpu.memory_space<hbm>> -> memref<1x1x48xi32, #tpu.memory_space<hbm>>
        %dma_wait3A_307 = tpu.memref_squeeze %dma_wait3A_306 : memref<1x1x48xi32, #tpu.memory_space<hbm>> -> memref<48xi32, #tpu.memory_space<hbm>>
        tpu.wait_dma2 semaphore(%arg26 : memref<!tpu.dma_semaphore, #tpu.memory_space<semaphore_mem>>) src(%dma_wait3A_307 : memref<48xi32, #tpu.memory_space<hbm>>) dst(%arg5 : memref<48xi32, #tpu.memory_space<vmem>>)
      } else {
      }
      %add3A_263 = arith.constant 2 : i32
      %add3A_264 = arith.addi %add3A_242, %add3A_263 : i32
      %lt3A_265 = arith.constant 209 : i32
      %lt3A_266 = arith.cmpi slt, %add3A_264, %lt3A_265 : i32
      %convert_element_type3A_267 = arith.extui %lt3A_266 : i1 to i32
      %cond3A_268 = arith.constant 0 : i32
      %cond3A_269 = arith.cmpi ne, %convert_element_type3A_267, %cond3A_268 : i32
      scf.if %cond3A_269 {
        %get3A_301 = arith.constant 0 : index
        %get3A_302 = tpu.vector_load %arg5[%get3A_301] {strides = array<i32>} : memref<48xi32, #tpu.memory_space<vmem>>, vector<16xi32>,
        %get3A_303 = vector.shape_cast %get3A_302 : vector<16xi32> to vector<16xi32>
        %and3A_304 = arith.constant 16383 : i32
        %and3A_305 = vector.broadcast %and3A_304 : i32 to vector<16xi32>
        %and3A_306 = arith.andi %get3A_303, %and3A_305 : vector<16xi32>
        %swap3A_307 = arith.constant 0 : index
        %swap3A_308 = tpu.vector_load %arg9[%swap3A_307] {strides = array<i32>} : memref<48xi32, #tpu.memory_space<vmem>>, vector<16xi32>,
        %swap3A_309 = vector.shape_cast %swap3A_308 : vector<16xi32> to vector<16xi32>
        %swap3A_310 = vector.shape_cast %and3A_306 : vector<16xi32> to vector<16xi32>
        tpu.vector_store %arg9[%swap3A_307], %swap3A_310 {strides = array<i32>} : memref<48xi32, #tpu.memory_space<vmem>>, vector<16xi32>,
        %shift_right_logical3A_311 = arith.constant 14 : i32
        %shift_right_logical3A_312 = vector.broadcast %shift_right_logical3A_311 : i32 to vector<16xi32>
        %shift_right_logical3A_313 = arith.shrui %get3A_303, %shift_right_logical3A_312 : vector<16xi32>
        %and3A_314 = arith.constant 16383 : i32
        %and3A_315 = vector.broadcast %and3A_314 : i32 to vector<16xi32>
        %and3A_316 = arith.andi %shift_right_logical3A_313, %and3A_315 : vector<16xi32>
        %swap3A_317 = arith.constant 0 : index
        %swap3A_318 = tpu.vector_load %arg13[%swap3A_317] {strides = array<i32>} : memref<48xi32, #tpu.memory_space<vmem>>, vector<16xi32>,
        %swap3A_319 = vector.shape_cast %swap3A_318 : vector<16xi32> to vector<16xi32>
        %swap3A_320 = vector.shape_cast %and3A_316 : vector<16xi32> to vector<16xi32>
        tpu.vector_store %arg13[%swap3A_317], %swap3A_320 {strides = array<i32>} : memref<48xi32, #tpu.memory_space<vmem>>, vector<16xi32>,
        %get3A_321 = arith.constant 16 : index
        %get3A_322 = tpu.vector_load %arg5[%get3A_321] {strides = array<i32>} : memref<48xi32, #tpu.memory_space<vmem>>, vector<16xi32>,
        %get3A_323 = vector.shape_cast %get3A_322 : vector<16xi32> to vector<16xi32>
        %and3A_324 = arith.constant 16383 : i32
        %and3A_325 = vector.broadcast %and3A_324 : i32 to vector<16xi32>
        %and3A_326 = arith.andi %get3A_323, %and3A_325 : vector<16xi32>
        %swap3A_327 = arith.constant 16 : index
        %swap3A_328 = tpu.vector_load %arg9[%swap3A_327] {strides = array<i32>} : memref<48xi32, #tpu.memory_space<vmem>>, vector<16xi32>,
        %swap3A_329 = vector.shape_cast %swap3A_328 : vector<16xi32> to vector<16xi32>
        %swap3A_330 = vector.shape_cast %and3A_326 : vector<16xi32> to vector<16xi32>
        tpu.vector_store %arg9[%swap3A_327], %swap3A_330 {strides = array<i32>} : memref<48xi32, #tpu.memory_space<vmem>>, vector<16xi32>,
        %shift_right_logical3A_331 = arith.constant 14 : i32
        %shift_right_logical3A_332 = vector.broadcast %shift_right_logical3A_331 : i32 to vector<16xi32>
        %shift_right_logical3A_333 = arith.shrui %get3A_323, %shift_right_logical3A_332 : vector<16xi32>
        %and3A_334 = arith.constant 16383 : i32
        %and3A_335 = vector.broadcast %and3A_334 : i32 to vector<16xi32>
        %and3A_336 = arith.andi %shift_right_logical3A_333, %and3A_335 : vector<16xi32>
        %swap3A_337 = arith.constant 16 : index
        %swap3A_338 = tpu.vector_load %arg13[%swap3A_337] {strides = array<i32>} : memref<48xi32, #tpu.memory_space<vmem>>, vector<16xi32>,
        %swap3A_339 = vector.shape_cast %swap3A_338 : vector<16xi32> to vector<16xi32>
        %swap3A_340 = vector.shape_cast %and3A_336 : vector<16xi32> to vector<16xi32>
        tpu.vector_store %arg13[%swap3A_337], %swap3A_340 {strides = array<i32>} : memref<48xi32, #tpu.memory_space<vmem>>, vector<16xi32>,
        %get3A_341 = arith.constant 32 : index
        %get3A_342 = tpu.vector_load %arg5[%get3A_341] {strides = array<i32>} : memref<48xi32, #tpu.memory_space<vmem>>, vector<16xi32>,
        %get3A_343 = vector.shape_cast %get3A_342 : vector<16xi32> to vector<16xi32>
        %and3A_344 = arith.constant 16383 : i32
        %and3A_345 = vector.broadcast %and3A_344 : i32 to vector<16xi32>
        %and3A_346 = arith.andi %get3A_343, %and3A_345 : vector<16xi32>
        %swap3A_347 = arith.constant 32 : index
        %swap3A_348 = tpu.vector_load %arg9[%swap3A_347] {strides = array<i32>} : memref<48xi32, #tpu.memory_space<vmem>>, vector<16xi32>,
        %swap3A_349 = vector.shape_cast %swap3A_348 : vector<16xi32> to vector<16xi32>
        %swap3A_350 = vector.shape_cast %and3A_346 : vector<16xi32> to vector<16xi32>
        tpu.vector_store %arg9[%swap3A_347], %swap3A_350 {strides = array<i32>} : memref<48xi32, #tpu.memory_space<vmem>>, vector<16xi32>,
        %shift_right_logical3A_351 = arith.constant 14 : i32
        %shift_right_logical3A_352 = vector.broadcast %shift_right_logical3A_351 : i32 to vector<16xi32>
        %shift_right_logical3A_353 = arith.shrui %get3A_343, %shift_right_logical3A_352 : vector<16xi32>
        %and3A_354 = arith.constant 16383 : i32
        %and3A_355 = vector.broadcast %and3A_354 : i32 to vector<16xi32>
        %and3A_356 = arith.andi %shift_right_logical3A_353, %and3A_355 : vector<16xi32>
        %swap3A_357 = arith.constant 32 : index
        %swap3A_358 = tpu.vector_load %arg13[%swap3A_357] {strides = array<i32>} : memref<48xi32, #tpu.memory_space<vmem>>, vector<16xi32>,
        %swap3A_359 = vector.shape_cast %swap3A_358 : vector<16xi32> to vector<16xi32>
        %swap3A_360 = vector.shape_cast %and3A_356 : vector<16xi32> to vector<16xi32>
        tpu.vector_store %arg13[%swap3A_357], %swap3A_360 {strides = array<i32>} : memref<48xi32, #tpu.memory_space<vmem>>, vector<16xi32>,
        %dma_start3A_361 = arith.constant 0 : i32
        %dma_start3A_362 = arith.constant 0 : i32
        %dma_start3A_363 = tpu.memref_slice %arg2[%dma_start3A_361, %dma_start3A_362] : memref<10000x128xf32, #tpu.memory_space<hbm>> -> memref<10000x128xf32, #tpu.memory_space<hbm>>
        tpu.enqueue_indirect_dma source(%dma_start3A_363 : memref<10000x128xf32, #tpu.memory_space<hbm>>) target(%arg17 : memref<48x128xf32, #tpu.memory_space<vmem>>) offsets(%arg9 : memref<48xi32, #tpu.memory_space<vmem>>) semaphore(%arg22 : memref<!tpu.dma_semaphore, #tpu.memory_space<semaphore_mem>>)
      } else {
      }
      "tpu.region"() ({
        %run_scoped3A_301 = tpu.sem_alloc : memref<!tpu.dma_semaphore, #tpu.memory_space<semaphore_mem>>
        %dma_start3A_302 = arith.constant 0 : i32
        %dma_start3A_303 = arith.constant 0 : i32
        %dma_start3A_304 = tpu.memref_slice %arg21[%dma_start3A_302, %dma_start3A_303] : memref<10240x128xf32, #tpu.memory_space<vmem_shared>> -> memref<10240x128xf32, #tpu.memory_space<vmem_shared>>
        tpu.enqueue_indirect_dma source(%arg19 : memref<48x128xf32, #tpu.memory_space<vmem>>) target(%dma_start3A_304 : memref<10240x128xf32, #tpu.memory_space<vmem_shared>>) offsets(%arg15 : memref<48xi32, #tpu.memory_space<vmem>>) semaphore(%run_scoped3A_301 : memref<!tpu.dma_semaphore, #tpu.memory_space<semaphore_mem>>) {add = true}
        %dma_wait3A_305 = arith.constant 0 : i32
        %dma_wait3A_306 = arith.constant 0 : i32
        %dma_wait3A_307 = tpu.memref_slice %arg21[%dma_wait3A_305, %dma_wait3A_306] : memref<10240x128xf32, #tpu.memory_space<vmem_shared>> -> memref<10240x128xf32, #tpu.memory_space<vmem_shared>>
        tpu.wait_indirect_dma semaphore(%run_scoped3A_301 : memref<!tpu.dma_semaphore, #tpu.memory_space<semaphore_mem>>) src(%arg19 : memref<48x128xf32, #tpu.memory_space<vmem>>) dst(%dma_wait3A_307 : memref<10240x128xf32, #tpu.memory_space<vmem_shared>>)
        tpu.yield
      }) : () -> ()
      %mul3A_270 = arith.constant 4 : i32
      %mul3A_271 = arith.muli %mul3A_270, %scan3A_180 : i32
      %add3A_272 = arith.constant 3 : i32
      %add3A_273 = arith.addi %mul3A_271, %add3A_272 : i32
      %dma_wait3A_274 = arith.constant 0 : i32
      %dma_wait3A_275 = arith.constant 0 : i32
      %dma_wait3A_276 = tpu.memref_slice %arg2[%dma_wait3A_274, %dma_wait3A_275] : memref<10000x128xf32, #tpu.memory_space<hbm>> -> memref<10000x128xf32, #tpu.memory_space<hbm>>
      tpu.wait_indirect_dma semaphore(%arg25 : memref<!tpu.dma_semaphore, #tpu.memory_space<semaphore_mem>>) src(%dma_wait3A_276 : memref<10000x128xf32, #tpu.memory_space<hbm>>) dst(%arg20 : memref<48x128xf32, #tpu.memory_space<vmem>>)
      %add3A_277 = arith.constant 4 : i32
      %add3A_278 = arith.addi %add3A_273, %add3A_277 : i32
      %lt3A_279 = arith.constant 209 : i32
      %lt3A_280 = arith.cmpi slt, %add3A_278, %lt3A_279 : i32
      %convert_element_type3A_281 = arith.extui %lt3A_280 : i1 to i32
      %cond3A_282 = arith.constant 0 : i32
      %cond3A_283 = arith.cmpi ne, %convert_element_type3A_281, %cond3A_282 : i32
      scf.if %cond3A_283 {
        %add3A_301 = arith.constant 4 : i32
        %add3A_302 = arith.addi %add3A_273, %add3A_301 : i32
        %dma_start3A_303 = arith.constant 0 : i32
        %dma_start3A_304 = tpu.memref_slice %arg3[%add3A, %add3A_302, %dma_start3A_303] : memref<32x209x48xi32, #tpu.memory_space<hbm>> -> memref<1x1x48xi32, #tpu.memory_space<hbm>>
        %dma_start3A_305 = tpu.memref_squeeze %dma_start3A_304 : memref<1x1x48xi32, #tpu.memory_space<hbm>> -> memref<48xi32, #tpu.memory_space<hbm>>
        %dma_start3A_306 = arith.constant 0 : i32
        %dma_start3A_307 = tpu.memref_slice %arg3[%add3A, %add3A_302, %dma_start3A_306] : memref<32x209x48xi32, #tpu.memory_space<hbm>> -> memref<1x1x48xi32, #tpu.memory_space<hbm>>
        %dma_start3A_308 = tpu.memref_squeeze %dma_start3A_307 : memref<1x1x48xi32, #tpu.memory_space<hbm>> -> memref<48xi32, #tpu.memory_space<hbm>>
        tpu.enqueue_dma source(%dma_start3A_308 : memref<48xi32, #tpu.memory_space<hbm>>) target(%arg8 : memref<48xi32, #tpu.memory_space<vmem>>) target_semaphore(%arg29 : memref<!tpu.dma_semaphore, #tpu.memory_space<semaphore_mem>>)
      } else {
      }
      %ge3A_284 = arith.constant 2 : i32
      %ge3A_285 = arith.cmpi sge, %add3A_273, %ge3A_284 : i32
      %add3A_286 = arith.constant 2 : i32
      %add3A_287 = arith.addi %add3A_273, %add3A_286 : i32
      %lt3A_288 = arith.constant 209 : i32
      %lt3A_289 = arith.cmpi slt, %add3A_287, %lt3A_288 : i32
      %and3A_290 = arith.andi %ge3A_285, %lt3A_289 : i1
      %convert_element_type3A_291 = arith.extui %and3A_290 : i1 to i32
      %cond3A_292 = arith.constant 0 : i32
      %cond3A_293 = arith.cmpi ne, %convert_element_type3A_291, %cond3A_292 : i32
      scf.if %cond3A_293 {
        %dma_wait3A_301 = arith.constant 0 : i32
        %dma_wait3A_302 = arith.constant 0 : i32
        %dma_wait3A_303 = tpu.memref_slice %arg3[%add3A, %dma_wait3A_301, %dma_wait3A_302] : memref<32x209x48xi32, #tpu.memory_space<hbm>> -> memref<1x1x48xi32, #tpu.memory_space<hbm>>
        %dma_wait3A_304 = tpu.memref_squeeze %dma_wait3A_303 : memref<1x1x48xi32, #tpu.memory_space<hbm>> -> memref<48xi32, #tpu.memory_space<hbm>>
        %dma_wait3A_305 = arith.constant 0 : i32
        %dma_wait3A_306 = tpu.memref_slice %arg3[%add3A, %dma_wait3A_301, %dma_wait3A_305] : memref<32x209x48xi32, #tpu.memory_space<hbm>> -> memref<1x1x48xi32, #tpu.memory_space<hbm>>
        %dma_wait3A_307 = tpu.memref_squeeze %dma_wait3A_306 : memref<1x1x48xi32, #tpu.memory_space<hbm>> -> memref<48xi32, #tpu.memory_space<hbm>>
        tpu.wait_dma2 semaphore(%arg27 : memref<!tpu.dma_semaphore, #tpu.memory_space<semaphore_mem>>) src(%dma_wait3A_307 : memref<48xi32, #tpu.memory_space<hbm>>) dst(%arg6 : memref<48xi32, #tpu.memory_space<vmem>>)
      } else {
      }
      %add3A_294 = arith.constant 2 : i32
      %add3A_295 = arith.addi %add3A_273, %add3A_294 : i32
      %lt3A_296 = arith.constant 209 : i32
      %lt3A_297 = arith.cmpi slt, %add3A_295, %lt3A_296 : i32
      %convert_element_type3A_298 = arith.extui %lt3A_297 : i1 to i32
      %cond3A_299 = arith.constant 0 : i32
      %cond3A_300 = arith.cmpi ne, %convert_element_type3A_298, %cond3A_299 : i32
      scf.if %cond3A_300 {
        %get3A_301 = arith.constant 0 : index
        %get3A_302 = tpu.vector_load %arg6[%get3A_301] {strides = array<i32>} : memref<48xi32, #tpu.memory_space<vmem>>, vector<16xi32>,
        %get3A_303 = vector.shape_cast %get3A_302 : vector<16xi32> to vector<16xi32>
        %and3A_304 = arith.constant 16383 : i32
        %and3A_305 = vector.broadcast %and3A_304 : i32 to vector<16xi32>
        %and3A_306 = arith.andi %get3A_303, %and3A_305 : vector<16xi32>
        %swap3A_307 = arith.constant 0 : index
        %swap3A_308 = tpu.vector_load %arg10[%swap3A_307] {strides = array<i32>} : memref<48xi32, #tpu.memory_space<vmem>>, vector<16xi32>,
        %swap3A_309 = vector.shape_cast %swap3A_308 : vector<16xi32> to vector<16xi32>
        %swap3A_310 = vector.shape_cast %and3A_306 : vector<16xi32> to vector<16xi32>
        tpu.vector_store %arg10[%swap3A_307], %swap3A_310 {strides = array<i32>} : memref<48xi32, #tpu.memory_space<vmem>>, vector<16xi32>,
        %shift_right_logical3A_311 = arith.constant 14 : i32
        %shift_right_logical3A_312 = vector.broadcast %shift_right_logical3A_311 : i32 to vector<16xi32>
        %shift_right_logical3A_313 = arith.shrui %get3A_303, %shift_right_logical3A_312 : vector<16xi32>
        %and3A_314 = arith.constant 16383 : i32
        %and3A_315 = vector.broadcast %and3A_314 : i32 to vector<16xi32>
        %and3A_316 = arith.andi %shift_right_logical3A_313, %and3A_315 : vector<16xi32>
        %swap3A_317 = arith.constant 0 : index
        %swap3A_318 = tpu.vector_load %arg14[%swap3A_317] {strides = array<i32>} : memref<48xi32, #tpu.memory_space<vmem>>, vector<16xi32>,
        %swap3A_319 = vector.shape_cast %swap3A_318 : vector<16xi32> to vector<16xi32>
        %swap3A_320 = vector.shape_cast %and3A_316 : vector<16xi32> to vector<16xi32>
        tpu.vector_store %arg14[%swap3A_317], %swap3A_320 {strides = array<i32>} : memref<48xi32, #tpu.memory_space<vmem>>, vector<16xi32>,
        %get3A_321 = arith.constant 16 : index
        %get3A_322 = tpu.vector_load %arg6[%get3A_321] {strides = array<i32>} : memref<48xi32, #tpu.memory_space<vmem>>, vector<16xi32>,
        %get3A_323 = vector.shape_cast %get3A_322 : vector<16xi32> to vector<16xi32>
        %and3A_324 = arith.constant 16383 : i32
        %and3A_325 = vector.broadcast %and3A_324 : i32 to vector<16xi32>
        %and3A_326 = arith.andi %get3A_323, %and3A_325 : vector<16xi32>
        %swap3A_327 = arith.constant 16 : index
        %swap3A_328 = tpu.vector_load %arg10[%swap3A_327] {strides = array<i32>} : memref<48xi32, #tpu.memory_space<vmem>>, vector<16xi32>,
        %swap3A_329 = vector.shape_cast %swap3A_328 : vector<16xi32> to vector<16xi32>
        %swap3A_330 = vector.shape_cast %and3A_326 : vector<16xi32> to vector<16xi32>
        tpu.vector_store %arg10[%swap3A_327], %swap3A_330 {strides = array<i32>} : memref<48xi32, #tpu.memory_space<vmem>>, vector<16xi32>,
        %shift_right_logical3A_331 = arith.constant 14 : i32
        %shift_right_logical3A_332 = vector.broadcast %shift_right_logical3A_331 : i32 to vector<16xi32>
        %shift_right_logical3A_333 = arith.shrui %get3A_323, %shift_right_logical3A_332 : vector<16xi32>
        %and3A_334 = arith.constant 16383 : i32
        %and3A_335 = vector.broadcast %and3A_334 : i32 to vector<16xi32>
        %and3A_336 = arith.andi %shift_right_logical3A_333, %and3A_335 : vector<16xi32>
        %swap3A_337 = arith.constant 16 : index
        %swap3A_338 = tpu.vector_load %arg14[%swap3A_337] {strides = array<i32>} : memref<48xi32, #tpu.memory_space<vmem>>, vector<16xi32>,
        %swap3A_339 = vector.shape_cast %swap3A_338 : vector<16xi32> to vector<16xi32>
        %swap3A_340 = vector.shape_cast %and3A_336 : vector<16xi32> to vector<16xi32>
        tpu.vector_store %arg14[%swap3A_337], %swap3A_340 {strides = array<i32>} : memref<48xi32, #tpu.memory_space<vmem>>, vector<16xi32>,
        %get3A_341 = arith.constant 32 : index
        %get3A_342 = tpu.vector_load %arg6[%get3A_341] {strides = array<i32>} : memref<48xi32, #tpu.memory_space<vmem>>, vector<16xi32>,
        %get3A_343 = vector.shape_cast %get3A_342 : vector<16xi32> to vector<16xi32>
        %and3A_344 = arith.constant 16383 : i32
        %and3A_345 = vector.broadcast %and3A_344 : i32 to vector<16xi32>
        %and3A_346 = arith.andi %get3A_343, %and3A_345 : vector<16xi32>
        %swap3A_347 = arith.constant 32 : index
        %swap3A_348 = tpu.vector_load %arg10[%swap3A_347] {strides = array<i32>} : memref<48xi32, #tpu.memory_space<vmem>>, vector<16xi32>,
        %swap3A_349 = vector.shape_cast %swap3A_348 : vector<16xi32> to vector<16xi32>
        %swap3A_350 = vector.shape_cast %and3A_346 : vector<16xi32> to vector<16xi32>
        tpu.vector_store %arg10[%swap3A_347], %swap3A_350 {strides = array<i32>} : memref<48xi32, #tpu.memory_space<vmem>>, vector<16xi32>,
        %shift_right_logical3A_351 = arith.constant 14 : i32
        %shift_right_logical3A_352 = vector.broadcast %shift_right_logical3A_351 : i32 to vector<16xi32>
        %shift_right_logical3A_353 = arith.shrui %get3A_343, %shift_right_logical3A_352 : vector<16xi32>
        %and3A_354 = arith.constant 16383 : i32
        %and3A_355 = vector.broadcast %and3A_354 : i32 to vector<16xi32>
        %and3A_356 = arith.andi %shift_right_logical3A_353, %and3A_355 : vector<16xi32>
        %swap3A_357 = arith.constant 32 : index
        %swap3A_358 = tpu.vector_load %arg14[%swap3A_357] {strides = array<i32>} : memref<48xi32, #tpu.memory_space<vmem>>, vector<16xi32>,
        %swap3A_359 = vector.shape_cast %swap3A_358 : vector<16xi32> to vector<16xi32>
        %swap3A_360 = vector.shape_cast %and3A_356 : vector<16xi32> to vector<16xi32>
        tpu.vector_store %arg14[%swap3A_357], %swap3A_360 {strides = array<i32>} : memref<48xi32, #tpu.memory_space<vmem>>, vector<16xi32>,
        %dma_start3A_361 = arith.constant 0 : i32
        %dma_start3A_362 = arith.constant 0 : i32
        %dma_start3A_363 = tpu.memref_slice %arg2[%dma_start3A_361, %dma_start3A_362] : memref<10000x128xf32, #tpu.memory_space<hbm>> -> memref<10000x128xf32, #tpu.memory_space<hbm>>
        tpu.enqueue_indirect_dma source(%dma_start3A_363 : memref<10000x128xf32, #tpu.memory_space<hbm>>) target(%arg18 : memref<48x128xf32, #tpu.memory_space<vmem>>) offsets(%arg10 : memref<48xi32, #tpu.memory_space<vmem>>) semaphore(%arg23 : memref<!tpu.dma_semaphore, #tpu.memory_space<semaphore_mem>>)
      } else {
      }
      "tpu.region"() ({
        %run_scoped3A_301 = tpu.sem_alloc : memref<!tpu.dma_semaphore, #tpu.memory_space<semaphore_mem>>
        %dma_start3A_302 = arith.constant 0 : i32
        %dma_start3A_303 = arith.constant 0 : i32
        %dma_start3A_304 = tpu.memref_slice %arg21[%dma_start3A_302, %dma_start3A_303] : memref<10240x128xf32, #tpu.memory_space<vmem_shared>> -> memref<10240x128xf32, #tpu.memory_space<vmem_shared>>
        tpu.enqueue_indirect_dma source(%arg20 : memref<48x128xf32, #tpu.memory_space<vmem>>) target(%dma_start3A_304 : memref<10240x128xf32, #tpu.memory_space<vmem_shared>>) offsets(%arg16 : memref<48xi32, #tpu.memory_space<vmem>>) semaphore(%run_scoped3A_301 : memref<!tpu.dma_semaphore, #tpu.memory_space<semaphore_mem>>) {add = true}
        %dma_wait3A_305 = arith.constant 0 : i32
        %dma_wait3A_306 = arith.constant 0 : i32
        %dma_wait3A_307 = tpu.memref_slice %arg21[%dma_wait3A_305, %dma_wait3A_306] : memref<10240x128xf32, #tpu.memory_space<vmem_shared>> -> memref<10240x128xf32, #tpu.memory_space<vmem_shared>>
        tpu.wait_indirect_dma semaphore(%run_scoped3A_301 : memref<!tpu.dma_semaphore, #tpu.memory_space<semaphore_mem>>) src(%arg20 : memref<48x128xf32, #tpu.memory_space<vmem>>) dst(%dma_wait3A_307 : memref<10240x128xf32, #tpu.memory_space<vmem_shared>>)
        tpu.yield
      }) : () -> ()
    }
    %scan3A_166 = arith.constant 52 : i32
    %dma_wait3A = arith.constant 0 : i32
    %dma_wait3A_167 = arith.constant 0 : i32
    %dma_wait3A_168 = tpu.memref_slice %arg2[%dma_wait3A, %dma_wait3A_167] : memref<10000x128xf32, #tpu.memory_space<hbm>> -> memref<10000x128xf32, #tpu.memory_space<hbm>>
    tpu.wait_indirect_dma semaphore(%arg22 : memref<!tpu.dma_semaphore, #tpu.memory_space<semaphore_mem>>) src(%dma_wait3A_168 : memref<10000x128xf32, #tpu.memory_space<hbm>>) dst(%arg17 : memref<48x128xf32, #tpu.memory_space<vmem>>)
    "tpu.region"() ({
      %run_scoped3A_180 = tpu.sem_alloc : memref<!tpu.dma_semaphore, #tpu.memory_space<semaphore_mem>>
      %dma_start3A_181 = arith.constant 0 : i32
      %dma_start3A_182 = arith.constant 0 : i32
      %dma_start3A_183 = tpu.memref_slice %arg21[%dma_start3A_181, %dma_start3A_182] : memref<10240x128xf32, #tpu.memory_space<vmem_shared>> -> memref<10240x128xf32, #tpu.memory_space<vmem_shared>>
      tpu.enqueue_indirect_dma source(%arg17 : memref<48x128xf32, #tpu.memory_space<vmem>>) target(%dma_start3A_183 : memref<10240x128xf32, #tpu.memory_space<vmem_shared>>) offsets(%arg13 : memref<48xi32, #tpu.memory_space<vmem>>) semaphore(%run_scoped3A_180 : memref<!tpu.dma_semaphore, #tpu.memory_space<semaphore_mem>>) {add = true}
      %dma_wait3A_184 = arith.constant 0 : i32
      %dma_wait3A_185 = arith.constant 0 : i32
      %dma_wait3A_186 = tpu.memref_slice %arg21[%dma_wait3A_184, %dma_wait3A_185] : memref<10240x128xf32, #tpu.memory_space<vmem_shared>> -> memref<10240x128xf32, #tpu.memory_space<vmem_shared>>
      tpu.wait_indirect_dma semaphore(%run_scoped3A_180 : memref<!tpu.dma_semaphore, #tpu.memory_space<semaphore_mem>>) src(%arg17 : memref<48x128xf32, #tpu.memory_space<vmem>>) dst(%dma_wait3A_186 : memref<10240x128xf32, #tpu.memory_space<vmem_shared>>)
      tpu.yield
    }) : () -> ()
    %barrier3A_169 = arith.constant 0 : index
    tpu.barrier barrier_id(%barrier3A_169)
    %add3A_170 = arith.constant 0 : i32
    %add3A_171 = arith.addi %mul3A_8, %add3A_170 : i32
    "tpu.region"() ({
      %run_scoped3A_180 = tpu.sem_alloc : memref<!tpu.dma_semaphore, #tpu.memory_space<semaphore_mem>>
      %dma_start3A_181 = arith.constant 0 : i32
      %dma_start3A_182 = tpu.memref_slice %arg4[%arg0, %add3A_171, %dma_start3A_181] : memref<2x10240x128xf32, #tpu.memory_space<hbm>> -> memref<1x128x128xf32, #tpu.memory_space<hbm>>
      %dma_start3A_183 = tpu.memref_squeeze %dma_start3A_182 : memref<1x128x128xf32, #tpu.memory_space<hbm>> -> memref<128x128xf32, #tpu.memory_space<hbm>>
      %dma_start3A_184 = arith.constant 0 : i32
      %dma_start3A_185 = tpu.memref_slice %arg21[%add3A_171, %dma_start3A_184] : memref<10240x128xf32, #tpu.memory_space<vmem_shared>> -> memref<128x128xf32, #tpu.memory_space<vmem_shared>>
      tpu.enqueue_dma source(%dma_start3A_185 : memref<128x128xf32, #tpu.memory_space<vmem_shared>>) target(%dma_start3A_183 : memref<128x128xf32, #tpu.memory_space<hbm>>) target_semaphore(%run_scoped3A_180 : memref<!tpu.dma_semaphore, #tpu.memory_space<semaphore_mem>>)
      %dma_wait3A_186 = arith.constant 0 : i32
      %dma_wait3A_187 = tpu.memref_slice %arg4[%arg0, %add3A_171, %dma_wait3A_186] : memref<2x10240x128xf32, #tpu.memory_space<hbm>> -> memref<1x128x128xf32, #tpu.memory_space<hbm>>
      %dma_wait3A_188 = tpu.memref_squeeze %dma_wait3A_187 : memref<1x128x128xf32, #tpu.memory_space<hbm>> -> memref<128x128xf32, #tpu.memory_space<hbm>>
      %dma_wait3A_189 = arith.constant 0 : i32
      %dma_wait3A_190 = tpu.memref_slice %arg21[%add3A_171, %dma_wait3A_189] : memref<10240x128xf32, #tpu.memory_space<vmem_shared>> -> memref<128x128xf32, #tpu.memory_space<vmem_shared>>
      tpu.wait_dma2 semaphore(%run_scoped3A_180 : memref<!tpu.dma_semaphore, #tpu.memory_space<semaphore_mem>>) src(%dma_wait3A_190 : memref<128x128xf32, #tpu.memory_space<vmem_shared>>) dst(%dma_wait3A_188 : memref<128x128xf32, #tpu.memory_space<hbm>>)
      tpu.yield
    }) : () -> ()
    %add3A_172 = arith.constant 128 : i32
    %add3A_173 = arith.addi %mul3A_8, %add3A_172 : i32
    "tpu.region"() ({
      %run_scoped3A_180 = tpu.sem_alloc : memref<!tpu.dma_semaphore, #tpu.memory_space<semaphore_mem>>
      %dma_start3A_181 = arith.constant 0 : i32
      %dma_start3A_182 = tpu.memref_slice %arg4[%arg0, %add3A_173, %dma_start3A_181] : memref<2x10240x128xf32, #tpu.memory_space<hbm>> -> memref<1x128x128xf32, #tpu.memory_space<hbm>>
      %dma_start3A_183 = tpu.memref_squeeze %dma_start3A_182 : memref<1x128x128xf32, #tpu.memory_space<hbm>> -> memref<128x128xf32, #tpu.memory_space<hbm>>
      %dma_start3A_184 = arith.constant 0 : i32
      %dma_start3A_185 = tpu.memref_slice %arg21[%add3A_173, %dma_start3A_184] : memref<10240x128xf32, #tpu.memory_space<vmem_shared>> -> memref<128x128xf32, #tpu.memory_space<vmem_shared>>
      tpu.enqueue_dma source(%dma_start3A_185 : memref<128x128xf32, #tpu.memory_space<vmem_shared>>) target(%dma_start3A_183 : memref<128x128xf32, #tpu.memory_space<hbm>>) target_semaphore(%run_scoped3A_180 : memref<!tpu.dma_semaphore, #tpu.memory_space<semaphore_mem>>)
      %dma_wait3A_186 = arith.constant 0 : i32
      %dma_wait3A_187 = tpu.memref_slice %arg4[%arg0, %add3A_173, %dma_wait3A_186] : memref<2x10240x128xf32, #tpu.memory_space<hbm>> -> memref<1x128x128xf32, #tpu.memory_space<hbm>>
      %dma_wait3A_188 = tpu.memref_squeeze %dma_wait3A_187 : memref<1x128x128xf32, #tpu.memory_space<hbm>> -> memref<128x128xf32, #tpu.memory_space<hbm>>
      %dma_wait3A_189 = arith.constant 0 : i32
      %dma_wait3A_190 = tpu.memref_slice %arg21[%add3A_173, %dma_wait3A_189] : memref<10240x128xf32, #tpu.memory_space<vmem_shared>> -> memref<128x128xf32, #tpu.memory_space<vmem_shared>>
      tpu.wait_dma2 semaphore(%run_scoped3A_180 : memref<!tpu.dma_semaphore, #tpu.memory_space<semaphore_mem>>) src(%dma_wait3A_190 : memref<128x128xf32, #tpu.memory_space<vmem_shared>>) dst(%dma_wait3A_188 : memref<128x128xf32, #tpu.memory_space<hbm>>)
      tpu.yield
    }) : () -> ()
    %add3A_174 = arith.constant 256 : i32
    %add3A_175 = arith.addi %mul3A_8, %add3A_174 : i32
    "tpu.region"() ({
      %run_scoped3A_180 = tpu.sem_alloc : memref<!tpu.dma_semaphore, #tpu.memory_space<semaphore_mem>>
      %dma_start3A_181 = arith.constant 0 : i32
      %dma_start3A_182 = tpu.memref_slice %arg4[%arg0, %add3A_175, %dma_start3A_181] : memref<2x10240x128xf32, #tpu.memory_space<hbm>> -> memref<1x128x128xf32, #tpu.memory_space<hbm>>
      %dma_start3A_183 = tpu.memref_squeeze %dma_start3A_182 : memref<1x128x128xf32, #tpu.memory_space<hbm>> -> memref<128x128xf32, #tpu.memory_space<hbm>>
      %dma_start3A_184 = arith.constant 0 : i32
      %dma_start3A_185 = tpu.memref_slice %arg21[%add3A_175, %dma_start3A_184] : memref<10240x128xf32, #tpu.memory_space<vmem_shared>> -> memref<128x128xf32, #tpu.memory_space<vmem_shared>>
      tpu.enqueue_dma source(%dma_start3A_185 : memref<128x128xf32, #tpu.memory_space<vmem_shared>>) target(%dma_start3A_183 : memref<128x128xf32, #tpu.memory_space<hbm>>) target_semaphore(%run_scoped3A_180 : memref<!tpu.dma_semaphore, #tpu.memory_space<semaphore_mem>>)
      %dma_wait3A_186 = arith.constant 0 : i32
      %dma_wait3A_187 = tpu.memref_slice %arg4[%arg0, %add3A_175, %dma_wait3A_186] : memref<2x10240x128xf32, #tpu.memory_space<hbm>> -> memref<1x128x128xf32, #tpu.memory_space<hbm>>
      %dma_wait3A_188 = tpu.memref_squeeze %dma_wait3A_187 : memref<1x128x128xf32, #tpu.memory_space<hbm>> -> memref<128x128xf32, #tpu.memory_space<hbm>>
      %dma_wait3A_189 = arith.constant 0 : i32
      %dma_wait3A_190 = tpu.memref_slice %arg21[%add3A_175, %dma_wait3A_189] : memref<10240x128xf32, #tpu.memory_space<vmem_shared>> -> memref<128x128xf32, #tpu.memory_space<vmem_shared>>
      tpu.wait_dma2 semaphore(%run_scoped3A_180 : memref<!tpu.dma_semaphore, #tpu.memory_space<semaphore_mem>>) src(%dma_wait3A_190 : memref<128x128xf32, #tpu.memory_space<vmem_shared>>) dst(%dma_wait3A_188 : memref<128x128xf32, #tpu.memory_space<hbm>>)
      tpu.yield
    }) : () -> ()
    %add3A_176 = arith.constant 384 : i32
    %add3A_177 = arith.addi %mul3A_8, %add3A_176 : i32
    "tpu.region"() ({
      %run_scoped3A_180 = tpu.sem_alloc : memref<!tpu.dma_semaphore, #tpu.memory_space<semaphore_mem>>
      %dma_start3A_181 = arith.constant 0 : i32
      %dma_start3A_182 = tpu.memref_slice %arg4[%arg0, %add3A_177, %dma_start3A_181] : memref<2x10240x128xf32, #tpu.memory_space<hbm>> -> memref<1x128x128xf32, #tpu.memory_space<hbm>>
      %dma_start3A_183 = tpu.memref_squeeze %dma_start3A_182 : memref<1x128x128xf32, #tpu.memory_space<hbm>> -> memref<128x128xf32, #tpu.memory_space<hbm>>
      %dma_start3A_184 = arith.constant 0 : i32
      %dma_start3A_185 = tpu.memref_slice %arg21[%add3A_177, %dma_start3A_184] : memref<10240x128xf32, #tpu.memory_space<vmem_shared>> -> memref<128x128xf32, #tpu.memory_space<vmem_shared>>
      tpu.enqueue_dma source(%dma_start3A_185 : memref<128x128xf32, #tpu.memory_space<vmem_shared>>) target(%dma_start3A_183 : memref<128x128xf32, #tpu.memory_space<hbm>>) target_semaphore(%run_scoped3A_180 : memref<!tpu.dma_semaphore, #tpu.memory_space<semaphore_mem>>)
      %dma_wait3A_186 = arith.constant 0 : i32
      %dma_wait3A_187 = tpu.memref_slice %arg4[%arg0, %add3A_177, %dma_wait3A_186] : memref<2x10240x128xf32, #tpu.memory_space<hbm>> -> memref<1x128x128xf32, #tpu.memory_space<hbm>>
      %dma_wait3A_188 = tpu.memref_squeeze %dma_wait3A_187 : memref<1x128x128xf32, #tpu.memory_space<hbm>> -> memref<128x128xf32, #tpu.memory_space<hbm>>
      %dma_wait3A_189 = arith.constant 0 : i32
      %dma_wait3A_190 = tpu.memref_slice %arg21[%add3A_177, %dma_wait3A_189] : memref<10240x128xf32, #tpu.memory_space<vmem_shared>> -> memref<128x128xf32, #tpu.memory_space<vmem_shared>>
      tpu.wait_dma2 semaphore(%run_scoped3A_180 : memref<!tpu.dma_semaphore, #tpu.memory_space<semaphore_mem>>) src(%dma_wait3A_190 : memref<128x128xf32, #tpu.memory_space<vmem_shared>>) dst(%dma_wait3A_188 : memref<128x128xf32, #tpu.memory_space<hbm>>)
      tpu.yield
    }) : () -> ()
    %add3A_178 = arith.constant 512 : i32
    %add3A_179 = arith.addi %mul3A_8, %add3A_178 : i32
    "tpu.region"() ({
      %run_scoped3A_180 = tpu.sem_alloc : memref<!tpu.dma_semaphore, #tpu.memory_space<semaphore_mem>>
      %dma_start3A_181 = arith.constant 0 : i32
      %dma_start3A_182 = tpu.memref_slice %arg4[%arg0, %add3A_179, %dma_start3A_181] : memref<2x10240x128xf32, #tpu.memory_space<hbm>> -> memref<1x128x128xf32, #tpu.memory_space<hbm>>
      %dma_start3A_183 = tpu.memref_squeeze %dma_start3A_182 : memref<1x128x128xf32, #tpu.memory_space<hbm>> -> memref<128x128xf32, #tpu.memory_space<hbm>>
      %dma_start3A_184 = arith.constant 0 : i32
      %dma_start3A_185 = tpu.memref_slice %arg21[%add3A_179, %dma_start3A_184] : memref<10240x128xf32, #tpu.memory_space<vmem_shared>> -> memref<128x128xf32, #tpu.memory_space<vmem_shared>>
      tpu.enqueue_dma source(%dma_start3A_185 : memref<128x128xf32, #tpu.memory_space<vmem_shared>>) target(%dma_start3A_183 : memref<128x128xf32, #tpu.memory_space<hbm>>) target_semaphore(%run_scoped3A_180 : memref<!tpu.dma_semaphore, #tpu.memory_space<semaphore_mem>>)
      %dma_wait3A_186 = arith.constant 0 : i32
      %dma_wait3A_187 = tpu.memref_slice %arg4[%arg0, %add3A_179, %dma_wait3A_186] : memref<2x10240x128xf32, #tpu.memory_space<hbm>> -> memref<1x128x128xf32, #tpu.memory_space<hbm>>
      %dma_wait3A_188 = tpu.memref_squeeze %dma_wait3A_187 : memref<1x128x128xf32, #tpu.memory_space<hbm>> -> memref<128x128xf32, #tpu.memory_space<hbm>>
      %dma_wait3A_189 = arith.constant 0 : i32
      %dma_wait3A_190 = tpu.memref_slice %arg21[%add3A_179, %dma_wait3A_189] : memref<10240x128xf32, #tpu.memory_space<vmem_shared>> -> memref<128x128xf32, #tpu.memory_space<vmem_shared>>
      tpu.wait_dma2 semaphore(%run_scoped3A_180 : memref<!tpu.dma_semaphore, #tpu.memory_space<semaphore_mem>>) src(%dma_wait3A_190 : memref<128x128xf32, #tpu.memory_space<vmem_shared>>) dst(%dma_wait3A_188 : memref<128x128xf32, #tpu.memory_space<hbm>>)
      tpu.yield
    }) : () -> ()
    return
  }
}

module attributes {stable_mosaic.version = 14 : i64} {
  func.func @body(%arg0: i32, %arg1: memref<2x2000x128xf32, #tpu.memory_space<vmem>>, %arg2: memref<2000x128xf32, #tpu.memory_space<vmem>>, %arg3: memref<128x128xf32, #tpu.memory_space<vmem>>, %arg4: memref<1x128xf32, #tpu.memory_space<vmem>>, %arg5: memref<128x128xf32, #tpu.memory_space<vmem>>, %arg6: memref<2000x128xf32, #tpu.memory_space<vmem>>) attributes {dimension_semantics = [#tpu.dimension_semantics<arbitrary>], iteration_bounds = array<i64: 5>, scalar_prefetch = 0 : i64, scratch_operands = 0 : i64, tpu.core_type = #tpu.core_type<tc>, window_params = [{transform_indices = @transform_0, window_bounds = array<i64: 2, 2000, 128>}, {transform_indices = @transform_1, window_bounds = array<i64: 2000, 128>}, {pipeline_mode = #tpu.pipeline_mode<synchronous>, transform_indices = @transform_2, window_bounds = array<i64: 128, 128>}, {pipeline_mode = #tpu.pipeline_mode<synchronous>, transform_indices = @transform_3, window_bounds = array<i64: 1, 128>}, {pipeline_mode = #tpu.pipeline_mode<synchronous>, transform_indices = @transform_4, window_bounds = array<i64: 128, 128>}, {transform_indices = @transform_5, window_bounds = array<i64: 2000, 128>}]} {
    %get3A = arith.constant 0 : index
    %get3A_0 = arith.constant 0 : index
    %get3A_1 = arith.constant 0 : index
    %get3A_2 = vector.load %arg1[%get3A, %get3A_0, %get3A_1] : memref<2x2000x128xf32, #tpu.memory_space<vmem>>, vector<1x2000x128xf32>
    %get3A_3 = vector.shape_cast %get3A_2 : vector<1x2000x128xf32> to vector<2000x128xf32>
    %get3A_4 = arith.constant 1 : index
    %get3A_5 = arith.constant 0 : index
    %get3A_6 = arith.constant 0 : index
    %get3A_7 = vector.load %arg1[%get3A_4, %get3A_5, %get3A_6] : memref<2x2000x128xf32, #tpu.memory_space<vmem>>, vector<1x2000x128xf32>
    %get3A_8 = vector.shape_cast %get3A_7 : vector<1x2000x128xf32> to vector<2000x128xf32>
    %add3A = arith.addf %get3A_3, %get3A_8 : vector<2000x128xf32>
    %get3A_9 = arith.constant 0 : index
    %get3A_10 = arith.constant 0 : index
    %get3A_11 = vector.load %arg3[%get3A_9, %get3A_10] : memref<128x128xf32, #tpu.memory_space<vmem>>, vector<128x128xf32>
    %dot_general3A = arith.constant dense<0.000000e+00> : vector<2000x128xf32>
    %dot_general3A_12 = tpu.matmul %add3A, %get3A_11, %dot_general3A {dimension_numbers = #tpu.dot_dimension_numbers<[1], [1], [0], [0], [0, 0, 1, 0], [], []>, transpose_lhs_hint = false} : vector<2000x128xf32>, vector<128x128xf32>, vector<2000x128xf32> -> vector<2000x128xf32>
    %get3A_13 = arith.constant 0 : index
    %get3A_14 = arith.constant 0 : index
    %get3A_15 = vector.load %arg4[%get3A_13, %get3A_14] : memref<1x128xf32, #tpu.memory_space<vmem>>, vector<1x128xf32>
    %add3A_16 = vector.broadcast %get3A_15 : vector<1x128xf32> to vector<2000x128xf32>
    %add3A_17 = arith.addf %dot_general3A_12, %add3A_16 : vector<2000x128xf32>
    %get3A_18 = arith.constant 0 : index
    %get3A_19 = arith.constant 0 : index
    %get3A_20 = vector.load %arg2[%get3A_18, %get3A_19] : memref<2000x128xf32, #tpu.memory_space<vmem>>, vector<2000x128xf32>
    %get3A_21 = arith.constant 0 : index
    %get3A_22 = arith.constant 0 : index
    %get3A_23 = vector.load %arg5[%get3A_21, %get3A_22] : memref<128x128xf32, #tpu.memory_space<vmem>>, vector<128x128xf32>
    %dot_general3A_24 = arith.constant dense<0.000000e+00> : vector<2000x128xf32>
    %dot_general3A_25 = tpu.matmul %get3A_20, %get3A_23, %dot_general3A_24 {dimension_numbers = #tpu.dot_dimension_numbers<[1], [1], [0], [0], [0, 0, 1, 0], [], []>, transpose_lhs_hint = false} : vector<2000x128xf32>, vector<128x128xf32>, vector<2000x128xf32> -> vector<2000x128xf32>
    %add3A_26 = arith.addf %add3A_17, %dot_general3A_25 : vector<2000x128xf32>
    %max3A = arith.constant 0.000000e+00 : f32
    %max3A_27 = vector.broadcast %max3A : f32 to vector<2000x128xf32>
    %max3A_28 = arith.maximumf %add3A_26, %max3A_27 : vector<2000x128xf32>
    %swap3A = arith.constant 0 : index
    %swap3A_29 = arith.constant 0 : index
    %swap3A_30 = vector.load %arg6[%swap3A, %swap3A_29] : memref<2000x128xf32, #tpu.memory_space<vmem>>, vector<2000x128xf32>
    tpu.vector_store %arg6[%swap3A, %swap3A_29], %max3A_28 {strides = array<i32>} : memref<2000x128xf32, #tpu.memory_space<vmem>>, vector<2000x128xf32>,
    return
  }
  func.func @transform_0(%arg0: i32) -> (i32, i32, i32) {
    %c0_i32 = arith.constant 0 : i32
    %c0_i32_0 = arith.constant 0 : i32
    %c0_i32_1 = arith.constant 0 : i32
    return %c0_i32, %arg0, %c0_i32_0 : i32, i32, i32
  }
  func.func @transform_1(%arg0: i32) -> (i32, i32) {
    %c0_i32 = arith.constant 0 : i32
    %c0_i32_0 = arith.constant 0 : i32
    return %arg0, %c0_i32 : i32, i32
  }
  func.func @transform_2(%arg0: i32) -> (i32, i32) {
    %c0_i32 = arith.constant 0 : i32
    %c0_i32_0 = arith.constant 0 : i32
    %c0_i32_1 = arith.constant 0 : i32
    return %c0_i32, %c0_i32_0 : i32, i32
  }
  func.func @transform_3(%arg0: i32) -> (i32, i32) {
    %c0_i32 = arith.constant 0 : i32
    %c0_i32_0 = arith.constant 0 : i32
    %c0_i32_1 = arith.constant 0 : i32
    return %c0_i32, %c0_i32_0 : i32, i32
  }
  func.func @transform_4(%arg0: i32) -> (i32, i32) {
    %c0_i32 = arith.constant 0 : i32
    %c0_i32_0 = arith.constant 0 : i32
    %c0_i32_1 = arith.constant 0 : i32
    return %c0_i32, %c0_i32_0 : i32, i32
  }
  func.func @transform_5(%arg0: i32) -> (i32, i32) {
    %c0_i32 = arith.constant 0 : i32
    %c0_i32_0 = arith.constant 0 : i32
    return %arg0, %c0_i32 : i32, i32
  }
}

module attributes {stable_mosaic.version = 14 : i64} {
  func.func @body(%arg0: i32, %arg1: memref<2x2000x128xf32, #tpu.memory_space<vmem>>, %arg2: memref<2000x128xf32, #tpu.memory_space<vmem>>, %arg3: memref<128x128xf32, #tpu.memory_space<vmem>>, %arg4: memref<1x128xf32, #tpu.memory_space<vmem>>, %arg5: memref<128x128xf32, #tpu.memory_space<vmem>>, %arg6: memref<2000x128xf32, #tpu.memory_space<vmem>>) attributes {dimension_semantics = [#tpu.dimension_semantics<arbitrary>], iteration_bounds = array<i64: 5>, scalar_prefetch = 0 : i64, scratch_operands = 0 : i64, tpu.core_type = #tpu.core_type<tc>, window_params = [{transform_indices = @transform_0, window_bounds = array<i64: 2, 2000, 128>}, {transform_indices = @transform_1, window_bounds = array<i64: 2000, 128>}, {pipeline_mode = #tpu.pipeline_mode<synchronous>, transform_indices = @transform_2, window_bounds = array<i64: 128, 128>}, {pipeline_mode = #tpu.pipeline_mode<synchronous>, transform_indices = @transform_3, window_bounds = array<i64: 1, 128>}, {pipeline_mode = #tpu.pipeline_mode<synchronous>, transform_indices = @transform_4, window_bounds = array<i64: 128, 128>}, {transform_indices = @transform_5, window_bounds = array<i64: 2000, 128>}]} {
    %get3A = arith.constant 0 : index
    %get3A_0 = arith.constant 0 : index
    %get3A_1 = arith.constant 0 : index
    %get3A_2 = vector.load %arg1[%get3A, %get3A_0, %get3A_1] : memref<2x2000x128xf32, #tpu.memory_space<vmem>>, vector<1x2000x128xf32>
    %get3A_3 = vector.shape_cast %get3A_2 : vector<1x2000x128xf32> to vector<2000x128xf32>
    %get3A_4 = arith.constant 1 : index
    %get3A_5 = arith.constant 0 : index
    %get3A_6 = arith.constant 0 : index
    %get3A_7 = vector.load %arg1[%get3A_4, %get3A_5, %get3A_6] : memref<2x2000x128xf32, #tpu.memory_space<vmem>>, vector<1x2000x128xf32>
    %get3A_8 = vector.shape_cast %get3A_7 : vector<1x2000x128xf32> to vector<2000x128xf32>
    %add3A = arith.addf %get3A_3, %get3A_8 : vector<2000x128xf32>
    %get3A_9 = arith.constant 0 : index
    %get3A_10 = arith.constant 0 : index
    %get3A_11 = vector.load %arg3[%get3A_9, %get3A_10] : memref<128x128xf32, #tpu.memory_space<vmem>>, vector<128x128xf32>
    %dot_general3A = arith.constant dense<0.000000e+00> : vector<2000x128xf32>
    %dot_general3A_12 = tpu.matmul %add3A, %get3A_11, %dot_general3A {dimension_numbers = #tpu.dot_dimension_numbers<[1], [1], [0], [0], [0, 0, 1, 0], [], []>, transpose_lhs_hint = false} : vector<2000x128xf32>, vector<128x128xf32>, vector<2000x128xf32> -> vector<2000x128xf32>
    %get3A_13 = arith.constant 0 : index
    %get3A_14 = arith.constant 0 : index
    %get3A_15 = vector.load %arg4[%get3A_13, %get3A_14] : memref<1x128xf32, #tpu.memory_space<vmem>>, vector<1x128xf32>
    %add3A_16 = vector.broadcast %get3A_15 : vector<1x128xf32> to vector<2000x128xf32>
    %add3A_17 = arith.addf %dot_general3A_12, %add3A_16 : vector<2000x128xf32>
    %get3A_18 = arith.constant 0 : index
    %get3A_19 = arith.constant 0 : index
    %get3A_20 = vector.load %arg2[%get3A_18, %get3A_19] : memref<2000x128xf32, #tpu.memory_space<vmem>>, vector<2000x128xf32>
    %get3A_21 = arith.constant 0 : index
    %get3A_22 = arith.constant 0 : index
    %get3A_23 = vector.load %arg5[%get3A_21, %get3A_22] : memref<128x128xf32, #tpu.memory_space<vmem>>, vector<128x128xf32>
    %dot_general3A_24 = arith.constant dense<0.000000e+00> : vector<2000x128xf32>
    %dot_general3A_25 = tpu.matmul %get3A_20, %get3A_23, %dot_general3A_24 {dimension_numbers = #tpu.dot_dimension_numbers<[1], [1], [0], [0], [0, 0, 1, 0], [], []>, transpose_lhs_hint = false} : vector<2000x128xf32>, vector<128x128xf32>, vector<2000x128xf32> -> vector<2000x128xf32>
    %add3A_26 = arith.addf %add3A_17, %dot_general3A_25 : vector<2000x128xf32>
    %swap3A = arith.constant 0 : index
    %swap3A_27 = arith.constant 0 : index
    %swap3A_28 = vector.load %arg6[%swap3A, %swap3A_27] : memref<2000x128xf32, #tpu.memory_space<vmem>>, vector<2000x128xf32>
    tpu.vector_store %arg6[%swap3A, %swap3A_27], %add3A_26 {strides = array<i32>} : memref<2000x128xf32, #tpu.memory_space<vmem>>, vector<2000x128xf32>,
    return
  }
  func.func @transform_0(%arg0: i32) -> (i32, i32, i32) {
    %c0_i32 = arith.constant 0 : i32
    %c0_i32_0 = arith.constant 0 : i32
    %c0_i32_1 = arith.constant 0 : i32
    return %c0_i32, %arg0, %c0_i32_0 : i32, i32, i32
  }
  func.func @transform_1(%arg0: i32) -> (i32, i32) {
    %c0_i32 = arith.constant 0 : i32
    %c0_i32_0 = arith.constant 0 : i32
    return %arg0, %c0_i32 : i32, i32
  }
  func.func @transform_2(%arg0: i32) -> (i32, i32) {
    %c0_i32 = arith.constant 0 : i32
    %c0_i32_0 = arith.constant 0 : i32
    %c0_i32_1 = arith.constant 0 : i32
    return %c0_i32, %c0_i32_0 : i32, i32
  }
  func.func @transform_3(%arg0: i32) -> (i32, i32) {
    %c0_i32 = arith.constant 0 : i32
    %c0_i32_0 = arith.constant 0 : i32
    %c0_i32_1 = arith.constant 0 : i32
    return %c0_i32, %c0_i32_0 : i32, i32
  }
  func.func @transform_4(%arg0: i32) -> (i32, i32) {
    %c0_i32 = arith.constant 0 : i32
    %c0_i32_0 = arith.constant 0 : i32
    %c0_i32_1 = arith.constant 0 : i32
    return %c0_i32, %c0_i32_0 : i32, i32
  }
  func.func @transform_5(%arg0: i32) -> (i32, i32) {
    %c0_i32 = arith.constant 0 : i32
    %c0_i32_0 = arith.constant 0 : i32
    return %arg0, %c0_i32 : i32, i32
  }
}

module attributes {stable_mosaic.version = 14 : i64} {
  func.func @body(%arg0: i32, %arg1: memref<2000x128xf32, #tpu.memory_space<vmem>>, %arg2: memref<1x1x2000xi32, #tpu.memory_space<vmem>>, %arg3: memref<64x128xf32, #tpu.memory_space<vmem>>, %arg4: memref<1x64xf32, #tpu.memory_space<vmem>>, %arg5: memref<128x64xf32, #tpu.memory_space<vmem>>, %arg6: memref<128x128xf32, #tpu.memory_space<vmem>>, %arg7: memref<128x1xf32, #tpu.memory_space<vmem>>) attributes {dimension_semantics = [#tpu.dimension_semantics<arbitrary>], iteration_bounds = array<i64: 5>, scalar_prefetch = 0 : i64, scratch_operands = 2 : i64, tpu.core_type = #tpu.core_type<tc>, window_params = [{transform_indices = @transform_0, window_bounds = array<i64: 2000, 128>}, {transform_indices = @transform_1, window_bounds = array<i64: 1, 1, 2000>}, {pipeline_mode = #tpu.pipeline_mode<synchronous>, transform_indices = @transform_2, window_bounds = array<i64: 64, 128>}, {pipeline_mode = #tpu.pipeline_mode<synchronous>, transform_indices = @transform_3, window_bounds = array<i64: 1, 64>}, {pipeline_mode = #tpu.pipeline_mode<synchronous>, transform_indices = @transform_4, window_bounds = array<i64: 128, 64>}]} {
    %eq3A = arith.constant 0 : i32
    %eq3A_0 = arith.cmpi eq, %arg0, %eq3A : i32
    %convert_element_type3A = arith.extui %eq3A_0 : i1 to i32
    %cond3A = arith.constant 0 : i32
    %cond3A_1 = arith.cmpi ne, %convert_element_type3A, %cond3A : i32
    scf.if %cond3A_1 {
      %broadcast_in_dim3A_32 = arith.constant 0.000000e+00 : f32
      %broadcast_in_dim3A_33 = vector.broadcast %broadcast_in_dim3A_32 : f32 to vector<128x128xf32>
      %swap3A_34 = arith.constant 0 : index
      %swap3A_35 = arith.constant 0 : index
      %swap3A_36 = vector.load %arg6[%swap3A_34, %swap3A_35] : memref<128x128xf32, #tpu.memory_space<vmem>>, vector<128x128xf32>
      tpu.vector_store %arg6[%swap3A_34, %swap3A_35], %broadcast_in_dim3A_33 {strides = array<i32>} : memref<128x128xf32, #tpu.memory_space<vmem>>, vector<128x128xf32>,
      %broadcast_in_dim3A_37 = arith.constant 0.000000e+00 : f32
      %broadcast_in_dim3A_38 = vector.broadcast %broadcast_in_dim3A_37 : f32 to vector<128x1xf32>
      %swap3A_39 = arith.constant 0 : index
      %swap3A_40 = arith.constant 0 : index
      %swap3A_41 = vector.load %arg7[%swap3A_39, %swap3A_40] : memref<128x1xf32, #tpu.memory_space<vmem>>, vector<128x1xf32>
      tpu.vector_store %arg7[%swap3A_39, %swap3A_40], %broadcast_in_dim3A_38 {strides = array<i32>} : memref<128x1xf32, #tpu.memory_space<vmem>>, vector<128x1xf32>,
    } else {
    }
    %get3A = arith.constant 0 : index
    %get3A_2 = arith.constant 0 : index
    %get3A_3 = arith.constant 0 : index
    %get3A_4 = vector.load %arg2[%get3A, %get3A_2, %get3A_3] : memref<1x1x2000xi32, #tpu.memory_space<vmem>>, vector<1x1x2000xi32>
    %get3A_5 = vector.shape_cast %get3A_4 : vector<1x1x2000xi32> to vector<1x2000xi32>
    %iota3A = tpu.iota {dimensions = array<i32: 0>} : vector<128x2000xi32>
    %eq3A_6 = vector.broadcast %get3A_5 : vector<1x2000xi32> to vector<128x2000xi32>
    %eq3A_7 = arith.cmpi eq, %iota3A, %eq3A_6 : vector<128x2000xi32>
    %convert_element_type3A_8 = arith.extui %eq3A_7 : vector<128x2000xi1> to vector<128x2000xi32>
    %convert_element_type3A_9 = arith.sitofp %convert_element_type3A_8 : vector<128x2000xi32> to vector<128x2000xf32>
    %get3A_10 = arith.constant 0 : index
    %get3A_11 = arith.constant 0 : index
    %get3A_12 = vector.load %arg6[%get3A_10, %get3A_11] : memref<128x128xf32, #tpu.memory_space<vmem>>, vector<128x128xf32>
    %get3A_13 = arith.constant 0 : index
    %get3A_14 = arith.constant 0 : index
    %get3A_15 = vector.load %arg1[%get3A_13, %get3A_14] : memref<2000x128xf32, #tpu.memory_space<vmem>>, vector<2000x128xf32>
    %dot_general3A = arith.constant dense<0.000000e+00> : vector<128x128xf32>
    %dot_general3A_16 = tpu.matmul %convert_element_type3A_9, %get3A_15, %dot_general3A {dimension_numbers = #tpu.dot_dimension_numbers<[1], [0], [0], [1], [0, 0, 1, 1], [], []>, transpose_lhs_hint = false} : vector<128x2000xf32>, vector<2000x128xf32>, vector<128x128xf32> -> vector<128x128xf32>
    %add3A = arith.addf %get3A_12, %dot_general3A_16 : vector<128x128xf32>
    %swap3A = arith.constant 0 : index
    %swap3A_17 = arith.constant 0 : index
    %swap3A_18 = vector.load %arg6[%swap3A, %swap3A_17] : memref<128x128xf32, #tpu.memory_space<vmem>>, vector<128x128xf32>
    tpu.vector_store %arg6[%swap3A, %swap3A_17], %add3A {strides = array<i32>} : memref<128x128xf32, #tpu.memory_space<vmem>>, vector<128x128xf32>,
    %get3A_19 = arith.constant 0 : index
    %get3A_20 = arith.constant 0 : index
    %get3A_21 = vector.load %arg7[%get3A_19, %get3A_20] : memref<128x1xf32, #tpu.memory_space<vmem>>, vector<128x1xf32>
    %reduce_sum3A = arith.constant dense<0.000000e+00> : vector<128xf32>
    %reduce_sum3A_22 = vector.multi_reduction <add>, %convert_element_type3A_9, %reduce_sum3A [1] : vector<128x2000xf32> to vector<128xf32>
    %broadcast_in_dim3A = vector.shape_cast %reduce_sum3A_22 : vector<128xf32> to vector<128x1xf32>
    %add3A_23 = arith.addf %get3A_21, %broadcast_in_dim3A : vector<128x1xf32>
    %swap3A_24 = arith.constant 0 : index
    %swap3A_25 = arith.constant 0 : index
    %swap3A_26 = vector.load %arg7[%swap3A_24, %swap3A_25] : memref<128x1xf32, #tpu.memory_space<vmem>>, vector<128x1xf32>
    tpu.vector_store %arg7[%swap3A_24, %swap3A_25], %add3A_23 {strides = array<i32>} : memref<128x1xf32, #tpu.memory_space<vmem>>, vector<128x1xf32>,
    %eq3A_27 = arith.constant 4 : i32
    %eq3A_28 = arith.cmpi eq, %arg0, %eq3A_27 : i32
    %convert_element_type3A_29 = arith.extui %eq3A_28 : i1 to i32
    %cond3A_30 = arith.constant 0 : i32
    %cond3A_31 = arith.cmpi ne, %convert_element_type3A_29, %cond3A_30 : i32
    scf.if %cond3A_31 {
      %get3A_32 = arith.constant 0 : index
      %get3A_33 = arith.constant 0 : index
      %get3A_34 = vector.load %arg6[%get3A_32, %get3A_33] : memref<128x128xf32, #tpu.memory_space<vmem>>, vector<128x128xf32>
      %get3A_35 = arith.constant 0 : index
      %get3A_36 = arith.constant 0 : index
      %get3A_37 = vector.load %arg7[%get3A_35, %get3A_36] : memref<128x1xf32, #tpu.memory_space<vmem>>, vector<128x1xf32>
      %max3A = arith.constant 1.000000e+00 : f32
      %max3A_38 = vector.broadcast %max3A : f32 to vector<128x1xf32>
      %max3A_39 = arith.maximumf %get3A_37, %max3A_38 : vector<128x1xf32>
      %div3A = vector.broadcast %max3A_39 : vector<128x1xf32> to vector<128x128xf32>
      %div3A_40 = arith.divf %get3A_34, %div3A : vector<128x128xf32>
      %get3A_41 = arith.constant 0 : index
      %get3A_42 = arith.constant 0 : index
      %get3A_43 = vector.load %arg3[%get3A_41, %get3A_42] : memref<64x128xf32, #tpu.memory_space<vmem>>, vector<64x128xf32>
      %dot_general3A_44 = arith.constant dense<0.000000e+00> : vector<128x64xf32>
      %dot_general3A_45 = tpu.matmul %div3A_40, %get3A_43, %dot_general3A_44 {dimension_numbers = #tpu.dot_dimension_numbers<[1], [1], [0], [0], [0, 0, 1, 0], [], []>, transpose_lhs_hint = false} : vector<128x128xf32>, vector<64x128xf32>, vector<128x64xf32> -> vector<128x64xf32>
      %get3A_46 = arith.constant 0 : index
      %get3A_47 = arith.constant 0 : index
      %get3A_48 = vector.load %arg4[%get3A_46, %get3A_47] : memref<1x64xf32, #tpu.memory_space<vmem>>, vector<1x64xf32>
      %add3A_49 = vector.broadcast %get3A_48 : vector<1x64xf32> to vector<128x64xf32>
      %add3A_50 = arith.addf %dot_general3A_45, %add3A_49 : vector<128x64xf32>
      %swap3A_51 = arith.constant 0 : index
      %swap3A_52 = arith.constant 0 : index
      %swap3A_53 = vector.load %arg5[%swap3A_51, %swap3A_52] : memref<128x64xf32, #tpu.memory_space<vmem>>, vector<128x64xf32>
      tpu.vector_store %arg5[%swap3A_51, %swap3A_52], %add3A_50 {strides = array<i32>} : memref<128x64xf32, #tpu.memory_space<vmem>>, vector<128x64xf32>,
    } else {
    }
    return
  }
  func.func @transform_0(%arg0: i32) -> (i32, i32) {
    %c0_i32 = arith.constant 0 : i32
    %c0_i32_0 = arith.constant 0 : i32
    return %arg0, %c0_i32 : i32, i32
  }
  func.func @transform_1(%arg0: i32) -> (i32, i32, i32) {
    %c0_i32 = arith.constant 0 : i32
    %c0_i32_0 = arith.constant 0 : i32
    %c0_i32_1 = arith.constant 0 : i32
    return %arg0, %c0_i32, %c0_i32_0 : i32, i32, i32
  }
  func.func @transform_2(%arg0: i32) -> (i32, i32) {
    %c0_i32 = arith.constant 0 : i32
    %c0_i32_0 = arith.constant 0 : i32
    %c0_i32_1 = arith.constant 0 : i32
    return %c0_i32, %c0_i32_0 : i32, i32
  }
  func.func @transform_3(%arg0: i32) -> (i32, i32) {
    %c0_i32 = arith.constant 0 : i32
    %c0_i32_0 = arith.constant 0 : i32
    %c0_i32_1 = arith.constant 0 : i32
    return %c0_i32, %c0_i32_0 : i32, i32
  }
  func.func @transform_4(%arg0: i32) -> (i32, i32) {
    %c0_i32 = arith.constant 0 : i32
    %c0_i32_0 = arith.constant 0 : i32
    %c0_i32_1 = arith.constant 0 : i32
    return %c0_i32, %c0_i32_0 : i32, i32
  }
}

</mosaic_0001>

<sc_bundles>
// kernel: kernel.12.cloned.1.call-start
scs
__scs_entry_jumppad:
0x0: {  	(pc) =	sbr.rel $0x88, $3  }
0x1: {  	(tag) =	ssettag $0x0;
	lr =	simm.s32 $0x1  }
0x2: {  	[smem:$0x3F93] =	sst lr;
	_ =	strace $0xD0000000  }
0x3: {  	_ = 	snop  }
0x4: {  	_ = 	snop  }
0x5: {  	_ = 	snop  }
0x6: {  	_ = 	snop  }
0x7: {  	_ = 	snop  }
__scs_overlays_trampoline_lowered:
0x8: {  	[smem:$0x3FA2] =	sst s0  }
0x9: {  	[smem:$0x3FA3] =	sst s1  }
0xa: {  	[smem:$0x3FA4] =	sst s2  }
0xb: {  	[smem:$0x3FA5] =	sst s3  }
0xc: {  	[smem:$0x3FA6] =	sst s4  }
0xd: {  	[smem:$0x3FA7] =	sst s5  }
0xe: {  	[smem:$0x3FA8] =	sst s6  }
0xf: {  	[smem:$0x3FA9] =	sst s7  }
0x10: {  	[smem:$0x3FAA] =	sst s8  }
0x11: {  	[smem:$0x3FAB] =	sst s9;
	s0 =	simm.s32 @!p0 $0x0  }
0x12: {  	s1 =	sld [smem:$0x3F91];
	s0 =	simm.s32 @p0 $0x1  }
0x13: {  	[smem:$0x3FAC] =	sst s0;
	s0 =	simm.s32 @!p1 $0x0  }
0x14: {  	s2 =	sld [smem:$0x3F90];
	s0 =	simm.s32 @p1 $0x1  }
0x15: {  	[smem:$0x3FAD] =	sst s0;
	s0 =	simm.s32 @!p2 $0x0  }
0x16: {  	s3 =	sld [smem:$0x3FDB];
	s0 =	simm.s32 @p2 $0x1  }
0x17: {  	s4 =	simm.s32 $0x1BF5;
	[smem:$0x3FAF] =	sst s0  }
0x18: {  	s0 =	sld [smem:$0x3F92];
	_ =	swait.ge [sflag:s4], $0x0  }
0x19: {  	s7 =	sld [smem:$0x3F93]  }
0x1a: {  	s8 =	sadd.s32 $0xFFFFE003, lr  }
0x1b: {  	s9 =	sadd.s32 $0xFFFFFEF7, lr;
	s5 =	simm.s32 $0xFFFFFFFF;
	p2 =	slt.u32 s8, $0xFFFFF086  }
0x1c: {  	p1 =	slt.u32 s9, $0xF7A;
	s5 =	simm.s32 @!p2 $0x0  }
0x1d: {  	s5 =	simm.s32 @p1 $0x1;
	p0 =	seq.s32 s7, s2  }
0x1e: {  	s7 =	smul.u32 @!p0 $0xF7A, s2;
	p2 =	seq.s32 @!p0 s5, $0x0  }
0x1f: {  	s9 =	smul.u32 $0xF7A, s1;
	s8 =	simm.s32 @!p0 $0x1BF5;
	p2 =	por !p2, p0  }
0x20: {  	[sflag:s8] =	ssyncset.s32 @!p0 $0xFFFFF086;
	s6 =	sadd.s32 @!p0 s3, s7;
	s7 =	simm.s32 @!p0 $0x108  }
0x21: {  	s3 =	sadd.s32 s3, s9;
	s6 =	sadd.s32 @!p0 $0x88, s6;
	s7 =	simm.s32 @p2 $0x1082  }
0x22: {  	[simem:s7], [sflag:s8] =	dma.local @!p0 [hbm:s6], $0xF7A  }
0x23: {  	s9 =	sor.u32 $0xD0000000, s2;
	s6 =	simm.s32 $0x108;
	_ =	swait.ge @!p0 [sflag:s8], $0x0  }
0x24: {  	s3 =	sadd.s32 $0x88, s3;
	s6 =	simm.s32 @!p1 $0x1082;
	[sflag:s4] =	ssyncset.s32 $0xFFFFF086  }
0x25: {  	[simem:s6], [sflag:s4] =	dma.local [hbm:s3], $0xF7A  }
0x26: {  	[smem:$0x3F93] =	sst s1;
	(tag) =	ssettag s2;
	_ =	strace s9  }
0x27: {  	s1 =	sld [smem:$0x3FA3]  }
0x28: {  	s2 =	sld [smem:$0x3FA4]  }
0x29: {  	s4 =	sld [smem:$0x3FA6]  }
0x2a: {  	p0 =	seq.s32 s5, $0x0;
	s5 =	sld [smem:$0x3FA7]  }
0x2b: {  	s6 =	sld [smem:$0x3FA8]  }
0x2c: {  	s7 =	sld [smem:$0x3FA9]  }
0x2d: {  	s3 =	simm.s32 $0x108;
	s8 =	sld [smem:$0x3FAA]  }
0x2e: {  	s3 =	simm.s32 @!p0 $0x1082;
	s9 =	sld [smem:$0x3FAB]  }
0x2f: {  	lr =	sadd.s32 s0, s3;
	s0 =	sld [smem:$0x3FA2]  }
0x30: {  	s3 =	sld [smem:$0x3FA5]  }
0x31: {  	[smem:$0x3FAE] =	sst s10  }
0x32: {  	s10 =	sld [smem:$0x3FAC];
	_ =	sdelay $0x3  }
0x33: {  	p0 =	seq.s32 s10, $0x1;
	s10 =	sld [smem:$0x3FAE];
	_ =	sdelay $0x3  }
0x34: {  	[smem:$0x3FAE] =	sst s10  }
0x35: {  	s10 =	sld [smem:$0x3FAD];
	_ =	sdelay $0x3  }
0x36: {  	p1 =	seq.s32 s10, $0x1;
	s10 =	sld [smem:$0x3FAE];
	_ =	sdelay $0x3  }
0x37: {  	[smem:$0x3FAE] =	sst s10  }
0x38: {  	s10 =	sld [smem:$0x3FAF]  }
0x39: {  	_ = 	snop;
	(pc) =	sbr.ind lr, $3  }
0x3a: {  	_ = 	snop  }
0x3b: {  	_ = 	snop  }
0x3c: {  	p2 =	seq.s32 s10, $0x1;
	s10 =	sld [smem:$0x3FAE]  }
0x3d: {  	_ =	shalt  }
0x3e: {  	_ =	shalt  }
0x3f: {  	_ =	shalt  }
0x40: {  	_ =	shalt  }
0x41: {  	_ =	shalt  }
0x42: {  	_ =	shalt  }
0x43: {  	_ =	shalt  }
0x44: {  	_ =	shalt  }
0x45: {  	_ =	shalt  }
0x46: {  	_ =	shalt  }
0x47: {  	_ =	shalt  }
0x48: {  	_ =	shalt  }
0x49: {  	_ =	shalt  }
0x4a: {  	_ =	shalt  }
0x4b: {  	_ =	shalt  }
0x4c: {  	_ =	shalt  }
0x4d: {  	_ =	shalt  }
0x4e: {  	_ =	shalt  }
0x4f: {  	_ =	shalt  }
0x50: {  	_ =	shalt  }
0x51: {  	_ =	shalt  }
0x52: {  	_ =	shalt  }
0x53: {  	_ =	shalt  }
0x54: {  	_ =	shalt  }
0x55: {  	_ =	shalt  }
0x56: {  	_ =	shalt  }
0x57: {  	_ =	shalt  }
0x58: {  	_ =	shalt  }
0x59: {  	_ =	shalt  }
0x5a: {  	_ =	shalt  }
0x5b: {  	_ =	shalt  }
0x5c: {  	_ =	shalt  }
0x5d: {  	_ =	shalt  }
0x5e: {  	_ =	shalt  }
0x5f: {  	_ =	shalt  }
0x60: {  	_ =	shalt  }
0x61: {  	_ =	shalt  }
0x62: {  	_ =	shalt  }
0x63: {  	_ =	shalt  }
0x64: {  	_ =	shalt  }
0x65: {  	_ =	shalt  }
0x66: {  	_ =	shalt  }
0x67: {  	_ =	shalt  }
0x68: {  	_ =	shalt  }
0x69: {  	_ =	shalt  }
0x6a: {  	_ =	shalt  }
0x6b: {  	_ =	shalt  }
0x6c: {  	_ =	shalt  }
0x6d: {  	_ =	shalt  }
0x6e: {  	_ =	shalt  }
0x6f: {  	_ =	shalt  }
0x70: {  	_ =	shalt  }
0x71: {  	_ =	shalt  }
0x72: {  	_ =	shalt  }
0x73: {  	_ =	shalt  }
0x74: {  	_ =	shalt  }
0x75: {  	_ =	shalt  }
0x76: {  	_ =	shalt  }
0x77: {  	_ =	shalt  }
0x78: {  	_ =	shalt  }
0x79: {  	_ =	shalt  }
0x7a: {  	_ =	shalt  }
0x7b: {  	_ =	shalt  }
0x7c: {  	_ =	shalt  }
0x7d: {  	_ =	shalt  }
0x7e: {  	_ =	shalt  }
0x7f: {  	_ =	shalt  }
0x80: {  	_ =	shalt  }
0x81: {  	_ =	shalt  }
0x82: {  	_ =	shalt  }
0x83: {  	_ =	shalt  }
0x84: {  	_ =	shalt  }
0x85: {  	_ =	shalt  }
0x86: {  	_ =	shalt  }
0x87: {  	_ =	shalt  }
.Lfunc_end0:
.L_simem_size_0:
called_computation.1_lowered:
.L_overlay_start_0:
0x88: {  	s2 =	sld [smem:$0x3FD9]  }
0x89: {  	s3 =	sld [smem:$0x3FFE];
	_ =	sdelay $0x1  }
0x8a: {  	s1 =	srdreg.scid  }
0x8b: {  	s0 =	sand.u32 $0x1, s1  }
0x8c: {  	s16 =	sshll.u32 s0, $0xA;
	s2 =	sadd.s32 s3, s2  }
0x8d: {  	s2 =	sadd.s32 s2, s16  }
0x8e: {  	[smem:$0x3FBA] =	sst s2  }
0x8f: {  	_ = 	snop  }
0x90: {  	(tm) =	ssettm $0x1  }
0x91: {  	s17 =	sld [smem:$0x3FFB];
	_ =	sdelay $0x3  }
0x92: {  	_ =	strace s17  }
0x93: {  	s2 =	sld [smem:$0x3FFC];
	_ =	sdelay $0x3  }
0x94: {  	_ =	strace s2  }
0x95: {  	s2 =	sld [smem:$0x3FFD];
	_ =	sdelay $0x3  }
0x96: {  	_ =	strace s2  }
0x97: {  	_ =	strace $0x8FFFFFFF  }
0x98: {  	s18 =	sld [smem:$0x3FDB];
	_ =	sdelay $0x1  }
0x99: {  	s19 =	simm.s32 $_scs_section_size  }
0x9a: {  	s4 =	simm.s32 $_size__tile_overlayer_lowered;
	s5 =	simm.s32 $_tile_overlayer_lowered  }
0x9b: {  	s22 =	simm.s32 $0x1BFF;
	s21 =	sshll.u32 s5, $0x1;
	s2 =	sadd.s32 s19, s18  }
0x9c: {  	s6 =	simm.s32 $0x0;
	s20 =	sshll.u32 s4, $0x1;
	s4 =	sadd.s32 s21, s2  }
0x9d: {  	[timem:s6], [sflag:s22] =	dma.local [hbm:s4], s20  }
0x9e: {  	_ =	swait.ge [sflag:s22], s20  }
0x9f: {  	s3 =	ssub.s32 $0x0, s20;
	[sflag:s22] =	ssyncset.done $0x0  }
0xa0: {  	[sflag:s22] =	ssyncadd.s32 s3;
	_ =	sdelay $0x1  }
0xa1: {  	s23 =	simm.s32 $0x1B8B  }
0xa2: {  	_ =	swait.ge [sflag:s23], $0x1  }
0xa3: {  	[sflag:s23] =	ssyncset.done $0x0  }
0xa4: {  	s25 =	simm.s32 $0x1B8E;
	s24 =	sld [smem:$0x3FFE];
	[sflag:s23] =	ssyncadd.s32 $0xFFFFFFFF  }
0xa5: {  	s26 =	simm.s32 $execute0_lowered;
	[smem:$0x3FD2] =	sst s25  }
0xa6: {  	s4 =	sshll.u32 s26, $0x1;
	_ =	strace $0x80000049;
	[dreg:$0x1] =	wrdreg $0xFFFFFFFF  }
0xa7: {  	s28 =	simm.s32 $_size_execute0_lowered;
	s2 =	sadd.s32 s2, s4;
	[dreg:$0x0] =	wrdreg $0x0  }
0xa8: {  	s4 =	sshll.u32 s28, $0x1;
	[dreg:$0x2] =	wrdreg s2  }
0xa9: {  	[dreg:$0x3] =	wrdreg s4  }
0xaa: {  	[dreg:$0x4] =	wrdreg $0xC0  }
0xab: {  	_ =	task [dreg:s6], $0x5FFFF  }
0xac: {  	[dreg:$0x1] =	wrdreg $0xFFFFFFFF  }
0xad: {  	[dreg:$0x0] =	wrdreg $0x60  }
0xae: {  	[dreg:$0x2] =	wrdreg s24  }
0xaf: {  	[dreg:$0x3] =	wrdreg $0x66000  }
0xb0: {  	[dreg:$0x4] =	wrdreg $0x9  }
0xb1: {  	_ =	task.clear_ibuf [dreg:s6], $0x5FFFF;
	_ =	strace $0x90000049  }
0xb2: {  	s29 =	simm.s32 $0x9;
	_ =	strace $0x8000004B  }
0xb3: {  	_ =	swait.ge [sflag:s29], $0x1  }
0xb4: {  	[sflag:s29] =	ssyncadd.s32 $0xFFFFFFFF  }
0xb5: {  	_ =	strace $0x9000004B  }
0xb6: {  	_ =	sfence  }
0xb7: {  	s30 =	sld [smem:$0x0];
	_ =	sdelay $0x2  }
0xb8: {  	s31 =	sshll.u32 s1, $0xD;
	s1 =	sshrl.u32 s1, $0x2  }
0xb9: {  	s3 =	sand.u32 $0x4000, s31;
	s1 =	sadd.s32 s1, s30  }
0xba: {  	s0 =	sor.u32 s3, s0;
	s1 =	sshll.u32 s1, $0x11  }
0xbb: {  	s0 =	sor.u32 s1, s0  }
0xbc: {  	s0 =	sadd.s32 $0x8F2B, s0  }
0xbd: {  	[sflag:s0] =	ssyncadd.remote.s32 $0x1  }
0xbe: {  	_ =	sfence.sel $0xFFFF  }
0xbf: {  	[dreg:$0x0] =	wrdreg $0xFFFFFFFF;
	(pc) =	sbr.abs _section_cstart, $3  }
0xc0: {  	[dreg:$0x1] =	wrdreg $0xFFFFFFFF  }
0xc1: {  	_ =	task.clear_ibuf [dreg:s6], $0x2FFFF;
	_ =	strace $0x9FFFFFFF  }
0xc2: {  	(tm) =	ssettm $0x7FFFFFFF  }
0xc3: {  	_ =	shalt  }
tec
execute0_lowered:
.L_overlay_start_1:
0x0: {  	(tag) =	ssettag $0x1  }
0x1: {  	s0 =	rddreg [dreg:$0x0]  }
0x2: {  	s1 =	rddreg [dreg:$0x1];
	s3 =	simm.s32 $0x0  }
0x3: {  	s2 =	srdreg.scid;
	s9 =	stileid.u32;
	s28 =	simm.s32 $0x4  }
0x4: {  	s29 =	simm.s32 $0x580;
	s30 =	simm.s32 $0x8;
	s31 =	simm.s32 $0x0  }
0x5: {  	[smem:$0x7FF] =	sst s3;
	s2 =	sand.u32 $0x1, s2;
	s6 =	smul.u32 $0x50000, s9  }
0x6: {  	s4 =	sadd.s32 $0x1E600, s0;
	s5 =	sadd.s32 $0x3600, s0;
	s0 =	sadd.s32 $0x45800, s0  }
0x7: {  	s12 =	sshll.u32 s9, $0x1;
	s9 =	smul.u32 $0x14000, s9;
	s7 =	ssub.s32 $0x2, s2  }
0x8: {  	_ =	strace $0x8000004A;
	s8 =	sshrl.u32 s7, $0x1;
	s6 =	sshrl.u32 s6, $0x2  }
0x9: {  	s19 =	sadd.s32 $0x4000, s9;
	s11 =	sadd.s32 $0xC000, s9;
	s6 =	sadd.s32 s6, s1  }
0xa: {  	s22 =	sadd.s32 $0x8000, s9;
	s7 =	ssub.s32 s7, s8;
	s10 =	sadd.s32 $0x1800, s6  }
0xb: {  	s8 =	sor.u32 s2, s12;
	s13 =	sadd.s32 $0x3000, s6;
	[dreg:$0x3] =	wrdreg s10  }
0xc: {  	s2 =	smul.u32 $0x140000, s2;
	s14 =	sadd.s32 $0x4800, s6;
	[dreg:$0x4] =	wrdreg s13  }
0xd: {  	s20 =	sadd.s32 s11, s1;
	s15 =	sadd.s32 $0x6000, s6;
	[dreg:$0x5] =	wrdreg s14  }
0xe: {  	s16 =	sadd.s32 $0x7800, s6;
	s17 =	sadd.s32 $0x9000, s6;
	[dreg:$0x6] =	wrdreg s15  }
0xf: {  	s25 =	sadd.s32 $0xA800, s6;
	s7 =	smax.u32 s7, $0x1;
	[dreg:$0x7] =	wrdreg s16  }
0x10: {  	[dreg:$0x8] =	wrdreg s17;
	s13 =	smul.u32 $0x6C00, s8;
	s18 =	sadd.s32 s9, s2  }
0x11: {  	s12 =	sadd.s32 s2, s19;
	s9 =	sadd.s32 $0x10000, s9;
	[dreg:$0xe] =	wrdreg s25  }
0x12: {  	s23 =	sadd.s32 s2, s22;
	s15 =	sadd.s32 s2, s11;
	[dreg:$0x10] =	wrdreg s7  }
0x13: {  	s10 =	simm.s32 $0x30;
	s11 =	simm.s32 $0x200;
	s8 =	sshrl.u32 s18, $0x3  }
0x14: {  	s21 =	sshrl.u32 s12, $0x3;
	s2 =	sadd.s32 s2, s9;
	s18 =	sadd.s32 $0xD800, s6  }
0x15: {  	s12 =	sshrl.u32 s23, $0x3;
	s23 =	sadd.s32 $0x13800, s6;
	[dreg:$0x14] =	wrdreg s18  }
0x16: {  	s15 =	sshrl.u32 s15, $0x3;
	s8 =	sadd.s32 s0, s8;
	[dreg:$0x18] =	wrdreg s23  }
0x17: {  	s14 =	sshrl.u32 s13, $0x3;
	s12 =	sadd.s32 s0, s12;
	[dreg:$0x9] =	wrdreg s8  }
0x18: {  	s2 =	sshrl.u32 s2, $0x3;
	s24 =	sadd.s32 s0, s15;
	[dreg:$0xb] =	wrdreg s12  }
0x19: {  	s15 =	sadd.s32 s9, s1;
	s8 =	sadd.s32 s0, s21;
	[dreg:$0xc] =	wrdreg s24  }
0x1a: {  	s9 =	simm.s32 $0x9;
	s0 =	sadd.s32 s0, s2;
	[dreg:$0xa] =	wrdreg s8  }
0x1b: {  	s18 =	simm.s32 $0x2;
	s17 =	sshrl.u32 s15, $0x3;
	[dreg:$0xd] =	wrdreg s0  }
0x1c: {  	s12 =	sadd.s32 s19, s1;
	s19 =	sadd.s32 $0xF000, s6;
	[dreg:$0x13] =	wrdreg s17  }
0x1d: {  	s26 =	sadd.s32 s5, s14;
	s21 =	sadd.s32 $0x10800, s6;
	[dreg:$0x15] =	wrdreg s19  }
0x1e: {  	s14 =	sadd.s32 s22, s1;
	s22 =	sadd.s32 $0x12000, s6;
	[dreg:$0x16] =	wrdreg s21  }
0x1f: {  	s23 =	simm.s32 $0x480;
	s15 =	simm.s32 $0x300;
	[dreg:$0x17] =	wrdreg s22  }
0x20: {  	s0 =	sshrl.u32 s12, $0x3;
	s16 =	sshrl.u32 s14, $0x3;
	[dreg:$0xf] =	wrdreg s26  }
0x21: {  	s24 =	sadd.s32 $0x10, s26;
	s25 =	sadd.s32 $0x20, s26;
	[dreg:$0x11] =	wrdreg s0  }
0x22: {  	s26 =	sadd.s32 $0x30, s26;
	s8 =	simm.s32 $0x600;
	[dreg:$0x12] =	wrdreg s16  }
0x23: {  	s12 =	simm.s32 $0x1E00;
	s14 =	simm.s32 $0x1;
	[dreg:$0x19] =	wrdreg s24  }
0x24: {  	s17 =	simm.s32 $0x400;
	s19 =	simm.s32 $0x380;
	[dreg:$0x1a] =	wrdreg s25  }
0x25: {  	s22 =	simm.s32 $0x4E00;
	[dreg:$0x1b] =	wrdreg s26;
	s16 =	simm.s32 $0x3600  }
0x26: {  	v0 =	vimm.f32 $0.0e+00;
	s24 =	simm.s32 $0x3;
	s25 =	simm.s32 $0x5;
	s26 =	simm.s32 $0x500  }
.LBB2_1:
0x27: {  	s0 =	simm.s32 $0x0;
	s2 =	simm.s32 $0x200  }
.LBB2_2:
0x28: {  	p0 =	sne.s32 s2, $0x5E00;
	[tilespmem:s0+$0x670] =	vst v0  }
0x29: {  	[tilespmem:s0+$0x600] =	vst v0  }
0x2a: {  	[tilespmem:s0+$0x610] =	vst v0  }
.Ltmp0:
0x2b: {  	[tilespmem:s0+$0x620] =	vst v0;
	(pc) =	sbr.rel @p0 .LBB2_2-.Ltmp0, $4  }
0x2c: {  	[tilespmem:s0+$0x630] =	vst v0  }
0x2d: {  	[tilespmem:s0+$0x640] =	vst v0  }
0x2e: {  	[tilespmem:s0+$0x650] =	vst v0  }
0x2f: {  	[tilespmem:s0+$0x660] =	vst v0;
	s0 =	sshra.s32 s2, $0x2;
	s2 =	sadd.s32 $0x200, s2  }
0x30: {  	[tilespmem:s0+$0x670] =	vst v0  }
0x31: {  	[tilespmem:s0+$0x600] =	vst v0  }
0x32: {  	[tilespmem:s0+$0x610] =	vst v0  }
0x33: {  	[tilespmem:s0+$0x620] =	vst v0  }
0x34: {  	[tilespmem:s0+$0x630] =	vst v0  }
0x35: {  	[tilespmem:s0+$0x640] =	vst v0  }
0x36: {  	[tilespmem:s0+$0x650] =	vst v0  }
0x37: {  	[tilespmem:s0+$0x660] =	vst v0  }
0x38: {  	[spmem:s6] =	stream.linear.scatter [tilespmem:s8], [sflag:$0x9], $0x1800, $0x38;
	[tilespmem:$0x1A600] =	vst v63  }
0x39: {  	_ =	swait.ge [sflag:s9], $0x1800  }
0x3a: {  	[sflag:s9] =	ssyncset.done $0x0  }
0x3b: {  	s7 =	rddreg [dreg:$0x3];
	[sflag:s9] =	ssyncadd.s32 $0xFFFFE800  }
0x3c: {  	[spmem:s7] =	stream.linear.scatter [tilespmem:s8], [sflag:$0x9], $0x1800, $0x38;
	[tilespmem:$0x1A600] =	vst v63  }
0x3d: {  	_ =	swait.ge [sflag:s9], $0x1800  }
0x3e: {  	[sflag:s9] =	ssyncset.done $0x0  }
0x3f: {  	s21 =	rddreg [dreg:$0x4];
	[sflag:s9] =	ssyncadd.s32 $0xFFFFE800  }
0x40: {  	[spmem:s21] =	stream.linear.scatter [tilespmem:s8], [sflag:$0x9], $0x1800, $0x38;
	[tilespmem:$0x1A600] =	vst v63  }
0x41: {  	_ =	swait.ge [sflag:s9], $0x1800  }
0x42: {  	[sflag:s9] =	ssyncset.done $0x0  }
0x43: {  	s2 =	rddreg [dreg:$0x5];
	[sflag:s9] =	ssyncadd.s32 $0xFFFFE800  }
0x44: {  	[spmem:s2] =	stream.linear.scatter [tilespmem:s8], [sflag:$0x9], $0x1800, $0x38;
	[tilespmem:$0x1A600] =	vst v63  }
0x45: {  	_ =	swait.ge [sflag:s9], $0x1800  }
0x46: {  	[sflag:s9] =	ssyncset.done $0x0  }
0x47: {  	s7 =	rddreg [dreg:$0x6];
	[sflag:s9] =	ssyncadd.s32 $0xFFFFE800  }
0x48: {  	[spmem:s7] =	stream.linear.scatter [tilespmem:s8], [sflag:$0x9], $0x1800, $0x38;
	[tilespmem:$0x1A600] =	vst v63  }
0x49: {  	_ =	swait.ge [sflag:s9], $0x1800  }
0x4a: {  	[sflag:s9] =	ssyncset.done $0x0  }
0x4b: {  	s21 =	rddreg [dreg:$0x7];
	[sflag:s9] =	ssyncadd.s32 $0xFFFFE800  }
0x4c: {  	[spmem:s21] =	stream.linear.scatter [tilespmem:s8], [sflag:$0x9], $0x1800, $0x38;
	[tilespmem:$0x1A600] =	vst v63  }
0x4d: {  	_ =	swait.ge [sflag:s9], $0x1800  }
0x4e: {  	[sflag:s9] =	ssyncset.done $0x0  }
0x4f: {  	s2 =	rddreg [dreg:$0x8];
	[sflag:s9] =	ssyncadd.s32 $0xFFFFE800  }
0x50: {  	[spmem:s2] =	stream.linear.scatter [tilespmem:s8], [sflag:$0x9], $0x1800, $0x38;
	[tilespmem:$0x1A600] =	vst v63  }
0x51: {  	_ =	swait.ge [sflag:s9], $0x1800  }
0x52: {  	[sflag:s9] =	ssyncset.done $0x0  }
0x53: {  	s7 =	rddreg [dreg:$0xe];
	[sflag:s9] =	ssyncadd.s32 $0xFFFFE800  }
0x54: {  	[spmem:s7] =	stream.linear.scatter [tilespmem:s8], [sflag:$0x9], $0x1800, $0x38;
	[tilespmem:$0x1A600] =	vst v63  }
0x55: {  	_ =	swait.ge [sflag:s9], $0x1800  }
0x56: {  	[sflag:s9] =	ssyncset.done $0x0  }
0x57: {  	[sflag:s9] =	ssyncadd.s32 $0xFFFFE800  }
0x58: {  	[spmem:s20] =	stream.linear.scatter [tilespmem:s8], [sflag:$0x9], $0x1800, $0x38;
	[tilespmem:$0x1A600] =	vst v63  }
0x59: {  	_ =	swait.ge [sflag:s9], $0x1800  }
0x5a: {  	[sflag:s9] =	ssyncset.done $0x0  }
0x5b: {  	s21 =	rddreg [dreg:$0x14];
	[sflag:s9] =	ssyncadd.s32 $0xFFFFE800  }
0x5c: {  	[spmem:s21] =	stream.linear.scatter [tilespmem:s8], [sflag:$0x9], $0x1800, $0x38;
	[tilespmem:$0x1A600] =	vst v63  }
0x5d: {  	_ =	swait.ge [sflag:s9], $0x1800  }
0x5e: {  	[sflag:s9] =	ssyncset.done $0x0  }
0x5f: {  	s2 =	rddreg [dreg:$0x15];
	[sflag:s9] =	ssyncadd.s32 $0xFFFFE800  }
0x60: {  	[spmem:s2] =	stream.linear.scatter [tilespmem:s8], [sflag:$0x9], $0x1800, $0x38;
	[tilespmem:$0x1A600] =	vst v63  }
0x61: {  	_ =	swait.ge [sflag:s9], $0x1800  }
0x62: {  	[sflag:s9] =	ssyncset.done $0x0  }
0x63: {  	s7 =	rddreg [dreg:$0x16];
	[sflag:s9] =	ssyncadd.s32 $0xFFFFE800  }
0x64: {  	[spmem:s7] =	stream.linear.scatter [tilespmem:s8], [sflag:$0x9], $0x1800, $0x38;
	[tilespmem:$0x1A600] =	vst v63  }
0x65: {  	_ =	swait.ge [sflag:s9], $0x1800  }
0x66: {  	[sflag:s9] =	ssyncset.done $0x0  }
0x67: {  	s21 =	rddreg [dreg:$0x17];
	[sflag:s9] =	ssyncadd.s32 $0xFFFFE800  }
0x68: {  	[spmem:s21] =	stream.linear.scatter [tilespmem:s8], [sflag:$0x9], $0x1800, $0x38;
	[tilespmem:$0x1A600] =	vst v63  }
0x69: {  	_ =	swait.ge [sflag:s9], $0x1800  }
0x6a: {  	[sflag:s9] =	ssyncset.done $0x0  }
0x6b: {  	s2 =	rddreg [dreg:$0x18];
	[sflag:s9] =	ssyncadd.s32 $0xFFFFE800  }
0x6c: {  	[spmem:s2] =	stream.linear.scatter [tilespmem:s8], [sflag:$0x9], $0x800, $0x38;
	[tilespmem:$0x1A600] =	vst v63  }
0x6d: {  	_ =	swait.ge [sflag:s9], $0x800  }
0x6e: {  	[sflag:s9] =	ssyncset.done $0x0  }
0x6f: {  	s7 =	rddreg [dreg:$0xf];
	[sflag:s9] =	ssyncadd.s32 $0xFFFFF800  }
0x70: {  	[tilespmem:s3], [sflag:$0x9] =	stream.linear.gather [hbm4b:s7+s3], $0x80, $0x38;
	[tilespmem:$0x1A600] =	vst v63  }
0x71: {  	_ =	swait.ge [sflag:s9], $0x80  }
0x72: {  	[sflag:s9] =	ssyncset.done $0x0  }
0x73: {  	s2 =	simm.s32 $0x80;
	s21 =	rddreg [dreg:$0x19];
	[sflag:s9] =	ssyncadd.s32 $0xFFFFFF80  }
0x74: {  	[tilespmem:s2], [sflag:$0x9] =	stream.linear.gather [hbm4b:s21+s3], $0x80, $0x38;
	[tilespmem:$0x1A600] =	vst v63  }
0x75: {  	_ =	swait.ge [sflag:s9], $0x80  }
0x76: {  	[sflag:s9] =	ssyncset.done $0x0  }
0x77: {  	s21 =	simm.s32 $0x100;
	s7 =	rddreg [dreg:$0x1a];
	[sflag:s9] =	ssyncadd.s32 $0xFFFFFF80  }
0x78: {  	[tilespmem:s21], [sflag:$0x9] =	stream.linear.gather [hbm4b:s7+s3], $0x80, $0x38;
	[tilespmem:$0x1A600] =	vst v63  }
0x79: {  	_ =	swait.ge [sflag:s9], $0x80  }
0x7a: {  	[sflag:s9] =	ssyncset.done $0x0  }
0x7b: {  	s7 =	simm.s32 $0x180;
	s2 =	rddreg [dreg:$0x1b];
	[sflag:s9] =	ssyncadd.s32 $0xFFFFFF80  }
0x7c: {  	[tilespmem:s7], [sflag:$0x9] =	stream.linear.gather [hbm4b:s2+s3], $0x80, $0x38;
	[tilespmem:$0x1A600] =	vst v63  }
0x7d: {  	_ =	swait.ge [sflag:s9], $0x80  }
0x7e: {  	[sflag:s9] =	ssyncset.done $0x0  }
0x7f: {  	[sflag:s9] =	ssyncadd.s32 $0xFFFFFF80  }
0x80: {  	v1 =	vld [tilespmem:$0x0];
	_ =	sdelay $0x1  }
0x81: {  	v2 =	vld [tilespmem:$0x10];
	_ =	sdelay $0x1  }
0x82: {  	v3 =	vld [tilespmem:$0x20]  }
0x83: {  	v4 =	vand.u32 $0x3FFF, v1;
	v1 =	vshrl.u32 v1, $0xE  }
0x84: {  	[tilespmem:$0x200] =	vst v4;
	v1 =	vand.u32 $0x3FFF, v1  }
0x85: {  	[tilespmem:$0x400] =	vst v1;
	v1 =	vand.u32 $0x3FFF, v2;
	v2 =	vshrl.u32 v2, $0xE  }
0x86: {  	[tilespmem:$0x210] =	vst v1;
	v1 =	vand.u32 $0x3FFF, v2  }
0x87: {  	v2 =	vshrl.u32 v3, $0xE;
	[tilespmem:$0x410] =	vst v1;
	v1 =	vand.u32 $0x3FFF, v3  }
0x88: {  	[tilespmem:$0x220] =	vst v1;
	v1 =	vand.u32 $0x3FFF, v2  }
0x89: {  	[tilespmem:$0x420] =	vst v1  }
0x8a: {  	[tilespmem:s8], [sflag:$0x1] =	stream.indirect.gather [hbm4b:s4+s10], $0x80, s11, s10, $0xb8;
	[tilespmem:$0x1A600] =	vst v63  }
0x8b: {  	v1 =	vld [tilespmem:$0x80];
	_ =	sdelay $0x1  }
0x8c: {  	v2 =	vld [tilespmem:$0x90];
	_ =	sdelay $0x1  }
0x8d: {  	v3 =	vld [tilespmem:$0xA0]  }
0x8e: {  	v63 =	vand.u32 $0x3FFF, v1;
	v1 =	vshrl.u32 v1, $0xE  }
0x8f: {  	[tilespmem:$0x280] =	vst v63;
	v1 =	vand.u32 $0x3FFF, v1  }
0x90: {  	[tilespmem:$0x480] =	vst v1;
	v1 =	vand.u32 $0x3FFF, v2;
	v2 =	vshrl.u32 v2, $0xE  }
0x91: {  	[tilespmem:$0x290] =	vst v1;
	v1 =	vand.u32 $0x3FFF, v2  }
0x92: {  	v2 =	vshrl.u32 v3, $0xE;
	[tilespmem:$0x490] =	vst v1;
	v1 =	vand.u32 $0x3FFF, v3  }
0x93: {  	[tilespmem:$0x2A0] =	vst v1;
	v1 =	vand.u32 $0x3FFF, v2  }
0x94: {  	s21 =	simm.s32 $0x280;
	[tilespmem:$0x4A0] =	vst v1  }
0x95: {  	[tilespmem:s12], [sflag:$0x2] =	stream.indirect.gather [hbm4b:s4+s10], $0x80, s21, s10, $0xb8;
	[tilespmem:$0x1A600] =	vst v63  }
0x96: {  	s0 =	simm.s32 $0x380;
	[bflag:$0x0] =	sbarrier.arrive $0xFFFF  }
.LBB2_4:
0x97: {  	s2 =	sadd.s32 $0xFFFFFE80, s0  }
0x98: {  	s7 =	sand.u32 $0xFC00, s2  }
0x99: {  	s2 =	sand.u32 $0x200, s2;
	s7 =	sadd.s32 s13, s7  }
0x9a: {  	_ =	swait.ge [sflag:s14], $0x1800;
	s2 =	sor.u32 s2, s7  }
0x9b: {  	[sflag:s14] =	ssyncset.done $0x0;
	s2 =	sshrl.u32 s2, $0x3  }
0x9c: {  	p0 =	seq.s32 s0, $0x380;
	[sflag:s14] =	ssyncadd.s32 $0xFFFFE800;
	s2 =	sadd.s32 s5, s2  }
0x9d: {  	[tilespmem:s3], [sflag:$0x5] =	stream.linear.gather [hbm4b:s2+s3], $0x80, $0x38;
	[tilespmem:$0x1A600] =	vst v63  }
0x9e: {  	s2 =	simm.s32 @!p0 $0x7  }
0x9f: {  	_ =	swait.ge @!p0 [sflag:s2], $0x80  }
0xa0: {  	[sflag:s2] =	ssyncset.done @!p0 $0x0  }
0xa1: {  	[sflag:s2] =	ssyncadd.s32 @!p0 $0xFFFFFF80  }
0xa2: {  	v1 =	vld [tilespmem:$0x100];
	_ =	sdelay $0x1  }
0xa3: {  	v2 =	vld [tilespmem:$0x110];
	_ =	sdelay $0x1  }
0xa4: {  	v3 =	vld [tilespmem:$0x120]  }
0xa5: {  	v4 =	vand.u32 $0x3FFF, v1;
	v1 =	vshrl.u32 v1, $0xE  }
0xa6: {  	[tilespmem:$0x300] =	vst v4;
	v1 =	vand.u32 $0x3FFF, v1  }
0xa7: {  	[tilespmem:$0x500] =	vst v1;
	v1 =	vand.u32 $0x3FFF, v2;
	v2 =	vshrl.u32 v2, $0xE  }
0xa8: {  	[tilespmem:$0x310] =	vst v1;
	v1 =	vand.u32 $0x3FFF, v2  }
0xa9: {  	v2 =	vshrl.u32 v3, $0xE;
	[tilespmem:$0x510] =	vst v1;
	v1 =	vand.u32 $0x3FFF, v3  }
0xaa: {  	[tilespmem:$0x320] =	vst v1;
	v1 =	vand.u32 $0x3FFF, v2  }
0xab: {  	[tilespmem:$0x520] =	vst v1  }
0xac: {  	[tilespmem:s16], [sflag:$0x3] =	stream.indirect.gather [hbm4b:s4+s10], $0x80, s15, s10, $0xb8;
	[tilespmem:$0x1A600] =	vst v63  }
0xad: {  	p0 =	seq.s32 s0, $0x6980  }
0xae: {  	[spmem:s1] =	stream.indirect.scatter.add.f32 [tilespmem:s8], [sflag:$0x9], $0x80, s17, s10, $0xb8;
	[tilespmem:$0x1A600] =	vst v63  }
0xaf: {  	s2 =	sadd.s32 @!p0 $0xFFFFFF00, s0;
	_ =	swait.ge [sflag:s9], $0x1800  }
0xb0: {  	p1 =	seq.s32 @!p0 s0, $0x380;
	s7 =	sand.u32 @!p0 $0xFC00, s2;
	[sflag:s9] =	ssyncset.done $0x0  }
0xb1: {  	s2 =	sand.u32 @!p0 $0x280, s2;
	s7 =	sadd.s32 @!p0 s13, s7;
	[sflag:s9] =	ssyncadd.s32 $0xFFFFE800  }
0xb2: {  	s21 =	simm.s32 @!p0 $0x80;
	s2 =	sor.u32 @!p0 s2, s7;
	_ =	swait.ge [sflag:s18], $0x1800  }
0xb3: {  	p1 =	por p0, !p1;
	s2 =	sshrl.u32 @!p0 s2, $0x3;
	[sflag:s18] =	ssyncset.done $0x0  }
0xb4: {  	s7 =	sadd.s32 @!p0 s5, s2;
	s2 =	simm.s32 @!p0 $0x0;
	[sflag:s18] =	ssyncadd.s32 $0xFFFFE800  }
0xb5: {  	[tilespmem:s21], [sflag:$0x6] =	stream.linear.gather @!p0 [hbm4b:s7+s2], $0x80, $0x38;
	[tilespmem:$0x1A600] =	vst v63  }
0xb6: {  	_ =	swait.ge @p1 [sflag:s30], $0x80  }
0xb7: {  	[sflag:s30] =	ssyncset.done @p1 $0x0  }
0xb8: {  	[sflag:s30] =	ssyncadd.s32 @p1 $0xFFFFFF80  }
0xb9: {  	v1 =	vld [tilespmem:$0x180];
	_ =	sdelay $0x1  }
0xba: {  	v2 =	vld [tilespmem:$0x190];
	_ =	sdelay $0x1  }
0xbb: {  	v3 =	vld [tilespmem:$0x1A0]  }
0xbc: {  	v62 =	vand.u32 $0x3FFF, v1;
	v1 =	vshrl.u32 v1, $0xE  }
0xbd: {  	[tilespmem:$0x380] =	vst v62;
	v1 =	vand.u32 $0x3FFF, v1  }
0xbe: {  	[tilespmem:$0x580] =	vst v1;
	v1 =	vand.u32 $0x3FFF, v2;
	v2 =	vshrl.u32 v2, $0xE  }
0xbf: {  	[tilespmem:$0x390] =	vst v1;
	v1 =	vand.u32 $0x3FFF, v2  }
0xc0: {  	v2 =	vshrl.u32 v3, $0xE;
	[tilespmem:$0x590] =	vst v1;
	v1 =	vand.u32 $0x3FFF, v3  }
0xc1: {  	[tilespmem:$0x3A0] =	vst v1;
	v1 =	vand.u32 $0x3FFF, v2  }
0xc2: {  	[tilespmem:$0x5A0] =	vst v1  }
0xc3: {  	[tilespmem:s22], [sflag:$0x4] =	stream.indirect.gather [hbm4b:s4+s10], $0x80, s19, s10, $0xb8;
	[tilespmem:$0x1A600] =	vst v63  }
0xc4: {  	_ = 	snop  }
0xc5: {  	[spmem:s1] =	stream.indirect.scatter.add.f32 [tilespmem:s12], [sflag:$0x9], $0x80, s23, s10, $0xb8;
	[tilespmem:$0x1A600] =	vst v63  }
0xc6: {  	s7 =	sadd.s32 @!p0 $0xFFFFFF80, s0;
	_ =	swait.ge [sflag:s9], $0x1800  }
0xc7: {  	s21 =	sand.u32 @!p0 $0xFC00, s7;
	[sflag:s9] =	ssyncset.done $0x0  }
0xc8: {  	s7 =	sand.u32 @!p0 $0x300, s7;
	s21 =	sadd.s32 @!p0 s13, s21;
	[sflag:s9] =	ssyncadd.s32 $0xFFFFE800  }
0xc9: {  	s7 =	sor.u32 @!p0 s7, s21;
	_ =	swait.ge [sflag:s24], $0x1800  }
0xca: {  	s7 =	sshrl.u32 @!p0 s7, $0x3;
	[sflag:s24] =	ssyncset.done $0x0  }
0xcb: {  	s21 =	simm.s32 @!p0 $0x100;
	s7 =	sadd.s32 @!p0 s5, s7;
	[sflag:s24] =	ssyncadd.s32 $0xFFFFE800  }
0xcc: {  	[tilespmem:s21], [sflag:$0x7] =	stream.linear.gather @!p0 [hbm4b:s7+s2], $0x80, $0x38;
	[tilespmem:$0x1A600] =	vst v63  }
0xcd: {  	_ =	swait.ge [sflag:s25], $0x80  }
0xce: {  	[sflag:s25] =	ssyncset.done $0x0  }
0xcf: {  	[sflag:s25] =	ssyncadd.s32 $0xFFFFFF80  }
0xd0: {  	v1 =	vld [tilespmem:$0x0];
	_ =	sdelay $0x1  }
0xd1: {  	v2 =	vld [tilespmem:$0x10];
	_ =	sdelay $0x1  }
0xd2: {  	v3 =	vld [tilespmem:$0x20]  }
0xd3: {  	v63 =	vand.u32 $0x3FFF, v1;
	v1 =	vshrl.u32 v1, $0xE  }
0xd4: {  	[tilespmem:$0x200] =	vst v63;
	v1 =	vand.u32 $0x3FFF, v1  }
0xd5: {  	[tilespmem:$0x400] =	vst v1;
	v1 =	vand.u32 $0x3FFF, v2;
	v2 =	vshrl.u32 v2, $0xE  }
0xd6: {  	[tilespmem:$0x210] =	vst v1;
	v1 =	vand.u32 $0x3FFF, v2  }
0xd7: {  	v2 =	vshrl.u32 v3, $0xE;
	[tilespmem:$0x410] =	vst v1;
	v1 =	vand.u32 $0x3FFF, v3  }
0xd8: {  	[tilespmem:$0x220] =	vst v1;
	v1 =	vand.u32 $0x3FFF, v2  }
0xd9: {  	[tilespmem:$0x420] =	vst v1  }
0xda: {  	[tilespmem:s8], [sflag:$0x1] =	stream.indirect.gather [hbm4b:s4+s10], $0x80, s11, s10, $0xb8;
	[tilespmem:$0x1A600] =	vst v63  }
0xdb: {  	_ = 	snop  }
0xdc: {  	[spmem:s1] =	stream.indirect.scatter.add.f32 [tilespmem:s16], [sflag:$0x9], $0x80, s26, s10, $0xb8;
	[tilespmem:$0x1A600] =	vst v63  }
0xdd: {  	_ =	swait.ge [sflag:s9], $0x1800  }
0xde: {  	s7 =	sand.u32 @!p0 $0xFC00, s0;
	[sflag:s9] =	ssyncset.done $0x0  }
0xdf: {  	s21 =	sand.u32 @!p0 $0x380, s0;
	s7 =	sadd.s32 @!p0 s13, s7;
	[sflag:s9] =	ssyncadd.s32 $0xFFFFE800  }
0xe0: {  	s7 =	sor.u32 @!p0 s21, s7;
	_ =	swait.ge [sflag:s28], $0x1800  }
0xe1: {  	s7 =	sshrl.u32 @!p0 s7, $0x3;
	[sflag:s28] =	ssyncset.done $0x0  }
0xe2: {  	s21 =	simm.s32 @!p0 $0x180;
	s7 =	sadd.s32 @!p0 s5, s7;
	[sflag:s28] =	ssyncadd.s32 $0xFFFFE800  }
0xe3: {  	[tilespmem:s21], [sflag:$0x8] =	stream.linear.gather @!p0 [hbm4b:s7+s2], $0x80, $0x38;
	[tilespmem:$0x1A600] =	vst v63  }
0xe4: {  	s2 =	simm.s32 @!p0 $0x6  }
0xe5: {  	_ =	swait.ge @!p0 [sflag:s2], $0x80  }
0xe6: {  	[sflag:s2] =	ssyncset.done @!p0 $0x0  }
0xe7: {  	[sflag:s2] =	ssyncadd.s32 @!p0 $0xFFFFFF80  }
0xe8: {  	v1 =	vld @!p0 [tilespmem:$0x80];
	_ =	sdelay $0x1  }
0xe9: {  	v2 =	vld @!p0 [tilespmem:$0x90];
	_ =	sdelay $0x1  }
0xea: {  	v3 =	vld @!p0 [tilespmem:$0xA0]  }
0xeb: {  	v4 =	vand.u32 @!p0 $0x3FFF, v1;
	v1 =	vshrl.u32 @!p0 v1, $0xE  }
0xec: {  	[tilespmem:$0x280] =	vst @!p0 v4;
	v1 =	vand.u32 @!p0 $0x3FFF, v1  }
0xed: {  	[tilespmem:$0x480] =	vst @!p0 v1;
	v1 =	vand.u32 @!p0 $0x3FFF, v2;
	v2 =	vshrl.u32 @!p0 v2, $0xE  }
0xee: {  	[tilespmem:$0x290] =	vst @!p0 v1;
	v1 =	vand.u32 @!p0 $0x3FFF, v2  }
0xef: {  	v2 =	vshrl.u32 @!p0 v3, $0xE;
	[tilespmem:$0x490] =	vst @!p0 v1;
	v1 =	vand.u32 @!p0 $0x3FFF, v3  }
0xf0: {  	s0 =	sadd.s32 $0x200, s0;
	[tilespmem:$0x2A0] =	vst @!p0 v1;
	v1 =	vand.u32 @!p0 $0x3FFF, v2  }
0xf1: {  	s7 =	simm.s32 @!p0 $0x280;
	s21 =	simm.s32 @!p0 $0x1E00;
	s2 =	simm.s32 @!p0 $0x30;
	[tilespmem:$0x4A0] =	vst @!p0 v1  }
0xf2: {  	[tilespmem:s21], [sflag:$0x2] =	stream.indirect.gather @!p0 [hbm4b:s4+s2], $0x80, s7, s2, $0xb8;
	[tilespmem:$0x1A600] =	vst v63  }
0xf3: {  	p0 =	sne.s32 s0, $0x6B80  }
.Ltmp1:
0xf4: {  	_ = 	snop;
	(pc) =	sbr.rel @p0 .LBB2_4-.Ltmp1, $4  }
0xf5: {  	[spmem:s1] =	stream.indirect.scatter.add.f32 [tilespmem:s22], [sflag:$0x9], $0x80, s29, s10, $0xb8;
	[tilespmem:$0x1A600] =	vst v63  }
0xf6: {  	_ =	swait.ge [sflag:s9], $0x1800  }
0xf7: {  	[sflag:s9] =	ssyncset.done $0x0  }
0xf8: {  	[sflag:s9] =	ssyncadd.s32 $0xFFFFE800  }
0xf9: {  	_ =	swait.ge [sflag:s14], $0x1800  }
0xfa: {  	[sflag:s14] =	ssyncset.done $0x0  }
0xfb: {  	[sflag:s14] =	ssyncadd.s32 $0xFFFFE800  }
0xfc: {  	[spmem:s1] =	stream.indirect.scatter.add.f32 [tilespmem:s8], [sflag:$0x9], $0x80, s17, s10, $0xb8;
	[tilespmem:$0x1A600] =	vst v63  }
0xfd: {  	_ =	swait.ge [sflag:s9], $0x1800  }
0xfe: {  	[sflag:s9] =	ssyncset.done $0x0  }
0xff: {  	s0 =	stileid.u32;
	[sflag:s9] =	ssyncadd.s32 $0xFFFFE800  }
0x100: {  	s0 =	sshll.u32 s0, $0x6;
	[bflag:$0x0] =	sbarrier.arrive $0xFFFF  }
0x101: {  	s2 =	sshrl.u32 s6, $0x3;
	s0 =	sor.u32 $0x1C09, s0;
	s7 =	rddreg [dreg:$0x9]  }
0x102: {  	[hbm:s7], [sflag:s0] =	dma.local [spmem:s2], $0x800  }
0x103: {  	_ =	swait.ge [sflag:s9], $0x800  }
0x104: {  	[sflag:s9] =	ssyncset.done $0x0;
	s7 =	rddreg [dreg:$0xa]  }
0x105: {  	s21 =	rddreg [dreg:$0x11];
	[sflag:s9] =	ssyncadd.s32 $0xFFFFF800  }
0x106: {  	[hbm:s7], [sflag:s0] =	dma.local [spmem:s21], $0x800  }
0x107: {  	_ =	swait.ge [sflag:s9], $0x800  }
0x108: {  	[sflag:s9] =	ssyncset.done $0x0;
	s7 =	rddreg [dreg:$0xb]  }
0x109: {  	s21 =	rddreg [dreg:$0x12];
	[sflag:s9] =	ssyncadd.s32 $0xFFFFF800  }
0x10a: {  	[hbm:s7], [sflag:s0] =	dma.local [spmem:s21], $0x800  }
0x10b: {  	_ =	swait.ge [sflag:s9], $0x800  }
0x10c: {  	[sflag:s9] =	ssyncset.done $0x0  }
0x10d: {  	s7 =	sshrl.u32 s20, $0x3;
	s21 =	rddreg [dreg:$0xc];
	[sflag:s9] =	ssyncadd.s32 $0xFFFFF800  }
0x10e: {  	[hbm:s21], [sflag:s0] =	dma.local [spmem:s7], $0x800  }
0x10f: {  	_ =	swait.ge [sflag:s9], $0x800  }
0x110: {  	[sflag:s9] =	ssyncset.done $0x0;
	s7 =	rddreg [dreg:$0xd]  }
0x111: {  	s21 =	rddreg [dreg:$0x13];
	[sflag:s9] =	ssyncadd.s32 $0xFFFFF800  }
0x112: {  	[hbm:s7], [sflag:s0] =	dma.local [spmem:s21], $0x800  }
0x113: {  	_ =	swait.ge [sflag:s9], $0x800  }
0x114: {  	s31 =	sadd.s32 $0x1, s31;
	s21 =	rddreg [dreg:$0x10]  }
0x115: {  	p0 =	sne.s32 s31, s21  }
.Ltmp2:
0x116: {  	_ = 	snop;
	(pc) =	sbr.rel @p0 .LBB2_1-.Ltmp2, $3  }
0x117: {  	_ =	sdelay $0x1  }
0x118: {  	[sflag:s9] =	ssyncset.done $0x0  }
0x119: {  	[sflag:s9] =	ssyncadd.s32 $0xFFFFF800  }
0x11a: {  	_ =	sfence.sel $0x180000  }
0x11b: {  	[bflag:$0x0] =	sbarrier.arrive $0xFFFF  }
0x11c: {  	_ =	strace $0x9000004A  }
0x11d: {  	s0 =	stileid.u32;
	[bflag:$0x2] =	sbarrier.arrive $0xFFFF  }
0x11e: {  	p0 =	sne.s32 s0, $0x0;
	s0 =	rddreg [dreg:$0x2]  }
0x11f: {  	s0 =	sadd.s32 @!p0 $0x100000, s0  }
0x120: {  	[sflag:s0] =	ssyncadd.tile.s32 @!p0 $0x1;
	_ =	shalt  }
.Lfunc_end2:
_tile_overlayer_lowered:
.L_overlay_start_2:
0x121: {  	(tag) =	ssettag $0x2  }
0x122: {  	s0 =	rddreg [dreg:$0x0];
	s2 =	stileid.u32  }
0x123: {  	s1 =	rddreg [dreg:$0x1];
	p0 =	sne.s32 s2, $0x0  }
0x124: {  	s3 =	rddreg [dreg:$0x2];
	[bflag:$0x3] =	sbarrier.arrive $0xFFFF;
	s2 =	simm.s32 @!p0 $0x1C09  }
0x125: {  	[timem:s3], [sflag:s2] =	dma.local @!p0 [hbm:s0], s1  }
0x126: {  	s0 =	simm.s32 @!p0 $0x9  }
0x127: {  	_ =	swait.ge @!p0 [sflag:s0], s1  }
0x128: {  	s1 =	ssub.s32 @!p0 $0x0, s1;
	[sflag:s0] =	ssyncset.done @!p0 $0x0  }
0x129: {  	[sflag:s0] =	ssyncadd.s32 @!p0 s1  }
0x12a: {  	[bflag:$0x3] =	sbarrier.arrive $0xFFFF  }
0x12b: {  	_ =	shalt  }

// kernel: kernel.15.cloned.1.call-start
scs
__scs_entry_jumppad:
0x0: {  	(pc) =	sbr.rel $0x88, $3  }
0x1: {  	(tag) =	ssettag $0x0;
	lr =	simm.s32 $0x1  }
0x2: {  	[smem:$0x3F93] =	sst lr;
	_ =	strace $0xD0000000  }
0x3: {  	_ = 	snop  }
0x4: {  	_ = 	snop  }
0x5: {  	_ = 	snop  }
0x6: {  	_ = 	snop  }
0x7: {  	_ = 	snop  }
__scs_overlays_trampoline_lowered:
0x8: {  	[smem:$0x3FA2] =	sst s0  }
0x9: {  	[smem:$0x3FA3] =	sst s1  }
0xa: {  	[smem:$0x3FA4] =	sst s2  }
0xb: {  	[smem:$0x3FA5] =	sst s3  }
0xc: {  	[smem:$0x3FA6] =	sst s4  }
0xd: {  	[smem:$0x3FA7] =	sst s5  }
0xe: {  	[smem:$0x3FA8] =	sst s6  }
0xf: {  	[smem:$0x3FA9] =	sst s7  }
0x10: {  	[smem:$0x3FAA] =	sst s8  }
0x11: {  	[smem:$0x3FAB] =	sst s9;
	s0 =	simm.s32 @!p0 $0x0  }
0x12: {  	s1 =	sld [smem:$0x3F91];
	s0 =	simm.s32 @p0 $0x1  }
0x13: {  	[smem:$0x3FAC] =	sst s0;
	s0 =	simm.s32 @!p1 $0x0  }
0x14: {  	s2 =	sld [smem:$0x3F90];
	s0 =	simm.s32 @p1 $0x1  }
0x15: {  	[smem:$0x3FAD] =	sst s0;
	s0 =	simm.s32 @!p2 $0x0  }
0x16: {  	s3 =	sld [smem:$0x3FDB];
	s0 =	simm.s32 @p2 $0x1  }
0x17: {  	s4 =	simm.s32 $0x1BF5;
	[smem:$0x3FAF] =	sst s0  }
0x18: {  	s0 =	sld [smem:$0x3F92];
	_ =	swait.ge [sflag:s4], $0x0  }
0x19: {  	s7 =	sld [smem:$0x3F93]  }
0x1a: {  	s8 =	sadd.s32 $0xFFFFE003, lr  }
0x1b: {  	s9 =	sadd.s32 $0xFFFFFEF7, lr;
	s5 =	simm.s32 $0xFFFFFFFF;
	p2 =	slt.u32 s8, $0xFFFFF086  }
0x1c: {  	p1 =	slt.u32 s9, $0xF7A;
	s5 =	simm.s32 @!p2 $0x0  }
0x1d: {  	s5 =	simm.s32 @p1 $0x1;
	p0 =	seq.s32 s7, s2  }
0x1e: {  	s7 =	smul.u32 @!p0 $0xF7A, s2;
	p2 =	seq.s32 @!p0 s5, $0x0  }
0x1f: {  	s9 =	smul.u32 $0xF7A, s1;
	s8 =	simm.s32 @!p0 $0x1BF5;
	p2 =	por !p2, p0  }
0x20: {  	[sflag:s8] =	ssyncset.s32 @!p0 $0xFFFFF086;
	s6 =	sadd.s32 @!p0 s3, s7;
	s7 =	simm.s32 @!p0 $0x108  }
0x21: {  	s3 =	sadd.s32 s3, s9;
	s6 =	sadd.s32 @!p0 $0x88, s6;
	s7 =	simm.s32 @p2 $0x1082  }
0x22: {  	[simem:s7], [sflag:s8] =	dma.local @!p0 [hbm:s6], $0xF7A  }
0x23: {  	s9 =	sor.u32 $0xD0000000, s2;
	s6 =	simm.s32 $0x108;
	_ =	swait.ge @!p0 [sflag:s8], $0x0  }
0x24: {  	s3 =	sadd.s32 $0x88, s3;
	s6 =	simm.s32 @!p1 $0x1082;
	[sflag:s4] =	ssyncset.s32 $0xFFFFF086  }
0x25: {  	[simem:s6], [sflag:s4] =	dma.local [hbm:s3], $0xF7A  }
0x26: {  	[smem:$0x3F93] =	sst s1;
	(tag) =	ssettag s2;
	_ =	strace s9  }
0x27: {  	s1 =	sld [smem:$0x3FA3]  }
0x28: {  	s2 =	sld [smem:$0x3FA4]  }
0x29: {  	s4 =	sld [smem:$0x3FA6]  }
0x2a: {  	p0 =	seq.s32 s5, $0x0;
	s5 =	sld [smem:$0x3FA7]  }
0x2b: {  	s6 =	sld [smem:$0x3FA8]  }
0x2c: {  	s7 =	sld [smem:$0x3FA9]  }
0x2d: {  	s3 =	simm.s32 $0x108;
	s8 =	sld [smem:$0x3FAA]  }
0x2e: {  	s3 =	simm.s32 @!p0 $0x1082;
	s9 =	sld [smem:$0x3FAB]  }
0x2f: {  	lr =	sadd.s32 s0, s3;
	s0 =	sld [smem:$0x3FA2]  }
0x30: {  	s3 =	sld [smem:$0x3FA5]  }
0x31: {  	[smem:$0x3FAE] =	sst s10  }
0x32: {  	s10 =	sld [smem:$0x3FAC];
	_ =	sdelay $0x3  }
0x33: {  	p0 =	seq.s32 s10, $0x1;
	s10 =	sld [smem:$0x3FAE];
	_ =	sdelay $0x3  }
0x34: {  	[smem:$0x3FAE] =	sst s10  }
0x35: {  	s10 =	sld [smem:$0x3FAD];
	_ =	sdelay $0x3  }
0x36: {  	p1 =	seq.s32 s10, $0x1;
	s10 =	sld [smem:$0x3FAE];
	_ =	sdelay $0x3  }
0x37: {  	[smem:$0x3FAE] =	sst s10  }
0x38: {  	s10 =	sld [smem:$0x3FAF]  }
0x39: {  	_ = 	snop;
	(pc) =	sbr.ind lr, $3  }
0x3a: {  	_ = 	snop  }
0x3b: {  	_ = 	snop  }
0x3c: {  	p2 =	seq.s32 s10, $0x1;
	s10 =	sld [smem:$0x3FAE]  }
0x3d: {  	_ =	shalt  }
0x3e: {  	_ =	shalt  }
0x3f: {  	_ =	shalt  }
0x40: {  	_ =	shalt  }
0x41: {  	_ =	shalt  }
0x42: {  	_ =	shalt  }
0x43: {  	_ =	shalt  }
0x44: {  	_ =	shalt  }
0x45: {  	_ =	shalt  }
0x46: {  	_ =	shalt  }
0x47: {  	_ =	shalt  }
0x48: {  	_ =	shalt  }
0x49: {  	_ =	shalt  }
0x4a: {  	_ =	shalt  }
0x4b: {  	_ =	shalt  }
0x4c: {  	_ =	shalt  }
0x4d: {  	_ =	shalt  }
0x4e: {  	_ =	shalt  }
0x4f: {  	_ =	shalt  }
0x50: {  	_ =	shalt  }
0x51: {  	_ =	shalt  }
0x52: {  	_ =	shalt  }
0x53: {  	_ =	shalt  }
0x54: {  	_ =	shalt  }
0x55: {  	_ =	shalt  }
0x56: {  	_ =	shalt  }
0x57: {  	_ =	shalt  }
0x58: {  	_ =	shalt  }
0x59: {  	_ =	shalt  }
0x5a: {  	_ =	shalt  }
0x5b: {  	_ =	shalt  }
0x5c: {  	_ =	shalt  }
0x5d: {  	_ =	shalt  }
0x5e: {  	_ =	shalt  }
0x5f: {  	_ =	shalt  }
0x60: {  	_ =	shalt  }
0x61: {  	_ =	shalt  }
0x62: {  	_ =	shalt  }
0x63: {  	_ =	shalt  }
0x64: {  	_ =	shalt  }
0x65: {  	_ =	shalt  }
0x66: {  	_ =	shalt  }
0x67: {  	_ =	shalt  }
0x68: {  	_ =	shalt  }
0x69: {  	_ =	shalt  }
0x6a: {  	_ =	shalt  }
0x6b: {  	_ =	shalt  }
0x6c: {  	_ =	shalt  }
0x6d: {  	_ =	shalt  }
0x6e: {  	_ =	shalt  }
0x6f: {  	_ =	shalt  }
0x70: {  	_ =	shalt  }
0x71: {  	_ =	shalt  }
0x72: {  	_ =	shalt  }
0x73: {  	_ =	shalt  }
0x74: {  	_ =	shalt  }
0x75: {  	_ =	shalt  }
0x76: {  	_ =	shalt  }
0x77: {  	_ =	shalt  }
0x78: {  	_ =	shalt  }
0x79: {  	_ =	shalt  }
0x7a: {  	_ =	shalt  }
0x7b: {  	_ =	shalt  }
0x7c: {  	_ =	shalt  }
0x7d: {  	_ =	shalt  }
0x7e: {  	_ =	shalt  }
0x7f: {  	_ =	shalt  }
0x80: {  	_ =	shalt  }
0x81: {  	_ =	shalt  }
0x82: {  	_ =	shalt  }
0x83: {  	_ =	shalt  }
0x84: {  	_ =	shalt  }
0x85: {  	_ =	shalt  }
0x86: {  	_ =	shalt  }
0x87: {  	_ =	shalt  }
.Lfunc_end0:
.L_simem_size_0:
called_computation.2_lowered:
.L_overlay_start_0:
0x88: {  	s2 =	sld [smem:$0x3FD9]  }
0x89: {  	s3 =	sld [smem:$0x3FFE];
	_ =	sdelay $0x1  }
0x8a: {  	s1 =	srdreg.scid  }
0x8b: {  	s0 =	sand.u32 $0x1, s1  }
0x8c: {  	s16 =	sshll.u32 s0, $0xA;
	s2 =	sadd.s32 s3, s2  }
0x8d: {  	s2 =	sadd.s32 s2, s16  }
0x8e: {  	[smem:$0x3FBA] =	sst s2  }
0x8f: {  	_ = 	snop  }
0x90: {  	(tm) =	ssettm $0x1  }
0x91: {  	s17 =	sld [smem:$0x3FFB];
	_ =	sdelay $0x3  }
0x92: {  	_ =	strace s17  }
0x93: {  	s2 =	sld [smem:$0x3FFC];
	_ =	sdelay $0x3  }
0x94: {  	_ =	strace s2  }
0x95: {  	s2 =	sld [smem:$0x3FFD];
	_ =	sdelay $0x3  }
0x96: {  	_ =	strace s2  }
0x97: {  	_ =	strace $0x8FFFFFFF  }
0x98: {  	s18 =	sld [smem:$0x3FDB];
	_ =	sdelay $0x1  }
0x99: {  	s19 =	simm.s32 $_scs_section_size  }
0x9a: {  	s4 =	simm.s32 $_size__tile_overlayer_lowered;
	s5 =	simm.s32 $_tile_overlayer_lowered  }
0x9b: {  	s22 =	simm.s32 $0x1BFF;
	s21 =	sshll.u32 s5, $0x1;
	s2 =	sadd.s32 s19, s18  }
0x9c: {  	s6 =	simm.s32 $0x0;
	s20 =	sshll.u32 s4, $0x1;
	s4 =	sadd.s32 s21, s2  }
0x9d: {  	[timem:s6], [sflag:s22] =	dma.local [hbm:s4], s20  }
0x9e: {  	_ =	swait.ge [sflag:s22], s20  }
0x9f: {  	s3 =	ssub.s32 $0x0, s20;
	[sflag:s22] =	ssyncset.done $0x0  }
0xa0: {  	[sflag:s22] =	ssyncadd.s32 s3;
	_ =	sdelay $0x1  }
0xa1: {  	s23 =	simm.s32 $0x1B8B  }
0xa2: {  	_ =	swait.ge [sflag:s23], $0x1  }
0xa3: {  	[sflag:s23] =	ssyncset.done $0x0  }
0xa4: {  	s25 =	simm.s32 $0x1B8E;
	s24 =	sld [smem:$0x3FFE];
	[sflag:s23] =	ssyncadd.s32 $0xFFFFFFFF  }
0xa5: {  	s26 =	simm.s32 $execute0_lowered;
	[smem:$0x3FD2] =	sst s25  }
0xa6: {  	s4 =	sshll.u32 s26, $0x1;
	_ =	strace $0x8000004C;
	[dreg:$0x1] =	wrdreg $0xFFFFFFFF  }
0xa7: {  	s28 =	simm.s32 $_size_execute0_lowered;
	s2 =	sadd.s32 s2, s4;
	[dreg:$0x0] =	wrdreg $0x0  }
0xa8: {  	s4 =	sshll.u32 s28, $0x1;
	[dreg:$0x2] =	wrdreg s2  }
0xa9: {  	[dreg:$0x3] =	wrdreg s4  }
0xaa: {  	[dreg:$0x4] =	wrdreg $0xC0  }
0xab: {  	_ =	task [dreg:s6], $0x5FFFF  }
0xac: {  	[dreg:$0x1] =	wrdreg $0xFFFFFFFF  }
0xad: {  	[dreg:$0x0] =	wrdreg $0x60  }
0xae: {  	[dreg:$0x2] =	wrdreg s24  }
0xaf: {  	[dreg:$0x3] =	wrdreg $0x66000  }
0xb0: {  	[dreg:$0x4] =	wrdreg $0x9  }
0xb1: {  	_ =	task.clear_ibuf [dreg:s6], $0x5FFFF;
	_ =	strace $0x9000004C  }
0xb2: {  	s29 =	simm.s32 $0x9;
	_ =	strace $0x8000004E  }
0xb3: {  	_ =	swait.ge [sflag:s29], $0x1  }
0xb4: {  	[sflag:s29] =	ssyncadd.s32 $0xFFFFFFFF  }
0xb5: {  	_ =	strace $0x9000004E  }
0xb6: {  	_ =	sfence  }
0xb7: {  	s30 =	sld [smem:$0x0];
	_ =	sdelay $0x2  }
0xb8: {  	s31 =	sshll.u32 s1, $0xD;
	s1 =	sshrl.u32 s1, $0x2  }
0xb9: {  	s3 =	sand.u32 $0x4000, s31;
	s1 =	sadd.s32 s1, s30  }
0xba: {  	s0 =	sor.u32 s3, s0;
	s1 =	sshll.u32 s1, $0x11  }
0xbb: {  	s0 =	sor.u32 s1, s0  }
0xbc: {  	s0 =	sadd.s32 $0x8F2B, s0  }
0xbd: {  	[sflag:s0] =	ssyncadd.remote.s32 $0x1  }
0xbe: {  	_ =	sfence.sel $0xFFFF  }
0xbf: {  	[dreg:$0x0] =	wrdreg $0xFFFFFFFF;
	(pc) =	sbr.abs _section_cstart, $3  }
0xc0: {  	[dreg:$0x1] =	wrdreg $0xFFFFFFFF  }
0xc1: {  	_ =	task.clear_ibuf [dreg:s6], $0x2FFFF;
	_ =	strace $0x9FFFFFFF  }
0xc2: {  	(tm) =	ssettm $0x7FFFFFFF  }
0xc3: {  	_ =	shalt  }
tec
execute0_lowered:
.L_overlay_start_1:
0x0: {  	(tag) =	ssettag $0x1  }
0x1: {  	s0 =	rddreg [dreg:$0x0]  }
0x2: {  	s1 =	rddreg [dreg:$0x1];
	s3 =	simm.s32 $0x0  }
0x3: {  	s2 =	srdreg.scid;
	s9 =	stileid.u32;
	s28 =	simm.s32 $0x4  }
0x4: {  	s29 =	simm.s32 $0x580;
	s30 =	simm.s32 $0x8;
	s31 =	simm.s32 $0x0  }
0x5: {  	[smem:$0x7FF] =	sst s3;
	s2 =	sand.u32 $0x1, s2;
	s6 =	smul.u32 $0x50000, s9  }
0x6: {  	s4 =	sadd.s32 $0x1E600, s0;
	s5 =	sadd.s32 $0x3600, s0;
	s0 =	sadd.s32 $0x45800, s0  }
0x7: {  	s12 =	sshll.u32 s9, $0x1;
	s9 =	smul.u32 $0x14000, s9;
	s7 =	ssub.s32 $0x2, s2  }
0x8: {  	_ =	strace $0x8000004D;
	s8 =	sshrl.u32 s7, $0x1;
	s6 =	sshrl.u32 s6, $0x2  }
0x9: {  	s19 =	sadd.s32 $0x4000, s9;
	s11 =	sadd.s32 $0xC000, s9;
	s6 =	sadd.s32 s6, s1  }
0xa: {  	s22 =	sadd.s32 $0x8000, s9;
	s7 =	ssub.s32 s7, s8;
	s10 =	sadd.s32 $0x1800, s6  }
0xb: {  	s8 =	sor.u32 s2, s12;
	s13 =	sadd.s32 $0x3000, s6;
	[dreg:$0x3] =	wrdreg s10  }
0xc: {  	s2 =	smul.u32 $0x140000, s2;
	s14 =	sadd.s32 $0x4800, s6;
	[dreg:$0x4] =	wrdreg s13  }
0xd: {  	s20 =	sadd.s32 s11, s1;
	s15 =	sadd.s32 $0x6000, s6;
	[dreg:$0x5] =	wrdreg s14  }
0xe: {  	s16 =	sadd.s32 $0x7800, s6;
	s17 =	sadd.s32 $0x9000, s6;
	[dreg:$0x6] =	wrdreg s15  }
0xf: {  	s25 =	sadd.s32 $0xA800, s6;
	s7 =	smax.u32 s7, $0x1;
	[dreg:$0x7] =	wrdreg s16  }
0x10: {  	[dreg:$0x8] =	wrdreg s17;
	s13 =	smul.u32 $0x6C00, s8;
	s18 =	sadd.s32 s9, s2  }
0x11: {  	s12 =	sadd.s32 s2, s19;
	s9 =	sadd.s32 $0x10000, s9;
	[dreg:$0xe] =	wrdreg s25  }
0x12: {  	s23 =	sadd.s32 s2, s22;
	s15 =	sadd.s32 s2, s11;
	[dreg:$0x10] =	wrdreg s7  }
0x13: {  	s10 =	simm.s32 $0x30;
	s11 =	simm.s32 $0x200;
	s8 =	sshrl.u32 s18, $0x3  }
0x14: {  	s21 =	sshrl.u32 s12, $0x3;
	s2 =	sadd.s32 s2, s9;
	s18 =	sadd.s32 $0xD800, s6  }
0x15: {  	s12 =	sshrl.u32 s23, $0x3;
	s23 =	sadd.s32 $0x13800, s6;
	[dreg:$0x14] =	wrdreg s18  }
0x16: {  	s15 =	sshrl.u32 s15, $0x3;
	s8 =	sadd.s32 s0, s8;
	[dreg:$0x18] =	wrdreg s23  }
0x17: {  	s14 =	sshrl.u32 s13, $0x3;
	s12 =	sadd.s32 s0, s12;
	[dreg:$0x9] =	wrdreg s8  }
0x18: {  	s2 =	sshrl.u32 s2, $0x3;
	s24 =	sadd.s32 s0, s15;
	[dreg:$0xb] =	wrdreg s12  }
0x19: {  	s15 =	sadd.s32 s9, s1;
	s8 =	sadd.s32 s0, s21;
	[dreg:$0xc] =	wrdreg s24  }
0x1a: {  	s9 =	simm.s32 $0x9;
	s0 =	sadd.s32 s0, s2;
	[dreg:$0xa] =	wrdreg s8  }
0x1b: {  	s18 =	simm.s32 $0x2;
	s17 =	sshrl.u32 s15, $0x3;
	[dreg:$0xd] =	wrdreg s0  }
0x1c: {  	s12 =	sadd.s32 s19, s1;
	s19 =	sadd.s32 $0xF000, s6;
	[dreg:$0x13] =	wrdreg s17  }
0x1d: {  	s26 =	sadd.s32 s5, s14;
	s21 =	sadd.s32 $0x10800, s6;
	[dreg:$0x15] =	wrdreg s19  }
0x1e: {  	s14 =	sadd.s32 s22, s1;
	s22 =	sadd.s32 $0x12000, s6;
	[dreg:$0x16] =	wrdreg s21  }
0x1f: {  	s23 =	simm.s32 $0x480;
	s15 =	simm.s32 $0x300;
	[dreg:$0x17] =	wrdreg s22  }
0x20: {  	s0 =	sshrl.u32 s12, $0x3;
	s16 =	sshrl.u32 s14, $0x3;
	[dreg:$0xf] =	wrdreg s26  }
0x21: {  	s24 =	sadd.s32 $0x10, s26;
	s25 =	sadd.s32 $0x20, s26;
	[dreg:$0x11] =	wrdreg s0  }
0x22: {  	s26 =	sadd.s32 $0x30, s26;
	s8 =	simm.s32 $0x600;
	[dreg:$0x12] =	wrdreg s16  }
0x23: {  	s12 =	simm.s32 $0x1E00;
	s14 =	simm.s32 $0x1;
	[dreg:$0x19] =	wrdreg s24  }
0x24: {  	s17 =	simm.s32 $0x400;
	s19 =	simm.s32 $0x380;
	[dreg:$0x1a] =	wrdreg s25  }
0x25: {  	s22 =	simm.s32 $0x4E00;
	[dreg:$0x1b] =	wrdreg s26;
	s16 =	simm.s32 $0x3600  }
0x26: {  	v0 =	vimm.f32 $0.0e+00;
	s24 =	simm.s32 $0x3;
	s25 =	simm.s32 $0x5;
	s26 =	simm.s32 $0x500  }
.LBB2_1:
0x27: {  	s0 =	simm.s32 $0x0;
	s2 =	simm.s32 $0x200  }
.LBB2_2:
0x28: {  	p0 =	sne.s32 s2, $0x5E00;
	[tilespmem:s0+$0x670] =	vst v0  }
0x29: {  	[tilespmem:s0+$0x600] =	vst v0  }
0x2a: {  	[tilespmem:s0+$0x610] =	vst v0  }
.Ltmp0:
0x2b: {  	[tilespmem:s0+$0x620] =	vst v0;
	(pc) =	sbr.rel @p0 .LBB2_2-.Ltmp0, $4  }
0x2c: {  	[tilespmem:s0+$0x630] =	vst v0  }
0x2d: {  	[tilespmem:s0+$0x640] =	vst v0  }
0x2e: {  	[tilespmem:s0+$0x650] =	vst v0  }
0x2f: {  	[tilespmem:s0+$0x660] =	vst v0;
	s0 =	sshra.s32 s2, $0x2;
	s2 =	sadd.s32 $0x200, s2  }
0x30: {  	[tilespmem:s0+$0x670] =	vst v0  }
0x31: {  	[tilespmem:s0+$0x600] =	vst v0  }
0x32: {  	[tilespmem:s0+$0x610] =	vst v0  }
0x33: {  	[tilespmem:s0+$0x620] =	vst v0  }
0x34: {  	[tilespmem:s0+$0x630] =	vst v0  }
0x35: {  	[tilespmem:s0+$0x640] =	vst v0  }
0x36: {  	[tilespmem:s0+$0x650] =	vst v0  }
0x37: {  	[tilespmem:s0+$0x660] =	vst v0  }
0x38: {  	[spmem:s6] =	stream.linear.scatter [tilespmem:s8], [sflag:$0x9], $0x1800, $0x38;
	[tilespmem:$0x1A600] =	vst v63  }
0x39: {  	_ =	swait.ge [sflag:s9], $0x1800  }
0x3a: {  	[sflag:s9] =	ssyncset.done $0x0  }
0x3b: {  	s7 =	rddreg [dreg:$0x3];
	[sflag:s9] =	ssyncadd.s32 $0xFFFFE800  }
0x3c: {  	[spmem:s7] =	stream.linear.scatter [tilespmem:s8], [sflag:$0x9], $0x1800, $0x38;
	[tilespmem:$0x1A600] =	vst v63  }
0x3d: {  	_ =	swait.ge [sflag:s9], $0x1800  }
0x3e: {  	[sflag:s9] =	ssyncset.done $0x0  }
0x3f: {  	s21 =	rddreg [dreg:$0x4];
	[sflag:s9] =	ssyncadd.s32 $0xFFFFE800  }
0x40: {  	[spmem:s21] =	stream.linear.scatter [tilespmem:s8], [sflag:$0x9], $0x1800, $0x38;
	[tilespmem:$0x1A600] =	vst v63  }
0x41: {  	_ =	swait.ge [sflag:s9], $0x1800  }
0x42: {  	[sflag:s9] =	ssyncset.done $0x0  }
0x43: {  	s2 =	rddreg [dreg:$0x5];
	[sflag:s9] =	ssyncadd.s32 $0xFFFFE800  }
0x44: {  	[spmem:s2] =	stream.linear.scatter [tilespmem:s8], [sflag:$0x9], $0x1800, $0x38;
	[tilespmem:$0x1A600] =	vst v63  }
0x45: {  	_ =	swait.ge [sflag:s9], $0x1800  }
0x46: {  	[sflag:s9] =	ssyncset.done $0x0  }
0x47: {  	s7 =	rddreg [dreg:$0x6];
	[sflag:s9] =	ssyncadd.s32 $0xFFFFE800  }
0x48: {  	[spmem:s7] =	stream.linear.scatter [tilespmem:s8], [sflag:$0x9], $0x1800, $0x38;
	[tilespmem:$0x1A600] =	vst v63  }
0x49: {  	_ =	swait.ge [sflag:s9], $0x1800  }
0x4a: {  	[sflag:s9] =	ssyncset.done $0x0  }
0x4b: {  	s21 =	rddreg [dreg:$0x7];
	[sflag:s9] =	ssyncadd.s32 $0xFFFFE800  }
0x4c: {  	[spmem:s21] =	stream.linear.scatter [tilespmem:s8], [sflag:$0x9], $0x1800, $0x38;
	[tilespmem:$0x1A600] =	vst v63  }
0x4d: {  	_ =	swait.ge [sflag:s9], $0x1800  }
0x4e: {  	[sflag:s9] =	ssyncset.done $0x0  }
0x4f: {  	s2 =	rddreg [dreg:$0x8];
	[sflag:s9] =	ssyncadd.s32 $0xFFFFE800  }
0x50: {  	[spmem:s2] =	stream.linear.scatter [tilespmem:s8], [sflag:$0x9], $0x1800, $0x38;
	[tilespmem:$0x1A600] =	vst v63  }
0x51: {  	_ =	swait.ge [sflag:s9], $0x1800  }
0x52: {  	[sflag:s9] =	ssyncset.done $0x0  }
0x53: {  	s7 =	rddreg [dreg:$0xe];
	[sflag:s9] =	ssyncadd.s32 $0xFFFFE800  }
0x54: {  	[spmem:s7] =	stream.linear.scatter [tilespmem:s8], [sflag:$0x9], $0x1800, $0x38;
	[tilespmem:$0x1A600] =	vst v63  }
0x55: {  	_ =	swait.ge [sflag:s9], $0x1800  }
0x56: {  	[sflag:s9] =	ssyncset.done $0x0  }
0x57: {  	[sflag:s9] =	ssyncadd.s32 $0xFFFFE800  }
0x58: {  	[spmem:s20] =	stream.linear.scatter [tilespmem:s8], [sflag:$0x9], $0x1800, $0x38;
	[tilespmem:$0x1A600] =	vst v63  }
0x59: {  	_ =	swait.ge [sflag:s9], $0x1800  }
0x5a: {  	[sflag:s9] =	ssyncset.done $0x0  }
0x5b: {  	s21 =	rddreg [dreg:$0x14];
	[sflag:s9] =	ssyncadd.s32 $0xFFFFE800  }
0x5c: {  	[spmem:s21] =	stream.linear.scatter [tilespmem:s8], [sflag:$0x9], $0x1800, $0x38;
	[tilespmem:$0x1A600] =	vst v63  }
0x5d: {  	_ =	swait.ge [sflag:s9], $0x1800  }
0x5e: {  	[sflag:s9] =	ssyncset.done $0x0  }
0x5f: {  	s2 =	rddreg [dreg:$0x15];
	[sflag:s9] =	ssyncadd.s32 $0xFFFFE800  }
0x60: {  	[spmem:s2] =	stream.linear.scatter [tilespmem:s8], [sflag:$0x9], $0x1800, $0x38;
	[tilespmem:$0x1A600] =	vst v63  }
0x61: {  	_ =	swait.ge [sflag:s9], $0x1800  }
0x62: {  	[sflag:s9] =	ssyncset.done $0x0  }
0x63: {  	s7 =	rddreg [dreg:$0x16];
	[sflag:s9] =	ssyncadd.s32 $0xFFFFE800  }
0x64: {  	[spmem:s7] =	stream.linear.scatter [tilespmem:s8], [sflag:$0x9], $0x1800, $0x38;
	[tilespmem:$0x1A600] =	vst v63  }
0x65: {  	_ =	swait.ge [sflag:s9], $0x1800  }
0x66: {  	[sflag:s9] =	ssyncset.done $0x0  }
0x67: {  	s21 =	rddreg [dreg:$0x17];
	[sflag:s9] =	ssyncadd.s32 $0xFFFFE800  }
0x68: {  	[spmem:s21] =	stream.linear.scatter [tilespmem:s8], [sflag:$0x9], $0x1800, $0x38;
	[tilespmem:$0x1A600] =	vst v63  }
0x69: {  	_ =	swait.ge [sflag:s9], $0x1800  }
0x6a: {  	[sflag:s9] =	ssyncset.done $0x0  }
0x6b: {  	s2 =	rddreg [dreg:$0x18];
	[sflag:s9] =	ssyncadd.s32 $0xFFFFE800  }
0x6c: {  	[spmem:s2] =	stream.linear.scatter [tilespmem:s8], [sflag:$0x9], $0x800, $0x38;
	[tilespmem:$0x1A600] =	vst v63  }
0x6d: {  	_ =	swait.ge [sflag:s9], $0x800  }
0x6e: {  	[sflag:s9] =	ssyncset.done $0x0  }
0x6f: {  	s7 =	rddreg [dreg:$0xf];
	[sflag:s9] =	ssyncadd.s32 $0xFFFFF800  }
0x70: {  	[tilespmem:s3], [sflag:$0x9] =	stream.linear.gather [hbm4b:s7+s3], $0x80, $0x38;
	[tilespmem:$0x1A600] =	vst v63  }
0x71: {  	_ =	swait.ge [sflag:s9], $0x80  }
0x72: {  	[sflag:s9] =	ssyncset.done $0x0  }
0x73: {  	s2 =	simm.s32 $0x80;
	s21 =	rddreg [dreg:$0x19];
	[sflag:s9] =	ssyncadd.s32 $0xFFFFFF80  }
0x74: {  	[tilespmem:s2], [sflag:$0x9] =	stream.linear.gather [hbm4b:s21+s3], $0x80, $0x38;
	[tilespmem:$0x1A600] =	vst v63  }
0x75: {  	_ =	swait.ge [sflag:s9], $0x80  }
0x76: {  	[sflag:s9] =	ssyncset.done $0x0  }
0x77: {  	s21 =	simm.s32 $0x100;
	s7 =	rddreg [dreg:$0x1a];
	[sflag:s9] =	ssyncadd.s32 $0xFFFFFF80  }
0x78: {  	[tilespmem:s21], [sflag:$0x9] =	stream.linear.gather [hbm4b:s7+s3], $0x80, $0x38;
	[tilespmem:$0x1A600] =	vst v63  }
0x79: {  	_ =	swait.ge [sflag:s9], $0x80  }
0x7a: {  	[sflag:s9] =	ssyncset.done $0x0  }
0x7b: {  	s7 =	simm.s32 $0x180;
	s2 =	rddreg [dreg:$0x1b];
	[sflag:s9] =	ssyncadd.s32 $0xFFFFFF80  }
0x7c: {  	[tilespmem:s7], [sflag:$0x9] =	stream.linear.gather [hbm4b:s2+s3], $0x80, $0x38;
	[tilespmem:$0x1A600] =	vst v63  }
0x7d: {  	_ =	swait.ge [sflag:s9], $0x80  }
0x7e: {  	[sflag:s9] =	ssyncset.done $0x0  }
0x7f: {  	[sflag:s9] =	ssyncadd.s32 $0xFFFFFF80  }
0x80: {  	v1 =	vld [tilespmem:$0x0];
	_ =	sdelay $0x1  }
0x81: {  	v2 =	vld [tilespmem:$0x10];
	_ =	sdelay $0x1  }
0x82: {  	v3 =	vld [tilespmem:$0x20]  }
0x83: {  	v4 =	vand.u32 $0x3FFF, v1;
	v1 =	vshrl.u32 v1, $0xE  }
0x84: {  	[tilespmem:$0x200] =	vst v4;
	v1 =	vand.u32 $0x3FFF, v1  }
0x85: {  	[tilespmem:$0x400] =	vst v1;
	v1 =	vand.u32 $0x3FFF, v2;
	v2 =	vshrl.u32 v2, $0xE  }
0x86: {  	[tilespmem:$0x210] =	vst v1;
	v1 =	vand.u32 $0x3FFF, v2  }
0x87: {  	v2 =	vshrl.u32 v3, $0xE;
	[tilespmem:$0x410] =	vst v1;
	v1 =	vand.u32 $0x3FFF, v3  }
0x88: {  	[tilespmem:$0x220] =	vst v1;
	v1 =	vand.u32 $0x3FFF, v2  }
0x89: {  	[tilespmem:$0x420] =	vst v1  }
0x8a: {  	[tilespmem:s8], [sflag:$0x1] =	stream.indirect.gather [hbm4b:s4+s10], $0x80, s11, s10, $0xb8;
	[tilespmem:$0x1A600] =	vst v63  }
0x8b: {  	v1 =	vld [tilespmem:$0x80];
	_ =	sdelay $0x1  }
0x8c: {  	v2 =	vld [tilespmem:$0x90];
	_ =	sdelay $0x1  }
0x8d: {  	v3 =	vld [tilespmem:$0xA0]  }
0x8e: {  	v63 =	vand.u32 $0x3FFF, v1;
	v1 =	vshrl.u32 v1, $0xE  }
0x8f: {  	[tilespmem:$0x280] =	vst v63;
	v1 =	vand.u32 $0x3FFF, v1  }
0x90: {  	[tilespmem:$0x480] =	vst v1;
	v1 =	vand.u32 $0x3FFF, v2;
	v2 =	vshrl.u32 v2, $0xE  }
0x91: {  	[tilespmem:$0x290] =	vst v1;
	v1 =	vand.u32 $0x3FFF, v2  }
0x92: {  	v2 =	vshrl.u32 v3, $0xE;
	[tilespmem:$0x490] =	vst v1;
	v1 =	vand.u32 $0x3FFF, v3  }
0x93: {  	[tilespmem:$0x2A0] =	vst v1;
	v1 =	vand.u32 $0x3FFF, v2  }
0x94: {  	s21 =	simm.s32 $0x280;
	[tilespmem:$0x4A0] =	vst v1  }
0x95: {  	[tilespmem:s12], [sflag:$0x2] =	stream.indirect.gather [hbm4b:s4+s10], $0x80, s21, s10, $0xb8;
	[tilespmem:$0x1A600] =	vst v63  }
0x96: {  	s0 =	simm.s32 $0x380;
	[bflag:$0x0] =	sbarrier.arrive $0xFFFF  }
.LBB2_4:
0x97: {  	s2 =	sadd.s32 $0xFFFFFE80, s0  }
0x98: {  	s7 =	sand.u32 $0xFC00, s2  }
0x99: {  	s2 =	sand.u32 $0x200, s2;
	s7 =	sadd.s32 s13, s7  }
0x9a: {  	_ =	swait.ge [sflag:s14], $0x1800;
	s2 =	sor.u32 s2, s7  }
0x9b: {  	[sflag:s14] =	ssyncset.done $0x0;
	s2 =	sshrl.u32 s2, $0x3  }
0x9c: {  	p0 =	seq.s32 s0, $0x380;
	[sflag:s14] =	ssyncadd.s32 $0xFFFFE800;
	s2 =	sadd.s32 s5, s2  }
0x9d: {  	[tilespmem:s3], [sflag:$0x5] =	stream.linear.gather [hbm4b:s2+s3], $0x80, $0x38;
	[tilespmem:$0x1A600] =	vst v63  }
0x9e: {  	s2 =	simm.s32 @!p0 $0x7  }
0x9f: {  	_ =	swait.ge @!p0 [sflag:s2], $0x80  }
0xa0: {  	[sflag:s2] =	ssyncset.done @!p0 $0x0  }
0xa1: {  	[sflag:s2] =	ssyncadd.s32 @!p0 $0xFFFFFF80  }
0xa2: {  	v1 =	vld [tilespmem:$0x100];
	_ =	sdelay $0x1  }
0xa3: {  	v2 =	vld [tilespmem:$0x110];
	_ =	sdelay $0x1  }
0xa4: {  	v3 =	vld [tilespmem:$0x120]  }
0xa5: {  	v4 =	vand.u32 $0x3FFF, v1;
	v1 =	vshrl.u32 v1, $0xE  }
0xa6: {  	[tilespmem:$0x300] =	vst v4;
	v1 =	vand.u32 $0x3FFF, v1  }
0xa7: {  	[tilespmem:$0x500] =	vst v1;
	v1 =	vand.u32 $0x3FFF, v2;
	v2 =	vshrl.u32 v2, $0xE  }
0xa8: {  	[tilespmem:$0x310] =	vst v1;
	v1 =	vand.u32 $0x3FFF, v2  }
0xa9: {  	v2 =	vshrl.u32 v3, $0xE;
	[tilespmem:$0x510] =	vst v1;
	v1 =	vand.u32 $0x3FFF, v3  }
0xaa: {  	[tilespmem:$0x320] =	vst v1;
	v1 =	vand.u32 $0x3FFF, v2  }
0xab: {  	[tilespmem:$0x520] =	vst v1  }
0xac: {  	[tilespmem:s16], [sflag:$0x3] =	stream.indirect.gather [hbm4b:s4+s10], $0x80, s15, s10, $0xb8;
	[tilespmem:$0x1A600] =	vst v63  }
0xad: {  	p0 =	seq.s32 s0, $0x6980  }
0xae: {  	[spmem:s1] =	stream.indirect.scatter.add.f32 [tilespmem:s8], [sflag:$0x9], $0x80, s17, s10, $0xb8;
	[tilespmem:$0x1A600] =	vst v63  }
0xaf: {  	s2 =	sadd.s32 @!p0 $0xFFFFFF00, s0;
	_ =	swait.ge [sflag:s9], $0x1800  }
0xb0: {  	p1 =	seq.s32 @!p0 s0, $0x380;
	s7 =	sand.u32 @!p0 $0xFC00, s2;
	[sflag:s9] =	ssyncset.done $0x0  }
0xb1: {  	s2 =	sand.u32 @!p0 $0x280, s2;
	s7 =	sadd.s32 @!p0 s13, s7;
	[sflag:s9] =	ssyncadd.s32 $0xFFFFE800  }
0xb2: {  	s21 =	simm.s32 @!p0 $0x80;
	s2 =	sor.u32 @!p0 s2, s7;
	_ =	swait.ge [sflag:s18], $0x1800  }
0xb3: {  	p1 =	por p0, !p1;
	s2 =	sshrl.u32 @!p0 s2, $0x3;
	[sflag:s18] =	ssyncset.done $0x0  }
0xb4: {  	s7 =	sadd.s32 @!p0 s5, s2;
	s2 =	simm.s32 @!p0 $0x0;
	[sflag:s18] =	ssyncadd.s32 $0xFFFFE800  }
0xb5: {  	[tilespmem:s21], [sflag:$0x6] =	stream.linear.gather @!p0 [hbm4b:s7+s2], $0x80, $0x38;
	[tilespmem:$0x1A600] =	vst v63  }
0xb6: {  	_ =	swait.ge @p1 [sflag:s30], $0x80  }
0xb7: {  	[sflag:s30] =	ssyncset.done @p1 $0x0  }
0xb8: {  	[sflag:s30] =	ssyncadd.s32 @p1 $0xFFFFFF80  }
0xb9: {  	v1 =	vld [tilespmem:$0x180];
	_ =	sdelay $0x1  }
0xba: {  	v2 =	vld [tilespmem:$0x190];
	_ =	sdelay $0x1  }
0xbb: {  	v3 =	vld [tilespmem:$0x1A0]  }
0xbc: {  	v62 =	vand.u32 $0x3FFF, v1;
	v1 =	vshrl.u32 v1, $0xE  }
0xbd: {  	[tilespmem:$0x380] =	vst v62;
	v1 =	vand.u32 $0x3FFF, v1  }
0xbe: {  	[tilespmem:$0x580] =	vst v1;
	v1 =	vand.u32 $0x3FFF, v2;
	v2 =	vshrl.u32 v2, $0xE  }
0xbf: {  	[tilespmem:$0x390] =	vst v1;
	v1 =	vand.u32 $0x3FFF, v2  }
0xc0: {  	v2 =	vshrl.u32 v3, $0xE;
	[tilespmem:$0x590] =	vst v1;
	v1 =	vand.u32 $0x3FFF, v3  }
0xc1: {  	[tilespmem:$0x3A0] =	vst v1;
	v1 =	vand.u32 $0x3FFF, v2  }
0xc2: {  	[tilespmem:$0x5A0] =	vst v1  }
0xc3: {  	[tilespmem:s22], [sflag:$0x4] =	stream.indirect.gather [hbm4b:s4+s10], $0x80, s19, s10, $0xb8;
	[tilespmem:$0x1A600] =	vst v63  }
0xc4: {  	_ = 	snop  }
0xc5: {  	[spmem:s1] =	stream.indirect.scatter.add.f32 [tilespmem:s12], [sflag:$0x9], $0x80, s23, s10, $0xb8;
	[tilespmem:$0x1A600] =	vst v63  }
0xc6: {  	s7 =	sadd.s32 @!p0 $0xFFFFFF80, s0;
	_ =	swait.ge [sflag:s9], $0x1800  }
0xc7: {  	s21 =	sand.u32 @!p0 $0xFC00, s7;
	[sflag:s9] =	ssyncset.done $0x0  }
0xc8: {  	s7 =	sand.u32 @!p0 $0x300, s7;
	s21 =	sadd.s32 @!p0 s13, s21;
	[sflag:s9] =	ssyncadd.s32 $0xFFFFE800  }
0xc9: {  	s7 =	sor.u32 @!p0 s7, s21;
	_ =	swait.ge [sflag:s24], $0x1800  }
0xca: {  	s7 =	sshrl.u32 @!p0 s7, $0x3;
	[sflag:s24] =	ssyncset.done $0x0  }
0xcb: {  	s21 =	simm.s32 @!p0 $0x100;
	s7 =	sadd.s32 @!p0 s5, s7;
	[sflag:s24] =	ssyncadd.s32 $0xFFFFE800  }
0xcc: {  	[tilespmem:s21], [sflag:$0x7] =	stream.linear.gather @!p0 [hbm4b:s7+s2], $0x80, $0x38;
	[tilespmem:$0x1A600] =	vst v63  }
0xcd: {  	_ =	swait.ge [sflag:s25], $0x80  }
0xce: {  	[sflag:s25] =	ssyncset.done $0x0  }
0xcf: {  	[sflag:s25] =	ssyncadd.s32 $0xFFFFFF80  }
0xd0: {  	v1 =	vld [tilespmem:$0x0];
	_ =	sdelay $0x1  }
0xd1: {  	v2 =	vld [tilespmem:$0x10];
	_ =	sdelay $0x1  }
0xd2: {  	v3 =	vld [tilespmem:$0x20]  }
0xd3: {  	v63 =	vand.u32 $0x3FFF, v1;
	v1 =	vshrl.u32 v1, $0xE  }
0xd4: {  	[tilespmem:$0x200] =	vst v63;
	v1 =	vand.u32 $0x3FFF, v1  }
0xd5: {  	[tilespmem:$0x400] =	vst v1;
	v1 =	vand.u32 $0x3FFF, v2;
	v2 =	vshrl.u32 v2, $0xE  }
0xd6: {  	[tilespmem:$0x210] =	vst v1;
	v1 =	vand.u32 $0x3FFF, v2  }
0xd7: {  	v2 =	vshrl.u32 v3, $0xE;
	[tilespmem:$0x410] =	vst v1;
	v1 =	vand.u32 $0x3FFF, v3  }
0xd8: {  	[tilespmem:$0x220] =	vst v1;
	v1 =	vand.u32 $0x3FFF, v2  }
0xd9: {  	[tilespmem:$0x420] =	vst v1  }
0xda: {  	[tilespmem:s8], [sflag:$0x1] =	stream.indirect.gather [hbm4b:s4+s10], $0x80, s11, s10, $0xb8;
	[tilespmem:$0x1A600] =	vst v63  }
0xdb: {  	_ = 	snop  }
0xdc: {  	[spmem:s1] =	stream.indirect.scatter.add.f32 [tilespmem:s16], [sflag:$0x9], $0x80, s26, s10, $0xb8;
	[tilespmem:$0x1A600] =	vst v63  }
0xdd: {  	_ =	swait.ge [sflag:s9], $0x1800  }
0xde: {  	s7 =	sand.u32 @!p0 $0xFC00, s0;
	[sflag:s9] =	ssyncset.done $0x0  }
0xdf: {  	s21 =	sand.u32 @!p0 $0x380, s0;
	s7 =	sadd.s32 @!p0 s13, s7;
	[sflag:s9] =	ssyncadd.s32 $0xFFFFE800  }
0xe0: {  	s7 =	sor.u32 @!p0 s21, s7;
	_ =	swait.ge [sflag:s28], $0x1800  }
0xe1: {  	s7 =	sshrl.u32 @!p0 s7, $0x3;
	[sflag:s28] =	ssyncset.done $0x0  }
0xe2: {  	s21 =	simm.s32 @!p0 $0x180;
	s7 =	sadd.s32 @!p0 s5, s7;
	[sflag:s28] =	ssyncadd.s32 $0xFFFFE800  }
0xe3: {  	[tilespmem:s21], [sflag:$0x8] =	stream.linear.gather @!p0 [hbm4b:s7+s2], $0x80, $0x38;
	[tilespmem:$0x1A600] =	vst v63  }
0xe4: {  	s2 =	simm.s32 @!p0 $0x6  }
0xe5: {  	_ =	swait.ge @!p0 [sflag:s2], $0x80  }
0xe6: {  	[sflag:s2] =	ssyncset.done @!p0 $0x0  }
0xe7: {  	[sflag:s2] =	ssyncadd.s32 @!p0 $0xFFFFFF80  }
0xe8: {  	v1 =	vld @!p0 [tilespmem:$0x80];
	_ =	sdelay $0x1  }
0xe9: {  	v2 =	vld @!p0 [tilespmem:$0x90];
	_ =	sdelay $0x1  }
0xea: {  	v3 =	vld @!p0 [tilespmem:$0xA0]  }
0xeb: {  	v4 =	vand.u32 @!p0 $0x3FFF, v1;
	v1 =	vshrl.u32 @!p0 v1, $0xE  }
0xec: {  	[tilespmem:$0x280] =	vst @!p0 v4;
	v1 =	vand.u32 @!p0 $0x3FFF, v1  }
0xed: {  	[tilespmem:$0x480] =	vst @!p0 v1;
	v1 =	vand.u32 @!p0 $0x3FFF, v2;
	v2 =	vshrl.u32 @!p0 v2, $0xE  }
0xee: {  	[tilespmem:$0x290] =	vst @!p0 v1;
	v1 =	vand.u32 @!p0 $0x3FFF, v2  }
0xef: {  	v2 =	vshrl.u32 @!p0 v3, $0xE;
	[tilespmem:$0x490] =	vst @!p0 v1;
	v1 =	vand.u32 @!p0 $0x3FFF, v3  }
0xf0: {  	s0 =	sadd.s32 $0x200, s0;
	[tilespmem:$0x2A0] =	vst @!p0 v1;
	v1 =	vand.u32 @!p0 $0x3FFF, v2  }
0xf1: {  	s7 =	simm.s32 @!p0 $0x280;
	s21 =	simm.s32 @!p0 $0x1E00;
	s2 =	simm.s32 @!p0 $0x30;
	[tilespmem:$0x4A0] =	vst @!p0 v1  }
0xf2: {  	[tilespmem:s21], [sflag:$0x2] =	stream.indirect.gather @!p0 [hbm4b:s4+s2], $0x80, s7, s2, $0xb8;
	[tilespmem:$0x1A600] =	vst v63  }
0xf3: {  	p0 =	sne.s32 s0, $0x6B80  }
.Ltmp1:
0xf4: {  	_ = 	snop;
	(pc) =	sbr.rel @p0 .LBB2_4-.Ltmp1, $4  }
0xf5: {  	[spmem:s1] =	stream.indirect.scatter.add.f32 [tilespmem:s22], [sflag:$0x9], $0x80, s29, s10, $0xb8;
	[tilespmem:$0x1A600] =	vst v63  }
0xf6: {  	_ =	swait.ge [sflag:s9], $0x1800  }
0xf7: {  	[sflag:s9] =	ssyncset.done $0x0  }
0xf8: {  	[sflag:s9] =	ssyncadd.s32 $0xFFFFE800  }
0xf9: {  	_ =	swait.ge [sflag:s14], $0x1800  }
0xfa: {  	[sflag:s14] =	ssyncset.done $0x0  }
0xfb: {  	[sflag:s14] =	ssyncadd.s32 $0xFFFFE800  }
0xfc: {  	[spmem:s1] =	stream.indirect.scatter.add.f32 [tilespmem:s8], [sflag:$0x9], $0x80, s17, s10, $0xb8;
	[tilespmem:$0x1A600] =	vst v63  }
0xfd: {  	_ =	swait.ge [sflag:s9], $0x1800  }
0xfe: {  	[sflag:s9] =	ssyncset.done $0x0  }
0xff: {  	s0 =	stileid.u32;
	[sflag:s9] =	ssyncadd.s32 $0xFFFFE800  }
0x100: {  	s0 =	sshll.u32 s0, $0x6;
	[bflag:$0x0] =	sbarrier.arrive $0xFFFF  }
0x101: {  	s2 =	sshrl.u32 s6, $0x3;
	s0 =	sor.u32 $0x1C09, s0;
	s7 =	rddreg [dreg:$0x9]  }
0x102: {  	[hbm:s7], [sflag:s0] =	dma.local [spmem:s2], $0x800  }
0x103: {  	_ =	swait.ge [sflag:s9], $0x800  }
0x104: {  	[sflag:s9] =	ssyncset.done $0x0;
	s7 =	rddreg [dreg:$0xa]  }
0x105: {  	s21 =	rddreg [dreg:$0x11];
	[sflag:s9] =	ssyncadd.s32 $0xFFFFF800  }
0x106: {  	[hbm:s7], [sflag:s0] =	dma.local [spmem:s21], $0x800  }
0x107: {  	_ =	swait.ge [sflag:s9], $0x800  }
0x108: {  	[sflag:s9] =	ssyncset.done $0x0;
	s7 =	rddreg [dreg:$0xb]  }
0x109: {  	s21 =	rddreg [dreg:$0x12];
	[sflag:s9] =	ssyncadd.s32 $0xFFFFF800  }
0x10a: {  	[hbm:s7], [sflag:s0] =	dma.local [spmem:s21], $0x800  }
0x10b: {  	_ =	swait.ge [sflag:s9], $0x800  }
0x10c: {  	[sflag:s9] =	ssyncset.done $0x0  }
0x10d: {  	s7 =	sshrl.u32 s20, $0x3;
	s21 =	rddreg [dreg:$0xc];
	[sflag:s9] =	ssyncadd.s32 $0xFFFFF800  }
0x10e: {  	[hbm:s21], [sflag:s0] =	dma.local [spmem:s7], $0x800  }
0x10f: {  	_ =	swait.ge [sflag:s9], $0x800  }
0x110: {  	[sflag:s9] =	ssyncset.done $0x0;
	s7 =	rddreg [dreg:$0xd]  }
0x111: {  	s21 =	rddreg [dreg:$0x13];
	[sflag:s9] =	ssyncadd.s32 $0xFFFFF800  }
0x112: {  	[hbm:s7], [sflag:s0] =	dma.local [spmem:s21], $0x800  }
0x113: {  	_ =	swait.ge [sflag:s9], $0x800  }
0x114: {  	s31 =	sadd.s32 $0x1, s31;
	s21 =	rddreg [dreg:$0x10]  }
0x115: {  	p0 =	sne.s32 s31, s21  }
.Ltmp2:
0x116: {  	_ = 	snop;
	(pc) =	sbr.rel @p0 .LBB2_1-.Ltmp2, $3  }
0x117: {  	_ =	sdelay $0x1  }
0x118: {  	[sflag:s9] =	ssyncset.done $0x0  }
0x119: {  	[sflag:s9] =	ssyncadd.s32 $0xFFFFF800  }
0x11a: {  	_ =	sfence.sel $0x180000  }
0x11b: {  	[bflag:$0x0] =	sbarrier.arrive $0xFFFF  }
0x11c: {  	_ =	strace $0x9000004D  }
0x11d: {  	s0 =	stileid.u32;
	[bflag:$0x2] =	sbarrier.arrive $0xFFFF  }
0x11e: {  	p0 =	sne.s32 s0, $0x0;
	s0 =	rddreg [dreg:$0x2]  }
0x11f: {  	s0 =	sadd.s32 @!p0 $0x100000, s0  }
0x120: {  	[sflag:s0] =	ssyncadd.tile.s32 @!p0 $0x1;
	_ =	shalt  }
.Lfunc_end2:
_tile_overlayer_lowered:
.L_overlay_start_2:
0x121: {  	(tag) =	ssettag $0x2  }
0x122: {  	s0 =	rddreg [dreg:$0x0];
	s2 =	stileid.u32  }
0x123: {  	s1 =	rddreg [dreg:$0x1];
	p0 =	sne.s32 s2, $0x0  }
0x124: {  	s3 =	rddreg [dreg:$0x2];
	[bflag:$0x3] =	sbarrier.arrive $0xFFFF;
	s2 =	simm.s32 @!p0 $0x1C09  }
0x125: {  	[timem:s3], [sflag:s2] =	dma.local @!p0 [hbm:s0], s1  }
0x126: {  	s0 =	simm.s32 @!p0 $0x9  }
0x127: {  	_ =	swait.ge @!p0 [sflag:s0], s1  }
0x128: {  	s1 =	ssub.s32 @!p0 $0x0, s1;
	[sflag:s0] =	ssyncset.done @!p0 $0x0  }
0x129: {  	[sflag:s0] =	ssyncadd.s32 @!p0 s1  }
0x12a: {  	[bflag:$0x3] =	sbarrier.arrive $0xFFFF  }
0x12b: {  	_ =	shalt  }

// kernel: kernel.9.cloned.1.call-start
scs
__scs_entry_jumppad:
0x0: {  	(pc) =	sbr.rel $0x88, $3  }
0x1: {  	(tag) =	ssettag $0x0;
	lr =	simm.s32 $0x1  }
0x2: {  	[smem:$0x3F93] =	sst lr;
	_ =	strace $0xD0000000  }
0x3: {  	_ = 	snop  }
0x4: {  	_ = 	snop  }
0x5: {  	_ = 	snop  }
0x6: {  	_ = 	snop  }
0x7: {  	_ = 	snop  }
__scs_overlays_trampoline_lowered:
0x8: {  	[smem:$0x3FA2] =	sst s0  }
0x9: {  	[smem:$0x3FA3] =	sst s1  }
0xa: {  	[smem:$0x3FA4] =	sst s2  }
0xb: {  	[smem:$0x3FA5] =	sst s3  }
0xc: {  	[smem:$0x3FA6] =	sst s4  }
0xd: {  	[smem:$0x3FA7] =	sst s5  }
0xe: {  	[smem:$0x3FA8] =	sst s6  }
0xf: {  	[smem:$0x3FA9] =	sst s7  }
0x10: {  	[smem:$0x3FAA] =	sst s8  }
0x11: {  	[smem:$0x3FAB] =	sst s9;
	s0 =	simm.s32 @!p0 $0x0  }
0x12: {  	s1 =	sld [smem:$0x3F91];
	s0 =	simm.s32 @p0 $0x1  }
0x13: {  	[smem:$0x3FAC] =	sst s0;
	s0 =	simm.s32 @!p1 $0x0  }
0x14: {  	s2 =	sld [smem:$0x3F90];
	s0 =	simm.s32 @p1 $0x1  }
0x15: {  	[smem:$0x3FAD] =	sst s0;
	s0 =	simm.s32 @!p2 $0x0  }
0x16: {  	s3 =	sld [smem:$0x3FDB];
	s0 =	simm.s32 @p2 $0x1  }
0x17: {  	s4 =	simm.s32 $0x1BF5;
	[smem:$0x3FAF] =	sst s0  }
0x18: {  	s0 =	sld [smem:$0x3F92];
	_ =	swait.ge [sflag:s4], $0x0  }
0x19: {  	s7 =	sld [smem:$0x3F93]  }
0x1a: {  	s8 =	sadd.s32 $0xFFFFE003, lr  }
0x1b: {  	s9 =	sadd.s32 $0xFFFFFEF7, lr;
	s5 =	simm.s32 $0xFFFFFFFF;
	p2 =	slt.u32 s8, $0xFFFFF086  }
0x1c: {  	p1 =	slt.u32 s9, $0xF7A;
	s5 =	simm.s32 @!p2 $0x0  }
0x1d: {  	s5 =	simm.s32 @p1 $0x1;
	p0 =	seq.s32 s7, s2  }
0x1e: {  	s7 =	smul.u32 @!p0 $0xF7A, s2;
	p2 =	seq.s32 @!p0 s5, $0x0  }
0x1f: {  	s9 =	smul.u32 $0xF7A, s1;
	s8 =	simm.s32 @!p0 $0x1BF5;
	p2 =	por !p2, p0  }
0x20: {  	[sflag:s8] =	ssyncset.s32 @!p0 $0xFFFFF086;
	s6 =	sadd.s32 @!p0 s3, s7;
	s7 =	simm.s32 @!p0 $0x108  }
0x21: {  	s3 =	sadd.s32 s3, s9;
	s6 =	sadd.s32 @!p0 $0x88, s6;
	s7 =	simm.s32 @p2 $0x1082  }
0x22: {  	[simem:s7], [sflag:s8] =	dma.local @!p0 [hbm:s6], $0xF7A  }
0x23: {  	s9 =	sor.u32 $0xD0000000, s2;
	s6 =	simm.s32 $0x108;
	_ =	swait.ge @!p0 [sflag:s8], $0x0  }
0x24: {  	s3 =	sadd.s32 $0x88, s3;
	s6 =	simm.s32 @!p1 $0x1082;
	[sflag:s4] =	ssyncset.s32 $0xFFFFF086  }
0x25: {  	[simem:s6], [sflag:s4] =	dma.local [hbm:s3], $0xF7A  }
0x26: {  	[smem:$0x3F93] =	sst s1;
	(tag) =	ssettag s2;
	_ =	strace s9  }
0x27: {  	s1 =	sld [smem:$0x3FA3]  }
0x28: {  	s2 =	sld [smem:$0x3FA4]  }
0x29: {  	s4 =	sld [smem:$0x3FA6]  }
0x2a: {  	p0 =	seq.s32 s5, $0x0;
	s5 =	sld [smem:$0x3FA7]  }
0x2b: {  	s6 =	sld [smem:$0x3FA8]  }
0x2c: {  	s7 =	sld [smem:$0x3FA9]  }
0x2d: {  	s3 =	simm.s32 $0x108;
	s8 =	sld [smem:$0x3FAA]  }
0x2e: {  	s3 =	simm.s32 @!p0 $0x1082;
	s9 =	sld [smem:$0x3FAB]  }
0x2f: {  	lr =	sadd.s32 s0, s3;
	s0 =	sld [smem:$0x3FA2]  }
0x30: {  	s3 =	sld [smem:$0x3FA5]  }
0x31: {  	[smem:$0x3FAE] =	sst s10  }
0x32: {  	s10 =	sld [smem:$0x3FAC];
	_ =	sdelay $0x3  }
0x33: {  	p0 =	seq.s32 s10, $0x1;
	s10 =	sld [smem:$0x3FAE];
	_ =	sdelay $0x3  }
0x34: {  	[smem:$0x3FAE] =	sst s10  }
0x35: {  	s10 =	sld [smem:$0x3FAD];
	_ =	sdelay $0x3  }
0x36: {  	p1 =	seq.s32 s10, $0x1;
	s10 =	sld [smem:$0x3FAE];
	_ =	sdelay $0x3  }
0x37: {  	[smem:$0x3FAE] =	sst s10  }
0x38: {  	s10 =	sld [smem:$0x3FAF]  }
0x39: {  	_ = 	snop;
	(pc) =	sbr.ind lr, $3  }
0x3a: {  	_ = 	snop  }
0x3b: {  	_ = 	snop  }
0x3c: {  	p2 =	seq.s32 s10, $0x1;
	s10 =	sld [smem:$0x3FAE]  }
0x3d: {  	_ =	shalt  }
0x3e: {  	_ =	shalt  }
0x3f: {  	_ =	shalt  }
0x40: {  	_ =	shalt  }
0x41: {  	_ =	shalt  }
0x42: {  	_ =	shalt  }
0x43: {  	_ =	shalt  }
0x44: {  	_ =	shalt  }
0x45: {  	_ =	shalt  }
0x46: {  	_ =	shalt  }
0x47: {  	_ =	shalt  }
0x48: {  	_ =	shalt  }
0x49: {  	_ =	shalt  }
0x4a: {  	_ =	shalt  }
0x4b: {  	_ =	shalt  }
0x4c: {  	_ =	shalt  }
0x4d: {  	_ =	shalt  }
0x4e: {  	_ =	shalt  }
0x4f: {  	_ =	shalt  }
0x50: {  	_ =	shalt  }
0x51: {  	_ =	shalt  }
0x52: {  	_ =	shalt  }
0x53: {  	_ =	shalt  }
0x54: {  	_ =	shalt  }
0x55: {  	_ =	shalt  }
0x56: {  	_ =	shalt  }
0x57: {  	_ =	shalt  }
0x58: {  	_ =	shalt  }
0x59: {  	_ =	shalt  }
0x5a: {  	_ =	shalt  }
0x5b: {  	_ =	shalt  }
0x5c: {  	_ =	shalt  }
0x5d: {  	_ =	shalt  }
0x5e: {  	_ =	shalt  }
0x5f: {  	_ =	shalt  }
0x60: {  	_ =	shalt  }
0x61: {  	_ =	shalt  }
0x62: {  	_ =	shalt  }
0x63: {  	_ =	shalt  }
0x64: {  	_ =	shalt  }
0x65: {  	_ =	shalt  }
0x66: {  	_ =	shalt  }
0x67: {  	_ =	shalt  }
0x68: {  	_ =	shalt  }
0x69: {  	_ =	shalt  }
0x6a: {  	_ =	shalt  }
0x6b: {  	_ =	shalt  }
0x6c: {  	_ =	shalt  }
0x6d: {  	_ =	shalt  }
0x6e: {  	_ =	shalt  }
0x6f: {  	_ =	shalt  }
0x70: {  	_ =	shalt  }
0x71: {  	_ =	shalt  }
0x72: {  	_ =	shalt  }
0x73: {  	_ =	shalt  }
0x74: {  	_ =	shalt  }
0x75: {  	_ =	shalt  }
0x76: {  	_ =	shalt  }
0x77: {  	_ =	shalt  }
0x78: {  	_ =	shalt  }
0x79: {  	_ =	shalt  }
0x7a: {  	_ =	shalt  }
0x7b: {  	_ =	shalt  }
0x7c: {  	_ =	shalt  }
0x7d: {  	_ =	shalt  }
0x7e: {  	_ =	shalt  }
0x7f: {  	_ =	shalt  }
0x80: {  	_ =	shalt  }
0x81: {  	_ =	shalt  }
0x82: {  	_ =	shalt  }
0x83: {  	_ =	shalt  }
0x84: {  	_ =	shalt  }
0x85: {  	_ =	shalt  }
0x86: {  	_ =	shalt  }
0x87: {  	_ =	shalt  }
.Lfunc_end0:
.L_simem_size_0:
called_computation_lowered:
.L_overlay_start_0:
0x88: {  	s2 =	sld [smem:$0x3FD9]  }
0x89: {  	s3 =	sld [smem:$0x3FFE];
	_ =	sdelay $0x1  }
0x8a: {  	s1 =	srdreg.scid  }
0x8b: {  	s0 =	sand.u32 $0x1, s1  }
0x8c: {  	s17 =	sshll.u32 s0, $0xA;
	s2 =	sadd.s32 s3, s2  }
0x8d: {  	s2 =	sadd.s32 s2, s17  }
0x8e: {  	[smem:$0x3FBA] =	sst s2  }
0x8f: {  	_ = 	snop  }
0x90: {  	s2 =	sld [smem:$0x3FC9];
	(tm) =	ssettm $0x1  }
0x91: {  	s18 =	sld [smem:$0x3FFB];
	_ =	sdelay $0x3  }
0x92: {  	_ =	strace s18  }
0x93: {  	s3 =	sld [smem:$0x3FFC];
	_ =	sdelay $0x3  }
0x94: {  	_ =	strace s3  }
0x95: {  	s3 =	sld [smem:$0x3FFD];
	_ =	sdelay $0x3  }
0x96: {  	_ =	strace s3  }
0x97: {  	_ =	strace $0x8FFFFFFF  }
0x98: {  	s19 =	sld [smem:$0x3FDB];
	_ =	sdelay $0x1  }
0x99: {  	s4 =	simm.s32 $_scs_section_size  }
0x9a: {  	s5 =	simm.s32 $_size__tile_overlayer_lowered;
	s6 =	simm.s32 $_tile_overlayer_lowered  }
0x9b: {  	s22 =	simm.s32 $0x1BFF;
	s21 =	sshll.u32 s6, $0x1;
	s3 =	sadd.s32 s4, s19  }
0x9c: {  	s7 =	simm.s32 $0x0;
	s20 =	sshll.u32 s5, $0x1;
	s5 =	sadd.s32 s21, s3  }
0x9d: {  	[timem:s7], [sflag:s22] =	dma.local [hbm:s5], s20  }
0x9e: {  	_ =	swait.ge [sflag:s22], s20  }
0x9f: {  	s4 =	ssub.s32 $0x0, s20;
	[sflag:s22] =	ssyncset.done $0x0  }
0xa0: {  	[sflag:s22] =	ssyncadd.s32 s4;
	_ =	sdelay $0x1  }
0xa1: {  	s23 =	simm.s32 $0x1B8B  }
0xa2: {  	_ =	swait.ge [sflag:s23], $0x1  }
0xa3: {  	[sflag:s23] =	ssyncset.done $0x0  }
0xa4: {  	s25 =	simm.s32 $0x1B8E;
	s24 =	sld [smem:$0x3FFE];
	[sflag:s23] =	ssyncadd.s32 $0xFFFFFFFF  }
0xa5: {  	s26 =	simm.s32 $execute0_lowered;
	[smem:$0x3FD2] =	sst s25  }
0xa6: {  	s5 =	sshll.u32 s26, $0x1;
	_ =	strace $0x80000046;
	[dreg:$0x1] =	wrdreg $0xFFFFFFFF  }
0xa7: {  	s28 =	simm.s32 $_size_execute0_lowered;
	s3 =	sadd.s32 s3, s5;
	[dreg:$0x0] =	wrdreg $0x0  }
0xa8: {  	s5 =	sshll.u32 s28, $0x1;
	[dreg:$0x2] =	wrdreg s3  }
0xa9: {  	[dreg:$0x3] =	wrdreg s5  }
0xaa: {  	[dreg:$0x4] =	wrdreg $0xC0  }
0xab: {  	_ =	task [dreg:s7], $0x5FFFF  }
0xac: {  	[dreg:$0x1] =	wrdreg $0xFFFFFFFF  }
0xad: {  	[dreg:$0x0] =	wrdreg $0x60  }
0xae: {  	[dreg:$0x2] =	wrdreg s2  }
0xaf: {  	[dreg:$0x3] =	wrdreg s24  }
0xb0: {  	[dreg:$0x4] =	wrdreg $0x66000  }
0xb1: {  	[dreg:$0x5] =	wrdreg $0x9  }
0xb2: {  	_ =	task.clear_ibuf [dreg:s7], $0x6FFFF;
	_ =	strace $0x90000046  }
0xb3: {  	s29 =	simm.s32 $0x9;
	_ =	strace $0x80000048  }
0xb4: {  	_ =	swait.ge [sflag:s29], $0x1  }
0xb5: {  	[sflag:s29] =	ssyncadd.s32 $0xFFFFFFFF  }
0xb6: {  	_ =	strace $0x90000048  }
0xb7: {  	_ =	sfence  }
0xb8: {  	s30 =	sld [smem:$0x0];
	_ =	sdelay $0x2  }
0xb9: {  	s31 =	sshll.u32 s1, $0xD;
	s1 =	sshrl.u32 s1, $0x2  }
0xba: {  	s3 =	sand.u32 $0x4000, s31;
	s1 =	sadd.s32 s1, s30  }
0xbb: {  	s0 =	sor.u32 s3, s0;
	s1 =	sshll.u32 s1, $0x11  }
0xbc: {  	s0 =	sor.u32 s1, s0  }
0xbd: {  	s0 =	sadd.s32 $0x8F2B, s0  }
0xbe: {  	[sflag:s0] =	ssyncadd.remote.s32 $0x1  }
0xbf: {  	_ =	sfence.sel $0xFFFF  }
0xc0: {  	[dreg:$0x0] =	wrdreg $0xFFFFFFFF;
	(pc) =	sbr.abs _section_cstart, $3  }
0xc1: {  	[dreg:$0x1] =	wrdreg $0xFFFFFFFF  }
0xc2: {  	_ =	task.clear_ibuf [dreg:s7], $0x2FFFF;
	_ =	strace $0x9FFFFFFF  }
0xc3: {  	(tm) =	ssettm $0x7FFFFFFF  }
tec
execute0_lowered:
.L_overlay_start_1:
0x0: {  	(tag) =	ssettag $0x1  }
0x1: {  	s1 =	rddreg [dreg:$0x0]  }
0x2: {  	s0 =	rddreg [dreg:$0x1]  }
0x3: {  	s3 =	rddreg [dreg:$0x2]  }
0x4: {  	s4 =	simm.s32 $0x0;
	s2 =	srdreg.scid;
	s9 =	stileid.u32  }
0x5: {  	s28 =	simm.s32 $0x4;
	s29 =	simm.s32 $0x580;
	s30 =	simm.s32 $0x8  }
0x6: {  	s31 =	simm.s32 $0x0;
	[smem:$0x7FF] =	sst s4;
	s2 =	sand.u32 $0x1, s2  }
0x7: {  	s6 =	smul.u32 $0x50000, s9;
	s5 =	sadd.s32 $0x3600, s0;
	s0 =	sadd.s32 $0x1E600, s0  }
0x8: {  	s12 =	sshll.u32 s9, $0x1;
	s9 =	smul.u32 $0x14000, s9;
	s7 =	ssub.s32 $0x2, s2  }
0x9: {  	_ =	strace $0x80000047;
	s8 =	sshrl.u32 s7, $0x1;
	s6 =	sshrl.u32 s6, $0x2  }
0xa: {  	s19 =	sadd.s32 $0x4000, s9;
	s11 =	sadd.s32 $0xC000, s9;
	s6 =	sadd.s32 s6, s3  }
0xb: {  	s22 =	sadd.s32 $0x8000, s9;
	s7 =	ssub.s32 s7, s8;
	s10 =	sadd.s32 $0x1800, s6  }
0xc: {  	s8 =	sor.u32 s2, s12;
	s13 =	sadd.s32 $0x3000, s6;
	[dreg:$0x4] =	wrdreg s10  }
0xd: {  	s2 =	smul.u32 $0x140000, s2;
	s14 =	sadd.s32 $0x4800, s6;
	[dreg:$0x5] =	wrdreg s13  }
0xe: {  	s20 =	sadd.s32 s11, s3;
	s15 =	sadd.s32 $0x6000, s6;
	[dreg:$0x6] =	wrdreg s14  }
0xf: {  	s16 =	sadd.s32 $0x7800, s6;
	s17 =	sadd.s32 $0x9000, s6;
	[dreg:$0x7] =	wrdreg s15  }
0x10: {  	s25 =	sadd.s32 $0xA800, s6;
	s7 =	smax.u32 s7, $0x1;
	[dreg:$0x8] =	wrdreg s16  }
0x11: {  	[dreg:$0x9] =	wrdreg s17;
	s13 =	smul.u32 $0x6C00, s8;
	s18 =	sadd.s32 s9, s2  }
0x12: {  	s12 =	sadd.s32 s2, s19;
	s9 =	sadd.s32 $0x10000, s9;
	[dreg:$0xf] =	wrdreg s25  }
0x13: {  	s23 =	sadd.s32 s2, s22;
	s15 =	sadd.s32 s2, s11;
	[dreg:$0x11] =	wrdreg s7  }
0x14: {  	s10 =	simm.s32 $0x30;
	s11 =	simm.s32 $0x200;
	s8 =	sshrl.u32 s18, $0x3  }
0x15: {  	s21 =	sshrl.u32 s12, $0x3;
	s2 =	sadd.s32 s2, s9;
	s18 =	sadd.s32 $0xD800, s6  }
0x16: {  	s12 =	sshrl.u32 s23, $0x3;
	s23 =	sadd.s32 $0x13800, s6;
	[dreg:$0x15] =	wrdreg s18  }
0x17: {  	s15 =	sshrl.u32 s15, $0x3;
	s8 =	sadd.s32 s0, s8;
	[dreg:$0x19] =	wrdreg s23  }
0x18: {  	s14 =	sshrl.u32 s13, $0x3;
	s12 =	sadd.s32 s0, s12;
	[dreg:$0xa] =	wrdreg s8  }
0x19: {  	s2 =	sshrl.u32 s2, $0x3;
	s24 =	sadd.s32 s0, s15;
	[dreg:$0xc] =	wrdreg s12  }
0x1a: {  	s15 =	sadd.s32 s9, s3;
	s8 =	sadd.s32 s0, s21;
	[dreg:$0xd] =	wrdreg s24  }
0x1b: {  	s9 =	simm.s32 $0x9;
	s0 =	sadd.s32 s0, s2;
	[dreg:$0xb] =	wrdreg s8  }
0x1c: {  	s18 =	simm.s32 $0x2;
	s17 =	sshrl.u32 s15, $0x3;
	[dreg:$0xe] =	wrdreg s0  }
0x1d: {  	s12 =	sadd.s32 s19, s3;
	s19 =	sadd.s32 $0xF000, s6;
	[dreg:$0x14] =	wrdreg s17  }
0x1e: {  	s26 =	sadd.s32 s5, s14;
	s21 =	sadd.s32 $0x10800, s6;
	[dreg:$0x16] =	wrdreg s19  }
0x1f: {  	s14 =	sadd.s32 s22, s3;
	s22 =	sadd.s32 $0x12000, s6;
	[dreg:$0x17] =	wrdreg s21  }
0x20: {  	s23 =	simm.s32 $0x480;
	s15 =	simm.s32 $0x300;
	[dreg:$0x18] =	wrdreg s22  }
0x21: {  	s0 =	sshrl.u32 s12, $0x3;
	s16 =	sshrl.u32 s14, $0x3;
	[dreg:$0x10] =	wrdreg s26  }
0x22: {  	s24 =	sadd.s32 $0x10, s26;
	s25 =	sadd.s32 $0x20, s26;
	[dreg:$0x12] =	wrdreg s0  }
0x23: {  	s26 =	sadd.s32 $0x30, s26;
	s8 =	simm.s32 $0x600;
	[dreg:$0x13] =	wrdreg s16  }
0x24: {  	s12 =	simm.s32 $0x1E00;
	s14 =	simm.s32 $0x1;
	[dreg:$0x1a] =	wrdreg s24  }
0x25: {  	s17 =	simm.s32 $0x400;
	s19 =	simm.s32 $0x380;
	[dreg:$0x1b] =	wrdreg s25  }
0x26: {  	s22 =	simm.s32 $0x4E00;
	[dreg:$0x1c] =	wrdreg s26;
	s16 =	simm.s32 $0x3600  }
0x27: {  	v0 =	vimm.f32 $0.0e+00;
	s24 =	simm.s32 $0x3;
	s25 =	simm.s32 $0x5;
	s26 =	simm.s32 $0x500  }
.LBB2_1:
0x28: {  	s0 =	simm.s32 $0x0;
	s2 =	simm.s32 $0x200  }
.LBB2_2:
0x29: {  	p0 =	sne.s32 s2, $0x5E00;
	[tilespmem:s0+$0x670] =	vst v0  }
0x2a: {  	[tilespmem:s0+$0x600] =	vst v0  }
0x2b: {  	[tilespmem:s0+$0x610] =	vst v0  }
.Ltmp0:
0x2c: {  	[tilespmem:s0+$0x620] =	vst v0;
	(pc) =	sbr.rel @p0 .LBB2_2-.Ltmp0, $4  }
0x2d: {  	[tilespmem:s0+$0x630] =	vst v0  }
0x2e: {  	[tilespmem:s0+$0x640] =	vst v0  }
0x2f: {  	[tilespmem:s0+$0x650] =	vst v0  }
0x30: {  	[tilespmem:s0+$0x660] =	vst v0;
	s0 =	sshra.s32 s2, $0x2;
	s2 =	sadd.s32 $0x200, s2  }
0x31: {  	[tilespmem:s0+$0x670] =	vst v0  }
0x32: {  	[tilespmem:s0+$0x600] =	vst v0  }
0x33: {  	[tilespmem:s0+$0x610] =	vst v0  }
0x34: {  	[tilespmem:s0+$0x620] =	vst v0  }
0x35: {  	[tilespmem:s0+$0x630] =	vst v0  }
0x36: {  	[tilespmem:s0+$0x640] =	vst v0  }
0x37: {  	[tilespmem:s0+$0x650] =	vst v0  }
0x38: {  	[tilespmem:s0+$0x660] =	vst v0  }
0x39: {  	[spmem:s6] =	stream.linear.scatter [tilespmem:s8], [sflag:$0x9], $0x1800, $0x38;
	[tilespmem:$0x1A600] =	vst v63  }
0x3a: {  	_ =	swait.ge [sflag:s9], $0x1800  }
0x3b: {  	[sflag:s9] =	ssyncset.done $0x0  }
0x3c: {  	s7 =	rddreg [dreg:$0x4];
	[sflag:s9] =	ssyncadd.s32 $0xFFFFE800  }
0x3d: {  	[spmem:s7] =	stream.linear.scatter [tilespmem:s8], [sflag:$0x9], $0x1800, $0x38;
	[tilespmem:$0x1A600] =	vst v63  }
0x3e: {  	_ =	swait.ge [sflag:s9], $0x1800  }
0x3f: {  	[sflag:s9] =	ssyncset.done $0x0  }
0x40: {  	s21 =	rddreg [dreg:$0x5];
	[sflag:s9] =	ssyncadd.s32 $0xFFFFE800  }
0x41: {  	[spmem:s21] =	stream.linear.scatter [tilespmem:s8], [sflag:$0x9], $0x1800, $0x38;
	[tilespmem:$0x1A600] =	vst v63  }
0x42: {  	_ =	swait.ge [sflag:s9], $0x1800  }
0x43: {  	[sflag:s9] =	ssyncset.done $0x0  }
0x44: {  	s2 =	rddreg [dreg:$0x6];
	[sflag:s9] =	ssyncadd.s32 $0xFFFFE800  }
0x45: {  	[spmem:s2] =	stream.linear.scatter [tilespmem:s8], [sflag:$0x9], $0x1800, $0x38;
	[tilespmem:$0x1A600] =	vst v63  }
0x46: {  	_ =	swait.ge [sflag:s9], $0x1800  }
0x47: {  	[sflag:s9] =	ssyncset.done $0x0  }
0x48: {  	s7 =	rddreg [dreg:$0x7];
	[sflag:s9] =	ssyncadd.s32 $0xFFFFE800  }
0x49: {  	[spmem:s7] =	stream.linear.scatter [tilespmem:s8], [sflag:$0x9], $0x1800, $0x38;
	[tilespmem:$0x1A600] =	vst v63  }
0x4a: {  	_ =	swait.ge [sflag:s9], $0x1800  }
0x4b: {  	[sflag:s9] =	ssyncset.done $0x0  }
0x4c: {  	s21 =	rddreg [dreg:$0x8];
	[sflag:s9] =	ssyncadd.s32 $0xFFFFE800  }
0x4d: {  	[spmem:s21] =	stream.linear.scatter [tilespmem:s8], [sflag:$0x9], $0x1800, $0x38;
	[tilespmem:$0x1A600] =	vst v63  }
0x4e: {  	_ =	swait.ge [sflag:s9], $0x1800  }
0x4f: {  	[sflag:s9] =	ssyncset.done $0x0  }
0x50: {  	s2 =	rddreg [dreg:$0x9];
	[sflag:s9] =	ssyncadd.s32 $0xFFFFE800  }
0x51: {  	[spmem:s2] =	stream.linear.scatter [tilespmem:s8], [sflag:$0x9], $0x1800, $0x38;
	[tilespmem:$0x1A600] =	vst v63  }
0x52: {  	_ =	swait.ge [sflag:s9], $0x1800  }
0x53: {  	[sflag:s9] =	ssyncset.done $0x0  }
0x54: {  	s7 =	rddreg [dreg:$0xf];
	[sflag:s9] =	ssyncadd.s32 $0xFFFFE800  }
0x55: {  	[spmem:s7] =	stream.linear.scatter [tilespmem:s8], [sflag:$0x9], $0x1800, $0x38;
	[tilespmem:$0x1A600] =	vst v63  }
0x56: {  	_ =	swait.ge [sflag:s9], $0x1800  }
0x57: {  	[sflag:s9] =	ssyncset.done $0x0  }
0x58: {  	[sflag:s9] =	ssyncadd.s32 $0xFFFFE800  }
0x59: {  	[spmem:s20] =	stream.linear.scatter [tilespmem:s8], [sflag:$0x9], $0x1800, $0x38;
	[tilespmem:$0x1A600] =	vst v63  }
0x5a: {  	_ =	swait.ge [sflag:s9], $0x1800  }
0x5b: {  	[sflag:s9] =	ssyncset.done $0x0  }
0x5c: {  	s21 =	rddreg [dreg:$0x15];
	[sflag:s9] =	ssyncadd.s32 $0xFFFFE800  }
0x5d: {  	[spmem:s21] =	stream.linear.scatter [tilespmem:s8], [sflag:$0x9], $0x1800, $0x38;
	[tilespmem:$0x1A600] =	vst v63  }
0x5e: {  	_ =	swait.ge [sflag:s9], $0x1800  }
0x5f: {  	[sflag:s9] =	ssyncset.done $0x0  }
0x60: {  	s2 =	rddreg [dreg:$0x16];
	[sflag:s9] =	ssyncadd.s32 $0xFFFFE800  }
0x61: {  	[spmem:s2] =	stream.linear.scatter [tilespmem:s8], [sflag:$0x9], $0x1800, $0x38;
	[tilespmem:$0x1A600] =	vst v63  }
0x62: {  	_ =	swait.ge [sflag:s9], $0x1800  }
0x63: {  	[sflag:s9] =	ssyncset.done $0x0  }
0x64: {  	s7 =	rddreg [dreg:$0x17];
	[sflag:s9] =	ssyncadd.s32 $0xFFFFE800  }
0x65: {  	[spmem:s7] =	stream.linear.scatter [tilespmem:s8], [sflag:$0x9], $0x1800, $0x38;
	[tilespmem:$0x1A600] =	vst v63  }
0x66: {  	_ =	swait.ge [sflag:s9], $0x1800  }
0x67: {  	[sflag:s9] =	ssyncset.done $0x0  }
0x68: {  	s21 =	rddreg [dreg:$0x18];
	[sflag:s9] =	ssyncadd.s32 $0xFFFFE800  }
0x69: {  	[spmem:s21] =	stream.linear.scatter [tilespmem:s8], [sflag:$0x9], $0x1800, $0x38;
	[tilespmem:$0x1A600] =	vst v63  }
0x6a: {  	_ =	swait.ge [sflag:s9], $0x1800  }
0x6b: {  	[sflag:s9] =	ssyncset.done $0x0  }
0x6c: {  	s2 =	rddreg [dreg:$0x19];
	[sflag:s9] =	ssyncadd.s32 $0xFFFFE800  }
0x6d: {  	[spmem:s2] =	stream.linear.scatter [tilespmem:s8], [sflag:$0x9], $0x800, $0x38;
	[tilespmem:$0x1A600] =	vst v63  }
0x6e: {  	_ =	swait.ge [sflag:s9], $0x800  }
0x6f: {  	[sflag:s9] =	ssyncset.done $0x0  }
0x70: {  	s7 =	rddreg [dreg:$0x10];
	[sflag:s9] =	ssyncadd.s32 $0xFFFFF800  }
0x71: {  	[tilespmem:s4], [sflag:$0x9] =	stream.linear.gather [hbm4b:s7+s4], $0x80, $0x38;
	[tilespmem:$0x1A600] =	vst v63  }
0x72: {  	_ =	swait.ge [sflag:s9], $0x80  }
0x73: {  	[sflag:s9] =	ssyncset.done $0x0  }
0x74: {  	s2 =	simm.s32 $0x80;
	s21 =	rddreg [dreg:$0x1a];
	[sflag:s9] =	ssyncadd.s32 $0xFFFFFF80  }
0x75: {  	[tilespmem:s2], [sflag:$0x9] =	stream.linear.gather [hbm4b:s21+s4], $0x80, $0x38;
	[tilespmem:$0x1A600] =	vst v63  }
0x76: {  	_ =	swait.ge [sflag:s9], $0x80  }
0x77: {  	[sflag:s9] =	ssyncset.done $0x0  }
0x78: {  	s21 =	simm.s32 $0x100;
	s7 =	rddreg [dreg:$0x1b];
	[sflag:s9] =	ssyncadd.s32 $0xFFFFFF80  }
0x79: {  	[tilespmem:s21], [sflag:$0x9] =	stream.linear.gather [hbm4b:s7+s4], $0x80, $0x38;
	[tilespmem:$0x1A600] =	vst v63  }
0x7a: {  	_ =	swait.ge [sflag:s9], $0x80  }
0x7b: {  	[sflag:s9] =	ssyncset.done $0x0  }
0x7c: {  	s7 =	simm.s32 $0x180;
	s2 =	rddreg [dreg:$0x1c];
	[sflag:s9] =	ssyncadd.s32 $0xFFFFFF80  }
0x7d: {  	[tilespmem:s7], [sflag:$0x9] =	stream.linear.gather [hbm4b:s2+s4], $0x80, $0x38;
	[tilespmem:$0x1A600] =	vst v63  }
0x7e: {  	_ =	swait.ge [sflag:s9], $0x80  }
0x7f: {  	[sflag:s9] =	ssyncset.done $0x0  }
0x80: {  	[sflag:s9] =	ssyncadd.s32 $0xFFFFFF80  }
0x81: {  	v1 =	vld [tilespmem:$0x0];
	_ =	sdelay $0x1  }
0x82: {  	v2 =	vld [tilespmem:$0x10];
	_ =	sdelay $0x1  }
0x83: {  	v3 =	vld [tilespmem:$0x20]  }
0x84: {  	v4 =	vand.u32 $0x3FFF, v1;
	v1 =	vshrl.u32 v1, $0xE  }
0x85: {  	[tilespmem:$0x200] =	vst v4;
	v1 =	vand.u32 $0x3FFF, v1  }
0x86: {  	[tilespmem:$0x400] =	vst v1;
	v1 =	vand.u32 $0x3FFF, v2;
	v2 =	vshrl.u32 v2, $0xE  }
0x87: {  	[tilespmem:$0x210] =	vst v1;
	v1 =	vand.u32 $0x3FFF, v2  }
0x88: {  	v2 =	vshrl.u32 v3, $0xE;
	[tilespmem:$0x410] =	vst v1;
	v1 =	vand.u32 $0x3FFF, v3  }
0x89: {  	[tilespmem:$0x220] =	vst v1;
	v1 =	vand.u32 $0x3FFF, v2  }
0x8a: {  	[tilespmem:$0x420] =	vst v1  }
0x8b: {  	[tilespmem:s8], [sflag:$0x1] =	stream.indirect.gather [hbm4b:s1+s10], $0x80, s11, s10, $0xb8;
	[tilespmem:$0x1A600] =	vst v63  }
0x8c: {  	v1 =	vld [tilespmem:$0x80];
	_ =	sdelay $0x1  }
0x8d: {  	v2 =	vld [tilespmem:$0x90];
	_ =	sdelay $0x1  }
0x8e: {  	v3 =	vld [tilespmem:$0xA0]  }
0x8f: {  	v63 =	vand.u32 $0x3FFF, v1;
	v1 =	vshrl.u32 v1, $0xE  }
0x90: {  	[tilespmem:$0x280] =	vst v63;
	v1 =	vand.u32 $0x3FFF, v1  }
0x91: {  	[tilespmem:$0x480] =	vst v1;
	v1 =	vand.u32 $0x3FFF, v2;
	v2 =	vshrl.u32 v2, $0xE  }
0x92: {  	[tilespmem:$0x290] =	vst v1;
	v1 =	vand.u32 $0x3FFF, v2  }
0x93: {  	v2 =	vshrl.u32 v3, $0xE;
	[tilespmem:$0x490] =	vst v1;
	v1 =	vand.u32 $0x3FFF, v3  }
0x94: {  	[tilespmem:$0x2A0] =	vst v1;
	v1 =	vand.u32 $0x3FFF, v2  }
0x95: {  	s21 =	simm.s32 $0x280;
	[tilespmem:$0x4A0] =	vst v1  }
0x96: {  	[tilespmem:s12], [sflag:$0x2] =	stream.indirect.gather [hbm4b:s1+s10], $0x80, s21, s10, $0xb8;
	[tilespmem:$0x1A600] =	vst v63  }
0x97: {  	s0 =	simm.s32 $0x380;
	[bflag:$0x0] =	sbarrier.arrive $0xFFFF  }
.LBB2_4:
0x98: {  	s2 =	sadd.s32 $0xFFFFFE80, s0  }
0x99: {  	s7 =	sand.u32 $0xFC00, s2  }
0x9a: {  	s2 =	sand.u32 $0x200, s2;
	s7 =	sadd.s32 s13, s7  }
0x9b: {  	_ =	swait.ge [sflag:s14], $0x1800;
	s2 =	sor.u32 s2, s7  }
0x9c: {  	[sflag:s14] =	ssyncset.done $0x0;
	s2 =	sshrl.u32 s2, $0x3  }
0x9d: {  	p0 =	seq.s32 s0, $0x380;
	[sflag:s14] =	ssyncadd.s32 $0xFFFFE800;
	s2 =	sadd.s32 s5, s2  }
0x9e: {  	[tilespmem:s4], [sflag:$0x5] =	stream.linear.gather [hbm4b:s2+s4], $0x80, $0x38;
	[tilespmem:$0x1A600] =	vst v63  }
0x9f: {  	s2 =	simm.s32 @!p0 $0x7  }
0xa0: {  	_ =	swait.ge @!p0 [sflag:s2], $0x80  }
0xa1: {  	[sflag:s2] =	ssyncset.done @!p0 $0x0  }
0xa2: {  	[sflag:s2] =	ssyncadd.s32 @!p0 $0xFFFFFF80  }
0xa3: {  	v1 =	vld [tilespmem:$0x100];
	_ =	sdelay $0x1  }
0xa4: {  	v2 =	vld [tilespmem:$0x110];
	_ =	sdelay $0x1  }
0xa5: {  	v3 =	vld [tilespmem:$0x120]  }
0xa6: {  	v4 =	vand.u32 $0x3FFF, v1;
	v1 =	vshrl.u32 v1, $0xE  }
0xa7: {  	[tilespmem:$0x300] =	vst v4;
	v1 =	vand.u32 $0x3FFF, v1  }
0xa8: {  	[tilespmem:$0x500] =	vst v1;
	v1 =	vand.u32 $0x3FFF, v2;
	v2 =	vshrl.u32 v2, $0xE  }
0xa9: {  	[tilespmem:$0x310] =	vst v1;
	v1 =	vand.u32 $0x3FFF, v2  }
0xaa: {  	v2 =	vshrl.u32 v3, $0xE;
	[tilespmem:$0x510] =	vst v1;
	v1 =	vand.u32 $0x3FFF, v3  }
0xab: {  	[tilespmem:$0x320] =	vst v1;
	v1 =	vand.u32 $0x3FFF, v2  }
0xac: {  	[tilespmem:$0x520] =	vst v1  }
0xad: {  	[tilespmem:s16], [sflag:$0x3] =	stream.indirect.gather [hbm4b:s1+s10], $0x80, s15, s10, $0xb8;
	[tilespmem:$0x1A600] =	vst v63  }
0xae: {  	p0 =	seq.s32 s0, $0x6980  }
0xaf: {  	[spmem:s3] =	stream.indirect.scatter.add.f32 [tilespmem:s8], [sflag:$0x9], $0x80, s17, s10, $0xb8;
	[tilespmem:$0x1A600] =	vst v63  }
0xb0: {  	s2 =	sadd.s32 @!p0 $0xFFFFFF00, s0;
	_ =	swait.ge [sflag:s9], $0x1800  }
0xb1: {  	p1 =	seq.s32 @!p0 s0, $0x380;
	s7 =	sand.u32 @!p0 $0xFC00, s2;
	[sflag:s9] =	ssyncset.done $0x0  }
0xb2: {  	s2 =	sand.u32 @!p0 $0x280, s2;
	s7 =	sadd.s32 @!p0 s13, s7;
	[sflag:s9] =	ssyncadd.s32 $0xFFFFE800  }
0xb3: {  	s21 =	simm.s32 @!p0 $0x80;
	s2 =	sor.u32 @!p0 s2, s7;
	_ =	swait.ge [sflag:s18], $0x1800  }
0xb4: {  	p1 =	por p0, !p1;
	s2 =	sshrl.u32 @!p0 s2, $0x3;
	[sflag:s18] =	ssyncset.done $0x0  }
0xb5: {  	s7 =	sadd.s32 @!p0 s5, s2;
	s2 =	simm.s32 @!p0 $0x0;
	[sflag:s18] =	ssyncadd.s32 $0xFFFFE800  }
0xb6: {  	[tilespmem:s21], [sflag:$0x6] =	stream.linear.gather @!p0 [hbm4b:s7+s2], $0x80, $0x38;
	[tilespmem:$0x1A600] =	vst v63  }
0xb7: {  	_ =	swait.ge @p1 [sflag:s30], $0x80  }
0xb8: {  	[sflag:s30] =	ssyncset.done @p1 $0x0  }
0xb9: {  	[sflag:s30] =	ssyncadd.s32 @p1 $0xFFFFFF80  }
0xba: {  	v1 =	vld [tilespmem:$0x180];
	_ =	sdelay $0x1  }
0xbb: {  	v2 =	vld [tilespmem:$0x190];
	_ =	sdelay $0x1  }
0xbc: {  	v3 =	vld [tilespmem:$0x1A0]  }
0xbd: {  	v62 =	vand.u32 $0x3FFF, v1;
	v1 =	vshrl.u32 v1, $0xE  }
0xbe: {  	[tilespmem:$0x380] =	vst v62;
	v1 =	vand.u32 $0x3FFF, v1  }
0xbf: {  	[tilespmem:$0x580] =	vst v1;
	v1 =	vand.u32 $0x3FFF, v2;
	v2 =	vshrl.u32 v2, $0xE  }
0xc0: {  	[tilespmem:$0x390] =	vst v1;
	v1 =	vand.u32 $0x3FFF, v2  }
0xc1: {  	v2 =	vshrl.u32 v3, $0xE;
	[tilespmem:$0x590] =	vst v1;
	v1 =	vand.u32 $0x3FFF, v3  }
0xc2: {  	[tilespmem:$0x3A0] =	vst v1;
	v1 =	vand.u32 $0x3FFF, v2  }
0xc3: {  	[tilespmem:$0x5A0] =	vst v1  }
0xc4: {  	[tilespmem:s22], [sflag:$0x4] =	stream.indirect.gather [hbm4b:s1+s10], $0x80, s19, s10, $0xb8;
	[tilespmem:$0x1A600] =	vst v63  }
0xc5: {  	_ = 	snop  }
0xc6: {  	[spmem:s3] =	stream.indirect.scatter.add.f32 [tilespmem:s12], [sflag:$0x9], $0x80, s23, s10, $0xb8;
	[tilespmem:$0x1A600] =	vst v63  }
0xc7: {  	s7 =	sadd.s32 @!p0 $0xFFFFFF80, s0;
	_ =	swait.ge [sflag:s9], $0x1800  }
0xc8: {  	s21 =	sand.u32 @!p0 $0xFC00, s7;
	[sflag:s9] =	ssyncset.done $0x0  }
0xc9: {  	s7 =	sand.u32 @!p0 $0x300, s7;
	s21 =	sadd.s32 @!p0 s13, s21;
	[sflag:s9] =	ssyncadd.s32 $0xFFFFE800  }
0xca: {  	s7 =	sor.u32 @!p0 s7, s21;
	_ =	swait.ge [sflag:s24], $0x1800  }
0xcb: {  	s7 =	sshrl.u32 @!p0 s7, $0x3;
	[sflag:s24] =	ssyncset.done $0x0  }
0xcc: {  	s21 =	simm.s32 @!p0 $0x100;
	s7 =	sadd.s32 @!p0 s5, s7;
	[sflag:s24] =	ssyncadd.s32 $0xFFFFE800  }
0xcd: {  	[tilespmem:s21], [sflag:$0x7] =	stream.linear.gather @!p0 [hbm4b:s7+s2], $0x80, $0x38;
	[tilespmem:$0x1A600] =	vst v63  }
0xce: {  	_ =	swait.ge [sflag:s25], $0x80  }
0xcf: {  	[sflag:s25] =	ssyncset.done $0x0  }
0xd0: {  	[sflag:s25] =	ssyncadd.s32 $0xFFFFFF80  }
0xd1: {  	v1 =	vld [tilespmem:$0x0];
	_ =	sdelay $0x1  }
0xd2: {  	v2 =	vld [tilespmem:$0x10];
	_ =	sdelay $0x1  }
0xd3: {  	v3 =	vld [tilespmem:$0x20]  }
0xd4: {  	v63 =	vand.u32 $0x3FFF, v1;
	v1 =	vshrl.u32 v1, $0xE  }
0xd5: {  	[tilespmem:$0x200] =	vst v63;
	v1 =	vand.u32 $0x3FFF, v1  }
0xd6: {  	[tilespmem:$0x400] =	vst v1;
	v1 =	vand.u32 $0x3FFF, v2;
	v2 =	vshrl.u32 v2, $0xE  }
0xd7: {  	[tilespmem:$0x210] =	vst v1;
	v1 =	vand.u32 $0x3FFF, v2  }
0xd8: {  	v2 =	vshrl.u32 v3, $0xE;
	[tilespmem:$0x410] =	vst v1;
	v1 =	vand.u32 $0x3FFF, v3  }
0xd9: {  	[tilespmem:$0x220] =	vst v1;
	v1 =	vand.u32 $0x3FFF, v2  }
0xda: {  	[tilespmem:$0x420] =	vst v1  }
0xdb: {  	[tilespmem:s8], [sflag:$0x1] =	stream.indirect.gather [hbm4b:s1+s10], $0x80, s11, s10, $0xb8;
	[tilespmem:$0x1A600] =	vst v63  }
0xdc: {  	_ = 	snop  }
0xdd: {  	[spmem:s3] =	stream.indirect.scatter.add.f32 [tilespmem:s16], [sflag:$0x9], $0x80, s26, s10, $0xb8;
	[tilespmem:$0x1A600] =	vst v63  }
0xde: {  	_ =	swait.ge [sflag:s9], $0x1800  }
0xdf: {  	s7 =	sand.u32 @!p0 $0xFC00, s0;
	[sflag:s9] =	ssyncset.done $0x0  }
0xe0: {  	s21 =	sand.u32 @!p0 $0x380, s0;
	s7 =	sadd.s32 @!p0 s13, s7;
	[sflag:s9] =	ssyncadd.s32 $0xFFFFE800  }
0xe1: {  	s7 =	sor.u32 @!p0 s21, s7;
	_ =	swait.ge [sflag:s28], $0x1800  }
0xe2: {  	s7 =	sshrl.u32 @!p0 s7, $0x3;
	[sflag:s28] =	ssyncset.done $0x0  }
0xe3: {  	s21 =	simm.s32 @!p0 $0x180;
	s7 =	sadd.s32 @!p0 s5, s7;
	[sflag:s28] =	ssyncadd.s32 $0xFFFFE800  }
0xe4: {  	[tilespmem:s21], [sflag:$0x8] =	stream.linear.gather @!p0 [hbm4b:s7+s2], $0x80, $0x38;
	[tilespmem:$0x1A600] =	vst v63  }
0xe5: {  	s2 =	simm.s32 @!p0 $0x6  }
0xe6: {  	_ =	swait.ge @!p0 [sflag:s2], $0x80  }
0xe7: {  	[sflag:s2] =	ssyncset.done @!p0 $0x0  }
0xe8: {  	[sflag:s2] =	ssyncadd.s32 @!p0 $0xFFFFFF80  }
0xe9: {  	v1 =	vld @!p0 [tilespmem:$0x80];
	_ =	sdelay $0x1  }
0xea: {  	v2 =	vld @!p0 [tilespmem:$0x90];
	_ =	sdelay $0x1  }
0xeb: {  	v3 =	vld @!p0 [tilespmem:$0xA0]  }
0xec: {  	v4 =	vand.u32 @!p0 $0x3FFF, v1;
	v1 =	vshrl.u32 @!p0 v1, $0xE  }
0xed: {  	[tilespmem:$0x280] =	vst @!p0 v4;
	v1 =	vand.u32 @!p0 $0x3FFF, v1  }
0xee: {  	[tilespmem:$0x480] =	vst @!p0 v1;
	v1 =	vand.u32 @!p0 $0x3FFF, v2;
	v2 =	vshrl.u32 @!p0 v2, $0xE  }
0xef: {  	[tilespmem:$0x290] =	vst @!p0 v1;
	v1 =	vand.u32 @!p0 $0x3FFF, v2  }
0xf0: {  	v2 =	vshrl.u32 @!p0 v3, $0xE;
	[tilespmem:$0x490] =	vst @!p0 v1;
	v1 =	vand.u32 @!p0 $0x3FFF, v3  }
0xf1: {  	s0 =	sadd.s32 $0x200, s0;
	[tilespmem:$0x2A0] =	vst @!p0 v1;
	v1 =	vand.u32 @!p0 $0x3FFF, v2  }
0xf2: {  	s7 =	simm.s32 @!p0 $0x280;
	s21 =	simm.s32 @!p0 $0x1E00;
	s2 =	simm.s32 @!p0 $0x30;
	[tilespmem:$0x4A0] =	vst @!p0 v1  }
0xf3: {  	[tilespmem:s21], [sflag:$0x2] =	stream.indirect.gather @!p0 [hbm4b:s1+s2], $0x80, s7, s2, $0xb8;
	[tilespmem:$0x1A600] =	vst v63  }
0xf4: {  	p0 =	sne.s32 s0, $0x6B80  }
.Ltmp1:
0xf5: {  	_ = 	snop;
	(pc) =	sbr.rel @p0 .LBB2_4-.Ltmp1, $4  }
0xf6: {  	[spmem:s3] =	stream.indirect.scatter.add.f32 [tilespmem:s22], [sflag:$0x9], $0x80, s29, s10, $0xb8;
	[tilespmem:$0x1A600] =	vst v63  }
0xf7: {  	_ =	swait.ge [sflag:s9], $0x1800  }
0xf8: {  	[sflag:s9] =	ssyncset.done $0x0  }
0xf9: {  	[sflag:s9] =	ssyncadd.s32 $0xFFFFE800  }
0xfa: {  	_ =	swait.ge [sflag:s14], $0x1800  }
0xfb: {  	[sflag:s14] =	ssyncset.done $0x0  }
0xfc: {  	[sflag:s14] =	ssyncadd.s32 $0xFFFFE800  }
0xfd: {  	[spmem:s3] =	stream.indirect.scatter.add.f32 [tilespmem:s8], [sflag:$0x9], $0x80, s17, s10, $0xb8;
	[tilespmem:$0x1A600] =	vst v63  }
0xfe: {  	_ =	swait.ge [sflag:s9], $0x1800  }
0xff: {  	[sflag:s9] =	ssyncset.done $0x0  }
0x100: {  	s0 =	stileid.u32;
	[sflag:s9] =	ssyncadd.s32 $0xFFFFE800  }
0x101: {  	s0 =	sshll.u32 s0, $0x6;
	[bflag:$0x0] =	sbarrier.arrive $0xFFFF  }
0x102: {  	s2 =	sshrl.u32 s6, $0x3;
	s0 =	sor.u32 $0x1C09, s0;
	s7 =	rddreg [dreg:$0xa]  }
0x103: {  	[hbm:s7], [sflag:s0] =	dma.local [spmem:s2], $0x800  }
0x104: {  	_ =	swait.ge [sflag:s9], $0x800  }
0x105: {  	[sflag:s9] =	ssyncset.done $0x0;
	s7 =	rddreg [dreg:$0xb]  }
0x106: {  	s21 =	rddreg [dreg:$0x12];
	[sflag:s9] =	ssyncadd.s32 $0xFFFFF800  }
0x107: {  	[hbm:s7], [sflag:s0] =	dma.local [spmem:s21], $0x800  }
0x108: {  	_ =	swait.ge [sflag:s9], $0x800  }
0x109: {  	[sflag:s9] =	ssyncset.done $0x0;
	s7 =	rddreg [dreg:$0xc]  }
0x10a: {  	s21 =	rddreg [dreg:$0x13];
	[sflag:s9] =	ssyncadd.s32 $0xFFFFF800  }
0x10b: {  	[hbm:s7], [sflag:s0] =	dma.local [spmem:s21], $0x800  }
0x10c: {  	_ =	swait.ge [sflag:s9], $0x800  }
0x10d: {  	[sflag:s9] =	ssyncset.done $0x0  }
0x10e: {  	s7 =	sshrl.u32 s20, $0x3;
	s21 =	rddreg [dreg:$0xd];
	[sflag:s9] =	ssyncadd.s32 $0xFFFFF800  }
0x10f: {  	[hbm:s21], [sflag:s0] =	dma.local [spmem:s7], $0x800  }
0x110: {  	_ =	swait.ge [sflag:s9], $0x800  }
0x111: {  	[sflag:s9] =	ssyncset.done $0x0;
	s7 =	rddreg [dreg:$0xe]  }
0x112: {  	s21 =	rddreg [dreg:$0x14];
	[sflag:s9] =	ssyncadd.s32 $0xFFFFF800  }
0x113: {  	[hbm:s7], [sflag:s0] =	dma.local [spmem:s21], $0x800  }
0x114: {  	_ =	swait.ge [sflag:s9], $0x800  }
0x115: {  	s31 =	sadd.s32 $0x1, s31;
	s21 =	rddreg [dreg:$0x11]  }
0x116: {  	p0 =	sne.s32 s31, s21  }
.Ltmp2:
0x117: {  	_ = 	snop;
	(pc) =	sbr.rel @p0 .LBB2_1-.Ltmp2, $3  }
0x118: {  	_ =	sdelay $0x1  }
0x119: {  	[sflag:s9] =	ssyncset.done $0x0  }
0x11a: {  	[sflag:s9] =	ssyncadd.s32 $0xFFFFF800  }
0x11b: {  	_ =	sfence.sel $0x180000  }
0x11c: {  	[bflag:$0x0] =	sbarrier.arrive $0xFFFF  }
0x11d: {  	_ =	strace $0x90000047  }
0x11e: {  	s0 =	stileid.u32;
	[bflag:$0x2] =	sbarrier.arrive $0xFFFF  }
0x11f: {  	p0 =	sne.s32 s0, $0x0;
	s0 =	rddreg [dreg:$0x3]  }
0x120: {  	s0 =	sadd.s32 @!p0 $0x100000, s0  }
0x121: {  	[sflag:s0] =	ssyncadd.tile.s32 @!p0 $0x1;
	_ =	shalt  }
.Lfunc_end2:
_tile_overlayer_lowered:
.L_overlay_start_2:
0x122: {  	(tag) =	ssettag $0x2  }
0x123: {  	s0 =	rddreg [dreg:$0x0];
	s2 =	stileid.u32  }
0x124: {  	s1 =	rddreg [dreg:$0x1];
	p0 =	sne.s32 s2, $0x0  }
0x125: {  	s3 =	rddreg [dreg:$0x2];
	[bflag:$0x3] =	sbarrier.arrive $0xFFFF;
	s2 =	simm.s32 @!p0 $0x1C09  }
0x126: {  	[timem:s3], [sflag:s2] =	dma.local @!p0 [hbm:s0], s1  }
0x127: {  	s0 =	simm.s32 @!p0 $0x9  }
0x128: {  	_ =	swait.ge @!p0 [sflag:s0], s1  }
0x129: {  	s1 =	ssub.s32 @!p0 $0x0, s1;
	[sflag:s0] =	ssyncset.done @!p0 $0x0  }
0x12a: {  	[sflag:s0] =	ssyncadd.s32 @!p0 s1  }
0x12b: {  	[bflag:$0x3] =	sbarrier.arrive $0xFFFF  }
0x12c: {  	_ =	shalt  }

</sc_bundles>
